<compile_context>
chip_gen: v7x
topology: tpu7x:2x2x1
jax: 0.10.2.dev20260603
libtpu: 0.0.44.dev20260713+nightly
codegen_flags: <defaults>
</compile_context>

<pallas_src>
import functools

import jax
import jax.numpy as jnp
from jax import lax
from jax.experimental import pallas as pl
from jax.experimental.pallas import tpu as pltpu
from jax.experimental.pallas import tpu_sc as plsc

N_NODES = 10000
D_FEAT = 128
HID = 64
WROW = 128
SCALE_G = 5
NC, NS, LANES = 2, 16, 16
NW = NC * NS
CHUNK = 128
E_EDGES = 320000
E_TOT = E_EDGES + N_NODES
CH_PER_TILE = -(-E_TOT // (NW * CHUNK))
E_PAD = NW * CH_PER_TILE * CHUNK
NPACK = E_PAD // CHUNK
NEG_SLOPE = 0.2
NPAD = 10240
TSTRIPE = NPAD // NS
NWB = TSTRIPE // CHUNK
NACT = 256
PLEN = 20
NIDX = 288



_BN = 1000


def _prep0_body(x_ref, wn_ref, bn_ref, w0_ref, as_ref, ad_ref,
                hwa_ref, asrc_ref, adst_ref):
    t = jnp.dot(x_ref[...], wn_ref[...], preferred_element_type=jnp.float32)
    t = t + bn_ref[...][None, :]
    hw = jnp.dot(t, w0_ref[...], preferred_element_type=jnp.float32)
    hwa_ref[...] = jnp.concatenate(
        [hw, jnp.ones((_BN, 1), jnp.float32),
         jnp.zeros((_BN, WROW - HID - 1), jnp.float32)], axis=1)
    asrc_ref[...] = jnp.sum(hw * as_ref[...][None, :], axis=1).reshape(
        1, 1, _BN)
    adst_ref[...] = jnp.sum(hw * ad_ref[...][None, :], axis=1).reshape(
        1, 1, _BN)


def _prep1_body(parts_ref, b_ref, w_ref, as_ref, ad_ref,
                hwa_ref, asrc_ref, adst_ref):
    p = parts_ref[0] + parts_ref[1]
    den = p[:, HID:HID + 1] + 1e-16
    h = jnp.maximum(p[:, :HID] / den + b_ref[...][None, :], 0.0)
    hw = jnp.dot(h, w_ref[...], preferred_element_type=jnp.float32)
    hwa_ref[...] = jnp.concatenate(
        [hw, jnp.ones((_BN, 1), jnp.float32),
         jnp.zeros((_BN, WROW - HID - 1), jnp.float32)], axis=1)
    asrc_ref[...] = jnp.sum(hw * as_ref[...][None, :], axis=1).reshape(
        1, 1, _BN)
    adst_ref[...] = jnp.sum(hw * ad_ref[...][None, :], axis=1).reshape(
        1, 1, _BN)


def _prep0(x, Wn, bn, W0, as0, ad0):
    g = N_NODES // _BN
    return pl.pallas_call(
        _prep0_body,
        grid=(g,),
        in_specs=[
            pl.BlockSpec((_BN, D_FEAT), lambda i: (i, 0)),
            pl.BlockSpec((D_FEAT, HID), lambda i: (0, 0)),
            pl.BlockSpec((HID,), lambda i: (0,)),
            pl.BlockSpec((HID, HID), lambda i: (0, 0)),
            pl.BlockSpec((HID,), lambda i: (0,)),
            pl.BlockSpec((HID,), lambda i: (0,)),
        ],
        out_specs=[
            pl.BlockSpec((_BN, WROW), lambda i: (i, 0)),
            pl.BlockSpec((1, 1, _BN), lambda i: (i, 0, 0)),
            pl.BlockSpec((1, 1, _BN), lambda i: (i, 0, 0)),
        ],
        out_shape=[
            jax.ShapeDtypeStruct((N_NODES, WROW), jnp.float32),
            jax.ShapeDtypeStruct((N_NODES // _BN, 1, _BN), jnp.float32),
            jax.ShapeDtypeStruct((N_NODES // _BN, 1, _BN), jnp.float32),
        ],
    )(x, Wn, bn, W0, as0, ad0)


def _prep1(parts, b0, W1, as1, ad1):
    g = N_NODES // _BN
    return pl.pallas_call(
        _prep1_body,
        grid=(g,),
        in_specs=[
            pl.BlockSpec((2, _BN, WROW), lambda i: (0, i, 0)),
            pl.BlockSpec((HID,), lambda i: (0,)),
            pl.BlockSpec((HID, HID), lambda i: (0, 0)),
            pl.BlockSpec((HID,), lambda i: (0,)),
            pl.BlockSpec((HID,), lambda i: (0,)),
        ],
        out_specs=[
            pl.BlockSpec((_BN, WROW), lambda i: (i, 0)),
            pl.BlockSpec((1, 1, _BN), lambda i: (i, 0, 0)),
            pl.BlockSpec((1, 1, _BN), lambda i: (i, 0, 0)),
        ],
        out_shape=[
            jax.ShapeDtypeStruct((N_NODES, WROW), jnp.float32),
            jax.ShapeDtypeStruct((N_NODES // _BN, 1, _BN), jnp.float32),
            jax.ShapeDtypeStruct((N_NODES // _BN, 1, _BN), jnp.float32),
        ],
    )(parts, b0, W1, as1, ad1)




def _sc_edge_body(hwa_hbm, src_hbm, dst_hbm, asrc_hbm, adst_hbm, out_hbm,
                  asrc_v, adst_v, sidx_v, didx_v, rows_v, ex_v, num_sh,
                  sem_g, sem_s):
    cid = lax.axis_index("c")
    sid = lax.axis_index("s")
    wid = cid * NS + sid

    zero16 = jnp.zeros((LANES,), jnp.float32)

    def _zrow(i, _):
        for g in range(WROW // LANES):
            rows_v[0, i, g * LANES:(g + 1) * LANES] = zero16
        return 0
    lax.fori_loop(0, CHUNK, _zrow, 0)
    base = sid * TSTRIPE
    for piece in range(NWB):
        pltpu.sync_copy(rows_v.at[0],
                        num_sh.at[pl.ds(base + piece * CHUNK, CHUNK)])

    for i in range(N_NODES // 1000):
        pltpu.sync_copy(asrc_hbm.at[i, 0], asrc_v.at[pl.ds(i * 1000, 1000)])
        pltpu.sync_copy(adst_hbm.at[i, 0], adst_v.at[pl.ds(i * 1000, 1000)])

    ninf = jnp.full((LANES,), -jnp.inf, jnp.float32)

    def _mx(i, carry):
        ms, md = carry
        return (jnp.maximum(ms, asrc_v[pl.ds(i * LANES, LANES)]),
                jnp.maximum(md, adst_v[pl.ds(i * LANES, LANES)]))
    ms, md = lax.fori_loop(0, N_NODES // LANES, _mx, (ninf, ninf))
    ex_v[0:LANES] = ms
    ex_v[LANES:2 * LANES] = md
    msx, mdx = ninf, ninf
    for j in range(LANES):
        jv = jnp.full((LANES,), j, jnp.int32)
        msx = jnp.maximum(msx, plsc.load_gather(ex_v, [jv]))
        mdx = jnp.maximum(mdx, plsc.load_gather(ex_v, [jv + LANES]))
    cv = msx + mdx
    c16 = jnp.where(cv >= 0, cv, NEG_SLOPE * cv)

    plsc.subcore_barrier()

    iot = lax.iota(jnp.int32, LANES)

    def _chunk(j, _):
        row = wid * CH_PER_TILE + j
        pltpu.sync_copy(src_hbm.at[row], sidx_v)
        pltpu.sync_copy(dst_hbm.at[row], didx_v)
        pltpu.async_copy(hwa_hbm.at[sidx_v.at[0]], rows_v.at[0], sem_g).wait()
        for g in range(CHUNK // LANES):
            sl = pl.ds(g * LANES, LANES)
            s16 = sidx_v[0, sl]
            d16 = didx_v[0, sl]
            a = plsc.load_gather(asrc_v, [s16]) + plsc.load_gather(adst_v, [d16])
            al = jnp.where(a >= 0, a, NEG_SLOPE * a)
            ex = jnp.exp(al - c16)
            pos = jnp.full((LANES,), row * CHUNK + g * LANES, jnp.int32) + iot
            ex_v[sl] = jnp.where(pos < E_TOT, ex, 0.0)

        def _scale(k, _):
            kv = jnp.full((LANES,), k, jnp.int32)
            ev = plsc.load_gather(ex_v, [kv])
            for g in range(SCALE_G):
                sl = pl.ds(g * LANES, LANES)
                rows_v[0, k, sl] = rows_v[0, k, sl] * ev
            return 0
        lax.fori_loop(0, CHUNK, _scale, 0)
        pltpu.async_copy(rows_v.at[0], num_sh.at[didx_v.at[0]],
                         sem_s, add=True).wait()
        return 0
    lax.fori_loop(0, CH_PER_TILE, _chunk, 0)

    plsc.subcore_barrier()
    for piece in range(NWB):
        off = base + piece * CHUNK
        pltpu.sync_copy(num_sh.at[pl.ds(off, CHUNK)],
                        out_hbm.at[cid, pl.ds(off, CHUNK)])


def _sc_edge(hwa, src2d, dst2d, asrc, adst):
    mesh = plsc.VectorSubcoreMesh(core_axis_name="c", subcore_axis_name="s")
    return pl.kernel(
        _sc_edge_body,
        out_type=jax.ShapeDtypeStruct((NC, NPAD, WROW), jnp.float32),
        mesh=mesh,
        compiler_params=pltpu.CompilerParams(needs_layout_passes=False),
        scratch_types=[
            pltpu.VMEM((N_NODES,), jnp.float32),
            pltpu.VMEM((N_NODES,), jnp.float32),
            pltpu.VMEM((1, CHUNK), jnp.int32),
            pltpu.VMEM((1, CHUNK), jnp.int32),
            pltpu.VMEM((1, CHUNK, WROW), jnp.float32),
            pltpu.VMEM((CHUNK,), jnp.float32),
            pltpu.VMEM_SHARED((NPAD, WROW), jnp.float32),
            pltpu.SemaphoreType.DMA,
            pltpu.SemaphoreType.DMA,
        ],
    )(hwa, src2d, dst2d, asrc, adst)




def _head_body(parts_ref, idx_ref, b1_ref, pe_ref, wc_ref, bc_ref,
               ws1_ref, bs1_ref, ws2_ref, bs2_ref, out_ref):
    p = parts_ref[0] + parts_ref[1]
    idx = idx_ref[...].reshape(NIDX, 1)
    node_iota = lax.broadcasted_iota(jnp.int32, (NIDX, NPAD), 1)
    oh = (idx == node_iota).astype(jnp.float32)
    rows = jnp.dot(oh, p, preferred_element_type=jnp.float32)
    den = rows[:, HID:HID + 1] + 1e-16
    h2 = jnp.maximum(rows[:, :HID] / den + b1_ref[...][None, :], 0.0)
    hp = h2[NACT:NACT + PLEN]
    wv = 0.5 + lax.broadcasted_iota(jnp.int32, (PLEN, 1), 0).astype(
        jnp.float32) * (0.5 / 19.0)
    combined = hp + pe_ref[...]
    ws = jnp.sum(wv * combined, axis=0, keepdims=True) / 15.0
    path_emb = jnp.dot(ws, wc_ref[...],
                       preferred_element_type=jnp.float32) + bc_ref[...][None, :]
    curv = h2[NACT + PLEN:NACT + PLEN + 1]
    basev = (jnp.dot(curv, ws1_ref[0:HID, :],
                     preferred_element_type=jnp.float32)
             + jnp.dot(path_emb, ws1_ref[2 * HID:3 * HID, :],
                       preferred_element_type=jnp.float32)
             + bs1_ref[...][None, :])
    act = jnp.dot(h2[:NACT], ws1_ref[HID:2 * HID, :],
                  preferred_element_type=jnp.float32)
    pre = jnp.dot(jnp.maximum(act + basev, 0.0), ws2_ref[...],
                  preferred_element_type=jnp.float32) + bs2_ref[...][None, :]
    s = pre.reshape(1, NACT)
    m = jnp.max(s)
    e = jnp.exp(s - m)
    out_ref[...] = (e / jnp.sum(e)).reshape(NACT)


def _head(parts, idx_all, b1, pos_emb, Wc, bc, Ws1, bs1, Ws2, bs2):
    return pl.pallas_call(
        _head_body,
        grid=(1,),
        in_specs=[
            pl.BlockSpec((2, NPAD, WROW), lambda i: (0, 0, 0)),
            pl.BlockSpec((NIDX,), lambda i: (0,)),
            pl.BlockSpec((HID,), lambda i: (0,)),
            pl.BlockSpec((PLEN, HID), lambda i: (0, 0)),
            pl.BlockSpec((HID, HID), lambda i: (0, 0)),
            pl.BlockSpec((HID,), lambda i: (0,)),
            pl.BlockSpec((4 * HID, HID), lambda i: (0, 0)),
            pl.BlockSpec((HID,), lambda i: (0,)),
            pl.BlockSpec((HID, 1), lambda i: (0, 0)),
            pl.BlockSpec((1,), lambda i: (0,)),
        ],
        out_specs=pl.BlockSpec((NACT,), lambda i: (0,)),
        out_shape=jax.ShapeDtypeStruct((NACT,), jnp.float32),
    )(parts, idx_all, b1, pos_emb, Wc, bc, Ws1, bs1, Ws2, bs2)




def kernel(x, edge_index, valid_actions, current_node, current_partial_path,
           Wn, bn, W0, as0, ad0, b0, W1, as1, ad1, b1,
           pos_emb, Wc, bc, Ws1, bs1, Ws2, bs2):
    cur = jnp.asarray(current_node, jnp.int32)
    loop = jnp.arange(N_NODES, dtype=jnp.int32)
    src = jnp.concatenate([edge_index[0], loop])
    dst = jnp.concatenate([edge_index[1], loop])
    pad = E_PAD - E_TOT
    src2d = jnp.pad(src, (0, pad)).reshape(NPACK, 1, CHUNK)
    dst2d = jnp.pad(dst, (0, pad)).reshape(NPACK, 1, CHUNK)

    hwa0, asrc0, adst0 = _prep0(x, Wn, bn, W0, as0, ad0)
    parts0 = _sc_edge(hwa0, src2d, dst2d, asrc0, adst0)
    hwa1, asrc1, adst1 = _prep1(parts0, b0, W1, as1, ad1)
    parts1 = _sc_edge(hwa1, src2d, dst2d, asrc1, adst1)

    idx_all = jnp.concatenate([
        valid_actions.astype(jnp.int32),
        current_partial_path.astype(jnp.int32),
        cur[None],
        jnp.zeros((NIDX - NACT - PLEN - 1,), jnp.int32),
    ])
    return _head(parts1, idx_all, b1, pos_emb, Wc, bc, Ws1, bs1, Ws2, bs2)

# --- scband reference (transcript-rebuilt; emitter-appended) ---
"""Pipeline reference for scband-gnnpath-policy-89670327206300 (READ-ONLY COPY).

The authoritative reference and input builder live on the scoring server;
editing this copy changes nothing except your own understanding.
"""

import jax, jax.numpy as jnp
import numpy as np

N_NODES = 10000
E_EDGES = 320000
D_FEAT = 128
HID = 64
N_ACT = 256
PATH_LEN = 20


def _gat_layer(x, edge_index, W, att_src, att_dst, bias):
    # PyG GATConv, heads=1, concat=True, negative_slope=0.2, add_self_loops=True
    N = x.shape[0]
    loop = jnp.arange(N, dtype=edge_index.dtype)
    src = jnp.concatenate([edge_index[0], loop])
    dst = jnp.concatenate([edge_index[1], loop])
    h = x @ W
    a_src = (h * att_src).sum(axis=-1)
    a_dst = (h * att_dst).sum(axis=-1)
    alpha = jax.nn.leaky_relu(a_src[src] + a_dst[dst], negative_slope=0.2)
    m = jax.ops.segment_max(alpha, dst, num_segments=N)
    m = jnp.where(jnp.isfinite(m), m, 0.0)
    ex = jnp.exp(alpha - m[dst])
    denom = jax.ops.segment_sum(ex, dst, num_segments=N)
    coef = ex / (denom[dst] + 1e-16)
    out = jax.ops.segment_sum(coef[:, None] * h[src], dst, num_segments=N)
    return out + bias


def setup_inputs(seed: int = 0) -> dict:
    key = jax.random.key(seed)
    ks = jax.random.split(key, 24)
    inp = {}
    inp['x'] = jax.random.normal(ks[0], (N_NODES, D_FEAT), dtype=jnp.float32)
    inp['edge_index'] = jax.random.randint(ks[1], (2, E_EDGES), 0, N_NODES, dtype=jnp.int32)
    inp['valid_actions'] = jax.random.randint(ks[2], (N_ACT,), 0, N_NODES, dtype=jnp.int32)
    inp['current_node'] = 1234
    inp['current_partial_path'] = jax.random.randint(ks[3], (PATH_LEN,), 0, N_NODES, dtype=jnp.int32)
    s = 0.1
    inp['Wn'] = jax.random.normal(ks[4], (D_FEAT, HID), dtype=jnp.float32) * s
    inp['bn'] = jnp.zeros((HID,), dtype=jnp.float32)
    inp['W0'] = jax.random.normal(ks[5], (HID, HID), dtype=jnp.float32) * s
    inp['as0'] = jax.random.normal(ks[6], (HID,), dtype=jnp.float32) * s
    inp['ad0'] = jax.random.normal(ks[7], (HID,), dtype=jnp.float32) * s
    inp['b0'] = jnp.zeros((HID,), dtype=jnp.float32)
    inp['W1'] = jax.random.normal(ks[8], (HID, HID), dtype=jnp.float32) * s
    inp['as1'] = jax.random.normal(ks[9], (HID,), dtype=jnp.float32) * s
    inp['ad1'] = jax.random.normal(ks[10], (HID,), dtype=jnp.float32) * s
    inp['b1'] = jnp.zeros((HID,), dtype=jnp.float32)
    inp['pos_emb'] = jax.random.normal(ks[11], (20, HID), dtype=jnp.float32) * s
    inp['Wc'] = jax.random.normal(ks[12], (HID, HID), dtype=jnp.float32) * s
    inp['bc'] = jnp.zeros((HID,), dtype=jnp.float32)
    inp['Ws1'] = jax.random.normal(ks[13], (4 * HID, HID), dtype=jnp.float32) * s
    inp['bs1'] = jnp.zeros((HID,), dtype=jnp.float32)
    inp['Ws2'] = jax.random.normal(ks[14], (HID, 1), dtype=jnp.float32) * s
    inp['bs2'] = jnp.zeros((1,), dtype=jnp.float32)
    return inp


def reference(x, edge_index, valid_actions, current_node, current_partial_path,
              Wn, bn, W0, as0, ad0, b0, W1, as1, ad1, b1,
              pos_emb, Wc, bc, Ws1, bs1, Ws2, bs2):
    # get_node_embeddings
    h = x @ Wn + bn
    h = jax.nn.relu(_gat_layer(h, edge_index, W0, as0, ad0, b0))
    h = jax.nn.relu(_gat_layer(h, edge_index, W1, as1, ad1, b1))
    # encode_path(current_partial_path)
    L = current_partial_path.shape[0]
    pe = pos_emb[jnp.arange(L)]
    combined = h[current_partial_path] + pe
    w = jnp.linspace(0.5, 1.0, L)
    weighted_sum = (w[:, None] * combined).sum(axis=0) / w.sum()
    path_emb = weighted_sum @ Wc + bc
    # encode_collected_paths([]) -> zeros
    collected = jnp.zeros((HID,), dtype=h.dtype)
    # score all valid actions
    A = valid_actions.shape[0]
    cur = h[current_node]
    feat = jnp.concatenate([
        jnp.tile(cur[None, :], (A, 1)),
        h[valid_actions],
        jnp.tile(path_emb[None, :], (A, 1)),
        jnp.tile(collected[None, :], (A, 1)),
    ], axis=1)
    scores = (jax.nn.relu(feat @ Ws1 + bs1) @ Ws2 + bs2)[:, 0]
    return jax.nn.softmax(scores, axis=0)


if False:  # reference __main__ guard neutralized (emitter)
    out = reference(**setup_inputs())
    print(out.shape, out.dtype)

if __name__ == "__main__":
    import jax
    _d = setup_inputs()
    print(jax.jit(kernel)(*tuple(_d.values())))

</pallas_src>

<mosaic_0001>
#map = affine_map<(d0, d1) -> (0, 0)>
#map1 = affine_map<(d0, d1) -> (0, 0, 0)>
module attributes {stable_mosaic.version = 14 : i64} {
  func.func @_sc_edge_body(%arg0: i32, %arg1: i32, %arg2: memref<10000x128xf32, #tpu.memory_space<hbm>>, %arg3: memref<2592x1x128xi32, #tpu.memory_space<hbm>>, %arg4: memref<2592x1x128xi32, #tpu.memory_space<hbm>>, %arg5: memref<10x1x1000xf32, #tpu.memory_space<hbm>>, %arg6: memref<10x1x1000xf32, #tpu.memory_space<hbm>>, %arg7: memref<2x10240x128xf32, #tpu.memory_space<hbm>>, %arg8: memref<10000xf32, #tpu.memory_space<vmem>>, %arg9: memref<10000xf32, #tpu.memory_space<vmem>>, %arg10: memref<1x128xi32, #tpu.memory_space<vmem>>, %arg11: memref<1x128xi32, #tpu.memory_space<vmem>>, %arg12: memref<1x128x128xf32, #tpu.memory_space<vmem>>, %arg13: memref<128xf32, #tpu.memory_space<vmem>>, %arg14: memref<10240x128xf32, #tpu.memory_space<vmem_shared>>, %arg15: memref<!tpu.dma_semaphore, #tpu.memory_space<semaphore_mem>>, %arg16: memref<!tpu.dma_semaphore, #tpu.memory_space<semaphore_mem>>) attributes {dimension_semantics = [#tpu.dimension_semantics<core_parallel>, #tpu.dimension_semantics<subcore_parallel>], iteration_bounds = array<i64: 2, 16>, scalar_prefetch = 0 : i64, scratch_operands = 9 : i64, tpu.core_type = #tpu.core_type<sc_vector_subcore>, window_params = [{transform_indices = #map}, {transform_indices = #map1}, {transform_indices = #map1}, {transform_indices = #map1}, {transform_indices = #map1}, {transform_indices = #map1}]} {
    %mul3A = arith.constant 16 : i32
    %mul3A_0 = arith.muli %arg0, %mul3A : i32
    %add3A = arith.addi %mul3A_0, %arg1 : i32
    %broadcast_in_dim3A = arith.constant 0.000000e+00 : f32
    %broadcast_in_dim3A_1 = vector.broadcast %broadcast_in_dim3A : f32 to vector<16xf32>
    %scan3A = arith.constant 0 : i32
    %scan3A_2 = arith.constant 0 : i32
    %scan3A_3 = arith.constant 128 : i32
    %scan3A_4 = arith.addi %scan3A_2, %scan3A_3 : i32
    %scan3A_5 = arith.constant 1 : i32
    %scan3A_6 = scf.for %scan3A_241 = %scan3A_2 to %scan3A_4 step %scan3A_5 iter_args(%scan3A_242 = %scan3A) -> (i32)  : i32 {
      %swap3A_243 = arith.constant 0 : i32
      %swap3A_244 = arith.index_cast %swap3A_243 : i32 to index
      %swap3A_245 = arith.index_cast %scan3A_241 : i32 to index
      %swap3A_246 = arith.constant 0 : index
      %swap3A_247 = tpu.vector_load %arg12[%swap3A_244, %swap3A_245, %swap3A_246] {strides = array<i32>} : memref<1x128x128xf32, #tpu.memory_space<vmem>>, vector<16xf32>,
      tpu.vector_store %arg12[%swap3A_244, %swap3A_245, %swap3A_246], %broadcast_in_dim3A_1 {strides = array<i32>} : memref<1x128x128xf32, #tpu.memory_space<vmem>>, vector<16xf32>,
      %swap3A_248 = arith.constant 0 : i32
      %swap3A_249 = arith.index_cast %swap3A_248 : i32 to index
      %swap3A_250 = arith.index_cast %scan3A_241 : i32 to index
      %swap3A_251 = arith.constant 16 : index
      %swap3A_252 = tpu.vector_load %arg12[%swap3A_249, %swap3A_250, %swap3A_251] {strides = array<i32>} : memref<1x128x128xf32, #tpu.memory_space<vmem>>, vector<16xf32>,
      tpu.vector_store %arg12[%swap3A_249, %swap3A_250, %swap3A_251], %broadcast_in_dim3A_1 {strides = array<i32>} : memref<1x128x128xf32, #tpu.memory_space<vmem>>, vector<16xf32>,
      %swap3A_253 = arith.constant 0 : i32
      %swap3A_254 = arith.index_cast %swap3A_253 : i32 to index
      %swap3A_255 = arith.index_cast %scan3A_241 : i32 to index
      %swap3A_256 = arith.constant 32 : index
      %swap3A_257 = tpu.vector_load %arg12[%swap3A_254, %swap3A_255, %swap3A_256] {strides = array<i32>} : memref<1x128x128xf32, #tpu.memory_space<vmem>>, vector<16xf32>,
      tpu.vector_store %arg12[%swap3A_254, %swap3A_255, %swap3A_256], %broadcast_in_dim3A_1 {strides = array<i32>} : memref<1x128x128xf32, #tpu.memory_space<vmem>>, vector<16xf32>,
      %swap3A_258 = arith.constant 0 : i32
      %swap3A_259 = arith.index_cast %swap3A_258 : i32 to index
      %swap3A_260 = arith.index_cast %scan3A_241 : i32 to index
      %swap3A_261 = arith.constant 48 : index
      %swap3A_262 = tpu.vector_load %arg12[%swap3A_259, %swap3A_260, %swap3A_261] {strides = array<i32>} : memref<1x128x128xf32, #tpu.memory_space<vmem>>, vector<16xf32>,
      tpu.vector_store %arg12[%swap3A_259, %swap3A_260, %swap3A_261], %broadcast_in_dim3A_1 {strides = array<i32>} : memref<1x128x128xf32, #tpu.memory_space<vmem>>, vector<16xf32>,
      %swap3A_263 = arith.constant 0 : i32
      %swap3A_264 = arith.index_cast %swap3A_263 : i32 to index
      %swap3A_265 = arith.index_cast %scan3A_241 : i32 to index
      %swap3A_266 = arith.constant 64 : index
      %swap3A_267 = tpu.vector_load %arg12[%swap3A_264, %swap3A_265, %swap3A_266] {strides = array<i32>} : memref<1x128x128xf32, #tpu.memory_space<vmem>>, vector<16xf32>,
      tpu.vector_store %arg12[%swap3A_264, %swap3A_265, %swap3A_266], %broadcast_in_dim3A_1 {strides = array<i32>} : memref<1x128x128xf32, #tpu.memory_space<vmem>>, vector<16xf32>,
      %swap3A_268 = arith.constant 0 : i32
      %swap3A_269 = arith.index_cast %swap3A_268 : i32 to index
      %swap3A_270 = arith.index_cast %scan3A_241 : i32 to index
      %swap3A_271 = arith.constant 80 : index
      %swap3A_272 = tpu.vector_load %arg12[%swap3A_269, %swap3A_270, %swap3A_271] {strides = array<i32>} : memref<1x128x128xf32, #tpu.memory_space<vmem>>, vector<16xf32>,
      tpu.vector_store %arg12[%swap3A_269, %swap3A_270, %swap3A_271], %broadcast_in_dim3A_1 {strides = array<i32>} : memref<1x128x128xf32, #tpu.memory_space<vmem>>, vector<16xf32>,
      %swap3A_273 = arith.constant 0 : i32
      %swap3A_274 = arith.index_cast %swap3A_273 : i32 to index
      %swap3A_275 = arith.index_cast %scan3A_241 : i32 to index
      %swap3A_276 = arith.constant 96 : index
      %swap3A_277 = tpu.vector_load %arg12[%swap3A_274, %swap3A_275, %swap3A_276] {strides = array<i32>} : memref<1x128x128xf32, #tpu.memory_space<vmem>>, vector<16xf32>,
      tpu.vector_store %arg12[%swap3A_274, %swap3A_275, %swap3A_276], %broadcast_in_dim3A_1 {strides = array<i32>} : memref<1x128x128xf32, #tpu.memory_space<vmem>>, vector<16xf32>,
      %swap3A_278 = arith.constant 0 : i32
      %swap3A_279 = arith.index_cast %swap3A_278 : i32 to index
      %swap3A_280 = arith.index_cast %scan3A_241 : i32 to index
      %swap3A_281 = arith.constant 112 : index
      %swap3A_282 = tpu.vector_load %arg12[%swap3A_279, %swap3A_280, %swap3A_281] {strides = array<i32>} : memref<1x128x128xf32, #tpu.memory_space<vmem>>, vector<16xf32>,
      tpu.vector_store %arg12[%swap3A_279, %swap3A_280, %swap3A_281], %broadcast_in_dim3A_1 {strides = array<i32>} : memref<1x128x128xf32, #tpu.memory_space<vmem>>, vector<16xf32>,
      %scan3A_283 = arith.constant 0 : i32
      scf.yield %scan3A_283 : i32
    }
    %scan3A_7 = arith.constant 128 : i32
    %mul3A_8 = arith.constant 640 : i32
    %mul3A_9 = arith.muli %arg1, %mul3A_8 : i32
    %add3A_10 = arith.constant 0 : i32
    %add3A_11 = arith.addi %mul3A_9, %add3A_10 : i32
    %run_scoped3A = arith.constant 0 : i32
    "tpu.region"() ({
      %run_scoped3A_241 = tpu.sem_alloc : memref<!tpu.dma_semaphore, #tpu.memory_space<semaphore_mem>>
      %dma_start3A = arith.constant 0 : i32
      %dma_start3A_242 = arith.constant 0 : i32
      %dma_start3A_243 = tpu.memref_slice %arg12[%run_scoped3A, %dma_start3A, %dma_start3A_242] : memref<1x128x128xf32, #tpu.memory_space<vmem>> -> memref<1x128x128xf32, #tpu.memory_space<vmem>>
      %dma_start3A_244 = tpu.memref_squeeze %dma_start3A_243 : memref<1x128x128xf32, #tpu.memory_space<vmem>> -> memref<128x128xf32, #tpu.memory_space<vmem>>
      %dma_start3A_245 = arith.constant 0 : i32
      %dma_start3A_246 = tpu.memref_slice %arg14[%add3A_11, %dma_start3A_245] : memref<10240x128xf32, #tpu.memory_space<vmem_shared>> -> memref<128x128xf32, #tpu.memory_space<vmem_shared>>
      %dma_start3A_247 = arith.constant 0 : i32
      %dma_start3A_248 = tpu.memref_slice %arg14[%add3A_11, %dma_start3A_247] : memref<10240x128xf32, #tpu.memory_space<vmem_shared>> -> memref<128x128xf32, #tpu.memory_space<vmem_shared>>
      %dma_start3A_249 = arith.constant 0 : i32
      %dma_start3A_250 = arith.constant 0 : i32
      %dma_start3A_251 = tpu.memref_slice %arg12[%run_scoped3A, %dma_start3A_249, %dma_start3A_250] : memref<1x128x128xf32, #tpu.memory_space<vmem>> -> memref<1x128x128xf32, #tpu.memory_space<vmem>>
      %dma_start3A_252 = tpu.memref_squeeze %dma_start3A_251 : memref<1x128x128xf32, #tpu.memory_space<vmem>> -> memref<128x128xf32, #tpu.memory_space<vmem>>
      tpu.enqueue_dma source(%dma_start3A_252 : memref<128x128xf32, #tpu.memory_space<vmem>>) target(%dma_start3A_248 : memref<128x128xf32, #tpu.memory_space<vmem_shared>>) target_semaphore(%run_scoped3A_241 : memref<!tpu.dma_semaphore, #tpu.memory_space<semaphore_mem>>)
      %dma_wait3A = arith.constant 0 : i32
      %dma_wait3A_253 = arith.constant 0 : i32
      %dma_wait3A_254 = tpu.memref_slice %arg12[%run_scoped3A, %dma_wait3A, %dma_wait3A_253] : memref<1x128x128xf32, #tpu.memory_space<vmem>> -> memref<1x128x128xf32, #tpu.memory_space<vmem>>
      %dma_wait3A_255 = tpu.memref_squeeze %dma_wait3A_254 : memref<1x128x128xf32, #tpu.memory_space<vmem>> -> memref<128x128xf32, #tpu.memory_space<vmem>>
      %dma_wait3A_256 = arith.constant 0 : i32
      %dma_wait3A_257 = tpu.memref_slice %arg14[%add3A_11, %dma_wait3A_256] : memref<10240x128xf32, #tpu.memory_space<vmem_shared>> -> memref<128x128xf32, #tpu.memory_space<vmem_shared>>
      %dma_wait3A_258 = arith.constant 0 : i32
      %dma_wait3A_259 = tpu.memref_slice %arg14[%add3A_11, %dma_wait3A_258] : memref<10240x128xf32, #tpu.memory_space<vmem_shared>> -> memref<128x128xf32, #tpu.memory_space<vmem_shared>>
      %dma_wait3A_260 = arith.constant 0 : i32
      %dma_wait3A_261 = arith.constant 0 : i32
      %dma_wait3A_262 = tpu.memref_slice %arg12[%run_scoped3A, %dma_wait3A_260, %dma_wait3A_261] : memref<1x128x128xf32, #tpu.memory_space<vmem>> -> memref<1x128x128xf32, #tpu.memory_space<vmem>>
      %dma_wait3A_263 = tpu.memref_squeeze %dma_wait3A_262 : memref<1x128x128xf32, #tpu.memory_space<vmem>> -> memref<128x128xf32, #tpu.memory_space<vmem>>
      tpu.wait_dma2 semaphore(%run_scoped3A_241 : memref<!tpu.dma_semaphore, #tpu.memory_space<semaphore_mem>>) src(%dma_wait3A_263 : memref<128x128xf32, #tpu.memory_space<vmem>>) dst(%dma_wait3A_259 : memref<128x128xf32, #tpu.memory_space<vmem_shared>>)
      tpu.yield
    }) : () -> ()
    %add3A_12 = arith.constant 128 : i32
    %add3A_13 = arith.addi %mul3A_9, %add3A_12 : i32
    %run_scoped3A_14 = arith.constant 0 : i32
    "tpu.region"() ({
      %run_scoped3A_241 = tpu.sem_alloc : memref<!tpu.dma_semaphore, #tpu.memory_space<semaphore_mem>>
      %dma_start3A = arith.constant 0 : i32
      %dma_start3A_242 = arith.constant 0 : i32
      %dma_start3A_243 = tpu.memref_slice %arg12[%run_scoped3A_14, %dma_start3A, %dma_start3A_242] : memref<1x128x128xf32, #tpu.memory_space<vmem>> -> memref<1x128x128xf32, #tpu.memory_space<vmem>>
      %dma_start3A_244 = tpu.memref_squeeze %dma_start3A_243 : memref<1x128x128xf32, #tpu.memory_space<vmem>> -> memref<128x128xf32, #tpu.memory_space<vmem>>
      %dma_start3A_245 = arith.constant 0 : i32
      %dma_start3A_246 = tpu.memref_slice %arg14[%add3A_13, %dma_start3A_245] : memref<10240x128xf32, #tpu.memory_space<vmem_shared>> -> memref<128x128xf32, #tpu.memory_space<vmem_shared>>
      %dma_start3A_247 = arith.constant 0 : i32
      %dma_start3A_248 = tpu.memref_slice %arg14[%add3A_13, %dma_start3A_247] : memref<10240x128xf32, #tpu.memory_space<vmem_shared>> -> memref<128x128xf32, #tpu.memory_space<vmem_shared>>
      %dma_start3A_249 = arith.constant 0 : i32
      %dma_start3A_250 = arith.constant 0 : i32
      %dma_start3A_251 = tpu.memref_slice %arg12[%run_scoped3A_14, %dma_start3A_249, %dma_start3A_250] : memref<1x128x128xf32, #tpu.memory_space<vmem>> -> memref<1x128x128xf32, #tpu.memory_space<vmem>>
      %dma_start3A_252 = tpu.memref_squeeze %dma_start3A_251 : memref<1x128x128xf32, #tpu.memory_space<vmem>> -> memref<128x128xf32, #tpu.memory_space<vmem>>
      tpu.enqueue_dma source(%dma_start3A_252 : memref<128x128xf32, #tpu.memory_space<vmem>>) target(%dma_start3A_248 : memref<128x128xf32, #tpu.memory_space<vmem_shared>>) target_semaphore(%run_scoped3A_241 : memref<!tpu.dma_semaphore, #tpu.memory_space<semaphore_mem>>)
      %dma_wait3A = arith.constant 0 : i32
      %dma_wait3A_253 = arith.constant 0 : i32
      %dma_wait3A_254 = tpu.memref_slice %arg12[%run_scoped3A_14, %dma_wait3A, %dma_wait3A_253] : memref<1x128x128xf32, #tpu.memory_space<vmem>> -> memref<1x128x128xf32, #tpu.memory_space<vmem>>
      %dma_wait3A_255 = tpu.memref_squeeze %dma_wait3A_254 : memref<1x128x128xf32, #tpu.memory_space<vmem>> -> memref<128x128xf32, #tpu.memory_space<vmem>>
      %dma_wait3A_256 = arith.constant 0 : i32
      %dma_wait3A_257 = tpu.memref_slice %arg14[%add3A_13, %dma_wait3A_256] : memref<10240x128xf32, #tpu.memory_space<vmem_shared>> -> memref<128x128xf32, #tpu.memory_space<vmem_shared>>
      %dma_wait3A_258 = arith.constant 0 : i32
      %dma_wait3A_259 = tpu.memref_slice %arg14[%add3A_13, %dma_wait3A_258] : memref<10240x128xf32, #tpu.memory_space<vmem_shared>> -> memref<128x128xf32, #tpu.memory_space<vmem_shared>>
      %dma_wait3A_260 = arith.constant 0 : i32
      %dma_wait3A_261 = arith.constant 0 : i32
      %dma_wait3A_262 = tpu.memref_slice %arg12[%run_scoped3A_14, %dma_wait3A_260, %dma_wait3A_261] : memref<1x128x128xf32, #tpu.memory_space<vmem>> -> memref<1x128x128xf32, #tpu.memory_space<vmem>>
      %dma_wait3A_263 = tpu.memref_squeeze %dma_wait3A_262 : memref<1x128x128xf32, #tpu.memory_space<vmem>> -> memref<128x128xf32, #tpu.memory_space<vmem>>
      tpu.wait_dma2 semaphore(%run_scoped3A_241 : memref<!tpu.dma_semaphore, #tpu.memory_space<semaphore_mem>>) src(%dma_wait3A_263 : memref<128x128xf32, #tpu.memory_space<vmem>>) dst(%dma_wait3A_259 : memref<128x128xf32, #tpu.memory_space<vmem_shared>>)
      tpu.yield
    }) : () -> ()
    %add3A_15 = arith.constant 256 : i32
    %add3A_16 = arith.addi %mul3A_9, %add3A_15 : i32
    %run_scoped3A_17 = arith.constant 0 : i32
    "tpu.region"() ({
      %run_scoped3A_241 = tpu.sem_alloc : memref<!tpu.dma_semaphore, #tpu.memory_space<semaphore_mem>>
      %dma_start3A = arith.constant 0 : i32
      %dma_start3A_242 = arith.constant 0 : i32
      %dma_start3A_243 = tpu.memref_slice %arg12[%run_scoped3A_17, %dma_start3A, %dma_start3A_242] : memref<1x128x128xf32, #tpu.memory_space<vmem>> -> memref<1x128x128xf32, #tpu.memory_space<vmem>>
      %dma_start3A_244 = tpu.memref_squeeze %dma_start3A_243 : memref<1x128x128xf32, #tpu.memory_space<vmem>> -> memref<128x128xf32, #tpu.memory_space<vmem>>
      %dma_start3A_245 = arith.constant 0 : i32
      %dma_start3A_246 = tpu.memref_slice %arg14[%add3A_16, %dma_start3A_245] : memref<10240x128xf32, #tpu.memory_space<vmem_shared>> -> memref<128x128xf32, #tpu.memory_space<vmem_shared>>
      %dma_start3A_247 = arith.constant 0 : i32
      %dma_start3A_248 = tpu.memref_slice %arg14[%add3A_16, %dma_start3A_247] : memref<10240x128xf32, #tpu.memory_space<vmem_shared>> -> memref<128x128xf32, #tpu.memory_space<vmem_shared>>
      %dma_start3A_249 = arith.constant 0 : i32
      %dma_start3A_250 = arith.constant 0 : i32
      %dma_start3A_251 = tpu.memref_slice %arg12[%run_scoped3A_17, %dma_start3A_249, %dma_start3A_250] : memref<1x128x128xf32, #tpu.memory_space<vmem>> -> memref<1x128x128xf32, #tpu.memory_space<vmem>>
      %dma_start3A_252 = tpu.memref_squeeze %dma_start3A_251 : memref<1x128x128xf32, #tpu.memory_space<vmem>> -> memref<128x128xf32, #tpu.memory_space<vmem>>
      tpu.enqueue_dma source(%dma_start3A_252 : memref<128x128xf32, #tpu.memory_space<vmem>>) target(%dma_start3A_248 : memref<128x128xf32, #tpu.memory_space<vmem_shared>>) target_semaphore(%run_scoped3A_241 : memref<!tpu.dma_semaphore, #tpu.memory_space<semaphore_mem>>)
      %dma_wait3A = arith.constant 0 : i32
      %dma_wait3A_253 = arith.constant 0 : i32
      %dma_wait3A_254 = tpu.memref_slice %arg12[%run_scoped3A_17, %dma_wait3A, %dma_wait3A_253] : memref<1x128x128xf32, #tpu.memory_space<vmem>> -> memref<1x128x128xf32, #tpu.memory_space<vmem>>
      %dma_wait3A_255 = tpu.memref_squeeze %dma_wait3A_254 : memref<1x128x128xf32, #tpu.memory_space<vmem>> -> memref<128x128xf32, #tpu.memory_space<vmem>>
      %dma_wait3A_256 = arith.constant 0 : i32
      %dma_wait3A_257 = tpu.memref_slice %arg14[%add3A_16, %dma_wait3A_256] : memref<10240x128xf32, #tpu.memory_space<vmem_shared>> -> memref<128x128xf32, #tpu.memory_space<vmem_shared>>
      %dma_wait3A_258 = arith.constant 0 : i32
      %dma_wait3A_259 = tpu.memref_slice %arg14[%add3A_16, %dma_wait3A_258] : memref<10240x128xf32, #tpu.memory_space<vmem_shared>> -> memref<128x128xf32, #tpu.memory_space<vmem_shared>>
      %dma_wait3A_260 = arith.constant 0 : i32
      %dma_wait3A_261 = arith.constant 0 : i32
      %dma_wait3A_262 = tpu.memref_slice %arg12[%run_scoped3A_17, %dma_wait3A_260, %dma_wait3A_261] : memref<1x128x128xf32, #tpu.memory_space<vmem>> -> memref<1x128x128xf32, #tpu.memory_space<vmem>>
      %dma_wait3A_263 = tpu.memref_squeeze %dma_wait3A_262 : memref<1x128x128xf32, #tpu.memory_space<vmem>> -> memref<128x128xf32, #tpu.memory_space<vmem>>
      tpu.wait_dma2 semaphore(%run_scoped3A_241 : memref<!tpu.dma_semaphore, #tpu.memory_space<semaphore_mem>>) src(%dma_wait3A_263 : memref<128x128xf32, #tpu.memory_space<vmem>>) dst(%dma_wait3A_259 : memref<128x128xf32, #tpu.memory_space<vmem_shared>>)
      tpu.yield
    }) : () -> ()
    %add3A_18 = arith.constant 384 : i32
    %add3A_19 = arith.addi %mul3A_9, %add3A_18 : i32
    %run_scoped3A_20 = arith.constant 0 : i32
    "tpu.region"() ({
      %run_scoped3A_241 = tpu.sem_alloc : memref<!tpu.dma_semaphore, #tpu.memory_space<semaphore_mem>>
      %dma_start3A = arith.constant 0 : i32
      %dma_start3A_242 = arith.constant 0 : i32
      %dma_start3A_243 = tpu.memref_slice %arg12[%run_scoped3A_20, %dma_start3A, %dma_start3A_242] : memref<1x128x128xf32, #tpu.memory_space<vmem>> -> memref<1x128x128xf32, #tpu.memory_space<vmem>>
      %dma_start3A_244 = tpu.memref_squeeze %dma_start3A_243 : memref<1x128x128xf32, #tpu.memory_space<vmem>> -> memref<128x128xf32, #tpu.memory_space<vmem>>
      %dma_start3A_245 = arith.constant 0 : i32
      %dma_start3A_246 = tpu.memref_slice %arg14[%add3A_19, %dma_start3A_245] : memref<10240x128xf32, #tpu.memory_space<vmem_shared>> -> memref<128x128xf32, #tpu.memory_space<vmem_shared>>
      %dma_start3A_247 = arith.constant 0 : i32
      %dma_start3A_248 = tpu.memref_slice %arg14[%add3A_19, %dma_start3A_247] : memref<10240x128xf32, #tpu.memory_space<vmem_shared>> -> memref<128x128xf32, #tpu.memory_space<vmem_shared>>
      %dma_start3A_249 = arith.constant 0 : i32
      %dma_start3A_250 = arith.constant 0 : i32
      %dma_start3A_251 = tpu.memref_slice %arg12[%run_scoped3A_20, %dma_start3A_249, %dma_start3A_250] : memref<1x128x128xf32, #tpu.memory_space<vmem>> -> memref<1x128x128xf32, #tpu.memory_space<vmem>>
      %dma_start3A_252 = tpu.memref_squeeze %dma_start3A_251 : memref<1x128x128xf32, #tpu.memory_space<vmem>> -> memref<128x128xf32, #tpu.memory_space<vmem>>
      tpu.enqueue_dma source(%dma_start3A_252 : memref<128x128xf32, #tpu.memory_space<vmem>>) target(%dma_start3A_248 : memref<128x128xf32, #tpu.memory_space<vmem_shared>>) target_semaphore(%run_scoped3A_241 : memref<!tpu.dma_semaphore, #tpu.memory_space<semaphore_mem>>)
      %dma_wait3A = arith.constant 0 : i32
      %dma_wait3A_253 = arith.constant 0 : i32
      %dma_wait3A_254 = tpu.memref_slice %arg12[%run_scoped3A_20, %dma_wait3A, %dma_wait3A_253] : memref<1x128x128xf32, #tpu.memory_space<vmem>> -> memref<1x128x128xf32, #tpu.memory_space<vmem>>
      %dma_wait3A_255 = tpu.memref_squeeze %dma_wait3A_254 : memref<1x128x128xf32, #tpu.memory_space<vmem>> -> memref<128x128xf32, #tpu.memory_space<vmem>>
      %dma_wait3A_256 = arith.constant 0 : i32
      %dma_wait3A_257 = tpu.memref_slice %arg14[%add3A_19, %dma_wait3A_256] : memref<10240x128xf32, #tpu.memory_space<vmem_shared>> -> memref<128x128xf32, #tpu.memory_space<vmem_shared>>
      %dma_wait3A_258 = arith.constant 0 : i32
      %dma_wait3A_259 = tpu.memref_slice %arg14[%add3A_19, %dma_wait3A_258] : memref<10240x128xf32, #tpu.memory_space<vmem_shared>> -> memref<128x128xf32, #tpu.memory_space<vmem_shared>>
      %dma_wait3A_260 = arith.constant 0 : i32
      %dma_wait3A_261 = arith.constant 0 : i32
      %dma_wait3A_262 = tpu.memref_slice %arg12[%run_scoped3A_20, %dma_wait3A_260, %dma_wait3A_261] : memref<1x128x128xf32, #tpu.memory_space<vmem>> -> memref<1x128x128xf32, #tpu.memory_space<vmem>>
      %dma_wait3A_263 = tpu.memref_squeeze %dma_wait3A_262 : memref<1x128x128xf32, #tpu.memory_space<vmem>> -> memref<128x128xf32, #tpu.memory_space<vmem>>
      tpu.wait_dma2 semaphore(%run_scoped3A_241 : memref<!tpu.dma_semaphore, #tpu.memory_space<semaphore_mem>>) src(%dma_wait3A_263 : memref<128x128xf32, #tpu.memory_space<vmem>>) dst(%dma_wait3A_259 : memref<128x128xf32, #tpu.memory_space<vmem_shared>>)
      tpu.yield
    }) : () -> ()
    %add3A_21 = arith.constant 512 : i32
    %add3A_22 = arith.addi %mul3A_9, %add3A_21 : i32
    %run_scoped3A_23 = arith.constant 0 : i32
    "tpu.region"() ({
      %run_scoped3A_241 = tpu.sem_alloc : memref<!tpu.dma_semaphore, #tpu.memory_space<semaphore_mem>>
      %dma_start3A = arith.constant 0 : i32
      %dma_start3A_242 = arith.constant 0 : i32
      %dma_start3A_243 = tpu.memref_slice %arg12[%run_scoped3A_23, %dma_start3A, %dma_start3A_242] : memref<1x128x128xf32, #tpu.memory_space<vmem>> -> memref<1x128x128xf32, #tpu.memory_space<vmem>>
      %dma_start3A_244 = tpu.memref_squeeze %dma_start3A_243 : memref<1x128x128xf32, #tpu.memory_space<vmem>> -> memref<128x128xf32, #tpu.memory_space<vmem>>
      %dma_start3A_245 = arith.constant 0 : i32
      %dma_start3A_246 = tpu.memref_slice %arg14[%add3A_22, %dma_start3A_245] : memref<10240x128xf32, #tpu.memory_space<vmem_shared>> -> memref<128x128xf32, #tpu.memory_space<vmem_shared>>
      %dma_start3A_247 = arith.constant 0 : i32
      %dma_start3A_248 = tpu.memref_slice %arg14[%add3A_22, %dma_start3A_247] : memref<10240x128xf32, #tpu.memory_space<vmem_shared>> -> memref<128x128xf32, #tpu.memory_space<vmem_shared>>
      %dma_start3A_249 = arith.constant 0 : i32
      %dma_start3A_250 = arith.constant 0 : i32
      %dma_start3A_251 = tpu.memref_slice %arg12[%run_scoped3A_23, %dma_start3A_249, %dma_start3A_250] : memref<1x128x128xf32, #tpu.memory_space<vmem>> -> memref<1x128x128xf32, #tpu.memory_space<vmem>>
      %dma_start3A_252 = tpu.memref_squeeze %dma_start3A_251 : memref<1x128x128xf32, #tpu.memory_space<vmem>> -> memref<128x128xf32, #tpu.memory_space<vmem>>
      tpu.enqueue_dma source(%dma_start3A_252 : memref<128x128xf32, #tpu.memory_space<vmem>>) target(%dma_start3A_248 : memref<128x128xf32, #tpu.memory_space<vmem_shared>>) target_semaphore(%run_scoped3A_241 : memref<!tpu.dma_semaphore, #tpu.memory_space<semaphore_mem>>)
      %dma_wait3A = arith.constant 0 : i32
      %dma_wait3A_253 = arith.constant 0 : i32
      %dma_wait3A_254 = tpu.memref_slice %arg12[%run_scoped3A_23, %dma_wait3A, %dma_wait3A_253] : memref<1x128x128xf32, #tpu.memory_space<vmem>> -> memref<1x128x128xf32, #tpu.memory_space<vmem>>
      %dma_wait3A_255 = tpu.memref_squeeze %dma_wait3A_254 : memref<1x128x128xf32, #tpu.memory_space<vmem>> -> memref<128x128xf32, #tpu.memory_space<vmem>>
      %dma_wait3A_256 = arith.constant 0 : i32
      %dma_wait3A_257 = tpu.memref_slice %arg14[%add3A_22, %dma_wait3A_256] : memref<10240x128xf32, #tpu.memory_space<vmem_shared>> -> memref<128x128xf32, #tpu.memory_space<vmem_shared>>
      %dma_wait3A_258 = arith.constant 0 : i32
      %dma_wait3A_259 = tpu.memref_slice %arg14[%add3A_22, %dma_wait3A_258] : memref<10240x128xf32, #tpu.memory_space<vmem_shared>> -> memref<128x128xf32, #tpu.memory_space<vmem_shared>>
      %dma_wait3A_260 = arith.constant 0 : i32
      %dma_wait3A_261 = arith.constant 0 : i32
      %dma_wait3A_262 = tpu.memref_slice %arg12[%run_scoped3A_23, %dma_wait3A_260, %dma_wait3A_261] : memref<1x128x128xf32, #tpu.memory_space<vmem>> -> memref<1x128x128xf32, #tpu.memory_space<vmem>>
      %dma_wait3A_263 = tpu.memref_squeeze %dma_wait3A_262 : memref<1x128x128xf32, #tpu.memory_space<vmem>> -> memref<128x128xf32, #tpu.memory_space<vmem>>
      tpu.wait_dma2 semaphore(%run_scoped3A_241 : memref<!tpu.dma_semaphore, #tpu.memory_space<semaphore_mem>>) src(%dma_wait3A_263 : memref<128x128xf32, #tpu.memory_space<vmem>>) dst(%dma_wait3A_259 : memref<128x128xf32, #tpu.memory_space<vmem_shared>>)
      tpu.yield
    }) : () -> ()
    %run_scoped3A_24 = arith.constant 0 : i32
    %run_scoped3A_25 = arith.constant 0 : i32
    "tpu.region"() ({
      %run_scoped3A_241 = tpu.sem_alloc : memref<!tpu.dma_semaphore, #tpu.memory_space<semaphore_mem>>
      %dma_start3A = arith.constant 0 : i32
      %dma_start3A_242 = tpu.memref_slice %arg8[%dma_start3A] : memref<10000xf32, #tpu.memory_space<vmem>> -> memref<1000xf32, #tpu.memory_space<vmem>>
      %dma_start3A_243 = arith.constant 0 : i32
      %dma_start3A_244 = tpu.memref_slice %arg5[%run_scoped3A_24, %run_scoped3A_25, %dma_start3A_243] : memref<10x1x1000xf32, #tpu.memory_space<hbm>> -> memref<1x1x1000xf32, #tpu.memory_space<hbm>>
      %dma_start3A_245 = tpu.memref_squeeze %dma_start3A_244 : memref<1x1x1000xf32, #tpu.memory_space<hbm>> -> memref<1000xf32, #tpu.memory_space<hbm>>
      %dma_start3A_246 = arith.constant 0 : i32
      %dma_start3A_247 = tpu.memref_slice %arg8[%dma_start3A_246] : memref<10000xf32, #tpu.memory_space<vmem>> -> memref<1000xf32, #tpu.memory_space<vmem>>
      %dma_start3A_248 = arith.constant 0 : i32
      %dma_start3A_249 = tpu.memref_slice %arg5[%run_scoped3A_24, %run_scoped3A_25, %dma_start3A_248] : memref<10x1x1000xf32, #tpu.memory_space<hbm>> -> memref<1x1x1000xf32, #tpu.memory_space<hbm>>
      %dma_start3A_250 = tpu.memref_squeeze %dma_start3A_249 : memref<1x1x1000xf32, #tpu.memory_space<hbm>> -> memref<1000xf32, #tpu.memory_space<hbm>>
      tpu.enqueue_dma source(%dma_start3A_250 : memref<1000xf32, #tpu.memory_space<hbm>>) target(%dma_start3A_247 : memref<1000xf32, #tpu.memory_space<vmem>>) target_semaphore(%run_scoped3A_241 : memref<!tpu.dma_semaphore, #tpu.memory_space<semaphore_mem>>)
      %dma_wait3A = arith.constant 0 : i32
      %dma_wait3A_251 = tpu.memref_slice %arg8[%dma_wait3A] : memref<10000xf32, #tpu.memory_space<vmem>> -> memref<1000xf32, #tpu.memory_space<vmem>>
      %dma_wait3A_252 = arith.constant 0 : i32
      %dma_wait3A_253 = tpu.memref_slice %arg5[%run_scoped3A_24, %run_scoped3A_25, %dma_wait3A_252] : memref<10x1x1000xf32, #tpu.memory_space<hbm>> -> memref<1x1x1000xf32, #tpu.memory_space<hbm>>
      %dma_wait3A_254 = tpu.memref_squeeze %dma_wait3A_253 : memref<1x1x1000xf32, #tpu.memory_space<hbm>> -> memref<1000xf32, #tpu.memory_space<hbm>>
      %dma_wait3A_255 = arith.constant 0 : i32
      %dma_wait3A_256 = tpu.memref_slice %arg8[%dma_wait3A_255] : memref<10000xf32, #tpu.memory_space<vmem>> -> memref<1000xf32, #tpu.memory_space<vmem>>
      %dma_wait3A_257 = arith.constant 0 : i32
      %dma_wait3A_258 = tpu.memref_slice %arg5[%run_scoped3A_24, %run_scoped3A_25, %dma_wait3A_257] : memref<10x1x1000xf32, #tpu.memory_space<hbm>> -> memref<1x1x1000xf32, #tpu.memory_space<hbm>>
      %dma_wait3A_259 = tpu.memref_squeeze %dma_wait3A_258 : memref<1x1x1000xf32, #tpu.memory_space<hbm>> -> memref<1000xf32, #tpu.memory_space<hbm>>
      tpu.wait_dma2 semaphore(%run_scoped3A_241 : memref<!tpu.dma_semaphore, #tpu.memory_space<semaphore_mem>>) src(%dma_wait3A_259 : memref<1000xf32, #tpu.memory_space<hbm>>) dst(%dma_wait3A_256 : memref<1000xf32, #tpu.memory_space<vmem>>)
      tpu.yield
    }) : () -> ()
    %run_scoped3A_26 = arith.constant 0 : i32
    %run_scoped3A_27 = arith.constant 0 : i32
    "tpu.region"() ({
      %run_scoped3A_241 = tpu.sem_alloc : memref<!tpu.dma_semaphore, #tpu.memory_space<semaphore_mem>>
      %dma_start3A = arith.constant 0 : i32
      %dma_start3A_242 = tpu.memref_slice %arg9[%dma_start3A] : memref<10000xf32, #tpu.memory_space<vmem>> -> memref<1000xf32, #tpu.memory_space<vmem>>
      %dma_start3A_243 = arith.constant 0 : i32
      %dma_start3A_244 = tpu.memref_slice %arg6[%run_scoped3A_26, %run_scoped3A_27, %dma_start3A_243] : memref<10x1x1000xf32, #tpu.memory_space<hbm>> -> memref<1x1x1000xf32, #tpu.memory_space<hbm>>
      %dma_start3A_245 = tpu.memref_squeeze %dma_start3A_244 : memref<1x1x1000xf32, #tpu.memory_space<hbm>> -> memref<1000xf32, #tpu.memory_space<hbm>>
      %dma_start3A_246 = arith.constant 0 : i32
      %dma_start3A_247 = tpu.memref_slice %arg9[%dma_start3A_246] : memref<10000xf32, #tpu.memory_space<vmem>> -> memref<1000xf32, #tpu.memory_space<vmem>>
      %dma_start3A_248 = arith.constant 0 : i32
      %dma_start3A_249 = tpu.memref_slice %arg6[%run_scoped3A_26, %run_scoped3A_27, %dma_start3A_248] : memref<10x1x1000xf32, #tpu.memory_space<hbm>> -> memref<1x1x1000xf32, #tpu.memory_space<hbm>>
      %dma_start3A_250 = tpu.memref_squeeze %dma_start3A_249 : memref<1x1x1000xf32, #tpu.memory_space<hbm>> -> memref<1000xf32, #tpu.memory_space<hbm>>
      tpu.enqueue_dma source(%dma_start3A_250 : memref<1000xf32, #tpu.memory_space<hbm>>) target(%dma_start3A_247 : memref<1000xf32, #tpu.memory_space<vmem>>) target_semaphore(%run_scoped3A_241 : memref<!tpu.dma_semaphore, #tpu.memory_space<semaphore_mem>>)
      %dma_wait3A = arith.constant 0 : i32
      %dma_wait3A_251 = tpu.memref_slice %arg9[%dma_wait3A] : memref<10000xf32, #tpu.memory_space<vmem>> -> memref<1000xf32, #tpu.memory_space<vmem>>
      %dma_wait3A_252 = arith.constant 0 : i32
      %dma_wait3A_253 = tpu.memref_slice %arg6[%run_scoped3A_26, %run_scoped3A_27, %dma_wait3A_252] : memref<10x1x1000xf32, #tpu.memory_space<hbm>> -> memref<1x1x1000xf32, #tpu.memory_space<hbm>>
      %dma_wait3A_254 = tpu.memref_squeeze %dma_wait3A_253 : memref<1x1x1000xf32, #tpu.memory_space<hbm>> -> memref<1000xf32, #tpu.memory_space<hbm>>
      %dma_wait3A_255 = arith.constant 0 : i32
      %dma_wait3A_256 = tpu.memref_slice %arg9[%dma_wait3A_255] : memref<10000xf32, #tpu.memory_space<vmem>> -> memref<1000xf32, #tpu.memory_space<vmem>>
      %dma_wait3A_257 = arith.constant 0 : i32
      %dma_wait3A_258 = tpu.memref_slice %arg6[%run_scoped3A_26, %run_scoped3A_27, %dma_wait3A_257] : memref<10x1x1000xf32, #tpu.memory_space<hbm>> -> memref<1x1x1000xf32, #tpu.memory_space<hbm>>
      %dma_wait3A_259 = tpu.memref_squeeze %dma_wait3A_258 : memref<1x1x1000xf32, #tpu.memory_space<hbm>> -> memref<1000xf32, #tpu.memory_space<hbm>>
      tpu.wait_dma2 semaphore(%run_scoped3A_241 : memref<!tpu.dma_semaphore, #tpu.memory_space<semaphore_mem>>) src(%dma_wait3A_259 : memref<1000xf32, #tpu.memory_space<hbm>>) dst(%dma_wait3A_256 : memref<1000xf32, #tpu.memory_space<vmem>>)
      tpu.yield
    }) : () -> ()
    %run_scoped3A_28 = arith.constant 1 : i32
    %run_scoped3A_29 = arith.constant 0 : i32
    "tpu.region"() ({
      %run_scoped3A_241 = tpu.sem_alloc : memref<!tpu.dma_semaphore, #tpu.memory_space<semaphore_mem>>
      %dma_start3A = arith.constant 1000 : i32
      %dma_start3A_242 = tpu.memref_slice %arg8[%dma_start3A] : memref<10000xf32, #tpu.memory_space<vmem>> -> memref<1000xf32, #tpu.memory_space<vmem>>
      %dma_start3A_243 = arith.constant 0 : i32
      %dma_start3A_244 = tpu.memref_slice %arg5[%run_scoped3A_28, %run_scoped3A_29, %dma_start3A_243] : memref<10x1x1000xf32, #tpu.memory_space<hbm>> -> memref<1x1x1000xf32, #tpu.memory_space<hbm>>
      %dma_start3A_245 = tpu.memref_squeeze %dma_start3A_244 : memref<1x1x1000xf32, #tpu.memory_space<hbm>> -> memref<1000xf32, #tpu.memory_space<hbm>>
      %dma_start3A_246 = arith.constant 1000 : i32
      %dma_start3A_247 = tpu.memref_slice %arg8[%dma_start3A_246] : memref<10000xf32, #tpu.memory_space<vmem>> -> memref<1000xf32, #tpu.memory_space<vmem>>
      %dma_start3A_248 = arith.constant 0 : i32
      %dma_start3A_249 = tpu.memref_slice %arg5[%run_scoped3A_28, %run_scoped3A_29, %dma_start3A_248] : memref<10x1x1000xf32, #tpu.memory_space<hbm>> -> memref<1x1x1000xf32, #tpu.memory_space<hbm>>
      %dma_start3A_250 = tpu.memref_squeeze %dma_start3A_249 : memref<1x1x1000xf32, #tpu.memory_space<hbm>> -> memref<1000xf32, #tpu.memory_space<hbm>>
      tpu.enqueue_dma source(%dma_start3A_250 : memref<1000xf32, #tpu.memory_space<hbm>>) target(%dma_start3A_247 : memref<1000xf32, #tpu.memory_space<vmem>>) target_semaphore(%run_scoped3A_241 : memref<!tpu.dma_semaphore, #tpu.memory_space<semaphore_mem>>)
      %dma_wait3A = arith.constant 1000 : i32
      %dma_wait3A_251 = tpu.memref_slice %arg8[%dma_wait3A] : memref<10000xf32, #tpu.memory_space<vmem>> -> memref<1000xf32, #tpu.memory_space<vmem>>
      %dma_wait3A_252 = arith.constant 0 : i32
      %dma_wait3A_253 = tpu.memref_slice %arg5[%run_scoped3A_28, %run_scoped3A_29, %dma_wait3A_252] : memref<10x1x1000xf32, #tpu.memory_space<hbm>> -> memref<1x1x1000xf32, #tpu.memory_space<hbm>>
      %dma_wait3A_254 = tpu.memref_squeeze %dma_wait3A_253 : memref<1x1x1000xf32, #tpu.memory_space<hbm>> -> memref<1000xf32, #tpu.memory_space<hbm>>
      %dma_wait3A_255 = arith.constant 1000 : i32
      %dma_wait3A_256 = tpu.memref_slice %arg8[%dma_wait3A_255] : memref<10000xf32, #tpu.memory_space<vmem>> -> memref<1000xf32, #tpu.memory_space<vmem>>
      %dma_wait3A_257 = arith.constant 0 : i32
      %dma_wait3A_258 = tpu.memref_slice %arg5[%run_scoped3A_28, %run_scoped3A_29, %dma_wait3A_257] : memref<10x1x1000xf32, #tpu.memory_space<hbm>> -> memref<1x1x1000xf32, #tpu.memory_space<hbm>>
      %dma_wait3A_259 = tpu.memref_squeeze %dma_wait3A_258 : memref<1x1x1000xf32, #tpu.memory_space<hbm>> -> memref<1000xf32, #tpu.memory_space<hbm>>
      tpu.wait_dma2 semaphore(%run_scoped3A_241 : memref<!tpu.dma_semaphore, #tpu.memory_space<semaphore_mem>>) src(%dma_wait3A_259 : memref<1000xf32, #tpu.memory_space<hbm>>) dst(%dma_wait3A_256 : memref<1000xf32, #tpu.memory_space<vmem>>)
      tpu.yield
    }) : () -> ()
    %run_scoped3A_30 = arith.constant 1 : i32
    %run_scoped3A_31 = arith.constant 0 : i32
    "tpu.region"() ({
      %run_scoped3A_241 = tpu.sem_alloc : memref<!tpu.dma_semaphore, #tpu.memory_space<semaphore_mem>>
      %dma_start3A = arith.constant 1000 : i32
      %dma_start3A_242 = tpu.memref_slice %arg9[%dma_start3A] : memref<10000xf32, #tpu.memory_space<vmem>> -> memref<1000xf32, #tpu.memory_space<vmem>>
      %dma_start3A_243 = arith.constant 0 : i32
      %dma_start3A_244 = tpu.memref_slice %arg6[%run_scoped3A_30, %run_scoped3A_31, %dma_start3A_243] : memref<10x1x1000xf32, #tpu.memory_space<hbm>> -> memref<1x1x1000xf32, #tpu.memory_space<hbm>>
      %dma_start3A_245 = tpu.memref_squeeze %dma_start3A_244 : memref<1x1x1000xf32, #tpu.memory_space<hbm>> -> memref<1000xf32, #tpu.memory_space<hbm>>
      %dma_start3A_246 = arith.constant 1000 : i32
      %dma_start3A_247 = tpu.memref_slice %arg9[%dma_start3A_246] : memref<10000xf32, #tpu.memory_space<vmem>> -> memref<1000xf32, #tpu.memory_space<vmem>>
      %dma_start3A_248 = arith.constant 0 : i32
      %dma_start3A_249 = tpu.memref_slice %arg6[%run_scoped3A_30, %run_scoped3A_31, %dma_start3A_248] : memref<10x1x1000xf32, #tpu.memory_space<hbm>> -> memref<1x1x1000xf32, #tpu.memory_space<hbm>>
      %dma_start3A_250 = tpu.memref_squeeze %dma_start3A_249 : memref<1x1x1000xf32, #tpu.memory_space<hbm>> -> memref<1000xf32, #tpu.memory_space<hbm>>
      tpu.enqueue_dma source(%dma_start3A_250 : memref<1000xf32, #tpu.memory_space<hbm>>) target(%dma_start3A_247 : memref<1000xf32, #tpu.memory_space<vmem>>) target_semaphore(%run_scoped3A_241 : memref<!tpu.dma_semaphore, #tpu.memory_space<semaphore_mem>>)
      %dma_wait3A = arith.constant 1000 : i32
      %dma_wait3A_251 = tpu.memref_slice %arg9[%dma_wait3A] : memref<10000xf32, #tpu.memory_space<vmem>> -> memref<1000xf32, #tpu.memory_space<vmem>>
      %dma_wait3A_252 = arith.constant 0 : i32
      %dma_wait3A_253 = tpu.memref_slice %arg6[%run_scoped3A_30, %run_scoped3A_31, %dma_wait3A_252] : memref<10x1x1000xf32, #tpu.memory_space<hbm>> -> memref<1x1x1000xf32, #tpu.memory_space<hbm>>
      %dma_wait3A_254 = tpu.memref_squeeze %dma_wait3A_253 : memref<1x1x1000xf32, #tpu.memory_space<hbm>> -> memref<1000xf32, #tpu.memory_space<hbm>>
      %dma_wait3A_255 = arith.constant 1000 : i32
      %dma_wait3A_256 = tpu.memref_slice %arg9[%dma_wait3A_255] : memref<10000xf32, #tpu.memory_space<vmem>> -> memref<1000xf32, #tpu.memory_space<vmem>>
      %dma_wait3A_257 = arith.constant 0 : i32
      %dma_wait3A_258 = tpu.memref_slice %arg6[%run_scoped3A_30, %run_scoped3A_31, %dma_wait3A_257] : memref<10x1x1000xf32, #tpu.memory_space<hbm>> -> memref<1x1x1000xf32, #tpu.memory_space<hbm>>
      %dma_wait3A_259 = tpu.memref_squeeze %dma_wait3A_258 : memref<1x1x1000xf32, #tpu.memory_space<hbm>> -> memref<1000xf32, #tpu.memory_space<hbm>>
      tpu.wait_dma2 semaphore(%run_scoped3A_241 : memref<!tpu.dma_semaphore, #tpu.memory_space<semaphore_mem>>) src(%dma_wait3A_259 : memref<1000xf32, #tpu.memory_space<hbm>>) dst(%dma_wait3A_256 : memref<1000xf32, #tpu.memory_space<vmem>>)
      tpu.yield
    }) : () -> ()
    %run_scoped3A_32 = arith.constant 2 : i32
    %run_scoped3A_33 = arith.constant 0 : i32
    "tpu.region"() ({
      %run_scoped3A_241 = tpu.sem_alloc : memref<!tpu.dma_semaphore, #tpu.memory_space<semaphore_mem>>
      %dma_start3A = arith.constant 2000 : i32
      %dma_start3A_242 = tpu.memref_slice %arg8[%dma_start3A] : memref<10000xf32, #tpu.memory_space<vmem>> -> memref<1000xf32, #tpu.memory_space<vmem>>
      %dma_start3A_243 = arith.constant 0 : i32
      %dma_start3A_244 = tpu.memref_slice %arg5[%run_scoped3A_32, %run_scoped3A_33, %dma_start3A_243] : memref<10x1x1000xf32, #tpu.memory_space<hbm>> -> memref<1x1x1000xf32, #tpu.memory_space<hbm>>
      %dma_start3A_245 = tpu.memref_squeeze %dma_start3A_244 : memref<1x1x1000xf32, #tpu.memory_space<hbm>> -> memref<1000xf32, #tpu.memory_space<hbm>>
      %dma_start3A_246 = arith.constant 2000 : i32
      %dma_start3A_247 = tpu.memref_slice %arg8[%dma_start3A_246] : memref<10000xf32, #tpu.memory_space<vmem>> -> memref<1000xf32, #tpu.memory_space<vmem>>
      %dma_start3A_248 = arith.constant 0 : i32
      %dma_start3A_249 = tpu.memref_slice %arg5[%run_scoped3A_32, %run_scoped3A_33, %dma_start3A_248] : memref<10x1x1000xf32, #tpu.memory_space<hbm>> -> memref<1x1x1000xf32, #tpu.memory_space<hbm>>
      %dma_start3A_250 = tpu.memref_squeeze %dma_start3A_249 : memref<1x1x1000xf32, #tpu.memory_space<hbm>> -> memref<1000xf32, #tpu.memory_space<hbm>>
      tpu.enqueue_dma source(%dma_start3A_250 : memref<1000xf32, #tpu.memory_space<hbm>>) target(%dma_start3A_247 : memref<1000xf32, #tpu.memory_space<vmem>>) target_semaphore(%run_scoped3A_241 : memref<!tpu.dma_semaphore, #tpu.memory_space<semaphore_mem>>)
      %dma_wait3A = arith.constant 2000 : i32
      %dma_wait3A_251 = tpu.memref_slice %arg8[%dma_wait3A] : memref<10000xf32, #tpu.memory_space<vmem>> -> memref<1000xf32, #tpu.memory_space<vmem>>
      %dma_wait3A_252 = arith.constant 0 : i32
      %dma_wait3A_253 = tpu.memref_slice %arg5[%run_scoped3A_32, %run_scoped3A_33, %dma_wait3A_252] : memref<10x1x1000xf32, #tpu.memory_space<hbm>> -> memref<1x1x1000xf32, #tpu.memory_space<hbm>>
      %dma_wait3A_254 = tpu.memref_squeeze %dma_wait3A_253 : memref<1x1x1000xf32, #tpu.memory_space<hbm>> -> memref<1000xf32, #tpu.memory_space<hbm>>
      %dma_wait3A_255 = arith.constant 2000 : i32
      %dma_wait3A_256 = tpu.memref_slice %arg8[%dma_wait3A_255] : memref<10000xf32, #tpu.memory_space<vmem>> -> memref<1000xf32, #tpu.memory_space<vmem>>
      %dma_wait3A_257 = arith.constant 0 : i32
      %dma_wait3A_258 = tpu.memref_slice %arg5[%run_scoped3A_32, %run_scoped3A_33, %dma_wait3A_257] : memref<10x1x1000xf32, #tpu.memory_space<hbm>> -> memref<1x1x1000xf32, #tpu.memory_space<hbm>>
      %dma_wait3A_259 = tpu.memref_squeeze %dma_wait3A_258 : memref<1x1x1000xf32, #tpu.memory_space<hbm>> -> memref<1000xf32, #tpu.memory_space<hbm>>
      tpu.wait_dma2 semaphore(%run_scoped3A_241 : memref<!tpu.dma_semaphore, #tpu.memory_space<semaphore_mem>>) src(%dma_wait3A_259 : memref<1000xf32, #tpu.memory_space<hbm>>) dst(%dma_wait3A_256 : memref<1000xf32, #tpu.memory_space<vmem>>)
      tpu.yield
    }) : () -> ()
    %run_scoped3A_34 = arith.constant 2 : i32
    %run_scoped3A_35 = arith.constant 0 : i32
    "tpu.region"() ({
      %run_scoped3A_241 = tpu.sem_alloc : memref<!tpu.dma_semaphore, #tpu.memory_space<semaphore_mem>>
      %dma_start3A = arith.constant 2000 : i32
      %dma_start3A_242 = tpu.memref_slice %arg9[%dma_start3A] : memref<10000xf32, #tpu.memory_space<vmem>> -> memref<1000xf32, #tpu.memory_space<vmem>>
      %dma_start3A_243 = arith.constant 0 : i32
      %dma_start3A_244 = tpu.memref_slice %arg6[%run_scoped3A_34, %run_scoped3A_35, %dma_start3A_243] : memref<10x1x1000xf32, #tpu.memory_space<hbm>> -> memref<1x1x1000xf32, #tpu.memory_space<hbm>>
      %dma_start3A_245 = tpu.memref_squeeze %dma_start3A_244 : memref<1x1x1000xf32, #tpu.memory_space<hbm>> -> memref<1000xf32, #tpu.memory_space<hbm>>
      %dma_start3A_246 = arith.constant 2000 : i32
      %dma_start3A_247 = tpu.memref_slice %arg9[%dma_start3A_246] : memref<10000xf32, #tpu.memory_space<vmem>> -> memref<1000xf32, #tpu.memory_space<vmem>>
      %dma_start3A_248 = arith.constant 0 : i32
      %dma_start3A_249 = tpu.memref_slice %arg6[%run_scoped3A_34, %run_scoped3A_35, %dma_start3A_248] : memref<10x1x1000xf32, #tpu.memory_space<hbm>> -> memref<1x1x1000xf32, #tpu.memory_space<hbm>>
      %dma_start3A_250 = tpu.memref_squeeze %dma_start3A_249 : memref<1x1x1000xf32, #tpu.memory_space<hbm>> -> memref<1000xf32, #tpu.memory_space<hbm>>
      tpu.enqueue_dma source(%dma_start3A_250 : memref<1000xf32, #tpu.memory_space<hbm>>) target(%dma_start3A_247 : memref<1000xf32, #tpu.memory_space<vmem>>) target_semaphore(%run_scoped3A_241 : memref<!tpu.dma_semaphore, #tpu.memory_space<semaphore_mem>>)
      %dma_wait3A = arith.constant 2000 : i32
      %dma_wait3A_251 = tpu.memref_slice %arg9[%dma_wait3A] : memref<10000xf32, #tpu.memory_space<vmem>> -> memref<1000xf32, #tpu.memory_space<vmem>>
      %dma_wait3A_252 = arith.constant 0 : i32
      %dma_wait3A_253 = tpu.memref_slice %arg6[%run_scoped3A_34, %run_scoped3A_35, %dma_wait3A_252] : memref<10x1x1000xf32, #tpu.memory_space<hbm>> -> memref<1x1x1000xf32, #tpu.memory_space<hbm>>
      %dma_wait3A_254 = tpu.memref_squeeze %dma_wait3A_253 : memref<1x1x1000xf32, #tpu.memory_space<hbm>> -> memref<1000xf32, #tpu.memory_space<hbm>>
      %dma_wait3A_255 = arith.constant 2000 : i32
      %dma_wait3A_256 = tpu.memref_slice %arg9[%dma_wait3A_255] : memref<10000xf32, #tpu.memory_space<vmem>> -> memref<1000xf32, #tpu.memory_space<vmem>>
      %dma_wait3A_257 = arith.constant 0 : i32
      %dma_wait3A_258 = tpu.memref_slice %arg6[%run_scoped3A_34, %run_scoped3A_35, %dma_wait3A_257] : memref<10x1x1000xf32, #tpu.memory_space<hbm>> -> memref<1x1x1000xf32, #tpu.memory_space<hbm>>
      %dma_wait3A_259 = tpu.memref_squeeze %dma_wait3A_258 : memref<1x1x1000xf32, #tpu.memory_space<hbm>> -> memref<1000xf32, #tpu.memory_space<hbm>>
      tpu.wait_dma2 semaphore(%run_scoped3A_241 : memref<!tpu.dma_semaphore, #tpu.memory_space<semaphore_mem>>) src(%dma_wait3A_259 : memref<1000xf32, #tpu.memory_space<hbm>>) dst(%dma_wait3A_256 : memref<1000xf32, #tpu.memory_space<vmem>>)
      tpu.yield
    }) : () -> ()
    %run_scoped3A_36 = arith.constant 3 : i32
    %run_scoped3A_37 = arith.constant 0 : i32
    "tpu.region"() ({
      %run_scoped3A_241 = tpu.sem_alloc : memref<!tpu.dma_semaphore, #tpu.memory_space<semaphore_mem>>
      %dma_start3A = arith.constant 3000 : i32
      %dma_start3A_242 = tpu.memref_slice %arg8[%dma_start3A] : memref<10000xf32, #tpu.memory_space<vmem>> -> memref<1000xf32, #tpu.memory_space<vmem>>
      %dma_start3A_243 = arith.constant 0 : i32
      %dma_start3A_244 = tpu.memref_slice %arg5[%run_scoped3A_36, %run_scoped3A_37, %dma_start3A_243] : memref<10x1x1000xf32, #tpu.memory_space<hbm>> -> memref<1x1x1000xf32, #tpu.memory_space<hbm>>
      %dma_start3A_245 = tpu.memref_squeeze %dma_start3A_244 : memref<1x1x1000xf32, #tpu.memory_space<hbm>> -> memref<1000xf32, #tpu.memory_space<hbm>>
      %dma_start3A_246 = arith.constant 3000 : i32
      %dma_start3A_247 = tpu.memref_slice %arg8[%dma_start3A_246] : memref<10000xf32, #tpu.memory_space<vmem>> -> memref<1000xf32, #tpu.memory_space<vmem>>
      %dma_start3A_248 = arith.constant 0 : i32
      %dma_start3A_249 = tpu.memref_slice %arg5[%run_scoped3A_36, %run_scoped3A_37, %dma_start3A_248] : memref<10x1x1000xf32, #tpu.memory_space<hbm>> -> memref<1x1x1000xf32, #tpu.memory_space<hbm>>
      %dma_start3A_250 = tpu.memref_squeeze %dma_start3A_249 : memref<1x1x1000xf32, #tpu.memory_space<hbm>> -> memref<1000xf32, #tpu.memory_space<hbm>>
      tpu.enqueue_dma source(%dma_start3A_250 : memref<1000xf32, #tpu.memory_space<hbm>>) target(%dma_start3A_247 : memref<1000xf32, #tpu.memory_space<vmem>>) target_semaphore(%run_scoped3A_241 : memref<!tpu.dma_semaphore, #tpu.memory_space<semaphore_mem>>)
      %dma_wait3A = arith.constant 3000 : i32
      %dma_wait3A_251 = tpu.memref_slice %arg8[%dma_wait3A] : memref<10000xf32, #tpu.memory_space<vmem>> -> memref<1000xf32, #tpu.memory_space<vmem>>
      %dma_wait3A_252 = arith.constant 0 : i32
      %dma_wait3A_253 = tpu.memref_slice %arg5[%run_scoped3A_36, %run_scoped3A_37, %dma_wait3A_252] : memref<10x1x1000xf32, #tpu.memory_space<hbm>> -> memref<1x1x1000xf32, #tpu.memory_space<hbm>>
      %dma_wait3A_254 = tpu.memref_squeeze %dma_wait3A_253 : memref<1x1x1000xf32, #tpu.memory_space<hbm>> -> memref<1000xf32, #tpu.memory_space<hbm>>
      %dma_wait3A_255 = arith.constant 3000 : i32
      %dma_wait3A_256 = tpu.memref_slice %arg8[%dma_wait3A_255] : memref<10000xf32, #tpu.memory_space<vmem>> -> memref<1000xf32, #tpu.memory_space<vmem>>
      %dma_wait3A_257 = arith.constant 0 : i32
      %dma_wait3A_258 = tpu.memref_slice %arg5[%run_scoped3A_36, %run_scoped3A_37, %dma_wait3A_257] : memref<10x1x1000xf32, #tpu.memory_space<hbm>> -> memref<1x1x1000xf32, #tpu.memory_space<hbm>>
      %dma_wait3A_259 = tpu.memref_squeeze %dma_wait3A_258 : memref<1x1x1000xf32, #tpu.memory_space<hbm>> -> memref<1000xf32, #tpu.memory_space<hbm>>
      tpu.wait_dma2 semaphore(%run_scoped3A_241 : memref<!tpu.dma_semaphore, #tpu.memory_space<semaphore_mem>>) src(%dma_wait3A_259 : memref<1000xf32, #tpu.memory_space<hbm>>) dst(%dma_wait3A_256 : memref<1000xf32, #tpu.memory_space<vmem>>)
      tpu.yield
    }) : () -> ()
    %run_scoped3A_38 = arith.constant 3 : i32
    %run_scoped3A_39 = arith.constant 0 : i32
    "tpu.region"() ({
      %run_scoped3A_241 = tpu.sem_alloc : memref<!tpu.dma_semaphore, #tpu.memory_space<semaphore_mem>>
      %dma_start3A = arith.constant 3000 : i32
      %dma_start3A_242 = tpu.memref_slice %arg9[%dma_start3A] : memref<10000xf32, #tpu.memory_space<vmem>> -> memref<1000xf32, #tpu.memory_space<vmem>>
      %dma_start3A_243 = arith.constant 0 : i32
      %dma_start3A_244 = tpu.memref_slice %arg6[%run_scoped3A_38, %run_scoped3A_39, %dma_start3A_243] : memref<10x1x1000xf32, #tpu.memory_space<hbm>> -> memref<1x1x1000xf32, #tpu.memory_space<hbm>>
      %dma_start3A_245 = tpu.memref_squeeze %dma_start3A_244 : memref<1x1x1000xf32, #tpu.memory_space<hbm>> -> memref<1000xf32, #tpu.memory_space<hbm>>
      %dma_start3A_246 = arith.constant 3000 : i32
      %dma_start3A_247 = tpu.memref_slice %arg9[%dma_start3A_246] : memref<10000xf32, #tpu.memory_space<vmem>> -> memref<1000xf32, #tpu.memory_space<vmem>>
      %dma_start3A_248 = arith.constant 0 : i32
      %dma_start3A_249 = tpu.memref_slice %arg6[%run_scoped3A_38, %run_scoped3A_39, %dma_start3A_248] : memref<10x1x1000xf32, #tpu.memory_space<hbm>> -> memref<1x1x1000xf32, #tpu.memory_space<hbm>>
      %dma_start3A_250 = tpu.memref_squeeze %dma_start3A_249 : memref<1x1x1000xf32, #tpu.memory_space<hbm>> -> memref<1000xf32, #tpu.memory_space<hbm>>
      tpu.enqueue_dma source(%dma_start3A_250 : memref<1000xf32, #tpu.memory_space<hbm>>) target(%dma_start3A_247 : memref<1000xf32, #tpu.memory_space<vmem>>) target_semaphore(%run_scoped3A_241 : memref<!tpu.dma_semaphore, #tpu.memory_space<semaphore_mem>>)
      %dma_wait3A = arith.constant 3000 : i32
      %dma_wait3A_251 = tpu.memref_slice %arg9[%dma_wait3A] : memref<10000xf32, #tpu.memory_space<vmem>> -> memref<1000xf32, #tpu.memory_space<vmem>>
      %dma_wait3A_252 = arith.constant 0 : i32
      %dma_wait3A_253 = tpu.memref_slice %arg6[%run_scoped3A_38, %run_scoped3A_39, %dma_wait3A_252] : memref<10x1x1000xf32, #tpu.memory_space<hbm>> -> memref<1x1x1000xf32, #tpu.memory_space<hbm>>
      %dma_wait3A_254 = tpu.memref_squeeze %dma_wait3A_253 : memref<1x1x1000xf32, #tpu.memory_space<hbm>> -> memref<1000xf32, #tpu.memory_space<hbm>>
      %dma_wait3A_255 = arith.constant 3000 : i32
      %dma_wait3A_256 = tpu.memref_slice %arg9[%dma_wait3A_255] : memref<10000xf32, #tpu.memory_space<vmem>> -> memref<1000xf32, #tpu.memory_space<vmem>>
      %dma_wait3A_257 = arith.constant 0 : i32
      %dma_wait3A_258 = tpu.memref_slice %arg6[%run_scoped3A_38, %run_scoped3A_39, %dma_wait3A_257] : memref<10x1x1000xf32, #tpu.memory_space<hbm>> -> memref<1x1x1000xf32, #tpu.memory_space<hbm>>
      %dma_wait3A_259 = tpu.memref_squeeze %dma_wait3A_258 : memref<1x1x1000xf32, #tpu.memory_space<hbm>> -> memref<1000xf32, #tpu.memory_space<hbm>>
      tpu.wait_dma2 semaphore(%run_scoped3A_241 : memref<!tpu.dma_semaphore, #tpu.memory_space<semaphore_mem>>) src(%dma_wait3A_259 : memref<1000xf32, #tpu.memory_space<hbm>>) dst(%dma_wait3A_256 : memref<1000xf32, #tpu.memory_space<vmem>>)
      tpu.yield
    }) : () -> ()
    %run_scoped3A_40 = arith.constant 4 : i32
    %run_scoped3A_41 = arith.constant 0 : i32
    "tpu.region"() ({
      %run_scoped3A_241 = tpu.sem_alloc : memref<!tpu.dma_semaphore, #tpu.memory_space<semaphore_mem>>
      %dma_start3A = arith.constant 4000 : i32
      %dma_start3A_242 = tpu.memref_slice %arg8[%dma_start3A] : memref<10000xf32, #tpu.memory_space<vmem>> -> memref<1000xf32, #tpu.memory_space<vmem>>
      %dma_start3A_243 = arith.constant 0 : i32
      %dma_start3A_244 = tpu.memref_slice %arg5[%run_scoped3A_40, %run_scoped3A_41, %dma_start3A_243] : memref<10x1x1000xf32, #tpu.memory_space<hbm>> -> memref<1x1x1000xf32, #tpu.memory_space<hbm>>
      %dma_start3A_245 = tpu.memref_squeeze %dma_start3A_244 : memref<1x1x1000xf32, #tpu.memory_space<hbm>> -> memref<1000xf32, #tpu.memory_space<hbm>>
      %dma_start3A_246 = arith.constant 4000 : i32
      %dma_start3A_247 = tpu.memref_slice %arg8[%dma_start3A_246] : memref<10000xf32, #tpu.memory_space<vmem>> -> memref<1000xf32, #tpu.memory_space<vmem>>
      %dma_start3A_248 = arith.constant 0 : i32
      %dma_start3A_249 = tpu.memref_slice %arg5[%run_scoped3A_40, %run_scoped3A_41, %dma_start3A_248] : memref<10x1x1000xf32, #tpu.memory_space<hbm>> -> memref<1x1x1000xf32, #tpu.memory_space<hbm>>
      %dma_start3A_250 = tpu.memref_squeeze %dma_start3A_249 : memref<1x1x1000xf32, #tpu.memory_space<hbm>> -> memref<1000xf32, #tpu.memory_space<hbm>>
      tpu.enqueue_dma source(%dma_start3A_250 : memref<1000xf32, #tpu.memory_space<hbm>>) target(%dma_start3A_247 : memref<1000xf32, #tpu.memory_space<vmem>>) target_semaphore(%run_scoped3A_241 : memref<!tpu.dma_semaphore, #tpu.memory_space<semaphore_mem>>)
      %dma_wait3A = arith.constant 4000 : i32
      %dma_wait3A_251 = tpu.memref_slice %arg8[%dma_wait3A] : memref<10000xf32, #tpu.memory_space<vmem>> -> memref<1000xf32, #tpu.memory_space<vmem>>
      %dma_wait3A_252 = arith.constant 0 : i32
      %dma_wait3A_253 = tpu.memref_slice %arg5[%run_scoped3A_40, %run_scoped3A_41, %dma_wait3A_252] : memref<10x1x1000xf32, #tpu.memory_space<hbm>> -> memref<1x1x1000xf32, #tpu.memory_space<hbm>>
      %dma_wait3A_254 = tpu.memref_squeeze %dma_wait3A_253 : memref<1x1x1000xf32, #tpu.memory_space<hbm>> -> memref<1000xf32, #tpu.memory_space<hbm>>
      %dma_wait3A_255 = arith.constant 4000 : i32
      %dma_wait3A_256 = tpu.memref_slice %arg8[%dma_wait3A_255] : memref<10000xf32, #tpu.memory_space<vmem>> -> memref<1000xf32, #tpu.memory_space<vmem>>
      %dma_wait3A_257 = arith.constant 0 : i32
      %dma_wait3A_258 = tpu.memref_slice %arg5[%run_scoped3A_40, %run_scoped3A_41, %dma_wait3A_257] : memref<10x1x1000xf32, #tpu.memory_space<hbm>> -> memref<1x1x1000xf32, #tpu.memory_space<hbm>>
      %dma_wait3A_259 = tpu.memref_squeeze %dma_wait3A_258 : memref<1x1x1000xf32, #tpu.memory_space<hbm>> -> memref<1000xf32, #tpu.memory_space<hbm>>
      tpu.wait_dma2 semaphore(%run_scoped3A_241 : memref<!tpu.dma_semaphore, #tpu.memory_space<semaphore_mem>>) src(%dma_wait3A_259 : memref<1000xf32, #tpu.memory_space<hbm>>) dst(%dma_wait3A_256 : memref<1000xf32, #tpu.memory_space<vmem>>)
      tpu.yield
    }) : () -> ()
    %run_scoped3A_42 = arith.constant 4 : i32
    %run_scoped3A_43 = arith.constant 0 : i32
    "tpu.region"() ({
      %run_scoped3A_241 = tpu.sem_alloc : memref<!tpu.dma_semaphore, #tpu.memory_space<semaphore_mem>>
      %dma_start3A = arith.constant 4000 : i32
      %dma_start3A_242 = tpu.memref_slice %arg9[%dma_start3A] : memref<10000xf32, #tpu.memory_space<vmem>> -> memref<1000xf32, #tpu.memory_space<vmem>>
      %dma_start3A_243 = arith.constant 0 : i32
      %dma_start3A_244 = tpu.memref_slice %arg6[%run_scoped3A_42, %run_scoped3A_43, %dma_start3A_243] : memref<10x1x1000xf32, #tpu.memory_space<hbm>> -> memref<1x1x1000xf32, #tpu.memory_space<hbm>>
      %dma_start3A_245 = tpu.memref_squeeze %dma_start3A_244 : memref<1x1x1000xf32, #tpu.memory_space<hbm>> -> memref<1000xf32, #tpu.memory_space<hbm>>
      %dma_start3A_246 = arith.constant 4000 : i32
      %dma_start3A_247 = tpu.memref_slice %arg9[%dma_start3A_246] : memref<10000xf32, #tpu.memory_space<vmem>> -> memref<1000xf32, #tpu.memory_space<vmem>>
      %dma_start3A_248 = arith.constant 0 : i32
      %dma_start3A_249 = tpu.memref_slice %arg6[%run_scoped3A_42, %run_scoped3A_43, %dma_start3A_248] : memref<10x1x1000xf32, #tpu.memory_space<hbm>> -> memref<1x1x1000xf32, #tpu.memory_space<hbm>>
      %dma_start3A_250 = tpu.memref_squeeze %dma_start3A_249 : memref<1x1x1000xf32, #tpu.memory_space<hbm>> -> memref<1000xf32, #tpu.memory_space<hbm>>
      tpu.enqueue_dma source(%dma_start3A_250 : memref<1000xf32, #tpu.memory_space<hbm>>) target(%dma_start3A_247 : memref<1000xf32, #tpu.memory_space<vmem>>) target_semaphore(%run_scoped3A_241 : memref<!tpu.dma_semaphore, #tpu.memory_space<semaphore_mem>>)
      %dma_wait3A = arith.constant 4000 : i32
      %dma_wait3A_251 = tpu.memref_slice %arg9[%dma_wait3A] : memref<10000xf32, #tpu.memory_space<vmem>> -> memref<1000xf32, #tpu.memory_space<vmem>>
      %dma_wait3A_252 = arith.constant 0 : i32
      %dma_wait3A_253 = tpu.memref_slice %arg6[%run_scoped3A_42, %run_scoped3A_43, %dma_wait3A_252] : memref<10x1x1000xf32, #tpu.memory_space<hbm>> -> memref<1x1x1000xf32, #tpu.memory_space<hbm>>
      %dma_wait3A_254 = tpu.memref_squeeze %dma_wait3A_253 : memref<1x1x1000xf32, #tpu.memory_space<hbm>> -> memref<1000xf32, #tpu.memory_space<hbm>>
      %dma_wait3A_255 = arith.constant 4000 : i32
      %dma_wait3A_256 = tpu.memref_slice %arg9[%dma_wait3A_255] : memref<10000xf32, #tpu.memory_space<vmem>> -> memref<1000xf32, #tpu.memory_space<vmem>>
      %dma_wait3A_257 = arith.constant 0 : i32
      %dma_wait3A_258 = tpu.memref_slice %arg6[%run_scoped3A_42, %run_scoped3A_43, %dma_wait3A_257] : memref<10x1x1000xf32, #tpu.memory_space<hbm>> -> memref<1x1x1000xf32, #tpu.memory_space<hbm>>
      %dma_wait3A_259 = tpu.memref_squeeze %dma_wait3A_258 : memref<1x1x1000xf32, #tpu.memory_space<hbm>> -> memref<1000xf32, #tpu.memory_space<hbm>>
      tpu.wait_dma2 semaphore(%run_scoped3A_241 : memref<!tpu.dma_semaphore, #tpu.memory_space<semaphore_mem>>) src(%dma_wait3A_259 : memref<1000xf32, #tpu.memory_space<hbm>>) dst(%dma_wait3A_256 : memref<1000xf32, #tpu.memory_space<vmem>>)
      tpu.yield
    }) : () -> ()
    %run_scoped3A_44 = arith.constant 5 : i32
    %run_scoped3A_45 = arith.constant 0 : i32
    "tpu.region"() ({
      %run_scoped3A_241 = tpu.sem_alloc : memref<!tpu.dma_semaphore, #tpu.memory_space<semaphore_mem>>
      %dma_start3A = arith.constant 5000 : i32
      %dma_start3A_242 = tpu.memref_slice %arg8[%dma_start3A] : memref<10000xf32, #tpu.memory_space<vmem>> -> memref<1000xf32, #tpu.memory_space<vmem>>
      %dma_start3A_243 = arith.constant 0 : i32
      %dma_start3A_244 = tpu.memref_slice %arg5[%run_scoped3A_44, %run_scoped3A_45, %dma_start3A_243] : memref<10x1x1000xf32, #tpu.memory_space<hbm>> -> memref<1x1x1000xf32, #tpu.memory_space<hbm>>
      %dma_start3A_245 = tpu.memref_squeeze %dma_start3A_244 : memref<1x1x1000xf32, #tpu.memory_space<hbm>> -> memref<1000xf32, #tpu.memory_space<hbm>>
      %dma_start3A_246 = arith.constant 5000 : i32
      %dma_start3A_247 = tpu.memref_slice %arg8[%dma_start3A_246] : memref<10000xf32, #tpu.memory_space<vmem>> -> memref<1000xf32, #tpu.memory_space<vmem>>
      %dma_start3A_248 = arith.constant 0 : i32
      %dma_start3A_249 = tpu.memref_slice %arg5[%run_scoped3A_44, %run_scoped3A_45, %dma_start3A_248] : memref<10x1x1000xf32, #tpu.memory_space<hbm>> -> memref<1x1x1000xf32, #tpu.memory_space<hbm>>
      %dma_start3A_250 = tpu.memref_squeeze %dma_start3A_249 : memref<1x1x1000xf32, #tpu.memory_space<hbm>> -> memref<1000xf32, #tpu.memory_space<hbm>>
      tpu.enqueue_dma source(%dma_start3A_250 : memref<1000xf32, #tpu.memory_space<hbm>>) target(%dma_start3A_247 : memref<1000xf32, #tpu.memory_space<vmem>>) target_semaphore(%run_scoped3A_241 : memref<!tpu.dma_semaphore, #tpu.memory_space<semaphore_mem>>)
      %dma_wait3A = arith.constant 5000 : i32
      %dma_wait3A_251 = tpu.memref_slice %arg8[%dma_wait3A] : memref<10000xf32, #tpu.memory_space<vmem>> -> memref<1000xf32, #tpu.memory_space<vmem>>
      %dma_wait3A_252 = arith.constant 0 : i32
      %dma_wait3A_253 = tpu.memref_slice %arg5[%run_scoped3A_44, %run_scoped3A_45, %dma_wait3A_252] : memref<10x1x1000xf32, #tpu.memory_space<hbm>> -> memref<1x1x1000xf32, #tpu.memory_space<hbm>>
      %dma_wait3A_254 = tpu.memref_squeeze %dma_wait3A_253 : memref<1x1x1000xf32, #tpu.memory_space<hbm>> -> memref<1000xf32, #tpu.memory_space<hbm>>
      %dma_wait3A_255 = arith.constant 5000 : i32
      %dma_wait3A_256 = tpu.memref_slice %arg8[%dma_wait3A_255] : memref<10000xf32, #tpu.memory_space<vmem>> -> memref<1000xf32, #tpu.memory_space<vmem>>
      %dma_wait3A_257 = arith.constant 0 : i32
      %dma_wait3A_258 = tpu.memref_slice %arg5[%run_scoped3A_44, %run_scoped3A_45, %dma_wait3A_257] : memref<10x1x1000xf32, #tpu.memory_space<hbm>> -> memref<1x1x1000xf32, #tpu.memory_space<hbm>>
      %dma_wait3A_259 = tpu.memref_squeeze %dma_wait3A_258 : memref<1x1x1000xf32, #tpu.memory_space<hbm>> -> memref<1000xf32, #tpu.memory_space<hbm>>
      tpu.wait_dma2 semaphore(%run_scoped3A_241 : memref<!tpu.dma_semaphore, #tpu.memory_space<semaphore_mem>>) src(%dma_wait3A_259 : memref<1000xf32, #tpu.memory_space<hbm>>) dst(%dma_wait3A_256 : memref<1000xf32, #tpu.memory_space<vmem>>)
      tpu.yield
    }) : () -> ()
    %run_scoped3A_46 = arith.constant 5 : i32
    %run_scoped3A_47 = arith.constant 0 : i32
    "tpu.region"() ({
      %run_scoped3A_241 = tpu.sem_alloc : memref<!tpu.dma_semaphore, #tpu.memory_space<semaphore_mem>>
      %dma_start3A = arith.constant 5000 : i32
      %dma_start3A_242 = tpu.memref_slice %arg9[%dma_start3A] : memref<10000xf32, #tpu.memory_space<vmem>> -> memref<1000xf32, #tpu.memory_space<vmem>>
      %dma_start3A_243 = arith.constant 0 : i32
      %dma_start3A_244 = tpu.memref_slice %arg6[%run_scoped3A_46, %run_scoped3A_47, %dma_start3A_243] : memref<10x1x1000xf32, #tpu.memory_space<hbm>> -> memref<1x1x1000xf32, #tpu.memory_space<hbm>>
      %dma_start3A_245 = tpu.memref_squeeze %dma_start3A_244 : memref<1x1x1000xf32, #tpu.memory_space<hbm>> -> memref<1000xf32, #tpu.memory_space<hbm>>
      %dma_start3A_246 = arith.constant 5000 : i32
      %dma_start3A_247 = tpu.memref_slice %arg9[%dma_start3A_246] : memref<10000xf32, #tpu.memory_space<vmem>> -> memref<1000xf32, #tpu.memory_space<vmem>>
      %dma_start3A_248 = arith.constant 0 : i32
      %dma_start3A_249 = tpu.memref_slice %arg6[%run_scoped3A_46, %run_scoped3A_47, %dma_start3A_248] : memref<10x1x1000xf32, #tpu.memory_space<hbm>> -> memref<1x1x1000xf32, #tpu.memory_space<hbm>>
      %dma_start3A_250 = tpu.memref_squeeze %dma_start3A_249 : memref<1x1x1000xf32, #tpu.memory_space<hbm>> -> memref<1000xf32, #tpu.memory_space<hbm>>
      tpu.enqueue_dma source(%dma_start3A_250 : memref<1000xf32, #tpu.memory_space<hbm>>) target(%dma_start3A_247 : memref<1000xf32, #tpu.memory_space<vmem>>) target_semaphore(%run_scoped3A_241 : memref<!tpu.dma_semaphore, #tpu.memory_space<semaphore_mem>>)
      %dma_wait3A = arith.constant 5000 : i32
      %dma_wait3A_251 = tpu.memref_slice %arg9[%dma_wait3A] : memref<10000xf32, #tpu.memory_space<vmem>> -> memref<1000xf32, #tpu.memory_space<vmem>>
      %dma_wait3A_252 = arith.constant 0 : i32
      %dma_wait3A_253 = tpu.memref_slice %arg6[%run_scoped3A_46, %run_scoped3A_47, %dma_wait3A_252] : memref<10x1x1000xf32, #tpu.memory_space<hbm>> -> memref<1x1x1000xf32, #tpu.memory_space<hbm>>
      %dma_wait3A_254 = tpu.memref_squeeze %dma_wait3A_253 : memref<1x1x1000xf32, #tpu.memory_space<hbm>> -> memref<1000xf32, #tpu.memory_space<hbm>>
      %dma_wait3A_255 = arith.constant 5000 : i32
      %dma_wait3A_256 = tpu.memref_slice %arg9[%dma_wait3A_255] : memref<10000xf32, #tpu.memory_space<vmem>> -> memref<1000xf32, #tpu.memory_space<vmem>>
      %dma_wait3A_257 = arith.constant 0 : i32
      %dma_wait3A_258 = tpu.memref_slice %arg6[%run_scoped3A_46, %run_scoped3A_47, %dma_wait3A_257] : memref<10x1x1000xf32, #tpu.memory_space<hbm>> -> memref<1x1x1000xf32, #tpu.memory_space<hbm>>
      %dma_wait3A_259 = tpu.memref_squeeze %dma_wait3A_258 : memref<1x1x1000xf32, #tpu.memory_space<hbm>> -> memref<1000xf32, #tpu.memory_space<hbm>>
      tpu.wait_dma2 semaphore(%run_scoped3A_241 : memref<!tpu.dma_semaphore, #tpu.memory_space<semaphore_mem>>) src(%dma_wait3A_259 : memref<1000xf32, #tpu.memory_space<hbm>>) dst(%dma_wait3A_256 : memref<1000xf32, #tpu.memory_space<vmem>>)
      tpu.yield
    }) : () -> ()
    %run_scoped3A_48 = arith.constant 6 : i32
    %run_scoped3A_49 = arith.constant 0 : i32
    "tpu.region"() ({
      %run_scoped3A_241 = tpu.sem_alloc : memref<!tpu.dma_semaphore, #tpu.memory_space<semaphore_mem>>
      %dma_start3A = arith.constant 6000 : i32
      %dma_start3A_242 = tpu.memref_slice %arg8[%dma_start3A] : memref<10000xf32, #tpu.memory_space<vmem>> -> memref<1000xf32, #tpu.memory_space<vmem>>
      %dma_start3A_243 = arith.constant 0 : i32
      %dma_start3A_244 = tpu.memref_slice %arg5[%run_scoped3A_48, %run_scoped3A_49, %dma_start3A_243] : memref<10x1x1000xf32, #tpu.memory_space<hbm>> -> memref<1x1x1000xf32, #tpu.memory_space<hbm>>
      %dma_start3A_245 = tpu.memref_squeeze %dma_start3A_244 : memref<1x1x1000xf32, #tpu.memory_space<hbm>> -> memref<1000xf32, #tpu.memory_space<hbm>>
      %dma_start3A_246 = arith.constant 6000 : i32
      %dma_start3A_247 = tpu.memref_slice %arg8[%dma_start3A_246] : memref<10000xf32, #tpu.memory_space<vmem>> -> memref<1000xf32, #tpu.memory_space<vmem>>
      %dma_start3A_248 = arith.constant 0 : i32
      %dma_start3A_249 = tpu.memref_slice %arg5[%run_scoped3A_48, %run_scoped3A_49, %dma_start3A_248] : memref<10x1x1000xf32, #tpu.memory_space<hbm>> -> memref<1x1x1000xf32, #tpu.memory_space<hbm>>
      %dma_start3A_250 = tpu.memref_squeeze %dma_start3A_249 : memref<1x1x1000xf32, #tpu.memory_space<hbm>> -> memref<1000xf32, #tpu.memory_space<hbm>>
      tpu.enqueue_dma source(%dma_start3A_250 : memref<1000xf32, #tpu.memory_space<hbm>>) target(%dma_start3A_247 : memref<1000xf32, #tpu.memory_space<vmem>>) target_semaphore(%run_scoped3A_241 : memref<!tpu.dma_semaphore, #tpu.memory_space<semaphore_mem>>)
      %dma_wait3A = arith.constant 6000 : i32
      %dma_wait3A_251 = tpu.memref_slice %arg8[%dma_wait3A] : memref<10000xf32, #tpu.memory_space<vmem>> -> memref<1000xf32, #tpu.memory_space<vmem>>
      %dma_wait3A_252 = arith.constant 0 : i32
      %dma_wait3A_253 = tpu.memref_slice %arg5[%run_scoped3A_48, %run_scoped3A_49, %dma_wait3A_252] : memref<10x1x1000xf32, #tpu.memory_space<hbm>> -> memref<1x1x1000xf32, #tpu.memory_space<hbm>>
      %dma_wait3A_254 = tpu.memref_squeeze %dma_wait3A_253 : memref<1x1x1000xf32, #tpu.memory_space<hbm>> -> memref<1000xf32, #tpu.memory_space<hbm>>
      %dma_wait3A_255 = arith.constant 6000 : i32
      %dma_wait3A_256 = tpu.memref_slice %arg8[%dma_wait3A_255] : memref<10000xf32, #tpu.memory_space<vmem>> -> memref<1000xf32, #tpu.memory_space<vmem>>
      %dma_wait3A_257 = arith.constant 0 : i32
      %dma_wait3A_258 = tpu.memref_slice %arg5[%run_scoped3A_48, %run_scoped3A_49, %dma_wait3A_257] : memref<10x1x1000xf32, #tpu.memory_space<hbm>> -> memref<1x1x1000xf32, #tpu.memory_space<hbm>>
      %dma_wait3A_259 = tpu.memref_squeeze %dma_wait3A_258 : memref<1x1x1000xf32, #tpu.memory_space<hbm>> -> memref<1000xf32, #tpu.memory_space<hbm>>
      tpu.wait_dma2 semaphore(%run_scoped3A_241 : memref<!tpu.dma_semaphore, #tpu.memory_space<semaphore_mem>>) src(%dma_wait3A_259 : memref<1000xf32, #tpu.memory_space<hbm>>) dst(%dma_wait3A_256 : memref<1000xf32, #tpu.memory_space<vmem>>)
      tpu.yield
    }) : () -> ()
    %run_scoped3A_50 = arith.constant 6 : i32
    %run_scoped3A_51 = arith.constant 0 : i32
    "tpu.region"() ({
      %run_scoped3A_241 = tpu.sem_alloc : memref<!tpu.dma_semaphore, #tpu.memory_space<semaphore_mem>>
      %dma_start3A = arith.constant 6000 : i32
      %dma_start3A_242 = tpu.memref_slice %arg9[%dma_start3A] : memref<10000xf32, #tpu.memory_space<vmem>> -> memref<1000xf32, #tpu.memory_space<vmem>>
      %dma_start3A_243 = arith.constant 0 : i32
      %dma_start3A_244 = tpu.memref_slice %arg6[%run_scoped3A_50, %run_scoped3A_51, %dma_start3A_243] : memref<10x1x1000xf32, #tpu.memory_space<hbm>> -> memref<1x1x1000xf32, #tpu.memory_space<hbm>>
      %dma_start3A_245 = tpu.memref_squeeze %dma_start3A_244 : memref<1x1x1000xf32, #tpu.memory_space<hbm>> -> memref<1000xf32, #tpu.memory_space<hbm>>
      %dma_start3A_246 = arith.constant 6000 : i32
      %dma_start3A_247 = tpu.memref_slice %arg9[%dma_start3A_246] : memref<10000xf32, #tpu.memory_space<vmem>> -> memref<1000xf32, #tpu.memory_space<vmem>>
      %dma_start3A_248 = arith.constant 0 : i32
      %dma_start3A_249 = tpu.memref_slice %arg6[%run_scoped3A_50, %run_scoped3A_51, %dma_start3A_248] : memref<10x1x1000xf32, #tpu.memory_space<hbm>> -> memref<1x1x1000xf32, #tpu.memory_space<hbm>>
      %dma_start3A_250 = tpu.memref_squeeze %dma_start3A_249 : memref<1x1x1000xf32, #tpu.memory_space<hbm>> -> memref<1000xf32, #tpu.memory_space<hbm>>
      tpu.enqueue_dma source(%dma_start3A_250 : memref<1000xf32, #tpu.memory_space<hbm>>) target(%dma_start3A_247 : memref<1000xf32, #tpu.memory_space<vmem>>) target_semaphore(%run_scoped3A_241 : memref<!tpu.dma_semaphore, #tpu.memory_space<semaphore_mem>>)
      %dma_wait3A = arith.constant 6000 : i32
      %dma_wait3A_251 = tpu.memref_slice %arg9[%dma_wait3A] : memref<10000xf32, #tpu.memory_space<vmem>> -> memref<1000xf32, #tpu.memory_space<vmem>>
      %dma_wait3A_252 = arith.constant 0 : i32
      %dma_wait3A_253 = tpu.memref_slice %arg6[%run_scoped3A_50, %run_scoped3A_51, %dma_wait3A_252] : memref<10x1x1000xf32, #tpu.memory_space<hbm>> -> memref<1x1x1000xf32, #tpu.memory_space<hbm>>
      %dma_wait3A_254 = tpu.memref_squeeze %dma_wait3A_253 : memref<1x1x1000xf32, #tpu.memory_space<hbm>> -> memref<1000xf32, #tpu.memory_space<hbm>>
      %dma_wait3A_255 = arith.constant 6000 : i32
      %dma_wait3A_256 = tpu.memref_slice %arg9[%dma_wait3A_255] : memref<10000xf32, #tpu.memory_space<vmem>> -> memref<1000xf32, #tpu.memory_space<vmem>>
      %dma_wait3A_257 = arith.constant 0 : i32
      %dma_wait3A_258 = tpu.memref_slice %arg6[%run_scoped3A_50, %run_scoped3A_51, %dma_wait3A_257] : memref<10x1x1000xf32, #tpu.memory_space<hbm>> -> memref<1x1x1000xf32, #tpu.memory_space<hbm>>
      %dma_wait3A_259 = tpu.memref_squeeze %dma_wait3A_258 : memref<1x1x1000xf32, #tpu.memory_space<hbm>> -> memref<1000xf32, #tpu.memory_space<hbm>>
      tpu.wait_dma2 semaphore(%run_scoped3A_241 : memref<!tpu.dma_semaphore, #tpu.memory_space<semaphore_mem>>) src(%dma_wait3A_259 : memref<1000xf32, #tpu.memory_space<hbm>>) dst(%dma_wait3A_256 : memref<1000xf32, #tpu.memory_space<vmem>>)
      tpu.yield
    }) : () -> ()
    %run_scoped3A_52 = arith.constant 7 : i32
    %run_scoped3A_53 = arith.constant 0 : i32
    "tpu.region"() ({
      %run_scoped3A_241 = tpu.sem_alloc : memref<!tpu.dma_semaphore, #tpu.memory_space<semaphore_mem>>
      %dma_start3A = arith.constant 7000 : i32
      %dma_start3A_242 = tpu.memref_slice %arg8[%dma_start3A] : memref<10000xf32, #tpu.memory_space<vmem>> -> memref<1000xf32, #tpu.memory_space<vmem>>
      %dma_start3A_243 = arith.constant 0 : i32
      %dma_start3A_244 = tpu.memref_slice %arg5[%run_scoped3A_52, %run_scoped3A_53, %dma_start3A_243] : memref<10x1x1000xf32, #tpu.memory_space<hbm>> -> memref<1x1x1000xf32, #tpu.memory_space<hbm>>
      %dma_start3A_245 = tpu.memref_squeeze %dma_start3A_244 : memref<1x1x1000xf32, #tpu.memory_space<hbm>> -> memref<1000xf32, #tpu.memory_space<hbm>>
      %dma_start3A_246 = arith.constant 7000 : i32
      %dma_start3A_247 = tpu.memref_slice %arg8[%dma_start3A_246] : memref<10000xf32, #tpu.memory_space<vmem>> -> memref<1000xf32, #tpu.memory_space<vmem>>
      %dma_start3A_248 = arith.constant 0 : i32
      %dma_start3A_249 = tpu.memref_slice %arg5[%run_scoped3A_52, %run_scoped3A_53, %dma_start3A_248] : memref<10x1x1000xf32, #tpu.memory_space<hbm>> -> memref<1x1x1000xf32, #tpu.memory_space<hbm>>
      %dma_start3A_250 = tpu.memref_squeeze %dma_start3A_249 : memref<1x1x1000xf32, #tpu.memory_space<hbm>> -> memref<1000xf32, #tpu.memory_space<hbm>>
      tpu.enqueue_dma source(%dma_start3A_250 : memref<1000xf32, #tpu.memory_space<hbm>>) target(%dma_start3A_247 : memref<1000xf32, #tpu.memory_space<vmem>>) target_semaphore(%run_scoped3A_241 : memref<!tpu.dma_semaphore, #tpu.memory_space<semaphore_mem>>)
      %dma_wait3A = arith.constant 7000 : i32
      %dma_wait3A_251 = tpu.memref_slice %arg8[%dma_wait3A] : memref<10000xf32, #tpu.memory_space<vmem>> -> memref<1000xf32, #tpu.memory_space<vmem>>
      %dma_wait3A_252 = arith.constant 0 : i32
      %dma_wait3A_253 = tpu.memref_slice %arg5[%run_scoped3A_52, %run_scoped3A_53, %dma_wait3A_252] : memref<10x1x1000xf32, #tpu.memory_space<hbm>> -> memref<1x1x1000xf32, #tpu.memory_space<hbm>>
      %dma_wait3A_254 = tpu.memref_squeeze %dma_wait3A_253 : memref<1x1x1000xf32, #tpu.memory_space<hbm>> -> memref<1000xf32, #tpu.memory_space<hbm>>
      %dma_wait3A_255 = arith.constant 7000 : i32
      %dma_wait3A_256 = tpu.memref_slice %arg8[%dma_wait3A_255] : memref<10000xf32, #tpu.memory_space<vmem>> -> memref<1000xf32, #tpu.memory_space<vmem>>
      %dma_wait3A_257 = arith.constant 0 : i32
      %dma_wait3A_258 = tpu.memref_slice %arg5[%run_scoped3A_52, %run_scoped3A_53, %dma_wait3A_257] : memref<10x1x1000xf32, #tpu.memory_space<hbm>> -> memref<1x1x1000xf32, #tpu.memory_space<hbm>>
      %dma_wait3A_259 = tpu.memref_squeeze %dma_wait3A_258 : memref<1x1x1000xf32, #tpu.memory_space<hbm>> -> memref<1000xf32, #tpu.memory_space<hbm>>
      tpu.wait_dma2 semaphore(%run_scoped3A_241 : memref<!tpu.dma_semaphore, #tpu.memory_space<semaphore_mem>>) src(%dma_wait3A_259 : memref<1000xf32, #tpu.memory_space<hbm>>) dst(%dma_wait3A_256 : memref<1000xf32, #tpu.memory_space<vmem>>)
      tpu.yield
    }) : () -> ()
    %run_scoped3A_54 = arith.constant 7 : i32
    %run_scoped3A_55 = arith.constant 0 : i32
    "tpu.region"() ({
      %run_scoped3A_241 = tpu.sem_alloc : memref<!tpu.dma_semaphore, #tpu.memory_space<semaphore_mem>>
      %dma_start3A = arith.constant 7000 : i32
      %dma_start3A_242 = tpu.memref_slice %arg9[%dma_start3A] : memref<10000xf32, #tpu.memory_space<vmem>> -> memref<1000xf32, #tpu.memory_space<vmem>>
      %dma_start3A_243 = arith.constant 0 : i32
      %dma_start3A_244 = tpu.memref_slice %arg6[%run_scoped3A_54, %run_scoped3A_55, %dma_start3A_243] : memref<10x1x1000xf32, #tpu.memory_space<hbm>> -> memref<1x1x1000xf32, #tpu.memory_space<hbm>>
      %dma_start3A_245 = tpu.memref_squeeze %dma_start3A_244 : memref<1x1x1000xf32, #tpu.memory_space<hbm>> -> memref<1000xf32, #tpu.memory_space<hbm>>
      %dma_start3A_246 = arith.constant 7000 : i32
      %dma_start3A_247 = tpu.memref_slice %arg9[%dma_start3A_246] : memref<10000xf32, #tpu.memory_space<vmem>> -> memref<1000xf32, #tpu.memory_space<vmem>>
      %dma_start3A_248 = arith.constant 0 : i32
      %dma_start3A_249 = tpu.memref_slice %arg6[%run_scoped3A_54, %run_scoped3A_55, %dma_start3A_248] : memref<10x1x1000xf32, #tpu.memory_space<hbm>> -> memref<1x1x1000xf32, #tpu.memory_space<hbm>>
      %dma_start3A_250 = tpu.memref_squeeze %dma_start3A_249 : memref<1x1x1000xf32, #tpu.memory_space<hbm>> -> memref<1000xf32, #tpu.memory_space<hbm>>
      tpu.enqueue_dma source(%dma_start3A_250 : memref<1000xf32, #tpu.memory_space<hbm>>) target(%dma_start3A_247 : memref<1000xf32, #tpu.memory_space<vmem>>) target_semaphore(%run_scoped3A_241 : memref<!tpu.dma_semaphore, #tpu.memory_space<semaphore_mem>>)
      %dma_wait3A = arith.constant 7000 : i32
      %dma_wait3A_251 = tpu.memref_slice %arg9[%dma_wait3A] : memref<10000xf32, #tpu.memory_space<vmem>> -> memref<1000xf32, #tpu.memory_space<vmem>>
      %dma_wait3A_252 = arith.constant 0 : i32
      %dma_wait3A_253 = tpu.memref_slice %arg6[%run_scoped3A_54, %run_scoped3A_55, %dma_wait3A_252] : memref<10x1x1000xf32, #tpu.memory_space<hbm>> -> memref<1x1x1000xf32, #tpu.memory_space<hbm>>
      %dma_wait3A_254 = tpu.memref_squeeze %dma_wait3A_253 : memref<1x1x1000xf32, #tpu.memory_space<hbm>> -> memref<1000xf32, #tpu.memory_space<hbm>>
      %dma_wait3A_255 = arith.constant 7000 : i32
      %dma_wait3A_256 = tpu.memref_slice %arg9[%dma_wait3A_255] : memref<10000xf32, #tpu.memory_space<vmem>> -> memref<1000xf32, #tpu.memory_space<vmem>>
      %dma_wait3A_257 = arith.constant 0 : i32
      %dma_wait3A_258 = tpu.memref_slice %arg6[%run_scoped3A_54, %run_scoped3A_55, %dma_wait3A_257] : memref<10x1x1000xf32, #tpu.memory_space<hbm>> -> memref<1x1x1000xf32, #tpu.memory_space<hbm>>
      %dma_wait3A_259 = tpu.memref_squeeze %dma_wait3A_258 : memref<1x1x1000xf32, #tpu.memory_space<hbm>> -> memref<1000xf32, #tpu.memory_space<hbm>>
      tpu.wait_dma2 semaphore(%run_scoped3A_241 : memref<!tpu.dma_semaphore, #tpu.memory_space<semaphore_mem>>) src(%dma_wait3A_259 : memref<1000xf32, #tpu.memory_space<hbm>>) dst(%dma_wait3A_256 : memref<1000xf32, #tpu.memory_space<vmem>>)
      tpu.yield
    }) : () -> ()
    %run_scoped3A_56 = arith.constant 8 : i32
    %run_scoped3A_57 = arith.constant 0 : i32
    "tpu.region"() ({
      %run_scoped3A_241 = tpu.sem_alloc : memref<!tpu.dma_semaphore, #tpu.memory_space<semaphore_mem>>
      %dma_start3A = arith.constant 8000 : i32
      %dma_start3A_242 = tpu.memref_slice %arg8[%dma_start3A] : memref<10000xf32, #tpu.memory_space<vmem>> -> memref<1000xf32, #tpu.memory_space<vmem>>
      %dma_start3A_243 = arith.constant 0 : i32
      %dma_start3A_244 = tpu.memref_slice %arg5[%run_scoped3A_56, %run_scoped3A_57, %dma_start3A_243] : memref<10x1x1000xf32, #tpu.memory_space<hbm>> -> memref<1x1x1000xf32, #tpu.memory_space<hbm>>
      %dma_start3A_245 = tpu.memref_squeeze %dma_start3A_244 : memref<1x1x1000xf32, #tpu.memory_space<hbm>> -> memref<1000xf32, #tpu.memory_space<hbm>>
      %dma_start3A_246 = arith.constant 8000 : i32
      %dma_start3A_247 = tpu.memref_slice %arg8[%dma_start3A_246] : memref<10000xf32, #tpu.memory_space<vmem>> -> memref<1000xf32, #tpu.memory_space<vmem>>
      %dma_start3A_248 = arith.constant 0 : i32
      %dma_start3A_249 = tpu.memref_slice %arg5[%run_scoped3A_56, %run_scoped3A_57, %dma_start3A_248] : memref<10x1x1000xf32, #tpu.memory_space<hbm>> -> memref<1x1x1000xf32, #tpu.memory_space<hbm>>
      %dma_start3A_250 = tpu.memref_squeeze %dma_start3A_249 : memref<1x1x1000xf32, #tpu.memory_space<hbm>> -> memref<1000xf32, #tpu.memory_space<hbm>>
      tpu.enqueue_dma source(%dma_start3A_250 : memref<1000xf32, #tpu.memory_space<hbm>>) target(%dma_start3A_247 : memref<1000xf32, #tpu.memory_space<vmem>>) target_semaphore(%run_scoped3A_241 : memref<!tpu.dma_semaphore, #tpu.memory_space<semaphore_mem>>)
      %dma_wait3A = arith.constant 8000 : i32
      %dma_wait3A_251 = tpu.memref_slice %arg8[%dma_wait3A] : memref<10000xf32, #tpu.memory_space<vmem>> -> memref<1000xf32, #tpu.memory_space<vmem>>
      %dma_wait3A_252 = arith.constant 0 : i32
      %dma_wait3A_253 = tpu.memref_slice %arg5[%run_scoped3A_56, %run_scoped3A_57, %dma_wait3A_252] : memref<10x1x1000xf32, #tpu.memory_space<hbm>> -> memref<1x1x1000xf32, #tpu.memory_space<hbm>>
      %dma_wait3A_254 = tpu.memref_squeeze %dma_wait3A_253 : memref<1x1x1000xf32, #tpu.memory_space<hbm>> -> memref<1000xf32, #tpu.memory_space<hbm>>
      %dma_wait3A_255 = arith.constant 8000 : i32
      %dma_wait3A_256 = tpu.memref_slice %arg8[%dma_wait3A_255] : memref<10000xf32, #tpu.memory_space<vmem>> -> memref<1000xf32, #tpu.memory_space<vmem>>
      %dma_wait3A_257 = arith.constant 0 : i32
      %dma_wait3A_258 = tpu.memref_slice %arg5[%run_scoped3A_56, %run_scoped3A_57, %dma_wait3A_257] : memref<10x1x1000xf32, #tpu.memory_space<hbm>> -> memref<1x1x1000xf32, #tpu.memory_space<hbm>>
      %dma_wait3A_259 = tpu.memref_squeeze %dma_wait3A_258 : memref<1x1x1000xf32, #tpu.memory_space<hbm>> -> memref<1000xf32, #tpu.memory_space<hbm>>
      tpu.wait_dma2 semaphore(%run_scoped3A_241 : memref<!tpu.dma_semaphore, #tpu.memory_space<semaphore_mem>>) src(%dma_wait3A_259 : memref<1000xf32, #tpu.memory_space<hbm>>) dst(%dma_wait3A_256 : memref<1000xf32, #tpu.memory_space<vmem>>)
      tpu.yield
    }) : () -> ()
    %run_scoped3A_58 = arith.constant 8 : i32
    %run_scoped3A_59 = arith.constant 0 : i32
    "tpu.region"() ({
      %run_scoped3A_241 = tpu.sem_alloc : memref<!tpu.dma_semaphore, #tpu.memory_space<semaphore_mem>>
      %dma_start3A = arith.constant 8000 : i32
      %dma_start3A_242 = tpu.memref_slice %arg9[%dma_start3A] : memref<10000xf32, #tpu.memory_space<vmem>> -> memref<1000xf32, #tpu.memory_space<vmem>>
      %dma_start3A_243 = arith.constant 0 : i32
      %dma_start3A_244 = tpu.memref_slice %arg6[%run_scoped3A_58, %run_scoped3A_59, %dma_start3A_243] : memref<10x1x1000xf32, #tpu.memory_space<hbm>> -> memref<1x1x1000xf32, #tpu.memory_space<hbm>>
      %dma_start3A_245 = tpu.memref_squeeze %dma_start3A_244 : memref<1x1x1000xf32, #tpu.memory_space<hbm>> -> memref<1000xf32, #tpu.memory_space<hbm>>
      %dma_start3A_246 = arith.constant 8000 : i32
      %dma_start3A_247 = tpu.memref_slice %arg9[%dma_start3A_246] : memref<10000xf32, #tpu.memory_space<vmem>> -> memref<1000xf32, #tpu.memory_space<vmem>>
      %dma_start3A_248 = arith.constant 0 : i32
      %dma_start3A_249 = tpu.memref_slice %arg6[%run_scoped3A_58, %run_scoped3A_59, %dma_start3A_248] : memref<10x1x1000xf32, #tpu.memory_space<hbm>> -> memref<1x1x1000xf32, #tpu.memory_space<hbm>>
      %dma_start3A_250 = tpu.memref_squeeze %dma_start3A_249 : memref<1x1x1000xf32, #tpu.memory_space<hbm>> -> memref<1000xf32, #tpu.memory_space<hbm>>
      tpu.enqueue_dma source(%dma_start3A_250 : memref<1000xf32, #tpu.memory_space<hbm>>) target(%dma_start3A_247 : memref<1000xf32, #tpu.memory_space<vmem>>) target_semaphore(%run_scoped3A_241 : memref<!tpu.dma_semaphore, #tpu.memory_space<semaphore_mem>>)
      %dma_wait3A = arith.constant 8000 : i32
      %dma_wait3A_251 = tpu.memref_slice %arg9[%dma_wait3A] : memref<10000xf32, #tpu.memory_space<vmem>> -> memref<1000xf32, #tpu.memory_space<vmem>>
      %dma_wait3A_252 = arith.constant 0 : i32
      %dma_wait3A_253 = tpu.memref_slice %arg6[%run_scoped3A_58, %run_scoped3A_59, %dma_wait3A_252] : memref<10x1x1000xf32, #tpu.memory_space<hbm>> -> memref<1x1x1000xf32, #tpu.memory_space<hbm>>
      %dma_wait3A_254 = tpu.memref_squeeze %dma_wait3A_253 : memref<1x1x1000xf32, #tpu.memory_space<hbm>> -> memref<1000xf32, #tpu.memory_space<hbm>>
      %dma_wait3A_255 = arith.constant 8000 : i32
      %dma_wait3A_256 = tpu.memref_slice %arg9[%dma_wait3A_255] : memref<10000xf32, #tpu.memory_space<vmem>> -> memref<1000xf32, #tpu.memory_space<vmem>>
      %dma_wait3A_257 = arith.constant 0 : i32
      %dma_wait3A_258 = tpu.memref_slice %arg6[%run_scoped3A_58, %run_scoped3A_59, %dma_wait3A_257] : memref<10x1x1000xf32, #tpu.memory_space<hbm>> -> memref<1x1x1000xf32, #tpu.memory_space<hbm>>
      %dma_wait3A_259 = tpu.memref_squeeze %dma_wait3A_258 : memref<1x1x1000xf32, #tpu.memory_space<hbm>> -> memref<1000xf32, #tpu.memory_space<hbm>>
      tpu.wait_dma2 semaphore(%run_scoped3A_241 : memref<!tpu.dma_semaphore, #tpu.memory_space<semaphore_mem>>) src(%dma_wait3A_259 : memref<1000xf32, #tpu.memory_space<hbm>>) dst(%dma_wait3A_256 : memref<1000xf32, #tpu.memory_space<vmem>>)
      tpu.yield
    }) : () -> ()
    %run_scoped3A_60 = arith.constant 9 : i32
    %run_scoped3A_61 = arith.constant 0 : i32
    "tpu.region"() ({
      %run_scoped3A_241 = tpu.sem_alloc : memref<!tpu.dma_semaphore, #tpu.memory_space<semaphore_mem>>
      %dma_start3A = arith.constant 9000 : i32
      %dma_start3A_242 = tpu.memref_slice %arg8[%dma_start3A] : memref<10000xf32, #tpu.memory_space<vmem>> -> memref<1000xf32, #tpu.memory_space<vmem>>
      %dma_start3A_243 = arith.constant 0 : i32
      %dma_start3A_244 = tpu.memref_slice %arg5[%run_scoped3A_60, %run_scoped3A_61, %dma_start3A_243] : memref<10x1x1000xf32, #tpu.memory_space<hbm>> -> memref<1x1x1000xf32, #tpu.memory_space<hbm>>
      %dma_start3A_245 = tpu.memref_squeeze %dma_start3A_244 : memref<1x1x1000xf32, #tpu.memory_space<hbm>> -> memref<1000xf32, #tpu.memory_space<hbm>>
      %dma_start3A_246 = arith.constant 9000 : i32
      %dma_start3A_247 = tpu.memref_slice %arg8[%dma_start3A_246] : memref<10000xf32, #tpu.memory_space<vmem>> -> memref<1000xf32, #tpu.memory_space<vmem>>
      %dma_start3A_248 = arith.constant 0 : i32
      %dma_start3A_249 = tpu.memref_slice %arg5[%run_scoped3A_60, %run_scoped3A_61, %dma_start3A_248] : memref<10x1x1000xf32, #tpu.memory_space<hbm>> -> memref<1x1x1000xf32, #tpu.memory_space<hbm>>
      %dma_start3A_250 = tpu.memref_squeeze %dma_start3A_249 : memref<1x1x1000xf32, #tpu.memory_space<hbm>> -> memref<1000xf32, #tpu.memory_space<hbm>>
      tpu.enqueue_dma source(%dma_start3A_250 : memref<1000xf32, #tpu.memory_space<hbm>>) target(%dma_start3A_247 : memref<1000xf32, #tpu.memory_space<vmem>>) target_semaphore(%run_scoped3A_241 : memref<!tpu.dma_semaphore, #tpu.memory_space<semaphore_mem>>)
      %dma_wait3A = arith.constant 9000 : i32
      %dma_wait3A_251 = tpu.memref_slice %arg8[%dma_wait3A] : memref<10000xf32, #tpu.memory_space<vmem>> -> memref<1000xf32, #tpu.memory_space<vmem>>
      %dma_wait3A_252 = arith.constant 0 : i32
      %dma_wait3A_253 = tpu.memref_slice %arg5[%run_scoped3A_60, %run_scoped3A_61, %dma_wait3A_252] : memref<10x1x1000xf32, #tpu.memory_space<hbm>> -> memref<1x1x1000xf32, #tpu.memory_space<hbm>>
      %dma_wait3A_254 = tpu.memref_squeeze %dma_wait3A_253 : memref<1x1x1000xf32, #tpu.memory_space<hbm>> -> memref<1000xf32, #tpu.memory_space<hbm>>
      %dma_wait3A_255 = arith.constant 9000 : i32
      %dma_wait3A_256 = tpu.memref_slice %arg8[%dma_wait3A_255] : memref<10000xf32, #tpu.memory_space<vmem>> -> memref<1000xf32, #tpu.memory_space<vmem>>
      %dma_wait3A_257 = arith.constant 0 : i32
      %dma_wait3A_258 = tpu.memref_slice %arg5[%run_scoped3A_60, %run_scoped3A_61, %dma_wait3A_257] : memref<10x1x1000xf32, #tpu.memory_space<hbm>> -> memref<1x1x1000xf32, #tpu.memory_space<hbm>>
      %dma_wait3A_259 = tpu.memref_squeeze %dma_wait3A_258 : memref<1x1x1000xf32, #tpu.memory_space<hbm>> -> memref<1000xf32, #tpu.memory_space<hbm>>
      tpu.wait_dma2 semaphore(%run_scoped3A_241 : memref<!tpu.dma_semaphore, #tpu.memory_space<semaphore_mem>>) src(%dma_wait3A_259 : memref<1000xf32, #tpu.memory_space<hbm>>) dst(%dma_wait3A_256 : memref<1000xf32, #tpu.memory_space<vmem>>)
      tpu.yield
    }) : () -> ()
    %run_scoped3A_62 = arith.constant 9 : i32
    %run_scoped3A_63 = arith.constant 0 : i32
    "tpu.region"() ({
      %run_scoped3A_241 = tpu.sem_alloc : memref<!tpu.dma_semaphore, #tpu.memory_space<semaphore_mem>>
      %dma_start3A = arith.constant 9000 : i32
      %dma_start3A_242 = tpu.memref_slice %arg9[%dma_start3A] : memref<10000xf32, #tpu.memory_space<vmem>> -> memref<1000xf32, #tpu.memory_space<vmem>>
      %dma_start3A_243 = arith.constant 0 : i32
      %dma_start3A_244 = tpu.memref_slice %arg6[%run_scoped3A_62, %run_scoped3A_63, %dma_start3A_243] : memref<10x1x1000xf32, #tpu.memory_space<hbm>> -> memref<1x1x1000xf32, #tpu.memory_space<hbm>>
      %dma_start3A_245 = tpu.memref_squeeze %dma_start3A_244 : memref<1x1x1000xf32, #tpu.memory_space<hbm>> -> memref<1000xf32, #tpu.memory_space<hbm>>
      %dma_start3A_246 = arith.constant 9000 : i32
      %dma_start3A_247 = tpu.memref_slice %arg9[%dma_start3A_246] : memref<10000xf32, #tpu.memory_space<vmem>> -> memref<1000xf32, #tpu.memory_space<vmem>>
      %dma_start3A_248 = arith.constant 0 : i32
      %dma_start3A_249 = tpu.memref_slice %arg6[%run_scoped3A_62, %run_scoped3A_63, %dma_start3A_248] : memref<10x1x1000xf32, #tpu.memory_space<hbm>> -> memref<1x1x1000xf32, #tpu.memory_space<hbm>>
      %dma_start3A_250 = tpu.memref_squeeze %dma_start3A_249 : memref<1x1x1000xf32, #tpu.memory_space<hbm>> -> memref<1000xf32, #tpu.memory_space<hbm>>
      tpu.enqueue_dma source(%dma_start3A_250 : memref<1000xf32, #tpu.memory_space<hbm>>) target(%dma_start3A_247 : memref<1000xf32, #tpu.memory_space<vmem>>) target_semaphore(%run_scoped3A_241 : memref<!tpu.dma_semaphore, #tpu.memory_space<semaphore_mem>>)
      %dma_wait3A = arith.constant 9000 : i32
      %dma_wait3A_251 = tpu.memref_slice %arg9[%dma_wait3A] : memref<10000xf32, #tpu.memory_space<vmem>> -> memref<1000xf32, #tpu.memory_space<vmem>>
      %dma_wait3A_252 = arith.constant 0 : i32
      %dma_wait3A_253 = tpu.memref_slice %arg6[%run_scoped3A_62, %run_scoped3A_63, %dma_wait3A_252] : memref<10x1x1000xf32, #tpu.memory_space<hbm>> -> memref<1x1x1000xf32, #tpu.memory_space<hbm>>
      %dma_wait3A_254 = tpu.memref_squeeze %dma_wait3A_253 : memref<1x1x1000xf32, #tpu.memory_space<hbm>> -> memref<1000xf32, #tpu.memory_space<hbm>>
      %dma_wait3A_255 = arith.constant 9000 : i32
      %dma_wait3A_256 = tpu.memref_slice %arg9[%dma_wait3A_255] : memref<10000xf32, #tpu.memory_space<vmem>> -> memref<1000xf32, #tpu.memory_space<vmem>>
      %dma_wait3A_257 = arith.constant 0 : i32
      %dma_wait3A_258 = tpu.memref_slice %arg6[%run_scoped3A_62, %run_scoped3A_63, %dma_wait3A_257] : memref<10x1x1000xf32, #tpu.memory_space<hbm>> -> memref<1x1x1000xf32, #tpu.memory_space<hbm>>
      %dma_wait3A_259 = tpu.memref_squeeze %dma_wait3A_258 : memref<1x1x1000xf32, #tpu.memory_space<hbm>> -> memref<1000xf32, #tpu.memory_space<hbm>>
      tpu.wait_dma2 semaphore(%run_scoped3A_241 : memref<!tpu.dma_semaphore, #tpu.memory_space<semaphore_mem>>) src(%dma_wait3A_259 : memref<1000xf32, #tpu.memory_space<hbm>>) dst(%dma_wait3A_256 : memref<1000xf32, #tpu.memory_space<vmem>>)
      tpu.yield
    }) : () -> ()
    %broadcast_in_dim3A_64 = arith.constant 0xFF800000 : f32
    %broadcast_in_dim3A_65 = vector.broadcast %broadcast_in_dim3A_64 : f32 to vector<16xf32>
    %scan3A_66 = arith.constant 0 : i32
    %scan3A_67 = arith.constant 625 : i32
    %scan3A_68 = arith.addi %scan3A_66, %scan3A_67 : i32
    %scan3A_69 = arith.constant 1 : i32
    %scan3A_70:2 = scf.for %scan3A_241 = %scan3A_66 to %scan3A_68 step %scan3A_69 iter_args(%scan3A_242 = %broadcast_in_dim3A_65, %scan3A_243 = %broadcast_in_dim3A_65) -> (vector<16xf32>, vector<16xf32>)  : i32 {
      %mul3A_244 = arith.constant 16 : i32
      %mul3A_245 = arith.muli %scan3A_241, %mul3A_244 : i32
      %get3A = arith.index_cast %mul3A_245 : i32 to index
      %get3A_246 = tpu.vector_load %arg8[%get3A] {strides = array<i32>} : memref<10000xf32, #tpu.memory_space<vmem>>, vector<16xf32>,
      %max3A_247 = arith.maximumf %scan3A_242, %get3A_246 : vector<16xf32>
      %mul3A_248 = arith.constant 16 : i32
      %mul3A_249 = arith.muli %scan3A_241, %mul3A_248 : i32
      %get3A_250 = arith.index_cast %mul3A_249 : i32 to index
      %get3A_251 = tpu.vector_load %arg9[%get3A_250] {strides = array<i32>} : memref<10000xf32, #tpu.memory_space<vmem>>, vector<16xf32>,
      %max3A_252 = arith.maximumf %scan3A_243, %get3A_251 : vector<16xf32>
      scf.yield %max3A_247, %max3A_252 : vector<16xf32>, vector<16xf32>
    }
    %scan3A_71 = arith.constant 625 : i32
    %swap3A = arith.constant 0 : index
    %swap3A_72 = tpu.vector_load %arg13[%swap3A] {strides = array<i32>} : memref<128xf32, #tpu.memory_space<vmem>>, vector<16xf32>,
    tpu.vector_store %arg13[%swap3A], %scan3A_70#0 {strides = array<i32>} : memref<128xf32, #tpu.memory_space<vmem>>, vector<16xf32>,
    %swap3A_73 = arith.constant 16 : index
    %swap3A_74 = tpu.vector_load %arg13[%swap3A_73] {strides = array<i32>} : memref<128xf32, #tpu.memory_space<vmem>>, vector<16xf32>,
    tpu.vector_store %arg13[%swap3A_73], %scan3A_70#1 {strides = array<i32>} : memref<128xf32, #tpu.memory_space<vmem>>, vector<16xf32>,
    %broadcast_in_dim3A_75 = arith.constant 0 : i32
    %broadcast_in_dim3A_76 = vector.broadcast %broadcast_in_dim3A_75 : i32 to vector<16xi32>
    %gather3A = tpu.vector_load_idx %arg13[%broadcast_in_dim3A_76] : memref<128xf32, #tpu.memory_space<vmem>>[vector<16xi32>], vector<16xf32>,
    %max3A = arith.maximumf %broadcast_in_dim3A_65, %gather3A : vector<16xf32>
    %add3A_77 = arith.constant 16 : i32
    %add3A_78 = vector.broadcast %add3A_77 : i32 to vector<16xi32>
    %add3A_79 = arith.addi %broadcast_in_dim3A_76, %add3A_78 : vector<16xi32>
    %gather3A_80 = tpu.vector_load_idx %arg13[%add3A_79] : memref<128xf32, #tpu.memory_space<vmem>>[vector<16xi32>], vector<16xf32>,
    %max3A_81 = arith.maximumf %broadcast_in_dim3A_65, %gather3A_80 : vector<16xf32>
    %broadcast_in_dim3A_82 = arith.constant 1 : i32
    %broadcast_in_dim3A_83 = vector.broadcast %broadcast_in_dim3A_82 : i32 to vector<16xi32>
    %gather3A_84 = tpu.vector_load_idx %arg13[%broadcast_in_dim3A_83] : memref<128xf32, #tpu.memory_space<vmem>>[vector<16xi32>], vector<16xf32>,
    %max3A_85 = arith.maximumf %max3A, %gather3A_84 : vector<16xf32>
    %add3A_86 = arith.constant 16 : i32
    %add3A_87 = vector.broadcast %add3A_86 : i32 to vector<16xi32>
    %add3A_88 = arith.addi %broadcast_in_dim3A_83, %add3A_87 : vector<16xi32>
    %gather3A_89 = tpu.vector_load_idx %arg13[%add3A_88] : memref<128xf32, #tpu.memory_space<vmem>>[vector<16xi32>], vector<16xf32>,
    %max3A_90 = arith.maximumf %max3A_81, %gather3A_89 : vector<16xf32>
    %broadcast_in_dim3A_91 = arith.constant 2 : i32
    %broadcast_in_dim3A_92 = vector.broadcast %broadcast_in_dim3A_91 : i32 to vector<16xi32>
    %gather3A_93 = tpu.vector_load_idx %arg13[%broadcast_in_dim3A_92] : memref<128xf32, #tpu.memory_space<vmem>>[vector<16xi32>], vector<16xf32>,
    %max3A_94 = arith.maximumf %max3A_85, %gather3A_93 : vector<16xf32>
    %add3A_95 = arith.constant 16 : i32
    %add3A_96 = vector.broadcast %add3A_95 : i32 to vector<16xi32>
    %add3A_97 = arith.addi %broadcast_in_dim3A_92, %add3A_96 : vector<16xi32>
    %gather3A_98 = tpu.vector_load_idx %arg13[%add3A_97] : memref<128xf32, #tpu.memory_space<vmem>>[vector<16xi32>], vector<16xf32>,
    %max3A_99 = arith.maximumf %max3A_90, %gather3A_98 : vector<16xf32>
    %broadcast_in_dim3A_100 = arith.constant 3 : i32
    %broadcast_in_dim3A_101 = vector.broadcast %broadcast_in_dim3A_100 : i32 to vector<16xi32>
    %gather3A_102 = tpu.vector_load_idx %arg13[%broadcast_in_dim3A_101] : memref<128xf32, #tpu.memory_space<vmem>>[vector<16xi32>], vector<16xf32>,
    %max3A_103 = arith.maximumf %max3A_94, %gather3A_102 : vector<16xf32>
    %add3A_104 = arith.constant 16 : i32
    %add3A_105 = vector.broadcast %add3A_104 : i32 to vector<16xi32>
    %add3A_106 = arith.addi %broadcast_in_dim3A_101, %add3A_105 : vector<16xi32>
    %gather3A_107 = tpu.vector_load_idx %arg13[%add3A_106] : memref<128xf32, #tpu.memory_space<vmem>>[vector<16xi32>], vector<16xf32>,
    %max3A_108 = arith.maximumf %max3A_99, %gather3A_107 : vector<16xf32>
    %broadcast_in_dim3A_109 = arith.constant 4 : i32
    %broadcast_in_dim3A_110 = vector.broadcast %broadcast_in_dim3A_109 : i32 to vector<16xi32>
    %gather3A_111 = tpu.vector_load_idx %arg13[%broadcast_in_dim3A_110] : memref<128xf32, #tpu.memory_space<vmem>>[vector<16xi32>], vector<16xf32>,
    %max3A_112 = arith.maximumf %max3A_103, %gather3A_111 : vector<16xf32>
    %add3A_113 = arith.constant 16 : i32
    %add3A_114 = vector.broadcast %add3A_113 : i32 to vector<16xi32>
    %add3A_115 = arith.addi %broadcast_in_dim3A_110, %add3A_114 : vector<16xi32>
    %gather3A_116 = tpu.vector_load_idx %arg13[%add3A_115] : memref<128xf32, #tpu.memory_space<vmem>>[vector<16xi32>], vector<16xf32>,
    %max3A_117 = arith.maximumf %max3A_108, %gather3A_116 : vector<16xf32>
    %broadcast_in_dim3A_118 = arith.constant 5 : i32
    %broadcast_in_dim3A_119 = vector.broadcast %broadcast_in_dim3A_118 : i32 to vector<16xi32>
    %gather3A_120 = tpu.vector_load_idx %arg13[%broadcast_in_dim3A_119] : memref<128xf32, #tpu.memory_space<vmem>>[vector<16xi32>], vector<16xf32>,
    %max3A_121 = arith.maximumf %max3A_112, %gather3A_120 : vector<16xf32>
    %add3A_122 = arith.constant 16 : i32
    %add3A_123 = vector.broadcast %add3A_122 : i32 to vector<16xi32>
    %add3A_124 = arith.addi %broadcast_in_dim3A_119, %add3A_123 : vector<16xi32>
    %gather3A_125 = tpu.vector_load_idx %arg13[%add3A_124] : memref<128xf32, #tpu.memory_space<vmem>>[vector<16xi32>], vector<16xf32>,
    %max3A_126 = arith.maximumf %max3A_117, %gather3A_125 : vector<16xf32>
    %broadcast_in_dim3A_127 = arith.constant 6 : i32
    %broadcast_in_dim3A_128 = vector.broadcast %broadcast_in_dim3A_127 : i32 to vector<16xi32>
    %gather3A_129 = tpu.vector_load_idx %arg13[%broadcast_in_dim3A_128] : memref<128xf32, #tpu.memory_space<vmem>>[vector<16xi32>], vector<16xf32>,
    %max3A_130 = arith.maximumf %max3A_121, %gather3A_129 : vector<16xf32>
    %add3A_131 = arith.constant 16 : i32
    %add3A_132 = vector.broadcast %add3A_131 : i32 to vector<16xi32>
    %add3A_133 = arith.addi %broadcast_in_dim3A_128, %add3A_132 : vector<16xi32>
    %gather3A_134 = tpu.vector_load_idx %arg13[%add3A_133] : memref<128xf32, #tpu.memory_space<vmem>>[vector<16xi32>], vector<16xf32>,
    %max3A_135 = arith.maximumf %max3A_126, %gather3A_134 : vector<16xf32>
    %broadcast_in_dim3A_136 = arith.constant 7 : i32
    %broadcast_in_dim3A_137 = vector.broadcast %broadcast_in_dim3A_136 : i32 to vector<16xi32>
    %gather3A_138 = tpu.vector_load_idx %arg13[%broadcast_in_dim3A_137] : memref<128xf32, #tpu.memory_space<vmem>>[vector<16xi32>], vector<16xf32>,
    %max3A_139 = arith.maximumf %max3A_130, %gather3A_138 : vector<16xf32>
    %add3A_140 = arith.constant 16 : i32
    %add3A_141 = vector.broadcast %add3A_140 : i32 to vector<16xi32>
    %add3A_142 = arith.addi %broadcast_in_dim3A_137, %add3A_141 : vector<16xi32>
    %gather3A_143 = tpu.vector_load_idx %arg13[%add3A_142] : memref<128xf32, #tpu.memory_space<vmem>>[vector<16xi32>], vector<16xf32>,
    %max3A_144 = arith.maximumf %max3A_135, %gather3A_143 : vector<16xf32>
    %broadcast_in_dim3A_145 = arith.constant 8 : i32
    %broadcast_in_dim3A_146 = vector.broadcast %broadcast_in_dim3A_145 : i32 to vector<16xi32>
    %gather3A_147 = tpu.vector_load_idx %arg13[%broadcast_in_dim3A_146] : memref<128xf32, #tpu.memory_space<vmem>>[vector<16xi32>], vector<16xf32>,
    %max3A_148 = arith.maximumf %max3A_139, %gather3A_147 : vector<16xf32>
    %add3A_149 = arith.constant 16 : i32
    %add3A_150 = vector.broadcast %add3A_149 : i32 to vector<16xi32>
    %add3A_151 = arith.addi %broadcast_in_dim3A_146, %add3A_150 : vector<16xi32>
    %gather3A_152 = tpu.vector_load_idx %arg13[%add3A_151] : memref<128xf32, #tpu.memory_space<vmem>>[vector<16xi32>], vector<16xf32>,
    %max3A_153 = arith.maximumf %max3A_144, %gather3A_152 : vector<16xf32>
    %broadcast_in_dim3A_154 = arith.constant 9 : i32
    %broadcast_in_dim3A_155 = vector.broadcast %broadcast_in_dim3A_154 : i32 to vector<16xi32>
    %gather3A_156 = tpu.vector_load_idx %arg13[%broadcast_in_dim3A_155] : memref<128xf32, #tpu.memory_space<vmem>>[vector<16xi32>], vector<16xf32>,
    %max3A_157 = arith.maximumf %max3A_148, %gather3A_156 : vector<16xf32>
    %add3A_158 = arith.constant 16 : i32
    %add3A_159 = vector.broadcast %add3A_158 : i32 to vector<16xi32>
    %add3A_160 = arith.addi %broadcast_in_dim3A_155, %add3A_159 : vector<16xi32>
    %gather3A_161 = tpu.vector_load_idx %arg13[%add3A_160] : memref<128xf32, #tpu.memory_space<vmem>>[vector<16xi32>], vector<16xf32>,
    %max3A_162 = arith.maximumf %max3A_153, %gather3A_161 : vector<16xf32>
    %broadcast_in_dim3A_163 = arith.constant 10 : i32
    %broadcast_in_dim3A_164 = vector.broadcast %broadcast_in_dim3A_163 : i32 to vector<16xi32>
    %gather3A_165 = tpu.vector_load_idx %arg13[%broadcast_in_dim3A_164] : memref<128xf32, #tpu.memory_space<vmem>>[vector<16xi32>], vector<16xf32>,
    %max3A_166 = arith.maximumf %max3A_157, %gather3A_165 : vector<16xf32>
    %add3A_167 = arith.constant 16 : i32
    %add3A_168 = vector.broadcast %add3A_167 : i32 to vector<16xi32>
    %add3A_169 = arith.addi %broadcast_in_dim3A_164, %add3A_168 : vector<16xi32>
    %gather3A_170 = tpu.vector_load_idx %arg13[%add3A_169] : memref<128xf32, #tpu.memory_space<vmem>>[vector<16xi32>], vector<16xf32>,
    %max3A_171 = arith.maximumf %max3A_162, %gather3A_170 : vector<16xf32>
    %broadcast_in_dim3A_172 = arith.constant 11 : i32
    %broadcast_in_dim3A_173 = vector.broadcast %broadcast_in_dim3A_172 : i32 to vector<16xi32>
    %gather3A_174 = tpu.vector_load_idx %arg13[%broadcast_in_dim3A_173] : memref<128xf32, #tpu.memory_space<vmem>>[vector<16xi32>], vector<16xf32>,
    %max3A_175 = arith.maximumf %max3A_166, %gather3A_174 : vector<16xf32>
    %add3A_176 = arith.constant 16 : i32
    %add3A_177 = vector.broadcast %add3A_176 : i32 to vector<16xi32>
    %add3A_178 = arith.addi %broadcast_in_dim3A_173, %add3A_177 : vector<16xi32>
    %gather3A_179 = tpu.vector_load_idx %arg13[%add3A_178] : memref<128xf32, #tpu.memory_space<vmem>>[vector<16xi32>], vector<16xf32>,
    %max3A_180 = arith.maximumf %max3A_171, %gather3A_179 : vector<16xf32>
    %broadcast_in_dim3A_181 = arith.constant 12 : i32
    %broadcast_in_dim3A_182 = vector.broadcast %broadcast_in_dim3A_181 : i32 to vector<16xi32>
    %gather3A_183 = tpu.vector_load_idx %arg13[%broadcast_in_dim3A_182] : memref<128xf32, #tpu.memory_space<vmem>>[vector<16xi32>], vector<16xf32>,
    %max3A_184 = arith.maximumf %max3A_175, %gather3A_183 : vector<16xf32>
    %add3A_185 = arith.constant 16 : i32
    %add3A_186 = vector.broadcast %add3A_185 : i32 to vector<16xi32>
    %add3A_187 = arith.addi %broadcast_in_dim3A_182, %add3A_186 : vector<16xi32>
    %gather3A_188 = tpu.vector_load_idx %arg13[%add3A_187] : memref<128xf32, #tpu.memory_space<vmem>>[vector<16xi32>], vector<16xf32>,
    %max3A_189 = arith.maximumf %max3A_180, %gather3A_188 : vector<16xf32>
    %broadcast_in_dim3A_190 = arith.constant 13 : i32
    %broadcast_in_dim3A_191 = vector.broadcast %broadcast_in_dim3A_190 : i32 to vector<16xi32>
    %gather3A_192 = tpu.vector_load_idx %arg13[%broadcast_in_dim3A_191] : memref<128xf32, #tpu.memory_space<vmem>>[vector<16xi32>], vector<16xf32>,
    %max3A_193 = arith.maximumf %max3A_184, %gather3A_192 : vector<16xf32>
    %add3A_194 = arith.constant 16 : i32
    %add3A_195 = vector.broadcast %add3A_194 : i32 to vector<16xi32>
    %add3A_196 = arith.addi %broadcast_in_dim3A_191, %add3A_195 : vector<16xi32>
    %gather3A_197 = tpu.vector_load_idx %arg13[%add3A_196] : memref<128xf32, #tpu.memory_space<vmem>>[vector<16xi32>], vector<16xf32>,
    %max3A_198 = arith.maximumf %max3A_189, %gather3A_197 : vector<16xf32>
    %broadcast_in_dim3A_199 = arith.constant 14 : i32
    %broadcast_in_dim3A_200 = vector.broadcast %broadcast_in_dim3A_199 : i32 to vector<16xi32>
    %gather3A_201 = tpu.vector_load_idx %arg13[%broadcast_in_dim3A_200] : memref<128xf32, #tpu.memory_space<vmem>>[vector<16xi32>], vector<16xf32>,
    %max3A_202 = arith.maximumf %max3A_193, %gather3A_201 : vector<16xf32>
    %add3A_203 = arith.constant 16 : i32
    %add3A_204 = vector.broadcast %add3A_203 : i32 to vector<16xi32>
    %add3A_205 = arith.addi %broadcast_in_dim3A_200, %add3A_204 : vector<16xi32>
    %gather3A_206 = tpu.vector_load_idx %arg13[%add3A_205] : memref<128xf32, #tpu.memory_space<vmem>>[vector<16xi32>], vector<16xf32>,
    %max3A_207 = arith.maximumf %max3A_198, %gather3A_206 : vector<16xf32>
    %broadcast_in_dim3A_208 = arith.constant 15 : i32
    %broadcast_in_dim3A_209 = vector.broadcast %broadcast_in_dim3A_208 : i32 to vector<16xi32>
    %gather3A_210 = tpu.vector_load_idx %arg13[%broadcast_in_dim3A_209] : memref<128xf32, #tpu.memory_space<vmem>>[vector<16xi32>], vector<16xf32>,
    %max3A_211 = arith.maximumf %max3A_202, %gather3A_210 : vector<16xf32>
    %add3A_212 = arith.constant 16 : i32
    %add3A_213 = vector.broadcast %add3A_212 : i32 to vector<16xi32>
    %add3A_214 = arith.addi %broadcast_in_dim3A_209, %add3A_213 : vector<16xi32>
    %gather3A_215 = tpu.vector_load_idx %arg13[%add3A_214] : memref<128xf32, #tpu.memory_space<vmem>>[vector<16xi32>], vector<16xf32>,
    %max3A_216 = arith.maximumf %max3A_207, %gather3A_215 : vector<16xf32>
    %add3A_217 = arith.addf %max3A_211, %max3A_216 : vector<16xf32>
    %ge3A = arith.constant 0.000000e+00 : f32
    %ge3A_218 = vector.broadcast %ge3A : f32 to vector<16xf32>
    %ge3A_219 = arith.cmpf oge, %add3A_217, %ge3A_218 : vector<16xf32>
    %mul3A_220 = arith.constant 2.000000e-01 : f32
    %mul3A_221 = vector.broadcast %mul3A_220 : f32 to vector<16xf32>
    %mul3A_222 = arith.mulf %mul3A_221, %add3A_217 : vector<16xf32>
    %select_n3A = arith.select %ge3A_219, %add3A_217, %mul3A_222 : vector<16xi1>, vector<16xf32>
    %barrier3A = arith.constant 0 : index
    tpu.barrier barrier_id(%barrier3A)
    %iota3A = tpu.iota {dimensions = array<i32: 0>} : vector<16xi32>
    %scan3A_223 = arith.constant 0 : i32
    %scan3A_224 = arith.constant 0 : i32
    %scan3A_225 = arith.constant 81 : i32
    %scan3A_226 = arith.addi %scan3A_224, %scan3A_225 : i32
    %scan3A_227 = arith.constant 1 : i32
    %scan3A_228 = scf.for %scan3A_241 = %scan3A_224 to %scan3A_226 step %scan3A_227 iter_args(%scan3A_242 = %scan3A_223) -> (i32)  : i32 {
      %mul3A_243 = arith.constant 81 : i32
      %mul3A_244 = arith.muli %add3A, %mul3A_243 : i32
      %add3A_245 = arith.addi %mul3A_244, %scan3A_241 : i32
      "tpu.region"() ({
        %run_scoped3A_567 = tpu.sem_alloc : memref<!tpu.dma_semaphore, #tpu.memory_space<semaphore_mem>>
        %dma_start3A_568 = arith.constant 0 : i32
        %dma_start3A_569 = arith.constant 0 : i32
        %dma_start3A_570 = tpu.memref_slice %arg3[%add3A_245, %dma_start3A_568, %dma_start3A_569] : memref<2592x1x128xi32, #tpu.memory_space<hbm>> -> memref<1x1x128xi32, #tpu.memory_space<hbm>>
        %dma_start3A_571 = tpu.memref_squeeze %dma_start3A_570 : memref<1x1x128xi32, #tpu.memory_space<hbm>> -> memref<1x128xi32, #tpu.memory_space<hbm>>
        %dma_start3A_572 = arith.constant 0 : i32
        %dma_start3A_573 = arith.constant 0 : i32
        %dma_start3A_574 = tpu.memref_slice %arg3[%add3A_245, %dma_start3A_572, %dma_start3A_573] : memref<2592x1x128xi32, #tpu.memory_space<hbm>> -> memref<1x1x128xi32, #tpu.memory_space<hbm>>
        %dma_start3A_575 = tpu.memref_squeeze %dma_start3A_574 : memref<1x1x128xi32, #tpu.memory_space<hbm>> -> memref<1x128xi32, #tpu.memory_space<hbm>>
        tpu.enqueue_dma source(%dma_start3A_575 : memref<1x128xi32, #tpu.memory_space<hbm>>) target(%arg10 : memref<1x128xi32, #tpu.memory_space<vmem>>) target_semaphore(%run_scoped3A_567 : memref<!tpu.dma_semaphore, #tpu.memory_space<semaphore_mem>>)
        %dma_wait3A_576 = arith.constant 0 : i32
        %dma_wait3A_577 = arith.constant 0 : i32
        %dma_wait3A_578 = tpu.memref_slice %arg3[%add3A_245, %dma_wait3A_576, %dma_wait3A_577] : memref<2592x1x128xi32, #tpu.memory_space<hbm>> -> memref<1x1x128xi32, #tpu.memory_space<hbm>>
        %dma_wait3A_579 = tpu.memref_squeeze %dma_wait3A_578 : memref<1x1x128xi32, #tpu.memory_space<hbm>> -> memref<1x128xi32, #tpu.memory_space<hbm>>
        %dma_wait3A_580 = arith.constant 0 : i32
        %dma_wait3A_581 = arith.constant 0 : i32
        %dma_wait3A_582 = tpu.memref_slice %arg3[%add3A_245, %dma_wait3A_580, %dma_wait3A_581] : memref<2592x1x128xi32, #tpu.memory_space<hbm>> -> memref<1x1x128xi32, #tpu.memory_space<hbm>>
        %dma_wait3A_583 = tpu.memref_squeeze %dma_wait3A_582 : memref<1x1x128xi32, #tpu.memory_space<hbm>> -> memref<1x128xi32, #tpu.memory_space<hbm>>
        tpu.wait_dma2 semaphore(%run_scoped3A_567 : memref<!tpu.dma_semaphore, #tpu.memory_space<semaphore_mem>>) src(%dma_wait3A_583 : memref<1x128xi32, #tpu.memory_space<hbm>>) dst(%arg10 : memref<1x128xi32, #tpu.memory_space<vmem>>)
        tpu.yield
      }) : () -> ()
      "tpu.region"() ({
        %run_scoped3A_567 = tpu.sem_alloc : memref<!tpu.dma_semaphore, #tpu.memory_space<semaphore_mem>>
        %dma_start3A_568 = arith.constant 0 : i32
        %dma_start3A_569 = arith.constant 0 : i32
        %dma_start3A_570 = tpu.memref_slice %arg4[%add3A_245, %dma_start3A_568, %dma_start3A_569] : memref<2592x1x128xi32, #tpu.memory_space<hbm>> -> memref<1x1x128xi32, #tpu.memory_space<hbm>>
        %dma_start3A_571 = tpu.memref_squeeze %dma_start3A_570 : memref<1x1x128xi32, #tpu.memory_space<hbm>> -> memref<1x128xi32, #tpu.memory_space<hbm>>
        %dma_start3A_572 = arith.constant 0 : i32
        %dma_start3A_573 = arith.constant 0 : i32
        %dma_start3A_574 = tpu.memref_slice %arg4[%add3A_245, %dma_start3A_572, %dma_start3A_573] : memref<2592x1x128xi32, #tpu.memory_space<hbm>> -> memref<1x1x128xi32, #tpu.memory_space<hbm>>
        %dma_start3A_575 = tpu.memref_squeeze %dma_start3A_574 : memref<1x1x128xi32, #tpu.memory_space<hbm>> -> memref<1x128xi32, #tpu.memory_space<hbm>>
        tpu.enqueue_dma source(%dma_start3A_575 : memref<1x128xi32, #tpu.memory_space<hbm>>) target(%arg11 : memref<1x128xi32, #tpu.memory_space<vmem>>) target_semaphore(%run_scoped3A_567 : memref<!tpu.dma_semaphore, #tpu.memory_space<semaphore_mem>>)
        %dma_wait3A_576 = arith.constant 0 : i32
        %dma_wait3A_577 = arith.constant 0 : i32
        %dma_wait3A_578 = tpu.memref_slice %arg4[%add3A_245, %dma_wait3A_576, %dma_wait3A_577] : memref<2592x1x128xi32, #tpu.memory_space<hbm>> -> memref<1x1x128xi32, #tpu.memory_space<hbm>>
        %dma_wait3A_579 = tpu.memref_squeeze %dma_wait3A_578 : memref<1x1x128xi32, #tpu.memory_space<hbm>> -> memref<1x128xi32, #tpu.memory_space<hbm>>
        %dma_wait3A_580 = arith.constant 0 : i32
        %dma_wait3A_581 = arith.constant 0 : i32
        %dma_wait3A_582 = tpu.memref_slice %arg4[%add3A_245, %dma_wait3A_580, %dma_wait3A_581] : memref<2592x1x128xi32, #tpu.memory_space<hbm>> -> memref<1x1x128xi32, #tpu.memory_space<hbm>>
        %dma_wait3A_583 = tpu.memref_squeeze %dma_wait3A_582 : memref<1x1x128xi32, #tpu.memory_space<hbm>> -> memref<1x128xi32, #tpu.memory_space<hbm>>
        tpu.wait_dma2 semaphore(%run_scoped3A_567 : memref<!tpu.dma_semaphore, #tpu.memory_space<semaphore_mem>>) src(%dma_wait3A_583 : memref<1x128xi32, #tpu.memory_space<hbm>>) dst(%arg11 : memref<1x128xi32, #tpu.memory_space<vmem>>)
        tpu.yield
      }) : () -> ()
      %dma_start3A = arith.constant 0 : i32
      %dma_start3A_246 = arith.constant 0 : i32
      %dma_start3A_247 = arith.constant 0 : i32
      %dma_start3A_248 = arith.constant 0 : i32
      %dma_start3A_249 = tpu.memref_slice %arg12[%dma_start3A_246, %dma_start3A_247, %dma_start3A_248] : memref<1x128x128xf32, #tpu.memory_space<vmem>> -> memref<1x128x128xf32, #tpu.memory_space<vmem>>
      %dma_start3A_250 = tpu.memref_squeeze %dma_start3A_249 : memref<1x128x128xf32, #tpu.memory_space<vmem>> -> memref<128x128xf32, #tpu.memory_space<vmem>>
      %dma_start3A_251 = arith.constant 0 : i32
      %dma_start3A_252 = tpu.memref_slice %arg10[%dma_start3A, %dma_start3A_251] : memref<1x128xi32, #tpu.memory_space<vmem>> -> memref<1x128xi32, #tpu.memory_space<vmem>>
      %dma_start3A_253 = tpu.memref_squeeze %dma_start3A_252 : memref<1x128xi32, #tpu.memory_space<vmem>> -> memref<128xi32, #tpu.memory_space<vmem>>
      %dma_start3A_254 = arith.constant 0 : i32
      %dma_start3A_255 = arith.constant 0 : i32
      %dma_start3A_256 = tpu.memref_slice %arg2[%dma_start3A_254, %dma_start3A_255] : memref<10000x128xf32, #tpu.memory_space<hbm>> -> memref<10000x128xf32, #tpu.memory_space<hbm>>
      tpu.enqueue_indirect_dma source(%dma_start3A_256 : memref<10000x128xf32, #tpu.memory_space<hbm>>) target(%dma_start3A_250 : memref<128x128xf32, #tpu.memory_space<vmem>>) offsets(%dma_start3A_253 : memref<128xi32, #tpu.memory_space<vmem>>) semaphore(%arg15 : memref<!tpu.dma_semaphore, #tpu.memory_space<semaphore_mem>>)
      %dma_wait3A = arith.constant 0 : i32
      %dma_wait3A_257 = arith.constant 0 : i32
      %dma_wait3A_258 = arith.constant 0 : i32
      %dma_wait3A_259 = arith.constant 0 : i32
      %dma_wait3A_260 = tpu.memref_slice %arg12[%dma_wait3A_257, %dma_wait3A_258, %dma_wait3A_259] : memref<1x128x128xf32, #tpu.memory_space<vmem>> -> memref<1x128x128xf32, #tpu.memory_space<vmem>>
      %dma_wait3A_261 = tpu.memref_squeeze %dma_wait3A_260 : memref<1x128x128xf32, #tpu.memory_space<vmem>> -> memref<128x128xf32, #tpu.memory_space<vmem>>
      %dma_wait3A_262 = arith.constant 0 : i32
      %dma_wait3A_263 = tpu.memref_slice %arg10[%dma_wait3A, %dma_wait3A_262] : memref<1x128xi32, #tpu.memory_space<vmem>> -> memref<1x128xi32, #tpu.memory_space<vmem>>
      %dma_wait3A_264 = tpu.memref_squeeze %dma_wait3A_263 : memref<1x128xi32, #tpu.memory_space<vmem>> -> memref<128xi32, #tpu.memory_space<vmem>>
      %dma_wait3A_265 = arith.constant 0 : i32
      %dma_wait3A_266 = arith.constant 0 : i32
      %dma_wait3A_267 = tpu.memref_slice %arg2[%dma_wait3A_265, %dma_wait3A_266] : memref<10000x128xf32, #tpu.memory_space<hbm>> -> memref<10000x128xf32, #tpu.memory_space<hbm>>
      tpu.wait_indirect_dma semaphore(%arg15 : memref<!tpu.dma_semaphore, #tpu.memory_space<semaphore_mem>>) src(%dma_wait3A_267 : memref<10000x128xf32, #tpu.memory_space<hbm>>) dst(%dma_wait3A_261 : memref<128x128xf32, #tpu.memory_space<vmem>>)
      %get3A = arith.constant 0 : i32
      %get3A_268 = arith.index_cast %get3A : i32 to index
      %get3A_269 = arith.constant 0 : index
      %get3A_270 = tpu.vector_load %arg10[%get3A_268, %get3A_269] {strides = array<i32>} : memref<1x128xi32, #tpu.memory_space<vmem>>, vector<16xi32>,
      %get3A_271 = arith.constant 0 : i32
      %get3A_272 = arith.index_cast %get3A_271 : i32 to index
      %get3A_273 = arith.constant 0 : index
      %get3A_274 = tpu.vector_load %arg11[%get3A_272, %get3A_273] {strides = array<i32>} : memref<1x128xi32, #tpu.memory_space<vmem>>, vector<16xi32>,
      %gather3A_275 = tpu.vector_load_idx %arg8[%get3A_270] : memref<10000xf32, #tpu.memory_space<vmem>>[vector<16xi32>], vector<16xf32>,
      %gather3A_276 = tpu.vector_load_idx %arg9[%get3A_274] : memref<10000xf32, #tpu.memory_space<vmem>>[vector<16xi32>], vector<16xf32>,
      %add3A_277 = arith.addf %gather3A_275, %gather3A_276 : vector<16xf32>
      %ge3A_278 = arith.constant 0.000000e+00 : f32
      %ge3A_279 = vector.broadcast %ge3A_278 : f32 to vector<16xf32>
      %ge3A_280 = arith.cmpf oge, %add3A_277, %ge3A_279 : vector<16xf32>
      %mul3A_281 = arith.constant 2.000000e-01 : f32
      %mul3A_282 = vector.broadcast %mul3A_281 : f32 to vector<16xf32>
      %mul3A_283 = arith.mulf %mul3A_282, %add3A_277 : vector<16xf32>
      %select_n3A_284 = arith.select %ge3A_280, %add3A_277, %mul3A_283 : vector<16xi1>, vector<16xf32>
      %sub3A = arith.subf %select_n3A_284, %select_n3A : vector<16xf32>
      %exp3A = math.exp %sub3A : vector<16xf32>
      %mul3A_285 = arith.constant 128 : i32
      %mul3A_286 = arith.muli %add3A_245, %mul3A_285 : i32
      %add3A_287 = arith.constant 0 : i32
      %add3A_288 = arith.addi %mul3A_286, %add3A_287 : i32
      %broadcast_in_dim3A_289 = vector.broadcast %add3A_288 : i32 to vector<16xi32>
      %add3A_290 = arith.addi %broadcast_in_dim3A_289, %iota3A : vector<16xi32>
      %lt3A = arith.constant 330000 : i32
      %lt3A_291 = vector.broadcast %lt3A : i32 to vector<16xi32>
      %lt3A_292 = arith.cmpi slt, %add3A_290, %lt3A_291 : vector<16xi32>
      %jit3A = arith.constant 0.000000e+00 : f32
      %broadcast_in_dim3A_293 = vector.broadcast %jit3A : f32 to vector<16xf32>
      %select_n3A_294 = arith.select %lt3A_292, %exp3A, %broadcast_in_dim3A_293 : vector<16xi1>, vector<16xf32>
      %swap3A_295 = arith.constant 0 : index
      %swap3A_296 = tpu.vector_load %arg13[%swap3A_295] {strides = array<i32>} : memref<128xf32, #tpu.memory_space<vmem>>, vector<16xf32>,
      tpu.vector_store %arg13[%swap3A_295], %select_n3A_294 {strides = array<i32>} : memref<128xf32, #tpu.memory_space<vmem>>, vector<16xf32>,
      %get3A_297 = arith.constant 0 : i32
      %get3A_298 = arith.index_cast %get3A_297 : i32 to index
      %get3A_299 = arith.constant 16 : index
      %get3A_300 = tpu.vector_load %arg10[%get3A_298, %get3A_299] {strides = array<i32>} : memref<1x128xi32, #tpu.memory_space<vmem>>, vector<16xi32>,
      %get3A_301 = arith.constant 0 : i32
      %get3A_302 = arith.index_cast %get3A_301 : i32 to index
      %get3A_303 = arith.constant 16 : index
      %get3A_304 = tpu.vector_load %arg11[%get3A_302, %get3A_303] {strides = array<i32>} : memref<1x128xi32, #tpu.memory_space<vmem>>, vector<16xi32>,
      %gather3A_305 = tpu.vector_load_idx %arg8[%get3A_300] : memref<10000xf32, #tpu.memory_space<vmem>>[vector<16xi32>], vector<16xf32>,
      %gather3A_306 = tpu.vector_load_idx %arg9[%get3A_304] : memref<10000xf32, #tpu.memory_space<vmem>>[vector<16xi32>], vector<16xf32>,
      %add3A_307 = arith.addf %gather3A_305, %gather3A_306 : vector<16xf32>
      %ge3A_308 = arith.constant 0.000000e+00 : f32
      %ge3A_309 = vector.broadcast %ge3A_308 : f32 to vector<16xf32>
      %ge3A_310 = arith.cmpf oge, %add3A_307, %ge3A_309 : vector<16xf32>
      %mul3A_311 = arith.constant 2.000000e-01 : f32
      %mul3A_312 = vector.broadcast %mul3A_311 : f32 to vector<16xf32>
      %mul3A_313 = arith.mulf %mul3A_312, %add3A_307 : vector<16xf32>
      %select_n3A_314 = arith.select %ge3A_310, %add3A_307, %mul3A_313 : vector<16xi1>, vector<16xf32>
      %sub3A_315 = arith.subf %select_n3A_314, %select_n3A : vector<16xf32>
      %exp3A_316 = math.exp %sub3A_315 : vector<16xf32>
      %mul3A_317 = arith.constant 128 : i32
      %mul3A_318 = arith.muli %add3A_245, %mul3A_317 : i32
      %add3A_319 = arith.constant 16 : i32
      %add3A_320 = arith.addi %mul3A_318, %add3A_319 : i32
      %broadcast_in_dim3A_321 = vector.broadcast %add3A_320 : i32 to vector<16xi32>
      %add3A_322 = arith.addi %broadcast_in_dim3A_321, %iota3A : vector<16xi32>
      %lt3A_323 = arith.constant 330000 : i32
      %lt3A_324 = vector.broadcast %lt3A_323 : i32 to vector<16xi32>
      %lt3A_325 = arith.cmpi slt, %add3A_322, %lt3A_324 : vector<16xi32>
      %jit3A_326 = arith.constant 0.000000e+00 : f32
      %broadcast_in_dim3A_327 = vector.broadcast %jit3A_326 : f32 to vector<16xf32>
      %select_n3A_328 = arith.select %lt3A_325, %exp3A_316, %broadcast_in_dim3A_327 : vector<16xi1>, vector<16xf32>
      %swap3A_329 = arith.constant 16 : index
      %swap3A_330 = tpu.vector_load %arg13[%swap3A_329] {strides = array<i32>} : memref<128xf32, #tpu.memory_space<vmem>>, vector<16xf32>,
      tpu.vector_store %arg13[%swap3A_329], %select_n3A_328 {strides = array<i32>} : memref<128xf32, #tpu.memory_space<vmem>>, vector<16xf32>,
      %get3A_331 = arith.constant 0 : i32
      %get3A_332 = arith.index_cast %get3A_331 : i32 to index
      %get3A_333 = arith.constant 32 : index
      %get3A_334 = tpu.vector_load %arg10[%get3A_332, %get3A_333] {strides = array<i32>} : memref<1x128xi32, #tpu.memory_space<vmem>>, vector<16xi32>,
      %get3A_335 = arith.constant 0 : i32
      %get3A_336 = arith.index_cast %get3A_335 : i32 to index
      %get3A_337 = arith.constant 32 : index
      %get3A_338 = tpu.vector_load %arg11[%get3A_336, %get3A_337] {strides = array<i32>} : memref<1x128xi32, #tpu.memory_space<vmem>>, vector<16xi32>,
      %gather3A_339 = tpu.vector_load_idx %arg8[%get3A_334] : memref<10000xf32, #tpu.memory_space<vmem>>[vector<16xi32>], vector<16xf32>,
      %gather3A_340 = tpu.vector_load_idx %arg9[%get3A_338] : memref<10000xf32, #tpu.memory_space<vmem>>[vector<16xi32>], vector<16xf32>,
      %add3A_341 = arith.addf %gather3A_339, %gather3A_340 : vector<16xf32>
      %ge3A_342 = arith.constant 0.000000e+00 : f32
      %ge3A_343 = vector.broadcast %ge3A_342 : f32 to vector<16xf32>
      %ge3A_344 = arith.cmpf oge, %add3A_341, %ge3A_343 : vector<16xf32>
      %mul3A_345 = arith.constant 2.000000e-01 : f32
      %mul3A_346 = vector.broadcast %mul3A_345 : f32 to vector<16xf32>
      %mul3A_347 = arith.mulf %mul3A_346, %add3A_341 : vector<16xf32>
      %select_n3A_348 = arith.select %ge3A_344, %add3A_341, %mul3A_347 : vector<16xi1>, vector<16xf32>
      %sub3A_349 = arith.subf %select_n3A_348, %select_n3A : vector<16xf32>
      %exp3A_350 = math.exp %sub3A_349 : vector<16xf32>
      %mul3A_351 = arith.constant 128 : i32
      %mul3A_352 = arith.muli %add3A_245, %mul3A_351 : i32
      %add3A_353 = arith.constant 32 : i32
      %add3A_354 = arith.addi %mul3A_352, %add3A_353 : i32
      %broadcast_in_dim3A_355 = vector.broadcast %add3A_354 : i32 to vector<16xi32>
      %add3A_356 = arith.addi %broadcast_in_dim3A_355, %iota3A : vector<16xi32>
      %lt3A_357 = arith.constant 330000 : i32
      %lt3A_358 = vector.broadcast %lt3A_357 : i32 to vector<16xi32>
      %lt3A_359 = arith.cmpi slt, %add3A_356, %lt3A_358 : vector<16xi32>
      %jit3A_360 = arith.constant 0.000000e+00 : f32
      %broadcast_in_dim3A_361 = vector.broadcast %jit3A_360 : f32 to vector<16xf32>
      %select_n3A_362 = arith.select %lt3A_359, %exp3A_350, %broadcast_in_dim3A_361 : vector<16xi1>, vector<16xf32>
      %swap3A_363 = arith.constant 32 : index
      %swap3A_364 = tpu.vector_load %arg13[%swap3A_363] {strides = array<i32>} : memref<128xf32, #tpu.memory_space<vmem>>, vector<16xf32>,
      tpu.vector_store %arg13[%swap3A_363], %select_n3A_362 {strides = array<i32>} : memref<128xf32, #tpu.memory_space<vmem>>, vector<16xf32>,
      %get3A_365 = arith.constant 0 : i32
      %get3A_366 = arith.index_cast %get3A_365 : i32 to index
      %get3A_367 = arith.constant 48 : index
      %get3A_368 = tpu.vector_load %arg10[%get3A_366, %get3A_367] {strides = array<i32>} : memref<1x128xi32, #tpu.memory_space<vmem>>, vector<16xi32>,
      %get3A_369 = arith.constant 0 : i32
      %get3A_370 = arith.index_cast %get3A_369 : i32 to index
      %get3A_371 = arith.constant 48 : index
      %get3A_372 = tpu.vector_load %arg11[%get3A_370, %get3A_371] {strides = array<i32>} : memref<1x128xi32, #tpu.memory_space<vmem>>, vector<16xi32>,
      %gather3A_373 = tpu.vector_load_idx %arg8[%get3A_368] : memref<10000xf32, #tpu.memory_space<vmem>>[vector<16xi32>], vector<16xf32>,
      %gather3A_374 = tpu.vector_load_idx %arg9[%get3A_372] : memref<10000xf32, #tpu.memory_space<vmem>>[vector<16xi32>], vector<16xf32>,
      %add3A_375 = arith.addf %gather3A_373, %gather3A_374 : vector<16xf32>
      %ge3A_376 = arith.constant 0.000000e+00 : f32
      %ge3A_377 = vector.broadcast %ge3A_376 : f32 to vector<16xf32>
      %ge3A_378 = arith.cmpf oge, %add3A_375, %ge3A_377 : vector<16xf32>
      %mul3A_379 = arith.constant 2.000000e-01 : f32
      %mul3A_380 = vector.broadcast %mul3A_379 : f32 to vector<16xf32>
      %mul3A_381 = arith.mulf %mul3A_380, %add3A_375 : vector<16xf32>
      %select_n3A_382 = arith.select %ge3A_378, %add3A_375, %mul3A_381 : vector<16xi1>, vector<16xf32>
      %sub3A_383 = arith.subf %select_n3A_382, %select_n3A : vector<16xf32>
      %exp3A_384 = math.exp %sub3A_383 : vector<16xf32>
      %mul3A_385 = arith.constant 128 : i32
      %mul3A_386 = arith.muli %add3A_245, %mul3A_385 : i32
      %add3A_387 = arith.constant 48 : i32
      %add3A_388 = arith.addi %mul3A_386, %add3A_387 : i32
      %broadcast_in_dim3A_389 = vector.broadcast %add3A_388 : i32 to vector<16xi32>
      %add3A_390 = arith.addi %broadcast_in_dim3A_389, %iota3A : vector<16xi32>
      %lt3A_391 = arith.constant 330000 : i32
      %lt3A_392 = vector.broadcast %lt3A_391 : i32 to vector<16xi32>
      %lt3A_393 = arith.cmpi slt, %add3A_390, %lt3A_392 : vector<16xi32>
      %jit3A_394 = arith.constant 0.000000e+00 : f32
      %broadcast_in_dim3A_395 = vector.broadcast %jit3A_394 : f32 to vector<16xf32>
      %select_n3A_396 = arith.select %lt3A_393, %exp3A_384, %broadcast_in_dim3A_395 : vector<16xi1>, vector<16xf32>
      %swap3A_397 = arith.constant 48 : index
      %swap3A_398 = tpu.vector_load %arg13[%swap3A_397] {strides = array<i32>} : memref<128xf32, #tpu.memory_space<vmem>>, vector<16xf32>,
      tpu.vector_store %arg13[%swap3A_397], %select_n3A_396 {strides = array<i32>} : memref<128xf32, #tpu.memory_space<vmem>>, vector<16xf32>,
      %get3A_399 = arith.constant 0 : i32
      %get3A_400 = arith.index_cast %get3A_399 : i32 to index
      %get3A_401 = arith.constant 64 : index
      %get3A_402 = tpu.vector_load %arg10[%get3A_400, %get3A_401] {strides = array<i32>} : memref<1x128xi32, #tpu.memory_space<vmem>>, vector<16xi32>,
      %get3A_403 = arith.constant 0 : i32
      %get3A_404 = arith.index_cast %get3A_403 : i32 to index
      %get3A_405 = arith.constant 64 : index
      %get3A_406 = tpu.vector_load %arg11[%get3A_404, %get3A_405] {strides = array<i32>} : memref<1x128xi32, #tpu.memory_space<vmem>>, vector<16xi32>,
      %gather3A_407 = tpu.vector_load_idx %arg8[%get3A_402] : memref<10000xf32, #tpu.memory_space<vmem>>[vector<16xi32>], vector<16xf32>,
      %gather3A_408 = tpu.vector_load_idx %arg9[%get3A_406] : memref<10000xf32, #tpu.memory_space<vmem>>[vector<16xi32>], vector<16xf32>,
      %add3A_409 = arith.addf %gather3A_407, %gather3A_408 : vector<16xf32>
      %ge3A_410 = arith.constant 0.000000e+00 : f32
      %ge3A_411 = vector.broadcast %ge3A_410 : f32 to vector<16xf32>
      %ge3A_412 = arith.cmpf oge, %add3A_409, %ge3A_411 : vector<16xf32>
      %mul3A_413 = arith.constant 2.000000e-01 : f32
      %mul3A_414 = vector.broadcast %mul3A_413 : f32 to vector<16xf32>
      %mul3A_415 = arith.mulf %mul3A_414, %add3A_409 : vector<16xf32>
      %select_n3A_416 = arith.select %ge3A_412, %add3A_409, %mul3A_415 : vector<16xi1>, vector<16xf32>
      %sub3A_417 = arith.subf %select_n3A_416, %select_n3A : vector<16xf32>
      %exp3A_418 = math.exp %sub3A_417 : vector<16xf32>
      %mul3A_419 = arith.constant 128 : i32
      %mul3A_420 = arith.muli %add3A_245, %mul3A_419 : i32
      %add3A_421 = arith.constant 64 : i32
      %add3A_422 = arith.addi %mul3A_420, %add3A_421 : i32
      %broadcast_in_dim3A_423 = vector.broadcast %add3A_422 : i32 to vector<16xi32>
      %add3A_424 = arith.addi %broadcast_in_dim3A_423, %iota3A : vector<16xi32>
      %lt3A_425 = arith.constant 330000 : i32
      %lt3A_426 = vector.broadcast %lt3A_425 : i32 to vector<16xi32>
      %lt3A_427 = arith.cmpi slt, %add3A_424, %lt3A_426 : vector<16xi32>
      %jit3A_428 = arith.constant 0.000000e+00 : f32
      %broadcast_in_dim3A_429 = vector.broadcast %jit3A_428 : f32 to vector<16xf32>
      %select_n3A_430 = arith.select %lt3A_427, %exp3A_418, %broadcast_in_dim3A_429 : vector<16xi1>, vector<16xf32>
      %swap3A_431 = arith.constant 64 : index
      %swap3A_432 = tpu.vector_load %arg13[%swap3A_431] {strides = array<i32>} : memref<128xf32, #tpu.memory_space<vmem>>, vector<16xf32>,
      tpu.vector_store %arg13[%swap3A_431], %select_n3A_430 {strides = array<i32>} : memref<128xf32, #tpu.memory_space<vmem>>, vector<16xf32>,
      %get3A_433 = arith.constant 0 : i32
      %get3A_434 = arith.index_cast %get3A_433 : i32 to index
      %get3A_435 = arith.constant 80 : index
      %get3A_436 = tpu.vector_load %arg10[%get3A_434, %get3A_435] {strides = array<i32>} : memref<1x128xi32, #tpu.memory_space<vmem>>, vector<16xi32>,
      %get3A_437 = arith.constant 0 : i32
      %get3A_438 = arith.index_cast %get3A_437 : i32 to index
      %get3A_439 = arith.constant 80 : index
      %get3A_440 = tpu.vector_load %arg11[%get3A_438, %get3A_439] {strides = array<i32>} : memref<1x128xi32, #tpu.memory_space<vmem>>, vector<16xi32>,
      %gather3A_441 = tpu.vector_load_idx %arg8[%get3A_436] : memref<10000xf32, #tpu.memory_space<vmem>>[vector<16xi32>], vector<16xf32>,
      %gather3A_442 = tpu.vector_load_idx %arg9[%get3A_440] : memref<10000xf32, #tpu.memory_space<vmem>>[vector<16xi32>], vector<16xf32>,
      %add3A_443 = arith.addf %gather3A_441, %gather3A_442 : vector<16xf32>
      %ge3A_444 = arith.constant 0.000000e+00 : f32
      %ge3A_445 = vector.broadcast %ge3A_444 : f32 to vector<16xf32>
      %ge3A_446 = arith.cmpf oge, %add3A_443, %ge3A_445 : vector<16xf32>
      %mul3A_447 = arith.constant 2.000000e-01 : f32
      %mul3A_448 = vector.broadcast %mul3A_447 : f32 to vector<16xf32>
      %mul3A_449 = arith.mulf %mul3A_448, %add3A_443 : vector<16xf32>
      %select_n3A_450 = arith.select %ge3A_446, %add3A_443, %mul3A_449 : vector<16xi1>, vector<16xf32>
      %sub3A_451 = arith.subf %select_n3A_450, %select_n3A : vector<16xf32>
      %exp3A_452 = math.exp %sub3A_451 : vector<16xf32>
      %mul3A_453 = arith.constant 128 : i32
      %mul3A_454 = arith.muli %add3A_245, %mul3A_453 : i32
      %add3A_455 = arith.constant 80 : i32
      %add3A_456 = arith.addi %mul3A_454, %add3A_455 : i32
      %broadcast_in_dim3A_457 = vector.broadcast %add3A_456 : i32 to vector<16xi32>
      %add3A_458 = arith.addi %broadcast_in_dim3A_457, %iota3A : vector<16xi32>
      %lt3A_459 = arith.constant 330000 : i32
      %lt3A_460 = vector.broadcast %lt3A_459 : i32 to vector<16xi32>
      %lt3A_461 = arith.cmpi slt, %add3A_458, %lt3A_460 : vector<16xi32>
      %jit3A_462 = arith.constant 0.000000e+00 : f32
      %broadcast_in_dim3A_463 = vector.broadcast %jit3A_462 : f32 to vector<16xf32>
      %select_n3A_464 = arith.select %lt3A_461, %exp3A_452, %broadcast_in_dim3A_463 : vector<16xi1>, vector<16xf32>
      %swap3A_465 = arith.constant 80 : index
      %swap3A_466 = tpu.vector_load %arg13[%swap3A_465] {strides = array<i32>} : memref<128xf32, #tpu.memory_space<vmem>>, vector<16xf32>,
      tpu.vector_store %arg13[%swap3A_465], %select_n3A_464 {strides = array<i32>} : memref<128xf32, #tpu.memory_space<vmem>>, vector<16xf32>,
      %get3A_467 = arith.constant 0 : i32
      %get3A_468 = arith.index_cast %get3A_467 : i32 to index
      %get3A_469 = arith.constant 96 : index
      %get3A_470 = tpu.vector_load %arg10[%get3A_468, %get3A_469] {strides = array<i32>} : memref<1x128xi32, #tpu.memory_space<vmem>>, vector<16xi32>,
      %get3A_471 = arith.constant 0 : i32
      %get3A_472 = arith.index_cast %get3A_471 : i32 to index
      %get3A_473 = arith.constant 96 : index
      %get3A_474 = tpu.vector_load %arg11[%get3A_472, %get3A_473] {strides = array<i32>} : memref<1x128xi32, #tpu.memory_space<vmem>>, vector<16xi32>,
      %gather3A_475 = tpu.vector_load_idx %arg8[%get3A_470] : memref<10000xf32, #tpu.memory_space<vmem>>[vector<16xi32>], vector<16xf32>,
      %gather3A_476 = tpu.vector_load_idx %arg9[%get3A_474] : memref<10000xf32, #tpu.memory_space<vmem>>[vector<16xi32>], vector<16xf32>,
      %add3A_477 = arith.addf %gather3A_475, %gather3A_476 : vector<16xf32>
      %ge3A_478 = arith.constant 0.000000e+00 : f32
      %ge3A_479 = vector.broadcast %ge3A_478 : f32 to vector<16xf32>
      %ge3A_480 = arith.cmpf oge, %add3A_477, %ge3A_479 : vector<16xf32>
      %mul3A_481 = arith.constant 2.000000e-01 : f32
      %mul3A_482 = vector.broadcast %mul3A_481 : f32 to vector<16xf32>
      %mul3A_483 = arith.mulf %mul3A_482, %add3A_477 : vector<16xf32>
      %select_n3A_484 = arith.select %ge3A_480, %add3A_477, %mul3A_483 : vector<16xi1>, vector<16xf32>
      %sub3A_485 = arith.subf %select_n3A_484, %select_n3A : vector<16xf32>
      %exp3A_486 = math.exp %sub3A_485 : vector<16xf32>
      %mul3A_487 = arith.constant 128 : i32
      %mul3A_488 = arith.muli %add3A_245, %mul3A_487 : i32
      %add3A_489 = arith.constant 96 : i32
      %add3A_490 = arith.addi %mul3A_488, %add3A_489 : i32
      %broadcast_in_dim3A_491 = vector.broadcast %add3A_490 : i32 to vector<16xi32>
      %add3A_492 = arith.addi %broadcast_in_dim3A_491, %iota3A : vector<16xi32>
      %lt3A_493 = arith.constant 330000 : i32
      %lt3A_494 = vector.broadcast %lt3A_493 : i32 to vector<16xi32>
      %lt3A_495 = arith.cmpi slt, %add3A_492, %lt3A_494 : vector<16xi32>
      %jit3A_496 = arith.constant 0.000000e+00 : f32
      %broadcast_in_dim3A_497 = vector.broadcast %jit3A_496 : f32 to vector<16xf32>
      %select_n3A_498 = arith.select %lt3A_495, %exp3A_486, %broadcast_in_dim3A_497 : vector<16xi1>, vector<16xf32>
      %swap3A_499 = arith.constant 96 : index
      %swap3A_500 = tpu.vector_load %arg13[%swap3A_499] {strides = array<i32>} : memref<128xf32, #tpu.memory_space<vmem>>, vector<16xf32>,
      tpu.vector_store %arg13[%swap3A_499], %select_n3A_498 {strides = array<i32>} : memref<128xf32, #tpu.memory_space<vmem>>, vector<16xf32>,
      %get3A_501 = arith.constant 0 : i32
      %get3A_502 = arith.index_cast %get3A_501 : i32 to index
      %get3A_503 = arith.constant 112 : index
      %get3A_504 = tpu.vector_load %arg10[%get3A_502, %get3A_503] {strides = array<i32>} : memref<1x128xi32, #tpu.memory_space<vmem>>, vector<16xi32>,
      %get3A_505 = arith.constant 0 : i32
      %get3A_506 = arith.index_cast %get3A_505 : i32 to index
      %get3A_507 = arith.constant 112 : index
      %get3A_508 = tpu.vector_load %arg11[%get3A_506, %get3A_507] {strides = array<i32>} : memref<1x128xi32, #tpu.memory_space<vmem>>, vector<16xi32>,
      %gather3A_509 = tpu.vector_load_idx %arg8[%get3A_504] : memref<10000xf32, #tpu.memory_space<vmem>>[vector<16xi32>], vector<16xf32>,
      %gather3A_510 = tpu.vector_load_idx %arg9[%get3A_508] : memref<10000xf32, #tpu.memory_space<vmem>>[vector<16xi32>], vector<16xf32>,
      %add3A_511 = arith.addf %gather3A_509, %gather3A_510 : vector<16xf32>
      %ge3A_512 = arith.constant 0.000000e+00 : f32
      %ge3A_513 = vector.broadcast %ge3A_512 : f32 to vector<16xf32>
      %ge3A_514 = arith.cmpf oge, %add3A_511, %ge3A_513 : vector<16xf32>
      %mul3A_515 = arith.constant 2.000000e-01 : f32
      %mul3A_516 = vector.broadcast %mul3A_515 : f32 to vector<16xf32>
      %mul3A_517 = arith.mulf %mul3A_516, %add3A_511 : vector<16xf32>
      %select_n3A_518 = arith.select %ge3A_514, %add3A_511, %mul3A_517 : vector<16xi1>, vector<16xf32>
      %sub3A_519 = arith.subf %select_n3A_518, %select_n3A : vector<16xf32>
      %exp3A_520 = math.exp %sub3A_519 : vector<16xf32>
      %mul3A_521 = arith.constant 128 : i32
      %mul3A_522 = arith.muli %add3A_245, %mul3A_521 : i32
      %add3A_523 = arith.constant 112 : i32
      %add3A_524 = arith.addi %mul3A_522, %add3A_523 : i32
      %broadcast_in_dim3A_525 = vector.broadcast %add3A_524 : i32 to vector<16xi32>
      %add3A_526 = arith.addi %broadcast_in_dim3A_525, %iota3A : vector<16xi32>
      %lt3A_527 = arith.constant 330000 : i32
      %lt3A_528 = vector.broadcast %lt3A_527 : i32 to vector<16xi32>
      %lt3A_529 = arith.cmpi slt, %add3A_526, %lt3A_528 : vector<16xi32>
      %jit3A_530 = arith.constant 0.000000e+00 : f32
      %broadcast_in_dim3A_531 = vector.broadcast %jit3A_530 : f32 to vector<16xf32>
      %select_n3A_532 = arith.select %lt3A_529, %exp3A_520, %broadcast_in_dim3A_531 : vector<16xi1>, vector<16xf32>
      %swap3A_533 = arith.constant 112 : index
      %swap3A_534 = tpu.vector_load %arg13[%swap3A_533] {strides = array<i32>} : memref<128xf32, #tpu.memory_space<vmem>>, vector<16xf32>,
      tpu.vector_store %arg13[%swap3A_533], %select_n3A_532 {strides = array<i32>} : memref<128xf32, #tpu.memory_space<vmem>>, vector<16xf32>,
      %scan3A_535 = arith.constant 0 : i32
      %scan3A_536 = arith.constant 0 : i32
      %scan3A_537 = arith.constant 128 : i32
      %scan3A_538 = arith.addi %scan3A_536, %scan3A_537 : i32
      %scan3A_539 = arith.constant 1 : i32
      %scan3A_540 = scf.for %scan3A_567 = %scan3A_536 to %scan3A_538 step %scan3A_539 iter_args(%scan3A_568 = %scan3A_535) -> (i32)  : i32 {
        %broadcast_in_dim3A_569 = vector.broadcast %scan3A_567 : i32 to vector<16xi32>
        %gather3A_570 = tpu.vector_load_idx %arg13[%broadcast_in_dim3A_569] : memref<128xf32, #tpu.memory_space<vmem>>[vector<16xi32>], vector<16xf32>,
        %get3A_571 = arith.constant 0 : i32
        %get3A_572 = arith.index_cast %get3A_571 : i32 to index
        %get3A_573 = arith.index_cast %scan3A_567 : i32 to index
        %get3A_574 = arith.constant 0 : index
        %get3A_575 = tpu.vector_load %arg12[%get3A_572, %get3A_573, %get3A_574] {strides = array<i32>} : memref<1x128x128xf32, #tpu.memory_space<vmem>>, vector<16xf32>,
        %mul3A_576 = arith.mulf %get3A_575, %gather3A_570 : vector<16xf32>
        %swap3A_577 = arith.constant 0 : i32
        %swap3A_578 = arith.index_cast %swap3A_577 : i32 to index
        %swap3A_579 = arith.index_cast %scan3A_567 : i32 to index
        %swap3A_580 = arith.constant 0 : index
        %swap3A_581 = tpu.vector_load %arg12[%swap3A_578, %swap3A_579, %swap3A_580] {strides = array<i32>} : memref<1x128x128xf32, #tpu.memory_space<vmem>>, vector<16xf32>,
        tpu.vector_store %arg12[%swap3A_578, %swap3A_579, %swap3A_580], %mul3A_576 {strides = array<i32>} : memref<1x128x128xf32, #tpu.memory_space<vmem>>, vector<16xf32>,
        %get3A_582 = arith.constant 0 : i32
        %get3A_583 = arith.index_cast %get3A_582 : i32 to index
        %get3A_584 = arith.index_cast %scan3A_567 : i32 to index
        %get3A_585 = arith.constant 16 : index
        %get3A_586 = tpu.vector_load %arg12[%get3A_583, %get3A_584, %get3A_585] {strides = array<i32>} : memref<1x128x128xf32, #tpu.memory_space<vmem>>, vector<16xf32>,
        %mul3A_587 = arith.mulf %get3A_586, %gather3A_570 : vector<16xf32>
        %swap3A_588 = arith.constant 0 : i32
        %swap3A_589 = arith.index_cast %swap3A_588 : i32 to index
        %swap3A_590 = arith.index_cast %scan3A_567 : i32 to index
        %swap3A_591 = arith.constant 16 : index
        %swap3A_592 = tpu.vector_load %arg12[%swap3A_589, %swap3A_590, %swap3A_591] {strides = array<i32>} : memref<1x128x128xf32, #tpu.memory_space<vmem>>, vector<16xf32>,
        tpu.vector_store %arg12[%swap3A_589, %swap3A_590, %swap3A_591], %mul3A_587 {strides = array<i32>} : memref<1x128x128xf32, #tpu.memory_space<vmem>>, vector<16xf32>,
        %get3A_593 = arith.constant 0 : i32
        %get3A_594 = arith.index_cast %get3A_593 : i32 to index
        %get3A_595 = arith.index_cast %scan3A_567 : i32 to index
        %get3A_596 = arith.constant 32 : index
        %get3A_597 = tpu.vector_load %arg12[%get3A_594, %get3A_595, %get3A_596] {strides = array<i32>} : memref<1x128x128xf32, #tpu.memory_space<vmem>>, vector<16xf32>,
        %mul3A_598 = arith.mulf %get3A_597, %gather3A_570 : vector<16xf32>
        %swap3A_599 = arith.constant 0 : i32
        %swap3A_600 = arith.index_cast %swap3A_599 : i32 to index
        %swap3A_601 = arith.index_cast %scan3A_567 : i32 to index
        %swap3A_602 = arith.constant 32 : index
        %swap3A_603 = tpu.vector_load %arg12[%swap3A_600, %swap3A_601, %swap3A_602] {strides = array<i32>} : memref<1x128x128xf32, #tpu.memory_space<vmem>>, vector<16xf32>,
        tpu.vector_store %arg12[%swap3A_600, %swap3A_601, %swap3A_602], %mul3A_598 {strides = array<i32>} : memref<1x128x128xf32, #tpu.memory_space<vmem>>, vector<16xf32>,
        %get3A_604 = arith.constant 0 : i32
        %get3A_605 = arith.index_cast %get3A_604 : i32 to index
        %get3A_606 = arith.index_cast %scan3A_567 : i32 to index
        %get3A_607 = arith.constant 48 : index
        %get3A_608 = tpu.vector_load %arg12[%get3A_605, %get3A_606, %get3A_607] {strides = array<i32>} : memref<1x128x128xf32, #tpu.memory_space<vmem>>, vector<16xf32>,
        %mul3A_609 = arith.mulf %get3A_608, %gather3A_570 : vector<16xf32>
        %swap3A_610 = arith.constant 0 : i32
        %swap3A_611 = arith.index_cast %swap3A_610 : i32 to index
        %swap3A_612 = arith.index_cast %scan3A_567 : i32 to index
        %swap3A_613 = arith.constant 48 : index
        %swap3A_614 = tpu.vector_load %arg12[%swap3A_611, %swap3A_612, %swap3A_613] {strides = array<i32>} : memref<1x128x128xf32, #tpu.memory_space<vmem>>, vector<16xf32>,
        tpu.vector_store %arg12[%swap3A_611, %swap3A_612, %swap3A_613], %mul3A_609 {strides = array<i32>} : memref<1x128x128xf32, #tpu.memory_space<vmem>>, vector<16xf32>,
        %get3A_615 = arith.constant 0 : i32
        %get3A_616 = arith.index_cast %get3A_615 : i32 to index
        %get3A_617 = arith.index_cast %scan3A_567 : i32 to index
        %get3A_618 = arith.constant 64 : index
        %get3A_619 = tpu.vector_load %arg12[%get3A_616, %get3A_617, %get3A_618] {strides = array<i32>} : memref<1x128x128xf32, #tpu.memory_space<vmem>>, vector<16xf32>,
        %mul3A_620 = arith.mulf %get3A_619, %gather3A_570 : vector<16xf32>
        %swap3A_621 = arith.constant 0 : i32
        %swap3A_622 = arith.index_cast %swap3A_621 : i32 to index
        %swap3A_623 = arith.index_cast %scan3A_567 : i32 to index
        %swap3A_624 = arith.constant 64 : index
        %swap3A_625 = tpu.vector_load %arg12[%swap3A_622, %swap3A_623, %swap3A_624] {strides = array<i32>} : memref<1x128x128xf32, #tpu.memory_space<vmem>>, vector<16xf32>,
        tpu.vector_store %arg12[%swap3A_622, %swap3A_623, %swap3A_624], %mul3A_620 {strides = array<i32>} : memref<1x128x128xf32, #tpu.memory_space<vmem>>, vector<16xf32>,
        %scan3A_626 = arith.constant 0 : i32
        scf.yield %scan3A_626 : i32
      }
      %scan3A_541 = arith.constant 128 : i32
      %dma_start3A_542 = arith.constant 0 : i32
      %dma_start3A_543 = arith.constant 0 : i32
      %dma_start3A_544 = arith.constant 0 : i32
      %dma_start3A_545 = arith.constant 0 : i32
      %dma_start3A_546 = tpu.memref_slice %arg12[%dma_start3A_542, %dma_start3A_544, %dma_start3A_545] : memref<1x128x128xf32, #tpu.memory_space<vmem>> -> memref<1x128x128xf32, #tpu.memory_space<vmem>>
      %dma_start3A_547 = tpu.memref_squeeze %dma_start3A_546 : memref<1x128x128xf32, #tpu.memory_space<vmem>> -> memref<128x128xf32, #tpu.memory_space<vmem>>
      %dma_start3A_548 = arith.constant 0 : i32
      %dma_start3A_549 = tpu.memref_slice %arg11[%dma_start3A_543, %dma_start3A_548] : memref<1x128xi32, #tpu.memory_space<vmem>> -> memref<1x128xi32, #tpu.memory_space<vmem>>
      %dma_start3A_550 = tpu.memref_squeeze %dma_start3A_549 : memref<1x128xi32, #tpu.memory_space<vmem>> -> memref<128xi32, #tpu.memory_space<vmem>>
      %dma_start3A_551 = arith.constant 0 : i32
      %dma_start3A_552 = arith.constant 0 : i32
      %dma_start3A_553 = tpu.memref_slice %arg14[%dma_start3A_551, %dma_start3A_552] : memref<10240x128xf32, #tpu.memory_space<vmem_shared>> -> memref<10240x128xf32, #tpu.memory_space<vmem_shared>>
      tpu.enqueue_indirect_dma source(%dma_start3A_547 : memref<128x128xf32, #tpu.memory_space<vmem>>) target(%dma_start3A_553 : memref<10240x128xf32, #tpu.memory_space<vmem_shared>>) offsets(%dma_start3A_550 : memref<128xi32, #tpu.memory_space<vmem>>) semaphore(%arg16 : memref<!tpu.dma_semaphore, #tpu.memory_space<semaphore_mem>>) {add = true}
      %dma_wait3A_554 = arith.constant 0 : i32
      %dma_wait3A_555 = arith.constant 0 : i32
      %dma_wait3A_556 = arith.constant 0 : i32
      %dma_wait3A_557 = arith.constant 0 : i32
      %dma_wait3A_558 = tpu.memref_slice %arg12[%dma_wait3A_554, %dma_wait3A_556, %dma_wait3A_557] : memref<1x128x128xf32, #tpu.memory_space<vmem>> -> memref<1x128x128xf32, #tpu.memory_space<vmem>>
      %dma_wait3A_559 = tpu.memref_squeeze %dma_wait3A_558 : memref<1x128x128xf32, #tpu.memory_space<vmem>> -> memref<128x128xf32, #tpu.memory_space<vmem>>
      %dma_wait3A_560 = arith.constant 0 : i32
      %dma_wait3A_561 = tpu.memref_slice %arg11[%dma_wait3A_555, %dma_wait3A_560] : memref<1x128xi32, #tpu.memory_space<vmem>> -> memref<1x128xi32, #tpu.memory_space<vmem>>
      %dma_wait3A_562 = tpu.memref_squeeze %dma_wait3A_561 : memref<1x128xi32, #tpu.memory_space<vmem>> -> memref<128xi32, #tpu.memory_space<vmem>>
      %dma_wait3A_563 = arith.constant 0 : i32
      %dma_wait3A_564 = arith.constant 0 : i32
      %dma_wait3A_565 = tpu.memref_slice %arg14[%dma_wait3A_563, %dma_wait3A_564] : memref<10240x128xf32, #tpu.memory_space<vmem_shared>> -> memref<10240x128xf32, #tpu.memory_space<vmem_shared>>
      tpu.wait_indirect_dma semaphore(%arg16 : memref<!tpu.dma_semaphore, #tpu.memory_space<semaphore_mem>>) src(%dma_wait3A_559 : memref<128x128xf32, #tpu.memory_space<vmem>>) dst(%dma_wait3A_565 : memref<10240x128xf32, #tpu.memory_space<vmem_shared>>)
      %scan3A_566 = arith.constant 0 : i32
      scf.yield %scan3A_566 : i32
    }
    %scan3A_229 = arith.constant 81 : i32
    %barrier3A_230 = arith.constant 0 : index
    tpu.barrier barrier_id(%barrier3A_230)
    %add3A_231 = arith.constant 0 : i32
    %add3A_232 = arith.addi %mul3A_9, %add3A_231 : i32
    "tpu.region"() ({
      %run_scoped3A_241 = tpu.sem_alloc : memref<!tpu.dma_semaphore, #tpu.memory_space<semaphore_mem>>
      %dma_start3A = arith.constant 0 : i32
      %dma_start3A_242 = tpu.memref_slice %arg7[%arg0, %add3A_232, %dma_start3A] : memref<2x10240x128xf32, #tpu.memory_space<hbm>> -> memref<1x128x128xf32, #tpu.memory_space<hbm>>
      %dma_start3A_243 = tpu.memref_squeeze %dma_start3A_242 : memref<1x128x128xf32, #tpu.memory_space<hbm>> -> memref<128x128xf32, #tpu.memory_space<hbm>>
      %dma_start3A_244 = arith.constant 0 : i32
      %dma_start3A_245 = tpu.memref_slice %arg14[%add3A_232, %dma_start3A_244] : memref<10240x128xf32, #tpu.memory_space<vmem_shared>> -> memref<128x128xf32, #tpu.memory_space<vmem_shared>>
      tpu.enqueue_dma source(%dma_start3A_245 : memref<128x128xf32, #tpu.memory_space<vmem_shared>>) target(%dma_start3A_243 : memref<128x128xf32, #tpu.memory_space<hbm>>) target_semaphore(%run_scoped3A_241 : memref<!tpu.dma_semaphore, #tpu.memory_space<semaphore_mem>>)
      %dma_wait3A = arith.constant 0 : i32
      %dma_wait3A_246 = tpu.memref_slice %arg7[%arg0, %add3A_232, %dma_wait3A] : memref<2x10240x128xf32, #tpu.memory_space<hbm>> -> memref<1x128x128xf32, #tpu.memory_space<hbm>>
      %dma_wait3A_247 = tpu.memref_squeeze %dma_wait3A_246 : memref<1x128x128xf32, #tpu.memory_space<hbm>> -> memref<128x128xf32, #tpu.memory_space<hbm>>
      %dma_wait3A_248 = arith.constant 0 : i32
      %dma_wait3A_249 = tpu.memref_slice %arg14[%add3A_232, %dma_wait3A_248] : memref<10240x128xf32, #tpu.memory_space<vmem_shared>> -> memref<128x128xf32, #tpu.memory_space<vmem_shared>>
      tpu.wait_dma2 semaphore(%run_scoped3A_241 : memref<!tpu.dma_semaphore, #tpu.memory_space<semaphore_mem>>) src(%dma_wait3A_249 : memref<128x128xf32, #tpu.memory_space<vmem_shared>>) dst(%dma_wait3A_247 : memref<128x128xf32, #tpu.memory_space<hbm>>)
      tpu.yield
    }) : () -> ()
    %add3A_233 = arith.constant 128 : i32
    %add3A_234 = arith.addi %mul3A_9, %add3A_233 : i32
    "tpu.region"() ({
      %run_scoped3A_241 = tpu.sem_alloc : memref<!tpu.dma_semaphore, #tpu.memory_space<semaphore_mem>>
      %dma_start3A = arith.constant 0 : i32
      %dma_start3A_242 = tpu.memref_slice %arg7[%arg0, %add3A_234, %dma_start3A] : memref<2x10240x128xf32, #tpu.memory_space<hbm>> -> memref<1x128x128xf32, #tpu.memory_space<hbm>>
      %dma_start3A_243 = tpu.memref_squeeze %dma_start3A_242 : memref<1x128x128xf32, #tpu.memory_space<hbm>> -> memref<128x128xf32, #tpu.memory_space<hbm>>
      %dma_start3A_244 = arith.constant 0 : i32
      %dma_start3A_245 = tpu.memref_slice %arg14[%add3A_234, %dma_start3A_244] : memref<10240x128xf32, #tpu.memory_space<vmem_shared>> -> memref<128x128xf32, #tpu.memory_space<vmem_shared>>
      tpu.enqueue_dma source(%dma_start3A_245 : memref<128x128xf32, #tpu.memory_space<vmem_shared>>) target(%dma_start3A_243 : memref<128x128xf32, #tpu.memory_space<hbm>>) target_semaphore(%run_scoped3A_241 : memref<!tpu.dma_semaphore, #tpu.memory_space<semaphore_mem>>)
      %dma_wait3A = arith.constant 0 : i32
      %dma_wait3A_246 = tpu.memref_slice %arg7[%arg0, %add3A_234, %dma_wait3A] : memref<2x10240x128xf32, #tpu.memory_space<hbm>> -> memref<1x128x128xf32, #tpu.memory_space<hbm>>
      %dma_wait3A_247 = tpu.memref_squeeze %dma_wait3A_246 : memref<1x128x128xf32, #tpu.memory_space<hbm>> -> memref<128x128xf32, #tpu.memory_space<hbm>>
      %dma_wait3A_248 = arith.constant 0 : i32
      %dma_wait3A_249 = tpu.memref_slice %arg14[%add3A_234, %dma_wait3A_248] : memref<10240x128xf32, #tpu.memory_space<vmem_shared>> -> memref<128x128xf32, #tpu.memory_space<vmem_shared>>
      tpu.wait_dma2 semaphore(%run_scoped3A_241 : memref<!tpu.dma_semaphore, #tpu.memory_space<semaphore_mem>>) src(%dma_wait3A_249 : memref<128x128xf32, #tpu.memory_space<vmem_shared>>) dst(%dma_wait3A_247 : memref<128x128xf32, #tpu.memory_space<hbm>>)
      tpu.yield
    }) : () -> ()
    %add3A_235 = arith.constant 256 : i32
    %add3A_236 = arith.addi %mul3A_9, %add3A_235 : i32
    "tpu.region"() ({
      %run_scoped3A_241 = tpu.sem_alloc : memref<!tpu.dma_semaphore, #tpu.memory_space<semaphore_mem>>
      %dma_start3A = arith.constant 0 : i32
      %dma_start3A_242 = tpu.memref_slice %arg7[%arg0, %add3A_236, %dma_start3A] : memref<2x10240x128xf32, #tpu.memory_space<hbm>> -> memref<1x128x128xf32, #tpu.memory_space<hbm>>
      %dma_start3A_243 = tpu.memref_squeeze %dma_start3A_242 : memref<1x128x128xf32, #tpu.memory_space<hbm>> -> memref<128x128xf32, #tpu.memory_space<hbm>>
      %dma_start3A_244 = arith.constant 0 : i32
      %dma_start3A_245 = tpu.memref_slice %arg14[%add3A_236, %dma_start3A_244] : memref<10240x128xf32, #tpu.memory_space<vmem_shared>> -> memref<128x128xf32, #tpu.memory_space<vmem_shared>>
      tpu.enqueue_dma source(%dma_start3A_245 : memref<128x128xf32, #tpu.memory_space<vmem_shared>>) target(%dma_start3A_243 : memref<128x128xf32, #tpu.memory_space<hbm>>) target_semaphore(%run_scoped3A_241 : memref<!tpu.dma_semaphore, #tpu.memory_space<semaphore_mem>>)
      %dma_wait3A = arith.constant 0 : i32
      %dma_wait3A_246 = tpu.memref_slice %arg7[%arg0, %add3A_236, %dma_wait3A] : memref<2x10240x128xf32, #tpu.memory_space<hbm>> -> memref<1x128x128xf32, #tpu.memory_space<hbm>>
      %dma_wait3A_247 = tpu.memref_squeeze %dma_wait3A_246 : memref<1x128x128xf32, #tpu.memory_space<hbm>> -> memref<128x128xf32, #tpu.memory_space<hbm>>
      %dma_wait3A_248 = arith.constant 0 : i32
      %dma_wait3A_249 = tpu.memref_slice %arg14[%add3A_236, %dma_wait3A_248] : memref<10240x128xf32, #tpu.memory_space<vmem_shared>> -> memref<128x128xf32, #tpu.memory_space<vmem_shared>>
      tpu.wait_dma2 semaphore(%run_scoped3A_241 : memref<!tpu.dma_semaphore, #tpu.memory_space<semaphore_mem>>) src(%dma_wait3A_249 : memref<128x128xf32, #tpu.memory_space<vmem_shared>>) dst(%dma_wait3A_247 : memref<128x128xf32, #tpu.memory_space<hbm>>)
      tpu.yield
    }) : () -> ()
    %add3A_237 = arith.constant 384 : i32
    %add3A_238 = arith.addi %mul3A_9, %add3A_237 : i32
    "tpu.region"() ({
      %run_scoped3A_241 = tpu.sem_alloc : memref<!tpu.dma_semaphore, #tpu.memory_space<semaphore_mem>>
      %dma_start3A = arith.constant 0 : i32
      %dma_start3A_242 = tpu.memref_slice %arg7[%arg0, %add3A_238, %dma_start3A] : memref<2x10240x128xf32, #tpu.memory_space<hbm>> -> memref<1x128x128xf32, #tpu.memory_space<hbm>>
      %dma_start3A_243 = tpu.memref_squeeze %dma_start3A_242 : memref<1x128x128xf32, #tpu.memory_space<hbm>> -> memref<128x128xf32, #tpu.memory_space<hbm>>
      %dma_start3A_244 = arith.constant 0 : i32
      %dma_start3A_245 = tpu.memref_slice %arg14[%add3A_238, %dma_start3A_244] : memref<10240x128xf32, #tpu.memory_space<vmem_shared>> -> memref<128x128xf32, #tpu.memory_space<vmem_shared>>
      tpu.enqueue_dma source(%dma_start3A_245 : memref<128x128xf32, #tpu.memory_space<vmem_shared>>) target(%dma_start3A_243 : memref<128x128xf32, #tpu.memory_space<hbm>>) target_semaphore(%run_scoped3A_241 : memref<!tpu.dma_semaphore, #tpu.memory_space<semaphore_mem>>)
      %dma_wait3A = arith.constant 0 : i32
      %dma_wait3A_246 = tpu.memref_slice %arg7[%arg0, %add3A_238, %dma_wait3A] : memref<2x10240x128xf32, #tpu.memory_space<hbm>> -> memref<1x128x128xf32, #tpu.memory_space<hbm>>
      %dma_wait3A_247 = tpu.memref_squeeze %dma_wait3A_246 : memref<1x128x128xf32, #tpu.memory_space<hbm>> -> memref<128x128xf32, #tpu.memory_space<hbm>>
      %dma_wait3A_248 = arith.constant 0 : i32
      %dma_wait3A_249 = tpu.memref_slice %arg14[%add3A_238, %dma_wait3A_248] : memref<10240x128xf32, #tpu.memory_space<vmem_shared>> -> memref<128x128xf32, #tpu.memory_space<vmem_shared>>
      tpu.wait_dma2 semaphore(%run_scoped3A_241 : memref<!tpu.dma_semaphore, #tpu.memory_space<semaphore_mem>>) src(%dma_wait3A_249 : memref<128x128xf32, #tpu.memory_space<vmem_shared>>) dst(%dma_wait3A_247 : memref<128x128xf32, #tpu.memory_space<hbm>>)
      tpu.yield
    }) : () -> ()
    %add3A_239 = arith.constant 512 : i32
    %add3A_240 = arith.addi %mul3A_9, %add3A_239 : i32
    "tpu.region"() ({
      %run_scoped3A_241 = tpu.sem_alloc : memref<!tpu.dma_semaphore, #tpu.memory_space<semaphore_mem>>
      %dma_start3A = arith.constant 0 : i32
      %dma_start3A_242 = tpu.memref_slice %arg7[%arg0, %add3A_240, %dma_start3A] : memref<2x10240x128xf32, #tpu.memory_space<hbm>> -> memref<1x128x128xf32, #tpu.memory_space<hbm>>
      %dma_start3A_243 = tpu.memref_squeeze %dma_start3A_242 : memref<1x128x128xf32, #tpu.memory_space<hbm>> -> memref<128x128xf32, #tpu.memory_space<hbm>>
      %dma_start3A_244 = arith.constant 0 : i32
      %dma_start3A_245 = tpu.memref_slice %arg14[%add3A_240, %dma_start3A_244] : memref<10240x128xf32, #tpu.memory_space<vmem_shared>> -> memref<128x128xf32, #tpu.memory_space<vmem_shared>>
      tpu.enqueue_dma source(%dma_start3A_245 : memref<128x128xf32, #tpu.memory_space<vmem_shared>>) target(%dma_start3A_243 : memref<128x128xf32, #tpu.memory_space<hbm>>) target_semaphore(%run_scoped3A_241 : memref<!tpu.dma_semaphore, #tpu.memory_space<semaphore_mem>>)
      %dma_wait3A = arith.constant 0 : i32
      %dma_wait3A_246 = tpu.memref_slice %arg7[%arg0, %add3A_240, %dma_wait3A] : memref<2x10240x128xf32, #tpu.memory_space<hbm>> -> memref<1x128x128xf32, #tpu.memory_space<hbm>>
      %dma_wait3A_247 = tpu.memref_squeeze %dma_wait3A_246 : memref<1x128x128xf32, #tpu.memory_space<hbm>> -> memref<128x128xf32, #tpu.memory_space<hbm>>
      %dma_wait3A_248 = arith.constant 0 : i32
      %dma_wait3A_249 = tpu.memref_slice %arg14[%add3A_240, %dma_wait3A_248] : memref<10240x128xf32, #tpu.memory_space<vmem_shared>> -> memref<128x128xf32, #tpu.memory_space<vmem_shared>>
      tpu.wait_dma2 semaphore(%run_scoped3A_241 : memref<!tpu.dma_semaphore, #tpu.memory_space<semaphore_mem>>) src(%dma_wait3A_249 : memref<128x128xf32, #tpu.memory_space<vmem_shared>>) dst(%dma_wait3A_247 : memref<128x128xf32, #tpu.memory_space<hbm>>)
      tpu.yield
    }) : () -> ()
    return
  }
}

#map = affine_map<(d0, d1) -> (0, 0)>
#map1 = affine_map<(d0, d1) -> (0, 0, 0)>
module attributes {stable_mosaic.version = 14 : i64} {
  func.func @_sc_edge_body(%arg0: i32, %arg1: i32, %arg2: memref<10000x128xf32, #tpu.memory_space<hbm>>, %arg3: memref<2592x1x128xi32, #tpu.memory_space<hbm>>, %arg4: memref<2592x1x128xi32, #tpu.memory_space<hbm>>, %arg5: memref<10x1x1000xf32, #tpu.memory_space<hbm>>, %arg6: memref<10x1x1000xf32, #tpu.memory_space<hbm>>, %arg7: memref<2x10240x128xf32, #tpu.memory_space<hbm>>, %arg8: memref<10000xf32, #tpu.memory_space<vmem>>, %arg9: memref<10000xf32, #tpu.memory_space<vmem>>, %arg10: memref<1x128xi32, #tpu.memory_space<vmem>>, %arg11: memref<1x128xi32, #tpu.memory_space<vmem>>, %arg12: memref<1x128x128xf32, #tpu.memory_space<vmem>>, %arg13: memref<128xf32, #tpu.memory_space<vmem>>, %arg14: memref<10240x128xf32, #tpu.memory_space<vmem_shared>>, %arg15: memref<!tpu.dma_semaphore, #tpu.memory_space<semaphore_mem>>, %arg16: memref<!tpu.dma_semaphore, #tpu.memory_space<semaphore_mem>>) attributes {dimension_semantics = [#tpu.dimension_semantics<core_parallel>, #tpu.dimension_semantics<subcore_parallel>], iteration_bounds = array<i64: 2, 16>, scalar_prefetch = 0 : i64, scratch_operands = 9 : i64, tpu.core_type = #tpu.core_type<sc_vector_subcore>, window_params = [{transform_indices = #map}, {transform_indices = #map1}, {transform_indices = #map1}, {transform_indices = #map1}, {transform_indices = #map1}, {transform_indices = #map1}]} {
    %mul3A = arith.constant 16 : i32
    %mul3A_0 = arith.muli %arg0, %mul3A : i32
    %add3A = arith.addi %mul3A_0, %arg1 : i32
    %broadcast_in_dim3A = arith.constant 0.000000e+00 : f32
    %broadcast_in_dim3A_1 = vector.broadcast %broadcast_in_dim3A : f32 to vector<16xf32>
    %scan3A = arith.constant 0 : i32
    %scan3A_2 = arith.constant 0 : i32
    %scan3A_3 = arith.constant 128 : i32
    %scan3A_4 = arith.addi %scan3A_2, %scan3A_3 : i32
    %scan3A_5 = arith.constant 1 : i32
    %scan3A_6 = scf.for %scan3A_241 = %scan3A_2 to %scan3A_4 step %scan3A_5 iter_args(%scan3A_242 = %scan3A) -> (i32)  : i32 {
      %swap3A_243 = arith.constant 0 : i32
      %swap3A_244 = arith.index_cast %swap3A_243 : i32 to index
      %swap3A_245 = arith.index_cast %scan3A_241 : i32 to index
      %swap3A_246 = arith.constant 0 : index
      %swap3A_247 = tpu.vector_load %arg12[%swap3A_244, %swap3A_245, %swap3A_246] {strides = array<i32>} : memref<1x128x128xf32, #tpu.memory_space<vmem>>, vector<16xf32>,
      tpu.vector_store %arg12[%swap3A_244, %swap3A_245, %swap3A_246], %broadcast_in_dim3A_1 {strides = array<i32>} : memref<1x128x128xf32, #tpu.memory_space<vmem>>, vector<16xf32>,
      %swap3A_248 = arith.constant 0 : i32
      %swap3A_249 = arith.index_cast %swap3A_248 : i32 to index
      %swap3A_250 = arith.index_cast %scan3A_241 : i32 to index
      %swap3A_251 = arith.constant 16 : index
      %swap3A_252 = tpu.vector_load %arg12[%swap3A_249, %swap3A_250, %swap3A_251] {strides = array<i32>} : memref<1x128x128xf32, #tpu.memory_space<vmem>>, vector<16xf32>,
      tpu.vector_store %arg12[%swap3A_249, %swap3A_250, %swap3A_251], %broadcast_in_dim3A_1 {strides = array<i32>} : memref<1x128x128xf32, #tpu.memory_space<vmem>>, vector<16xf32>,
      %swap3A_253 = arith.constant 0 : i32
      %swap3A_254 = arith.index_cast %swap3A_253 : i32 to index
      %swap3A_255 = arith.index_cast %scan3A_241 : i32 to index
      %swap3A_256 = arith.constant 32 : index
      %swap3A_257 = tpu.vector_load %arg12[%swap3A_254, %swap3A_255, %swap3A_256] {strides = array<i32>} : memref<1x128x128xf32, #tpu.memory_space<vmem>>, vector<16xf32>,
      tpu.vector_store %arg12[%swap3A_254, %swap3A_255, %swap3A_256], %broadcast_in_dim3A_1 {strides = array<i32>} : memref<1x128x128xf32, #tpu.memory_space<vmem>>, vector<16xf32>,
      %swap3A_258 = arith.constant 0 : i32
      %swap3A_259 = arith.index_cast %swap3A_258 : i32 to index
      %swap3A_260 = arith.index_cast %scan3A_241 : i32 to index
      %swap3A_261 = arith.constant 48 : index
      %swap3A_262 = tpu.vector_load %arg12[%swap3A_259, %swap3A_260, %swap3A_261] {strides = array<i32>} : memref<1x128x128xf32, #tpu.memory_space<vmem>>, vector<16xf32>,
      tpu.vector_store %arg12[%swap3A_259, %swap3A_260, %swap3A_261], %broadcast_in_dim3A_1 {strides = array<i32>} : memref<1x128x128xf32, #tpu.memory_space<vmem>>, vector<16xf32>,
      %swap3A_263 = arith.constant 0 : i32
      %swap3A_264 = arith.index_cast %swap3A_263 : i32 to index
      %swap3A_265 = arith.index_cast %scan3A_241 : i32 to index
      %swap3A_266 = arith.constant 64 : index
      %swap3A_267 = tpu.vector_load %arg12[%swap3A_264, %swap3A_265, %swap3A_266] {strides = array<i32>} : memref<1x128x128xf32, #tpu.memory_space<vmem>>, vector<16xf32>,
      tpu.vector_store %arg12[%swap3A_264, %swap3A_265, %swap3A_266], %broadcast_in_dim3A_1 {strides = array<i32>} : memref<1x128x128xf32, #tpu.memory_space<vmem>>, vector<16xf32>,
      %swap3A_268 = arith.constant 0 : i32
      %swap3A_269 = arith.index_cast %swap3A_268 : i32 to index
      %swap3A_270 = arith.index_cast %scan3A_241 : i32 to index
      %swap3A_271 = arith.constant 80 : index
      %swap3A_272 = tpu.vector_load %arg12[%swap3A_269, %swap3A_270, %swap3A_271] {strides = array<i32>} : memref<1x128x128xf32, #tpu.memory_space<vmem>>, vector<16xf32>,
      tpu.vector_store %arg12[%swap3A_269, %swap3A_270, %swap3A_271], %broadcast_in_dim3A_1 {strides = array<i32>} : memref<1x128x128xf32, #tpu.memory_space<vmem>>, vector<16xf32>,
      %swap3A_273 = arith.constant 0 : i32
      %swap3A_274 = arith.index_cast %swap3A_273 : i32 to index
      %swap3A_275 = arith.index_cast %scan3A_241 : i32 to index
      %swap3A_276 = arith.constant 96 : index
      %swap3A_277 = tpu.vector_load %arg12[%swap3A_274, %swap3A_275, %swap3A_276] {strides = array<i32>} : memref<1x128x128xf32, #tpu.memory_space<vmem>>, vector<16xf32>,
      tpu.vector_store %arg12[%swap3A_274, %swap3A_275, %swap3A_276], %broadcast_in_dim3A_1 {strides = array<i32>} : memref<1x128x128xf32, #tpu.memory_space<vmem>>, vector<16xf32>,
      %swap3A_278 = arith.constant 0 : i32
      %swap3A_279 = arith.index_cast %swap3A_278 : i32 to index
      %swap3A_280 = arith.index_cast %scan3A_241 : i32 to index
      %swap3A_281 = arith.constant 112 : index
      %swap3A_282 = tpu.vector_load %arg12[%swap3A_279, %swap3A_280, %swap3A_281] {strides = array<i32>} : memref<1x128x128xf32, #tpu.memory_space<vmem>>, vector<16xf32>,
      tpu.vector_store %arg12[%swap3A_279, %swap3A_280, %swap3A_281], %broadcast_in_dim3A_1 {strides = array<i32>} : memref<1x128x128xf32, #tpu.memory_space<vmem>>, vector<16xf32>,
      %scan3A_283 = arith.constant 0 : i32
      scf.yield %scan3A_283 : i32
    }
    %scan3A_7 = arith.constant 128 : i32
    %mul3A_8 = arith.constant 640 : i32
    %mul3A_9 = arith.muli %arg1, %mul3A_8 : i32
    %add3A_10 = arith.constant 0 : i32
    %add3A_11 = arith.addi %mul3A_9, %add3A_10 : i32
    %run_scoped3A = arith.constant 0 : i32
    "tpu.region"() ({
      %run_scoped3A_241 = tpu.sem_alloc : memref<!tpu.dma_semaphore, #tpu.memory_space<semaphore_mem>>
      %dma_start3A = arith.constant 0 : i32
      %dma_start3A_242 = arith.constant 0 : i32
      %dma_start3A_243 = tpu.memref_slice %arg12[%run_scoped3A, %dma_start3A, %dma_start3A_242] : memref<1x128x128xf32, #tpu.memory_space<vmem>> -> memref<1x128x128xf32, #tpu.memory_space<vmem>>
      %dma_start3A_244 = tpu.memref_squeeze %dma_start3A_243 : memref<1x128x128xf32, #tpu.memory_space<vmem>> -> memref<128x128xf32, #tpu.memory_space<vmem>>
      %dma_start3A_245 = arith.constant 0 : i32
      %dma_start3A_246 = tpu.memref_slice %arg14[%add3A_11, %dma_start3A_245] : memref<10240x128xf32, #tpu.memory_space<vmem_shared>> -> memref<128x128xf32, #tpu.memory_space<vmem_shared>>
      %dma_start3A_247 = arith.constant 0 : i32
      %dma_start3A_248 = tpu.memref_slice %arg14[%add3A_11, %dma_start3A_247] : memref<10240x128xf32, #tpu.memory_space<vmem_shared>> -> memref<128x128xf32, #tpu.memory_space<vmem_shared>>
      %dma_start3A_249 = arith.constant 0 : i32
      %dma_start3A_250 = arith.constant 0 : i32
      %dma_start3A_251 = tpu.memref_slice %arg12[%run_scoped3A, %dma_start3A_249, %dma_start3A_250] : memref<1x128x128xf32, #tpu.memory_space<vmem>> -> memref<1x128x128xf32, #tpu.memory_space<vmem>>
      %dma_start3A_252 = tpu.memref_squeeze %dma_start3A_251 : memref<1x128x128xf32, #tpu.memory_space<vmem>> -> memref<128x128xf32, #tpu.memory_space<vmem>>
      tpu.enqueue_dma source(%dma_start3A_252 : memref<128x128xf32, #tpu.memory_space<vmem>>) target(%dma_start3A_248 : memref<128x128xf32, #tpu.memory_space<vmem_shared>>) target_semaphore(%run_scoped3A_241 : memref<!tpu.dma_semaphore, #tpu.memory_space<semaphore_mem>>)
      %dma_wait3A = arith.constant 0 : i32
      %dma_wait3A_253 = arith.constant 0 : i32
      %dma_wait3A_254 = tpu.memref_slice %arg12[%run_scoped3A, %dma_wait3A, %dma_wait3A_253] : memref<1x128x128xf32, #tpu.memory_space<vmem>> -> memref<1x128x128xf32, #tpu.memory_space<vmem>>
      %dma_wait3A_255 = tpu.memref_squeeze %dma_wait3A_254 : memref<1x128x128xf32, #tpu.memory_space<vmem>> -> memref<128x128xf32, #tpu.memory_space<vmem>>
      %dma_wait3A_256 = arith.constant 0 : i32
      %dma_wait3A_257 = tpu.memref_slice %arg14[%add3A_11, %dma_wait3A_256] : memref<10240x128xf32, #tpu.memory_space<vmem_shared>> -> memref<128x128xf32, #tpu.memory_space<vmem_shared>>
      %dma_wait3A_258 = arith.constant 0 : i32
      %dma_wait3A_259 = tpu.memref_slice %arg14[%add3A_11, %dma_wait3A_258] : memref<10240x128xf32, #tpu.memory_space<vmem_shared>> -> memref<128x128xf32, #tpu.memory_space<vmem_shared>>
      %dma_wait3A_260 = arith.constant 0 : i32
      %dma_wait3A_261 = arith.constant 0 : i32
      %dma_wait3A_262 = tpu.memref_slice %arg12[%run_scoped3A, %dma_wait3A_260, %dma_wait3A_261] : memref<1x128x128xf32, #tpu.memory_space<vmem>> -> memref<1x128x128xf32, #tpu.memory_space<vmem>>
      %dma_wait3A_263 = tpu.memref_squeeze %dma_wait3A_262 : memref<1x128x128xf32, #tpu.memory_space<vmem>> -> memref<128x128xf32, #tpu.memory_space<vmem>>
      tpu.wait_dma2 semaphore(%run_scoped3A_241 : memref<!tpu.dma_semaphore, #tpu.memory_space<semaphore_mem>>) src(%dma_wait3A_263 : memref<128x128xf32, #tpu.memory_space<vmem>>) dst(%dma_wait3A_259 : memref<128x128xf32, #tpu.memory_space<vmem_shared>>)
      tpu.yield
    }) : () -> ()
    %add3A_12 = arith.constant 128 : i32
    %add3A_13 = arith.addi %mul3A_9, %add3A_12 : i32
    %run_scoped3A_14 = arith.constant 0 : i32
    "tpu.region"() ({
      %run_scoped3A_241 = tpu.sem_alloc : memref<!tpu.dma_semaphore, #tpu.memory_space<semaphore_mem>>
      %dma_start3A = arith.constant 0 : i32
      %dma_start3A_242 = arith.constant 0 : i32
      %dma_start3A_243 = tpu.memref_slice %arg12[%run_scoped3A_14, %dma_start3A, %dma_start3A_242] : memref<1x128x128xf32, #tpu.memory_space<vmem>> -> memref<1x128x128xf32, #tpu.memory_space<vmem>>
      %dma_start3A_244 = tpu.memref_squeeze %dma_start3A_243 : memref<1x128x128xf32, #tpu.memory_space<vmem>> -> memref<128x128xf32, #tpu.memory_space<vmem>>
      %dma_start3A_245 = arith.constant 0 : i32
      %dma_start3A_246 = tpu.memref_slice %arg14[%add3A_13, %dma_start3A_245] : memref<10240x128xf32, #tpu.memory_space<vmem_shared>> -> memref<128x128xf32, #tpu.memory_space<vmem_shared>>
      %dma_start3A_247 = arith.constant 0 : i32
      %dma_start3A_248 = tpu.memref_slice %arg14[%add3A_13, %dma_start3A_247] : memref<10240x128xf32, #tpu.memory_space<vmem_shared>> -> memref<128x128xf32, #tpu.memory_space<vmem_shared>>
      %dma_start3A_249 = arith.constant 0 : i32
      %dma_start3A_250 = arith.constant 0 : i32
      %dma_start3A_251 = tpu.memref_slice %arg12[%run_scoped3A_14, %dma_start3A_249, %dma_start3A_250] : memref<1x128x128xf32, #tpu.memory_space<vmem>> -> memref<1x128x128xf32, #tpu.memory_space<vmem>>
      %dma_start3A_252 = tpu.memref_squeeze %dma_start3A_251 : memref<1x128x128xf32, #tpu.memory_space<vmem>> -> memref<128x128xf32, #tpu.memory_space<vmem>>
      tpu.enqueue_dma source(%dma_start3A_252 : memref<128x128xf32, #tpu.memory_space<vmem>>) target(%dma_start3A_248 : memref<128x128xf32, #tpu.memory_space<vmem_shared>>) target_semaphore(%run_scoped3A_241 : memref<!tpu.dma_semaphore, #tpu.memory_space<semaphore_mem>>)
      %dma_wait3A = arith.constant 0 : i32
      %dma_wait3A_253 = arith.constant 0 : i32
      %dma_wait3A_254 = tpu.memref_slice %arg12[%run_scoped3A_14, %dma_wait3A, %dma_wait3A_253] : memref<1x128x128xf32, #tpu.memory_space<vmem>> -> memref<1x128x128xf32, #tpu.memory_space<vmem>>
      %dma_wait3A_255 = tpu.memref_squeeze %dma_wait3A_254 : memref<1x128x128xf32, #tpu.memory_space<vmem>> -> memref<128x128xf32, #tpu.memory_space<vmem>>
      %dma_wait3A_256 = arith.constant 0 : i32
      %dma_wait3A_257 = tpu.memref_slice %arg14[%add3A_13, %dma_wait3A_256] : memref<10240x128xf32, #tpu.memory_space<vmem_shared>> -> memref<128x128xf32, #tpu.memory_space<vmem_shared>>
      %dma_wait3A_258 = arith.constant 0 : i32
      %dma_wait3A_259 = tpu.memref_slice %arg14[%add3A_13, %dma_wait3A_258] : memref<10240x128xf32, #tpu.memory_space<vmem_shared>> -> memref<128x128xf32, #tpu.memory_space<vmem_shared>>
      %dma_wait3A_260 = arith.constant 0 : i32
      %dma_wait3A_261 = arith.constant 0 : i32
      %dma_wait3A_262 = tpu.memref_slice %arg12[%run_scoped3A_14, %dma_wait3A_260, %dma_wait3A_261] : memref<1x128x128xf32, #tpu.memory_space<vmem>> -> memref<1x128x128xf32, #tpu.memory_space<vmem>>
      %dma_wait3A_263 = tpu.memref_squeeze %dma_wait3A_262 : memref<1x128x128xf32, #tpu.memory_space<vmem>> -> memref<128x128xf32, #tpu.memory_space<vmem>>
      tpu.wait_dma2 semaphore(%run_scoped3A_241 : memref<!tpu.dma_semaphore, #tpu.memory_space<semaphore_mem>>) src(%dma_wait3A_263 : memref<128x128xf32, #tpu.memory_space<vmem>>) dst(%dma_wait3A_259 : memref<128x128xf32, #tpu.memory_space<vmem_shared>>)
      tpu.yield
    }) : () -> ()
    %add3A_15 = arith.constant 256 : i32
    %add3A_16 = arith.addi %mul3A_9, %add3A_15 : i32
    %run_scoped3A_17 = arith.constant 0 : i32
    "tpu.region"() ({
      %run_scoped3A_241 = tpu.sem_alloc : memref<!tpu.dma_semaphore, #tpu.memory_space<semaphore_mem>>
      %dma_start3A = arith.constant 0 : i32
      %dma_start3A_242 = arith.constant 0 : i32
      %dma_start3A_243 = tpu.memref_slice %arg12[%run_scoped3A_17, %dma_start3A, %dma_start3A_242] : memref<1x128x128xf32, #tpu.memory_space<vmem>> -> memref<1x128x128xf32, #tpu.memory_space<vmem>>
      %dma_start3A_244 = tpu.memref_squeeze %dma_start3A_243 : memref<1x128x128xf32, #tpu.memory_space<vmem>> -> memref<128x128xf32, #tpu.memory_space<vmem>>
      %dma_start3A_245 = arith.constant 0 : i32
      %dma_start3A_246 = tpu.memref_slice %arg14[%add3A_16, %dma_start3A_245] : memref<10240x128xf32, #tpu.memory_space<vmem_shared>> -> memref<128x128xf32, #tpu.memory_space<vmem_shared>>
      %dma_start3A_247 = arith.constant 0 : i32
      %dma_start3A_248 = tpu.memref_slice %arg14[%add3A_16, %dma_start3A_247] : memref<10240x128xf32, #tpu.memory_space<vmem_shared>> -> memref<128x128xf32, #tpu.memory_space<vmem_shared>>
      %dma_start3A_249 = arith.constant 0 : i32
      %dma_start3A_250 = arith.constant 0 : i32
      %dma_start3A_251 = tpu.memref_slice %arg12[%run_scoped3A_17, %dma_start3A_249, %dma_start3A_250] : memref<1x128x128xf32, #tpu.memory_space<vmem>> -> memref<1x128x128xf32, #tpu.memory_space<vmem>>
      %dma_start3A_252 = tpu.memref_squeeze %dma_start3A_251 : memref<1x128x128xf32, #tpu.memory_space<vmem>> -> memref<128x128xf32, #tpu.memory_space<vmem>>
      tpu.enqueue_dma source(%dma_start3A_252 : memref<128x128xf32, #tpu.memory_space<vmem>>) target(%dma_start3A_248 : memref<128x128xf32, #tpu.memory_space<vmem_shared>>) target_semaphore(%run_scoped3A_241 : memref<!tpu.dma_semaphore, #tpu.memory_space<semaphore_mem>>)
      %dma_wait3A = arith.constant 0 : i32
      %dma_wait3A_253 = arith.constant 0 : i32
      %dma_wait3A_254 = tpu.memref_slice %arg12[%run_scoped3A_17, %dma_wait3A, %dma_wait3A_253] : memref<1x128x128xf32, #tpu.memory_space<vmem>> -> memref<1x128x128xf32, #tpu.memory_space<vmem>>
      %dma_wait3A_255 = tpu.memref_squeeze %dma_wait3A_254 : memref<1x128x128xf32, #tpu.memory_space<vmem>> -> memref<128x128xf32, #tpu.memory_space<vmem>>
      %dma_wait3A_256 = arith.constant 0 : i32
      %dma_wait3A_257 = tpu.memref_slice %arg14[%add3A_16, %dma_wait3A_256] : memref<10240x128xf32, #tpu.memory_space<vmem_shared>> -> memref<128x128xf32, #tpu.memory_space<vmem_shared>>
      %dma_wait3A_258 = arith.constant 0 : i32
      %dma_wait3A_259 = tpu.memref_slice %arg14[%add3A_16, %dma_wait3A_258] : memref<10240x128xf32, #tpu.memory_space<vmem_shared>> -> memref<128x128xf32, #tpu.memory_space<vmem_shared>>
      %dma_wait3A_260 = arith.constant 0 : i32
      %dma_wait3A_261 = arith.constant 0 : i32
      %dma_wait3A_262 = tpu.memref_slice %arg12[%run_scoped3A_17, %dma_wait3A_260, %dma_wait3A_261] : memref<1x128x128xf32, #tpu.memory_space<vmem>> -> memref<1x128x128xf32, #tpu.memory_space<vmem>>
      %dma_wait3A_263 = tpu.memref_squeeze %dma_wait3A_262 : memref<1x128x128xf32, #tpu.memory_space<vmem>> -> memref<128x128xf32, #tpu.memory_space<vmem>>
      tpu.wait_dma2 semaphore(%run_scoped3A_241 : memref<!tpu.dma_semaphore, #tpu.memory_space<semaphore_mem>>) src(%dma_wait3A_263 : memref<128x128xf32, #tpu.memory_space<vmem>>) dst(%dma_wait3A_259 : memref<128x128xf32, #tpu.memory_space<vmem_shared>>)
      tpu.yield
    }) : () -> ()
    %add3A_18 = arith.constant 384 : i32
    %add3A_19 = arith.addi %mul3A_9, %add3A_18 : i32
    %run_scoped3A_20 = arith.constant 0 : i32
    "tpu.region"() ({
      %run_scoped3A_241 = tpu.sem_alloc : memref<!tpu.dma_semaphore, #tpu.memory_space<semaphore_mem>>
      %dma_start3A = arith.constant 0 : i32
      %dma_start3A_242 = arith.constant 0 : i32
      %dma_start3A_243 = tpu.memref_slice %arg12[%run_scoped3A_20, %dma_start3A, %dma_start3A_242] : memref<1x128x128xf32, #tpu.memory_space<vmem>> -> memref<1x128x128xf32, #tpu.memory_space<vmem>>
      %dma_start3A_244 = tpu.memref_squeeze %dma_start3A_243 : memref<1x128x128xf32, #tpu.memory_space<vmem>> -> memref<128x128xf32, #tpu.memory_space<vmem>>
      %dma_start3A_245 = arith.constant 0 : i32
      %dma_start3A_246 = tpu.memref_slice %arg14[%add3A_19, %dma_start3A_245] : memref<10240x128xf32, #tpu.memory_space<vmem_shared>> -> memref<128x128xf32, #tpu.memory_space<vmem_shared>>
      %dma_start3A_247 = arith.constant 0 : i32
      %dma_start3A_248 = tpu.memref_slice %arg14[%add3A_19, %dma_start3A_247] : memref<10240x128xf32, #tpu.memory_space<vmem_shared>> -> memref<128x128xf32, #tpu.memory_space<vmem_shared>>
      %dma_start3A_249 = arith.constant 0 : i32
      %dma_start3A_250 = arith.constant 0 : i32
      %dma_start3A_251 = tpu.memref_slice %arg12[%run_scoped3A_20, %dma_start3A_249, %dma_start3A_250] : memref<1x128x128xf32, #tpu.memory_space<vmem>> -> memref<1x128x128xf32, #tpu.memory_space<vmem>>
      %dma_start3A_252 = tpu.memref_squeeze %dma_start3A_251 : memref<1x128x128xf32, #tpu.memory_space<vmem>> -> memref<128x128xf32, #tpu.memory_space<vmem>>
      tpu.enqueue_dma source(%dma_start3A_252 : memref<128x128xf32, #tpu.memory_space<vmem>>) target(%dma_start3A_248 : memref<128x128xf32, #tpu.memory_space<vmem_shared>>) target_semaphore(%run_scoped3A_241 : memref<!tpu.dma_semaphore, #tpu.memory_space<semaphore_mem>>)
      %dma_wait3A = arith.constant 0 : i32
      %dma_wait3A_253 = arith.constant 0 : i32
      %dma_wait3A_254 = tpu.memref_slice %arg12[%run_scoped3A_20, %dma_wait3A, %dma_wait3A_253] : memref<1x128x128xf32, #tpu.memory_space<vmem>> -> memref<1x128x128xf32, #tpu.memory_space<vmem>>
      %dma_wait3A_255 = tpu.memref_squeeze %dma_wait3A_254 : memref<1x128x128xf32, #tpu.memory_space<vmem>> -> memref<128x128xf32, #tpu.memory_space<vmem>>
      %dma_wait3A_256 = arith.constant 0 : i32
      %dma_wait3A_257 = tpu.memref_slice %arg14[%add3A_19, %dma_wait3A_256] : memref<10240x128xf32, #tpu.memory_space<vmem_shared>> -> memref<128x128xf32, #tpu.memory_space<vmem_shared>>
      %dma_wait3A_258 = arith.constant 0 : i32
      %dma_wait3A_259 = tpu.memref_slice %arg14[%add3A_19, %dma_wait3A_258] : memref<10240x128xf32, #tpu.memory_space<vmem_shared>> -> memref<128x128xf32, #tpu.memory_space<vmem_shared>>
      %dma_wait3A_260 = arith.constant 0 : i32
      %dma_wait3A_261 = arith.constant 0 : i32
      %dma_wait3A_262 = tpu.memref_slice %arg12[%run_scoped3A_20, %dma_wait3A_260, %dma_wait3A_261] : memref<1x128x128xf32, #tpu.memory_space<vmem>> -> memref<1x128x128xf32, #tpu.memory_space<vmem>>
      %dma_wait3A_263 = tpu.memref_squeeze %dma_wait3A_262 : memref<1x128x128xf32, #tpu.memory_space<vmem>> -> memref<128x128xf32, #tpu.memory_space<vmem>>
      tpu.wait_dma2 semaphore(%run_scoped3A_241 : memref<!tpu.dma_semaphore, #tpu.memory_space<semaphore_mem>>) src(%dma_wait3A_263 : memref<128x128xf32, #tpu.memory_space<vmem>>) dst(%dma_wait3A_259 : memref<128x128xf32, #tpu.memory_space<vmem_shared>>)
      tpu.yield
    }) : () -> ()
    %add3A_21 = arith.constant 512 : i32
    %add3A_22 = arith.addi %mul3A_9, %add3A_21 : i32
    %run_scoped3A_23 = arith.constant 0 : i32
    "tpu.region"() ({
      %run_scoped3A_241 = tpu.sem_alloc : memref<!tpu.dma_semaphore, #tpu.memory_space<semaphore_mem>>
      %dma_start3A = arith.constant 0 : i32
      %dma_start3A_242 = arith.constant 0 : i32
      %dma_start3A_243 = tpu.memref_slice %arg12[%run_scoped3A_23, %dma_start3A, %dma_start3A_242] : memref<1x128x128xf32, #tpu.memory_space<vmem>> -> memref<1x128x128xf32, #tpu.memory_space<vmem>>
      %dma_start3A_244 = tpu.memref_squeeze %dma_start3A_243 : memref<1x128x128xf32, #tpu.memory_space<vmem>> -> memref<128x128xf32, #tpu.memory_space<vmem>>
      %dma_start3A_245 = arith.constant 0 : i32
      %dma_start3A_246 = tpu.memref_slice %arg14[%add3A_22, %dma_start3A_245] : memref<10240x128xf32, #tpu.memory_space<vmem_shared>> -> memref<128x128xf32, #tpu.memory_space<vmem_shared>>
      %dma_start3A_247 = arith.constant 0 : i32
      %dma_start3A_248 = tpu.memref_slice %arg14[%add3A_22, %dma_start3A_247] : memref<10240x128xf32, #tpu.memory_space<vmem_shared>> -> memref<128x128xf32, #tpu.memory_space<vmem_shared>>
      %dma_start3A_249 = arith.constant 0 : i32
      %dma_start3A_250 = arith.constant 0 : i32
      %dma_start3A_251 = tpu.memref_slice %arg12[%run_scoped3A_23, %dma_start3A_249, %dma_start3A_250] : memref<1x128x128xf32, #tpu.memory_space<vmem>> -> memref<1x128x128xf32, #tpu.memory_space<vmem>>
      %dma_start3A_252 = tpu.memref_squeeze %dma_start3A_251 : memref<1x128x128xf32, #tpu.memory_space<vmem>> -> memref<128x128xf32, #tpu.memory_space<vmem>>
      tpu.enqueue_dma source(%dma_start3A_252 : memref<128x128xf32, #tpu.memory_space<vmem>>) target(%dma_start3A_248 : memref<128x128xf32, #tpu.memory_space<vmem_shared>>) target_semaphore(%run_scoped3A_241 : memref<!tpu.dma_semaphore, #tpu.memory_space<semaphore_mem>>)
      %dma_wait3A = arith.constant 0 : i32
      %dma_wait3A_253 = arith.constant 0 : i32
      %dma_wait3A_254 = tpu.memref_slice %arg12[%run_scoped3A_23, %dma_wait3A, %dma_wait3A_253] : memref<1x128x128xf32, #tpu.memory_space<vmem>> -> memref<1x128x128xf32, #tpu.memory_space<vmem>>
      %dma_wait3A_255 = tpu.memref_squeeze %dma_wait3A_254 : memref<1x128x128xf32, #tpu.memory_space<vmem>> -> memref<128x128xf32, #tpu.memory_space<vmem>>
      %dma_wait3A_256 = arith.constant 0 : i32
      %dma_wait3A_257 = tpu.memref_slice %arg14[%add3A_22, %dma_wait3A_256] : memref<10240x128xf32, #tpu.memory_space<vmem_shared>> -> memref<128x128xf32, #tpu.memory_space<vmem_shared>>
      %dma_wait3A_258 = arith.constant 0 : i32
      %dma_wait3A_259 = tpu.memref_slice %arg14[%add3A_22, %dma_wait3A_258] : memref<10240x128xf32, #tpu.memory_space<vmem_shared>> -> memref<128x128xf32, #tpu.memory_space<vmem_shared>>
      %dma_wait3A_260 = arith.constant 0 : i32
      %dma_wait3A_261 = arith.constant 0 : i32
      %dma_wait3A_262 = tpu.memref_slice %arg12[%run_scoped3A_23, %dma_wait3A_260, %dma_wait3A_261] : memref<1x128x128xf32, #tpu.memory_space<vmem>> -> memref<1x128x128xf32, #tpu.memory_space<vmem>>
      %dma_wait3A_263 = tpu.memref_squeeze %dma_wait3A_262 : memref<1x128x128xf32, #tpu.memory_space<vmem>> -> memref<128x128xf32, #tpu.memory_space<vmem>>
      tpu.wait_dma2 semaphore(%run_scoped3A_241 : memref<!tpu.dma_semaphore, #tpu.memory_space<semaphore_mem>>) src(%dma_wait3A_263 : memref<128x128xf32, #tpu.memory_space<vmem>>) dst(%dma_wait3A_259 : memref<128x128xf32, #tpu.memory_space<vmem_shared>>)
      tpu.yield
    }) : () -> ()
    %run_scoped3A_24 = arith.constant 0 : i32
    %run_scoped3A_25 = arith.constant 0 : i32
    "tpu.region"() ({
      %run_scoped3A_241 = tpu.sem_alloc : memref<!tpu.dma_semaphore, #tpu.memory_space<semaphore_mem>>
      %dma_start3A = arith.constant 0 : i32
      %dma_start3A_242 = tpu.memref_slice %arg8[%dma_start3A] : memref<10000xf32, #tpu.memory_space<vmem>> -> memref<1000xf32, #tpu.memory_space<vmem>>
      %dma_start3A_243 = arith.constant 0 : i32
      %dma_start3A_244 = tpu.memref_slice %arg5[%run_scoped3A_24, %run_scoped3A_25, %dma_start3A_243] : memref<10x1x1000xf32, #tpu.memory_space<hbm>> -> memref<1x1x1000xf32, #tpu.memory_space<hbm>>
      %dma_start3A_245 = tpu.memref_squeeze %dma_start3A_244 : memref<1x1x1000xf32, #tpu.memory_space<hbm>> -> memref<1000xf32, #tpu.memory_space<hbm>>
      %dma_start3A_246 = arith.constant 0 : i32
      %dma_start3A_247 = tpu.memref_slice %arg8[%dma_start3A_246] : memref<10000xf32, #tpu.memory_space<vmem>> -> memref<1000xf32, #tpu.memory_space<vmem>>
      %dma_start3A_248 = arith.constant 0 : i32
      %dma_start3A_249 = tpu.memref_slice %arg5[%run_scoped3A_24, %run_scoped3A_25, %dma_start3A_248] : memref<10x1x1000xf32, #tpu.memory_space<hbm>> -> memref<1x1x1000xf32, #tpu.memory_space<hbm>>
      %dma_start3A_250 = tpu.memref_squeeze %dma_start3A_249 : memref<1x1x1000xf32, #tpu.memory_space<hbm>> -> memref<1000xf32, #tpu.memory_space<hbm>>
      tpu.enqueue_dma source(%dma_start3A_250 : memref<1000xf32, #tpu.memory_space<hbm>>) target(%dma_start3A_247 : memref<1000xf32, #tpu.memory_space<vmem>>) target_semaphore(%run_scoped3A_241 : memref<!tpu.dma_semaphore, #tpu.memory_space<semaphore_mem>>)
      %dma_wait3A = arith.constant 0 : i32
      %dma_wait3A_251 = tpu.memref_slice %arg8[%dma_wait3A] : memref<10000xf32, #tpu.memory_space<vmem>> -> memref<1000xf32, #tpu.memory_space<vmem>>
      %dma_wait3A_252 = arith.constant 0 : i32
      %dma_wait3A_253 = tpu.memref_slice %arg5[%run_scoped3A_24, %run_scoped3A_25, %dma_wait3A_252] : memref<10x1x1000xf32, #tpu.memory_space<hbm>> -> memref<1x1x1000xf32, #tpu.memory_space<hbm>>
      %dma_wait3A_254 = tpu.memref_squeeze %dma_wait3A_253 : memref<1x1x1000xf32, #tpu.memory_space<hbm>> -> memref<1000xf32, #tpu.memory_space<hbm>>
      %dma_wait3A_255 = arith.constant 0 : i32
      %dma_wait3A_256 = tpu.memref_slice %arg8[%dma_wait3A_255] : memref<10000xf32, #tpu.memory_space<vmem>> -> memref<1000xf32, #tpu.memory_space<vmem>>
      %dma_wait3A_257 = arith.constant 0 : i32
      %dma_wait3A_258 = tpu.memref_slice %arg5[%run_scoped3A_24, %run_scoped3A_25, %dma_wait3A_257] : memref<10x1x1000xf32, #tpu.memory_space<hbm>> -> memref<1x1x1000xf32, #tpu.memory_space<hbm>>
      %dma_wait3A_259 = tpu.memref_squeeze %dma_wait3A_258 : memref<1x1x1000xf32, #tpu.memory_space<hbm>> -> memref<1000xf32, #tpu.memory_space<hbm>>
      tpu.wait_dma2 semaphore(%run_scoped3A_241 : memref<!tpu.dma_semaphore, #tpu.memory_space<semaphore_mem>>) src(%dma_wait3A_259 : memref<1000xf32, #tpu.memory_space<hbm>>) dst(%dma_wait3A_256 : memref<1000xf32, #tpu.memory_space<vmem>>)
      tpu.yield
    }) : () -> ()
    %run_scoped3A_26 = arith.constant 0 : i32
    %run_scoped3A_27 = arith.constant 0 : i32
    "tpu.region"() ({
      %run_scoped3A_241 = tpu.sem_alloc : memref<!tpu.dma_semaphore, #tpu.memory_space<semaphore_mem>>
      %dma_start3A = arith.constant 0 : i32
      %dma_start3A_242 = tpu.memref_slice %arg9[%dma_start3A] : memref<10000xf32, #tpu.memory_space<vmem>> -> memref<1000xf32, #tpu.memory_space<vmem>>
      %dma_start3A_243 = arith.constant 0 : i32
      %dma_start3A_244 = tpu.memref_slice %arg6[%run_scoped3A_26, %run_scoped3A_27, %dma_start3A_243] : memref<10x1x1000xf32, #tpu.memory_space<hbm>> -> memref<1x1x1000xf32, #tpu.memory_space<hbm>>
      %dma_start3A_245 = tpu.memref_squeeze %dma_start3A_244 : memref<1x1x1000xf32, #tpu.memory_space<hbm>> -> memref<1000xf32, #tpu.memory_space<hbm>>
      %dma_start3A_246 = arith.constant 0 : i32
      %dma_start3A_247 = tpu.memref_slice %arg9[%dma_start3A_246] : memref<10000xf32, #tpu.memory_space<vmem>> -> memref<1000xf32, #tpu.memory_space<vmem>>
      %dma_start3A_248 = arith.constant 0 : i32
      %dma_start3A_249 = tpu.memref_slice %arg6[%run_scoped3A_26, %run_scoped3A_27, %dma_start3A_248] : memref<10x1x1000xf32, #tpu.memory_space<hbm>> -> memref<1x1x1000xf32, #tpu.memory_space<hbm>>
      %dma_start3A_250 = tpu.memref_squeeze %dma_start3A_249 : memref<1x1x1000xf32, #tpu.memory_space<hbm>> -> memref<1000xf32, #tpu.memory_space<hbm>>
      tpu.enqueue_dma source(%dma_start3A_250 : memref<1000xf32, #tpu.memory_space<hbm>>) target(%dma_start3A_247 : memref<1000xf32, #tpu.memory_space<vmem>>) target_semaphore(%run_scoped3A_241 : memref<!tpu.dma_semaphore, #tpu.memory_space<semaphore_mem>>)
      %dma_wait3A = arith.constant 0 : i32
      %dma_wait3A_251 = tpu.memref_slice %arg9[%dma_wait3A] : memref<10000xf32, #tpu.memory_space<vmem>> -> memref<1000xf32, #tpu.memory_space<vmem>>
      %dma_wait3A_252 = arith.constant 0 : i32
      %dma_wait3A_253 = tpu.memref_slice %arg6[%run_scoped3A_26, %run_scoped3A_27, %dma_wait3A_252] : memref<10x1x1000xf32, #tpu.memory_space<hbm>> -> memref<1x1x1000xf32, #tpu.memory_space<hbm>>
      %dma_wait3A_254 = tpu.memref_squeeze %dma_wait3A_253 : memref<1x1x1000xf32, #tpu.memory_space<hbm>> -> memref<1000xf32, #tpu.memory_space<hbm>>
      %dma_wait3A_255 = arith.constant 0 : i32
      %dma_wait3A_256 = tpu.memref_slice %arg9[%dma_wait3A_255] : memref<10000xf32, #tpu.memory_space<vmem>> -> memref<1000xf32, #tpu.memory_space<vmem>>
      %dma_wait3A_257 = arith.constant 0 : i32
      %dma_wait3A_258 = tpu.memref_slice %arg6[%run_scoped3A_26, %run_scoped3A_27, %dma_wait3A_257] : memref<10x1x1000xf32, #tpu.memory_space<hbm>> -> memref<1x1x1000xf32, #tpu.memory_space<hbm>>
      %dma_wait3A_259 = tpu.memref_squeeze %dma_wait3A_258 : memref<1x1x1000xf32, #tpu.memory_space<hbm>> -> memref<1000xf32, #tpu.memory_space<hbm>>
      tpu.wait_dma2 semaphore(%run_scoped3A_241 : memref<!tpu.dma_semaphore, #tpu.memory_space<semaphore_mem>>) src(%dma_wait3A_259 : memref<1000xf32, #tpu.memory_space<hbm>>) dst(%dma_wait3A_256 : memref<1000xf32, #tpu.memory_space<vmem>>)
      tpu.yield
    }) : () -> ()
    %run_scoped3A_28 = arith.constant 1 : i32
    %run_scoped3A_29 = arith.constant 0 : i32
    "tpu.region"() ({
      %run_scoped3A_241 = tpu.sem_alloc : memref<!tpu.dma_semaphore, #tpu.memory_space<semaphore_mem>>
      %dma_start3A = arith.constant 1000 : i32
      %dma_start3A_242 = tpu.memref_slice %arg8[%dma_start3A] : memref<10000xf32, #tpu.memory_space<vmem>> -> memref<1000xf32, #tpu.memory_space<vmem>>
      %dma_start3A_243 = arith.constant 0 : i32
      %dma_start3A_244 = tpu.memref_slice %arg5[%run_scoped3A_28, %run_scoped3A_29, %dma_start3A_243] : memref<10x1x1000xf32, #tpu.memory_space<hbm>> -> memref<1x1x1000xf32, #tpu.memory_space<hbm>>
      %dma_start3A_245 = tpu.memref_squeeze %dma_start3A_244 : memref<1x1x1000xf32, #tpu.memory_space<hbm>> -> memref<1000xf32, #tpu.memory_space<hbm>>
      %dma_start3A_246 = arith.constant 1000 : i32
      %dma_start3A_247 = tpu.memref_slice %arg8[%dma_start3A_246] : memref<10000xf32, #tpu.memory_space<vmem>> -> memref<1000xf32, #tpu.memory_space<vmem>>
      %dma_start3A_248 = arith.constant 0 : i32
      %dma_start3A_249 = tpu.memref_slice %arg5[%run_scoped3A_28, %run_scoped3A_29, %dma_start3A_248] : memref<10x1x1000xf32, #tpu.memory_space<hbm>> -> memref<1x1x1000xf32, #tpu.memory_space<hbm>>
      %dma_start3A_250 = tpu.memref_squeeze %dma_start3A_249 : memref<1x1x1000xf32, #tpu.memory_space<hbm>> -> memref<1000xf32, #tpu.memory_space<hbm>>
      tpu.enqueue_dma source(%dma_start3A_250 : memref<1000xf32, #tpu.memory_space<hbm>>) target(%dma_start3A_247 : memref<1000xf32, #tpu.memory_space<vmem>>) target_semaphore(%run_scoped3A_241 : memref<!tpu.dma_semaphore, #tpu.memory_space<semaphore_mem>>)
      %dma_wait3A = arith.constant 1000 : i32
      %dma_wait3A_251 = tpu.memref_slice %arg8[%dma_wait3A] : memref<10000xf32, #tpu.memory_space<vmem>> -> memref<1000xf32, #tpu.memory_space<vmem>>
      %dma_wait3A_252 = arith.constant 0 : i32
      %dma_wait3A_253 = tpu.memref_slice %arg5[%run_scoped3A_28, %run_scoped3A_29, %dma_wait3A_252] : memref<10x1x1000xf32, #tpu.memory_space<hbm>> -> memref<1x1x1000xf32, #tpu.memory_space<hbm>>
      %dma_wait3A_254 = tpu.memref_squeeze %dma_wait3A_253 : memref<1x1x1000xf32, #tpu.memory_space<hbm>> -> memref<1000xf32, #tpu.memory_space<hbm>>
      %dma_wait3A_255 = arith.constant 1000 : i32
      %dma_wait3A_256 = tpu.memref_slice %arg8[%dma_wait3A_255] : memref<10000xf32, #tpu.memory_space<vmem>> -> memref<1000xf32, #tpu.memory_space<vmem>>
      %dma_wait3A_257 = arith.constant 0 : i32
      %dma_wait3A_258 = tpu.memref_slice %arg5[%run_scoped3A_28, %run_scoped3A_29, %dma_wait3A_257] : memref<10x1x1000xf32, #tpu.memory_space<hbm>> -> memref<1x1x1000xf32, #tpu.memory_space<hbm>>
      %dma_wait3A_259 = tpu.memref_squeeze %dma_wait3A_258 : memref<1x1x1000xf32, #tpu.memory_space<hbm>> -> memref<1000xf32, #tpu.memory_space<hbm>>
      tpu.wait_dma2 semaphore(%run_scoped3A_241 : memref<!tpu.dma_semaphore, #tpu.memory_space<semaphore_mem>>) src(%dma_wait3A_259 : memref<1000xf32, #tpu.memory_space<hbm>>) dst(%dma_wait3A_256 : memref<1000xf32, #tpu.memory_space<vmem>>)
      tpu.yield
    }) : () -> ()
    %run_scoped3A_30 = arith.constant 1 : i32
    %run_scoped3A_31 = arith.constant 0 : i32
    "tpu.region"() ({
      %run_scoped3A_241 = tpu.sem_alloc : memref<!tpu.dma_semaphore, #tpu.memory_space<semaphore_mem>>
      %dma_start3A = arith.constant 1000 : i32
      %dma_start3A_242 = tpu.memref_slice %arg9[%dma_start3A] : memref<10000xf32, #tpu.memory_space<vmem>> -> memref<1000xf32, #tpu.memory_space<vmem>>
      %dma_start3A_243 = arith.constant 0 : i32
      %dma_start3A_244 = tpu.memref_slice %arg6[%run_scoped3A_30, %run_scoped3A_31, %dma_start3A_243] : memref<10x1x1000xf32, #tpu.memory_space<hbm>> -> memref<1x1x1000xf32, #tpu.memory_space<hbm>>
      %dma_start3A_245 = tpu.memref_squeeze %dma_start3A_244 : memref<1x1x1000xf32, #tpu.memory_space<hbm>> -> memref<1000xf32, #tpu.memory_space<hbm>>
      %dma_start3A_246 = arith.constant 1000 : i32
      %dma_start3A_247 = tpu.memref_slice %arg9[%dma_start3A_246] : memref<10000xf32, #tpu.memory_space<vmem>> -> memref<1000xf32, #tpu.memory_space<vmem>>
      %dma_start3A_248 = arith.constant 0 : i32
      %dma_start3A_249 = tpu.memref_slice %arg6[%run_scoped3A_30, %run_scoped3A_31, %dma_start3A_248] : memref<10x1x1000xf32, #tpu.memory_space<hbm>> -> memref<1x1x1000xf32, #tpu.memory_space<hbm>>
      %dma_start3A_250 = tpu.memref_squeeze %dma_start3A_249 : memref<1x1x1000xf32, #tpu.memory_space<hbm>> -> memref<1000xf32, #tpu.memory_space<hbm>>
      tpu.enqueue_dma source(%dma_start3A_250 : memref<1000xf32, #tpu.memory_space<hbm>>) target(%dma_start3A_247 : memref<1000xf32, #tpu.memory_space<vmem>>) target_semaphore(%run_scoped3A_241 : memref<!tpu.dma_semaphore, #tpu.memory_space<semaphore_mem>>)
      %dma_wait3A = arith.constant 1000 : i32
      %dma_wait3A_251 = tpu.memref_slice %arg9[%dma_wait3A] : memref<10000xf32, #tpu.memory_space<vmem>> -> memref<1000xf32, #tpu.memory_space<vmem>>
      %dma_wait3A_252 = arith.constant 0 : i32
      %dma_wait3A_253 = tpu.memref_slice %arg6[%run_scoped3A_30, %run_scoped3A_31, %dma_wait3A_252] : memref<10x1x1000xf32, #tpu.memory_space<hbm>> -> memref<1x1x1000xf32, #tpu.memory_space<hbm>>
      %dma_wait3A_254 = tpu.memref_squeeze %dma_wait3A_253 : memref<1x1x1000xf32, #tpu.memory_space<hbm>> -> memref<1000xf32, #tpu.memory_space<hbm>>
      %dma_wait3A_255 = arith.constant 1000 : i32
      %dma_wait3A_256 = tpu.memref_slice %arg9[%dma_wait3A_255] : memref<10000xf32, #tpu.memory_space<vmem>> -> memref<1000xf32, #tpu.memory_space<vmem>>
      %dma_wait3A_257 = arith.constant 0 : i32
      %dma_wait3A_258 = tpu.memref_slice %arg6[%run_scoped3A_30, %run_scoped3A_31, %dma_wait3A_257] : memref<10x1x1000xf32, #tpu.memory_space<hbm>> -> memref<1x1x1000xf32, #tpu.memory_space<hbm>>
      %dma_wait3A_259 = tpu.memref_squeeze %dma_wait3A_258 : memref<1x1x1000xf32, #tpu.memory_space<hbm>> -> memref<1000xf32, #tpu.memory_space<hbm>>
      tpu.wait_dma2 semaphore(%run_scoped3A_241 : memref<!tpu.dma_semaphore, #tpu.memory_space<semaphore_mem>>) src(%dma_wait3A_259 : memref<1000xf32, #tpu.memory_space<hbm>>) dst(%dma_wait3A_256 : memref<1000xf32, #tpu.memory_space<vmem>>)
      tpu.yield
    }) : () -> ()
    %run_scoped3A_32 = arith.constant 2 : i32
    %run_scoped3A_33 = arith.constant 0 : i32
    "tpu.region"() ({
      %run_scoped3A_241 = tpu.sem_alloc : memref<!tpu.dma_semaphore, #tpu.memory_space<semaphore_mem>>
      %dma_start3A = arith.constant 2000 : i32
      %dma_start3A_242 = tpu.memref_slice %arg8[%dma_start3A] : memref<10000xf32, #tpu.memory_space<vmem>> -> memref<1000xf32, #tpu.memory_space<vmem>>
      %dma_start3A_243 = arith.constant 0 : i32
      %dma_start3A_244 = tpu.memref_slice %arg5[%run_scoped3A_32, %run_scoped3A_33, %dma_start3A_243] : memref<10x1x1000xf32, #tpu.memory_space<hbm>> -> memref<1x1x1000xf32, #tpu.memory_space<hbm>>
      %dma_start3A_245 = tpu.memref_squeeze %dma_start3A_244 : memref<1x1x1000xf32, #tpu.memory_space<hbm>> -> memref<1000xf32, #tpu.memory_space<hbm>>
      %dma_start3A_246 = arith.constant 2000 : i32
      %dma_start3A_247 = tpu.memref_slice %arg8[%dma_start3A_246] : memref<10000xf32, #tpu.memory_space<vmem>> -> memref<1000xf32, #tpu.memory_space<vmem>>
      %dma_start3A_248 = arith.constant 0 : i32
      %dma_start3A_249 = tpu.memref_slice %arg5[%run_scoped3A_32, %run_scoped3A_33, %dma_start3A_248] : memref<10x1x1000xf32, #tpu.memory_space<hbm>> -> memref<1x1x1000xf32, #tpu.memory_space<hbm>>
      %dma_start3A_250 = tpu.memref_squeeze %dma_start3A_249 : memref<1x1x1000xf32, #tpu.memory_space<hbm>> -> memref<1000xf32, #tpu.memory_space<hbm>>
      tpu.enqueue_dma source(%dma_start3A_250 : memref<1000xf32, #tpu.memory_space<hbm>>) target(%dma_start3A_247 : memref<1000xf32, #tpu.memory_space<vmem>>) target_semaphore(%run_scoped3A_241 : memref<!tpu.dma_semaphore, #tpu.memory_space<semaphore_mem>>)
      %dma_wait3A = arith.constant 2000 : i32
      %dma_wait3A_251 = tpu.memref_slice %arg8[%dma_wait3A] : memref<10000xf32, #tpu.memory_space<vmem>> -> memref<1000xf32, #tpu.memory_space<vmem>>
      %dma_wait3A_252 = arith.constant 0 : i32
      %dma_wait3A_253 = tpu.memref_slice %arg5[%run_scoped3A_32, %run_scoped3A_33, %dma_wait3A_252] : memref<10x1x1000xf32, #tpu.memory_space<hbm>> -> memref<1x1x1000xf32, #tpu.memory_space<hbm>>
      %dma_wait3A_254 = tpu.memref_squeeze %dma_wait3A_253 : memref<1x1x1000xf32, #tpu.memory_space<hbm>> -> memref<1000xf32, #tpu.memory_space<hbm>>
      %dma_wait3A_255 = arith.constant 2000 : i32
      %dma_wait3A_256 = tpu.memref_slice %arg8[%dma_wait3A_255] : memref<10000xf32, #tpu.memory_space<vmem>> -> memref<1000xf32, #tpu.memory_space<vmem>>
      %dma_wait3A_257 = arith.constant 0 : i32
      %dma_wait3A_258 = tpu.memref_slice %arg5[%run_scoped3A_32, %run_scoped3A_33, %dma_wait3A_257] : memref<10x1x1000xf32, #tpu.memory_space<hbm>> -> memref<1x1x1000xf32, #tpu.memory_space<hbm>>
      %dma_wait3A_259 = tpu.memref_squeeze %dma_wait3A_258 : memref<1x1x1000xf32, #tpu.memory_space<hbm>> -> memref<1000xf32, #tpu.memory_space<hbm>>
      tpu.wait_dma2 semaphore(%run_scoped3A_241 : memref<!tpu.dma_semaphore, #tpu.memory_space<semaphore_mem>>) src(%dma_wait3A_259 : memref<1000xf32, #tpu.memory_space<hbm>>) dst(%dma_wait3A_256 : memref<1000xf32, #tpu.memory_space<vmem>>)
      tpu.yield
    }) : () -> ()
    %run_scoped3A_34 = arith.constant 2 : i32
    %run_scoped3A_35 = arith.constant 0 : i32
    "tpu.region"() ({
      %run_scoped3A_241 = tpu.sem_alloc : memref<!tpu.dma_semaphore, #tpu.memory_space<semaphore_mem>>
      %dma_start3A = arith.constant 2000 : i32
      %dma_start3A_242 = tpu.memref_slice %arg9[%dma_start3A] : memref<10000xf32, #tpu.memory_space<vmem>> -> memref<1000xf32, #tpu.memory_space<vmem>>
      %dma_start3A_243 = arith.constant 0 : i32
      %dma_start3A_244 = tpu.memref_slice %arg6[%run_scoped3A_34, %run_scoped3A_35, %dma_start3A_243] : memref<10x1x1000xf32, #tpu.memory_space<hbm>> -> memref<1x1x1000xf32, #tpu.memory_space<hbm>>
      %dma_start3A_245 = tpu.memref_squeeze %dma_start3A_244 : memref<1x1x1000xf32, #tpu.memory_space<hbm>> -> memref<1000xf32, #tpu.memory_space<hbm>>
      %dma_start3A_246 = arith.constant 2000 : i32
      %dma_start3A_247 = tpu.memref_slice %arg9[%dma_start3A_246] : memref<10000xf32, #tpu.memory_space<vmem>> -> memref<1000xf32, #tpu.memory_space<vmem>>
      %dma_start3A_248 = arith.constant 0 : i32
      %dma_start3A_249 = tpu.memref_slice %arg6[%run_scoped3A_34, %run_scoped3A_35, %dma_start3A_248] : memref<10x1x1000xf32, #tpu.memory_space<hbm>> -> memref<1x1x1000xf32, #tpu.memory_space<hbm>>
      %dma_start3A_250 = tpu.memref_squeeze %dma_start3A_249 : memref<1x1x1000xf32, #tpu.memory_space<hbm>> -> memref<1000xf32, #tpu.memory_space<hbm>>
      tpu.enqueue_dma source(%dma_start3A_250 : memref<1000xf32, #tpu.memory_space<hbm>>) target(%dma_start3A_247 : memref<1000xf32, #tpu.memory_space<vmem>>) target_semaphore(%run_scoped3A_241 : memref<!tpu.dma_semaphore, #tpu.memory_space<semaphore_mem>>)
      %dma_wait3A = arith.constant 2000 : i32
      %dma_wait3A_251 = tpu.memref_slice %arg9[%dma_wait3A] : memref<10000xf32, #tpu.memory_space<vmem>> -> memref<1000xf32, #tpu.memory_space<vmem>>
      %dma_wait3A_252 = arith.constant 0 : i32
      %dma_wait3A_253 = tpu.memref_slice %arg6[%run_scoped3A_34, %run_scoped3A_35, %dma_wait3A_252] : memref<10x1x1000xf32, #tpu.memory_space<hbm>> -> memref<1x1x1000xf32, #tpu.memory_space<hbm>>
      %dma_wait3A_254 = tpu.memref_squeeze %dma_wait3A_253 : memref<1x1x1000xf32, #tpu.memory_space<hbm>> -> memref<1000xf32, #tpu.memory_space<hbm>>
      %dma_wait3A_255 = arith.constant 2000 : i32
      %dma_wait3A_256 = tpu.memref_slice %arg9[%dma_wait3A_255] : memref<10000xf32, #tpu.memory_space<vmem>> -> memref<1000xf32, #tpu.memory_space<vmem>>
      %dma_wait3A_257 = arith.constant 0 : i32
      %dma_wait3A_258 = tpu.memref_slice %arg6[%run_scoped3A_34, %run_scoped3A_35, %dma_wait3A_257] : memref<10x1x1000xf32, #tpu.memory_space<hbm>> -> memref<1x1x1000xf32, #tpu.memory_space<hbm>>
      %dma_wait3A_259 = tpu.memref_squeeze %dma_wait3A_258 : memref<1x1x1000xf32, #tpu.memory_space<hbm>> -> memref<1000xf32, #tpu.memory_space<hbm>>
      tpu.wait_dma2 semaphore(%run_scoped3A_241 : memref<!tpu.dma_semaphore, #tpu.memory_space<semaphore_mem>>) src(%dma_wait3A_259 : memref<1000xf32, #tpu.memory_space<hbm>>) dst(%dma_wait3A_256 : memref<1000xf32, #tpu.memory_space<vmem>>)
      tpu.yield
    }) : () -> ()
    %run_scoped3A_36 = arith.constant 3 : i32
    %run_scoped3A_37 = arith.constant 0 : i32
    "tpu.region"() ({
      %run_scoped3A_241 = tpu.sem_alloc : memref<!tpu.dma_semaphore, #tpu.memory_space<semaphore_mem>>
      %dma_start3A = arith.constant 3000 : i32
      %dma_start3A_242 = tpu.memref_slice %arg8[%dma_start3A] : memref<10000xf32, #tpu.memory_space<vmem>> -> memref<1000xf32, #tpu.memory_space<vmem>>
      %dma_start3A_243 = arith.constant 0 : i32
      %dma_start3A_244 = tpu.memref_slice %arg5[%run_scoped3A_36, %run_scoped3A_37, %dma_start3A_243] : memref<10x1x1000xf32, #tpu.memory_space<hbm>> -> memref<1x1x1000xf32, #tpu.memory_space<hbm>>
      %dma_start3A_245 = tpu.memref_squeeze %dma_start3A_244 : memref<1x1x1000xf32, #tpu.memory_space<hbm>> -> memref<1000xf32, #tpu.memory_space<hbm>>
      %dma_start3A_246 = arith.constant 3000 : i32
      %dma_start3A_247 = tpu.memref_slice %arg8[%dma_start3A_246] : memref<10000xf32, #tpu.memory_space<vmem>> -> memref<1000xf32, #tpu.memory_space<vmem>>
      %dma_start3A_248 = arith.constant 0 : i32
      %dma_start3A_249 = tpu.memref_slice %arg5[%run_scoped3A_36, %run_scoped3A_37, %dma_start3A_248] : memref<10x1x1000xf32, #tpu.memory_space<hbm>> -> memref<1x1x1000xf32, #tpu.memory_space<hbm>>
      %dma_start3A_250 = tpu.memref_squeeze %dma_start3A_249 : memref<1x1x1000xf32, #tpu.memory_space<hbm>> -> memref<1000xf32, #tpu.memory_space<hbm>>
      tpu.enqueue_dma source(%dma_start3A_250 : memref<1000xf32, #tpu.memory_space<hbm>>) target(%dma_start3A_247 : memref<1000xf32, #tpu.memory_space<vmem>>) target_semaphore(%run_scoped3A_241 : memref<!tpu.dma_semaphore, #tpu.memory_space<semaphore_mem>>)
      %dma_wait3A = arith.constant 3000 : i32
      %dma_wait3A_251 = tpu.memref_slice %arg8[%dma_wait3A] : memref<10000xf32, #tpu.memory_space<vmem>> -> memref<1000xf32, #tpu.memory_space<vmem>>
      %dma_wait3A_252 = arith.constant 0 : i32
      %dma_wait3A_253 = tpu.memref_slice %arg5[%run_scoped3A_36, %run_scoped3A_37, %dma_wait3A_252] : memref<10x1x1000xf32, #tpu.memory_space<hbm>> -> memref<1x1x1000xf32, #tpu.memory_space<hbm>>
      %dma_wait3A_254 = tpu.memref_squeeze %dma_wait3A_253 : memref<1x1x1000xf32, #tpu.memory_space<hbm>> -> memref<1000xf32, #tpu.memory_space<hbm>>
      %dma_wait3A_255 = arith.constant 3000 : i32
      %dma_wait3A_256 = tpu.memref_slice %arg8[%dma_wait3A_255] : memref<10000xf32, #tpu.memory_space<vmem>> -> memref<1000xf32, #tpu.memory_space<vmem>>
      %dma_wait3A_257 = arith.constant 0 : i32
      %dma_wait3A_258 = tpu.memref_slice %arg5[%run_scoped3A_36, %run_scoped3A_37, %dma_wait3A_257] : memref<10x1x1000xf32, #tpu.memory_space<hbm>> -> memref<1x1x1000xf32, #tpu.memory_space<hbm>>
      %dma_wait3A_259 = tpu.memref_squeeze %dma_wait3A_258 : memref<1x1x1000xf32, #tpu.memory_space<hbm>> -> memref<1000xf32, #tpu.memory_space<hbm>>
      tpu.wait_dma2 semaphore(%run_scoped3A_241 : memref<!tpu.dma_semaphore, #tpu.memory_space<semaphore_mem>>) src(%dma_wait3A_259 : memref<1000xf32, #tpu.memory_space<hbm>>) dst(%dma_wait3A_256 : memref<1000xf32, #tpu.memory_space<vmem>>)
      tpu.yield
    }) : () -> ()
    %run_scoped3A_38 = arith.constant 3 : i32
    %run_scoped3A_39 = arith.constant 0 : i32
    "tpu.region"() ({
      %run_scoped3A_241 = tpu.sem_alloc : memref<!tpu.dma_semaphore, #tpu.memory_space<semaphore_mem>>
      %dma_start3A = arith.constant 3000 : i32
      %dma_start3A_242 = tpu.memref_slice %arg9[%dma_start3A] : memref<10000xf32, #tpu.memory_space<vmem>> -> memref<1000xf32, #tpu.memory_space<vmem>>
      %dma_start3A_243 = arith.constant 0 : i32
      %dma_start3A_244 = tpu.memref_slice %arg6[%run_scoped3A_38, %run_scoped3A_39, %dma_start3A_243] : memref<10x1x1000xf32, #tpu.memory_space<hbm>> -> memref<1x1x1000xf32, #tpu.memory_space<hbm>>
      %dma_start3A_245 = tpu.memref_squeeze %dma_start3A_244 : memref<1x1x1000xf32, #tpu.memory_space<hbm>> -> memref<1000xf32, #tpu.memory_space<hbm>>
      %dma_start3A_246 = arith.constant 3000 : i32
      %dma_start3A_247 = tpu.memref_slice %arg9[%dma_start3A_246] : memref<10000xf32, #tpu.memory_space<vmem>> -> memref<1000xf32, #tpu.memory_space<vmem>>
      %dma_start3A_248 = arith.constant 0 : i32
      %dma_start3A_249 = tpu.memref_slice %arg6[%run_scoped3A_38, %run_scoped3A_39, %dma_start3A_248] : memref<10x1x1000xf32, #tpu.memory_space<hbm>> -> memref<1x1x1000xf32, #tpu.memory_space<hbm>>
      %dma_start3A_250 = tpu.memref_squeeze %dma_start3A_249 : memref<1x1x1000xf32, #tpu.memory_space<hbm>> -> memref<1000xf32, #tpu.memory_space<hbm>>
      tpu.enqueue_dma source(%dma_start3A_250 : memref<1000xf32, #tpu.memory_space<hbm>>) target(%dma_start3A_247 : memref<1000xf32, #tpu.memory_space<vmem>>) target_semaphore(%run_scoped3A_241 : memref<!tpu.dma_semaphore, #tpu.memory_space<semaphore_mem>>)
      %dma_wait3A = arith.constant 3000 : i32
      %dma_wait3A_251 = tpu.memref_slice %arg9[%dma_wait3A] : memref<10000xf32, #tpu.memory_space<vmem>> -> memref<1000xf32, #tpu.memory_space<vmem>>
      %dma_wait3A_252 = arith.constant 0 : i32
      %dma_wait3A_253 = tpu.memref_slice %arg6[%run_scoped3A_38, %run_scoped3A_39, %dma_wait3A_252] : memref<10x1x1000xf32, #tpu.memory_space<hbm>> -> memref<1x1x1000xf32, #tpu.memory_space<hbm>>
      %dma_wait3A_254 = tpu.memref_squeeze %dma_wait3A_253 : memref<1x1x1000xf32, #tpu.memory_space<hbm>> -> memref<1000xf32, #tpu.memory_space<hbm>>
      %dma_wait3A_255 = arith.constant 3000 : i32
      %dma_wait3A_256 = tpu.memref_slice %arg9[%dma_wait3A_255] : memref<10000xf32, #tpu.memory_space<vmem>> -> memref<1000xf32, #tpu.memory_space<vmem>>
      %dma_wait3A_257 = arith.constant 0 : i32
      %dma_wait3A_258 = tpu.memref_slice %arg6[%run_scoped3A_38, %run_scoped3A_39, %dma_wait3A_257] : memref<10x1x1000xf32, #tpu.memory_space<hbm>> -> memref<1x1x1000xf32, #tpu.memory_space<hbm>>
      %dma_wait3A_259 = tpu.memref_squeeze %dma_wait3A_258 : memref<1x1x1000xf32, #tpu.memory_space<hbm>> -> memref<1000xf32, #tpu.memory_space<hbm>>
      tpu.wait_dma2 semaphore(%run_scoped3A_241 : memref<!tpu.dma_semaphore, #tpu.memory_space<semaphore_mem>>) src(%dma_wait3A_259 : memref<1000xf32, #tpu.memory_space<hbm>>) dst(%dma_wait3A_256 : memref<1000xf32, #tpu.memory_space<vmem>>)
      tpu.yield
    }) : () -> ()
    %run_scoped3A_40 = arith.constant 4 : i32
    %run_scoped3A_41 = arith.constant 0 : i32
    "tpu.region"() ({
      %run_scoped3A_241 = tpu.sem_alloc : memref<!tpu.dma_semaphore, #tpu.memory_space<semaphore_mem>>
      %dma_start3A = arith.constant 4000 : i32
      %dma_start3A_242 = tpu.memref_slice %arg8[%dma_start3A] : memref<10000xf32, #tpu.memory_space<vmem>> -> memref<1000xf32, #tpu.memory_space<vmem>>
      %dma_start3A_243 = arith.constant 0 : i32
      %dma_start3A_244 = tpu.memref_slice %arg5[%run_scoped3A_40, %run_scoped3A_41, %dma_start3A_243] : memref<10x1x1000xf32, #tpu.memory_space<hbm>> -> memref<1x1x1000xf32, #tpu.memory_space<hbm>>
      %dma_start3A_245 = tpu.memref_squeeze %dma_start3A_244 : memref<1x1x1000xf32, #tpu.memory_space<hbm>> -> memref<1000xf32, #tpu.memory_space<hbm>>
      %dma_start3A_246 = arith.constant 4000 : i32
      %dma_start3A_247 = tpu.memref_slice %arg8[%dma_start3A_246] : memref<10000xf32, #tpu.memory_space<vmem>> -> memref<1000xf32, #tpu.memory_space<vmem>>
      %dma_start3A_248 = arith.constant 0 : i32
      %dma_start3A_249 = tpu.memref_slice %arg5[%run_scoped3A_40, %run_scoped3A_41, %dma_start3A_248] : memref<10x1x1000xf32, #tpu.memory_space<hbm>> -> memref<1x1x1000xf32, #tpu.memory_space<hbm>>
      %dma_start3A_250 = tpu.memref_squeeze %dma_start3A_249 : memref<1x1x1000xf32, #tpu.memory_space<hbm>> -> memref<1000xf32, #tpu.memory_space<hbm>>
      tpu.enqueue_dma source(%dma_start3A_250 : memref<1000xf32, #tpu.memory_space<hbm>>) target(%dma_start3A_247 : memref<1000xf32, #tpu.memory_space<vmem>>) target_semaphore(%run_scoped3A_241 : memref<!tpu.dma_semaphore, #tpu.memory_space<semaphore_mem>>)
      %dma_wait3A = arith.constant 4000 : i32
      %dma_wait3A_251 = tpu.memref_slice %arg8[%dma_wait3A] : memref<10000xf32, #tpu.memory_space<vmem>> -> memref<1000xf32, #tpu.memory_space<vmem>>
      %dma_wait3A_252 = arith.constant 0 : i32
      %dma_wait3A_253 = tpu.memref_slice %arg5[%run_scoped3A_40, %run_scoped3A_41, %dma_wait3A_252] : memref<10x1x1000xf32, #tpu.memory_space<hbm>> -> memref<1x1x1000xf32, #tpu.memory_space<hbm>>
      %dma_wait3A_254 = tpu.memref_squeeze %dma_wait3A_253 : memref<1x1x1000xf32, #tpu.memory_space<hbm>> -> memref<1000xf32, #tpu.memory_space<hbm>>
      %dma_wait3A_255 = arith.constant 4000 : i32
      %dma_wait3A_256 = tpu.memref_slice %arg8[%dma_wait3A_255] : memref<10000xf32, #tpu.memory_space<vmem>> -> memref<1000xf32, #tpu.memory_space<vmem>>
      %dma_wait3A_257 = arith.constant 0 : i32
      %dma_wait3A_258 = tpu.memref_slice %arg5[%run_scoped3A_40, %run_scoped3A_41, %dma_wait3A_257] : memref<10x1x1000xf32, #tpu.memory_space<hbm>> -> memref<1x1x1000xf32, #tpu.memory_space<hbm>>
      %dma_wait3A_259 = tpu.memref_squeeze %dma_wait3A_258 : memref<1x1x1000xf32, #tpu.memory_space<hbm>> -> memref<1000xf32, #tpu.memory_space<hbm>>
      tpu.wait_dma2 semaphore(%run_scoped3A_241 : memref<!tpu.dma_semaphore, #tpu.memory_space<semaphore_mem>>) src(%dma_wait3A_259 : memref<1000xf32, #tpu.memory_space<hbm>>) dst(%dma_wait3A_256 : memref<1000xf32, #tpu.memory_space<vmem>>)
      tpu.yield
    }) : () -> ()
    %run_scoped3A_42 = arith.constant 4 : i32
    %run_scoped3A_43 = arith.constant 0 : i32
    "tpu.region"() ({
      %run_scoped3A_241 = tpu.sem_alloc : memref<!tpu.dma_semaphore, #tpu.memory_space<semaphore_mem>>
      %dma_start3A = arith.constant 4000 : i32
      %dma_start3A_242 = tpu.memref_slice %arg9[%dma_start3A] : memref<10000xf32, #tpu.memory_space<vmem>> -> memref<1000xf32, #tpu.memory_space<vmem>>
      %dma_start3A_243 = arith.constant 0 : i32
      %dma_start3A_244 = tpu.memref_slice %arg6[%run_scoped3A_42, %run_scoped3A_43, %dma_start3A_243] : memref<10x1x1000xf32, #tpu.memory_space<hbm>> -> memref<1x1x1000xf32, #tpu.memory_space<hbm>>
      %dma_start3A_245 = tpu.memref_squeeze %dma_start3A_244 : memref<1x1x1000xf32, #tpu.memory_space<hbm>> -> memref<1000xf32, #tpu.memory_space<hbm>>
      %dma_start3A_246 = arith.constant 4000 : i32
      %dma_start3A_247 = tpu.memref_slice %arg9[%dma_start3A_246] : memref<10000xf32, #tpu.memory_space<vmem>> -> memref<1000xf32, #tpu.memory_space<vmem>>
      %dma_start3A_248 = arith.constant 0 : i32
      %dma_start3A_249 = tpu.memref_slice %arg6[%run_scoped3A_42, %run_scoped3A_43, %dma_start3A_248] : memref<10x1x1000xf32, #tpu.memory_space<hbm>> -> memref<1x1x1000xf32, #tpu.memory_space<hbm>>
      %dma_start3A_250 = tpu.memref_squeeze %dma_start3A_249 : memref<1x1x1000xf32, #tpu.memory_space<hbm>> -> memref<1000xf32, #tpu.memory_space<hbm>>
      tpu.enqueue_dma source(%dma_start3A_250 : memref<1000xf32, #tpu.memory_space<hbm>>) target(%dma_start3A_247 : memref<1000xf32, #tpu.memory_space<vmem>>) target_semaphore(%run_scoped3A_241 : memref<!tpu.dma_semaphore, #tpu.memory_space<semaphore_mem>>)
      %dma_wait3A = arith.constant 4000 : i32
      %dma_wait3A_251 = tpu.memref_slice %arg9[%dma_wait3A] : memref<10000xf32, #tpu.memory_space<vmem>> -> memref<1000xf32, #tpu.memory_space<vmem>>
      %dma_wait3A_252 = arith.constant 0 : i32
      %dma_wait3A_253 = tpu.memref_slice %arg6[%run_scoped3A_42, %run_scoped3A_43, %dma_wait3A_252] : memref<10x1x1000xf32, #tpu.memory_space<hbm>> -> memref<1x1x1000xf32, #tpu.memory_space<hbm>>
      %dma_wait3A_254 = tpu.memref_squeeze %dma_wait3A_253 : memref<1x1x1000xf32, #tpu.memory_space<hbm>> -> memref<1000xf32, #tpu.memory_space<hbm>>
      %dma_wait3A_255 = arith.constant 4000 : i32
      %dma_wait3A_256 = tpu.memref_slice %arg9[%dma_wait3A_255] : memref<10000xf32, #tpu.memory_space<vmem>> -> memref<1000xf32, #tpu.memory_space<vmem>>
      %dma_wait3A_257 = arith.constant 0 : i32
      %dma_wait3A_258 = tpu.memref_slice %arg6[%run_scoped3A_42, %run_scoped3A_43, %dma_wait3A_257] : memref<10x1x1000xf32, #tpu.memory_space<hbm>> -> memref<1x1x1000xf32, #tpu.memory_space<hbm>>
      %dma_wait3A_259 = tpu.memref_squeeze %dma_wait3A_258 : memref<1x1x1000xf32, #tpu.memory_space<hbm>> -> memref<1000xf32, #tpu.memory_space<hbm>>
      tpu.wait_dma2 semaphore(%run_scoped3A_241 : memref<!tpu.dma_semaphore, #tpu.memory_space<semaphore_mem>>) src(%dma_wait3A_259 : memref<1000xf32, #tpu.memory_space<hbm>>) dst(%dma_wait3A_256 : memref<1000xf32, #tpu.memory_space<vmem>>)
      tpu.yield
    }) : () -> ()
    %run_scoped3A_44 = arith.constant 5 : i32
    %run_scoped3A_45 = arith.constant 0 : i32
    "tpu.region"() ({
      %run_scoped3A_241 = tpu.sem_alloc : memref<!tpu.dma_semaphore, #tpu.memory_space<semaphore_mem>>
      %dma_start3A = arith.constant 5000 : i32
      %dma_start3A_242 = tpu.memref_slice %arg8[%dma_start3A] : memref<10000xf32, #tpu.memory_space<vmem>> -> memref<1000xf32, #tpu.memory_space<vmem>>
      %dma_start3A_243 = arith.constant 0 : i32
      %dma_start3A_244 = tpu.memref_slice %arg5[%run_scoped3A_44, %run_scoped3A_45, %dma_start3A_243] : memref<10x1x1000xf32, #tpu.memory_space<hbm>> -> memref<1x1x1000xf32, #tpu.memory_space<hbm>>
      %dma_start3A_245 = tpu.memref_squeeze %dma_start3A_244 : memref<1x1x1000xf32, #tpu.memory_space<hbm>> -> memref<1000xf32, #tpu.memory_space<hbm>>
      %dma_start3A_246 = arith.constant 5000 : i32
      %dma_start3A_247 = tpu.memref_slice %arg8[%dma_start3A_246] : memref<10000xf32, #tpu.memory_space<vmem>> -> memref<1000xf32, #tpu.memory_space<vmem>>
      %dma_start3A_248 = arith.constant 0 : i32
      %dma_start3A_249 = tpu.memref_slice %arg5[%run_scoped3A_44, %run_scoped3A_45, %dma_start3A_248] : memref<10x1x1000xf32, #tpu.memory_space<hbm>> -> memref<1x1x1000xf32, #tpu.memory_space<hbm>>
      %dma_start3A_250 = tpu.memref_squeeze %dma_start3A_249 : memref<1x1x1000xf32, #tpu.memory_space<hbm>> -> memref<1000xf32, #tpu.memory_space<hbm>>
      tpu.enqueue_dma source(%dma_start3A_250 : memref<1000xf32, #tpu.memory_space<hbm>>) target(%dma_start3A_247 : memref<1000xf32, #tpu.memory_space<vmem>>) target_semaphore(%run_scoped3A_241 : memref<!tpu.dma_semaphore, #tpu.memory_space<semaphore_mem>>)
      %dma_wait3A = arith.constant 5000 : i32
      %dma_wait3A_251 = tpu.memref_slice %arg8[%dma_wait3A] : memref<10000xf32, #tpu.memory_space<vmem>> -> memref<1000xf32, #tpu.memory_space<vmem>>
      %dma_wait3A_252 = arith.constant 0 : i32
      %dma_wait3A_253 = tpu.memref_slice %arg5[%run_scoped3A_44, %run_scoped3A_45, %dma_wait3A_252] : memref<10x1x1000xf32, #tpu.memory_space<hbm>> -> memref<1x1x1000xf32, #tpu.memory_space<hbm>>
      %dma_wait3A_254 = tpu.memref_squeeze %dma_wait3A_253 : memref<1x1x1000xf32, #tpu.memory_space<hbm>> -> memref<1000xf32, #tpu.memory_space<hbm>>
      %dma_wait3A_255 = arith.constant 5000 : i32
      %dma_wait3A_256 = tpu.memref_slice %arg8[%dma_wait3A_255] : memref<10000xf32, #tpu.memory_space<vmem>> -> memref<1000xf32, #tpu.memory_space<vmem>>
      %dma_wait3A_257 = arith.constant 0 : i32
      %dma_wait3A_258 = tpu.memref_slice %arg5[%run_scoped3A_44, %run_scoped3A_45, %dma_wait3A_257] : memref<10x1x1000xf32, #tpu.memory_space<hbm>> -> memref<1x1x1000xf32, #tpu.memory_space<hbm>>
      %dma_wait3A_259 = tpu.memref_squeeze %dma_wait3A_258 : memref<1x1x1000xf32, #tpu.memory_space<hbm>> -> memref<1000xf32, #tpu.memory_space<hbm>>
      tpu.wait_dma2 semaphore(%run_scoped3A_241 : memref<!tpu.dma_semaphore, #tpu.memory_space<semaphore_mem>>) src(%dma_wait3A_259 : memref<1000xf32, #tpu.memory_space<hbm>>) dst(%dma_wait3A_256 : memref<1000xf32, #tpu.memory_space<vmem>>)
      tpu.yield
    }) : () -> ()
    %run_scoped3A_46 = arith.constant 5 : i32
    %run_scoped3A_47 = arith.constant 0 : i32
    "tpu.region"() ({
      %run_scoped3A_241 = tpu.sem_alloc : memref<!tpu.dma_semaphore, #tpu.memory_space<semaphore_mem>>
      %dma_start3A = arith.constant 5000 : i32
      %dma_start3A_242 = tpu.memref_slice %arg9[%dma_start3A] : memref<10000xf32, #tpu.memory_space<vmem>> -> memref<1000xf32, #tpu.memory_space<vmem>>
      %dma_start3A_243 = arith.constant 0 : i32
      %dma_start3A_244 = tpu.memref_slice %arg6[%run_scoped3A_46, %run_scoped3A_47, %dma_start3A_243] : memref<10x1x1000xf32, #tpu.memory_space<hbm>> -> memref<1x1x1000xf32, #tpu.memory_space<hbm>>
      %dma_start3A_245 = tpu.memref_squeeze %dma_start3A_244 : memref<1x1x1000xf32, #tpu.memory_space<hbm>> -> memref<1000xf32, #tpu.memory_space<hbm>>
      %dma_start3A_246 = arith.constant 5000 : i32
      %dma_start3A_247 = tpu.memref_slice %arg9[%dma_start3A_246] : memref<10000xf32, #tpu.memory_space<vmem>> -> memref<1000xf32, #tpu.memory_space<vmem>>
      %dma_start3A_248 = arith.constant 0 : i32
      %dma_start3A_249 = tpu.memref_slice %arg6[%run_scoped3A_46, %run_scoped3A_47, %dma_start3A_248] : memref<10x1x1000xf32, #tpu.memory_space<hbm>> -> memref<1x1x1000xf32, #tpu.memory_space<hbm>>
      %dma_start3A_250 = tpu.memref_squeeze %dma_start3A_249 : memref<1x1x1000xf32, #tpu.memory_space<hbm>> -> memref<1000xf32, #tpu.memory_space<hbm>>
      tpu.enqueue_dma source(%dma_start3A_250 : memref<1000xf32, #tpu.memory_space<hbm>>) target(%dma_start3A_247 : memref<1000xf32, #tpu.memory_space<vmem>>) target_semaphore(%run_scoped3A_241 : memref<!tpu.dma_semaphore, #tpu.memory_space<semaphore_mem>>)
      %dma_wait3A = arith.constant 5000 : i32
      %dma_wait3A_251 = tpu.memref_slice %arg9[%dma_wait3A] : memref<10000xf32, #tpu.memory_space<vmem>> -> memref<1000xf32, #tpu.memory_space<vmem>>
      %dma_wait3A_252 = arith.constant 0 : i32
      %dma_wait3A_253 = tpu.memref_slice %arg6[%run_scoped3A_46, %run_scoped3A_47, %dma_wait3A_252] : memref<10x1x1000xf32, #tpu.memory_space<hbm>> -> memref<1x1x1000xf32, #tpu.memory_space<hbm>>
      %dma_wait3A_254 = tpu.memref_squeeze %dma_wait3A_253 : memref<1x1x1000xf32, #tpu.memory_space<hbm>> -> memref<1000xf32, #tpu.memory_space<hbm>>
      %dma_wait3A_255 = arith.constant 5000 : i32
      %dma_wait3A_256 = tpu.memref_slice %arg9[%dma_wait3A_255] : memref<10000xf32, #tpu.memory_space<vmem>> -> memref<1000xf32, #tpu.memory_space<vmem>>
      %dma_wait3A_257 = arith.constant 0 : i32
      %dma_wait3A_258 = tpu.memref_slice %arg6[%run_scoped3A_46, %run_scoped3A_47, %dma_wait3A_257] : memref<10x1x1000xf32, #tpu.memory_space<hbm>> -> memref<1x1x1000xf32, #tpu.memory_space<hbm>>
      %dma_wait3A_259 = tpu.memref_squeeze %dma_wait3A_258 : memref<1x1x1000xf32, #tpu.memory_space<hbm>> -> memref<1000xf32, #tpu.memory_space<hbm>>
      tpu.wait_dma2 semaphore(%run_scoped3A_241 : memref<!tpu.dma_semaphore, #tpu.memory_space<semaphore_mem>>) src(%dma_wait3A_259 : memref<1000xf32, #tpu.memory_space<hbm>>) dst(%dma_wait3A_256 : memref<1000xf32, #tpu.memory_space<vmem>>)
      tpu.yield
    }) : () -> ()
    %run_scoped3A_48 = arith.constant 6 : i32
    %run_scoped3A_49 = arith.constant 0 : i32
    "tpu.region"() ({
      %run_scoped3A_241 = tpu.sem_alloc : memref<!tpu.dma_semaphore, #tpu.memory_space<semaphore_mem>>
      %dma_start3A = arith.constant 6000 : i32
      %dma_start3A_242 = tpu.memref_slice %arg8[%dma_start3A] : memref<10000xf32, #tpu.memory_space<vmem>> -> memref<1000xf32, #tpu.memory_space<vmem>>
      %dma_start3A_243 = arith.constant 0 : i32
      %dma_start3A_244 = tpu.memref_slice %arg5[%run_scoped3A_48, %run_scoped3A_49, %dma_start3A_243] : memref<10x1x1000xf32, #tpu.memory_space<hbm>> -> memref<1x1x1000xf32, #tpu.memory_space<hbm>>
      %dma_start3A_245 = tpu.memref_squeeze %dma_start3A_244 : memref<1x1x1000xf32, #tpu.memory_space<hbm>> -> memref<1000xf32, #tpu.memory_space<hbm>>
      %dma_start3A_246 = arith.constant 6000 : i32
      %dma_start3A_247 = tpu.memref_slice %arg8[%dma_start3A_246] : memref<10000xf32, #tpu.memory_space<vmem>> -> memref<1000xf32, #tpu.memory_space<vmem>>
      %dma_start3A_248 = arith.constant 0 : i32
      %dma_start3A_249 = tpu.memref_slice %arg5[%run_scoped3A_48, %run_scoped3A_49, %dma_start3A_248] : memref<10x1x1000xf32, #tpu.memory_space<hbm>> -> memref<1x1x1000xf32, #tpu.memory_space<hbm>>
      %dma_start3A_250 = tpu.memref_squeeze %dma_start3A_249 : memref<1x1x1000xf32, #tpu.memory_space<hbm>> -> memref<1000xf32, #tpu.memory_space<hbm>>
      tpu.enqueue_dma source(%dma_start3A_250 : memref<1000xf32, #tpu.memory_space<hbm>>) target(%dma_start3A_247 : memref<1000xf32, #tpu.memory_space<vmem>>) target_semaphore(%run_scoped3A_241 : memref<!tpu.dma_semaphore, #tpu.memory_space<semaphore_mem>>)
      %dma_wait3A = arith.constant 6000 : i32
      %dma_wait3A_251 = tpu.memref_slice %arg8[%dma_wait3A] : memref<10000xf32, #tpu.memory_space<vmem>> -> memref<1000xf32, #tpu.memory_space<vmem>>
      %dma_wait3A_252 = arith.constant 0 : i32
      %dma_wait3A_253 = tpu.memref_slice %arg5[%run_scoped3A_48, %run_scoped3A_49, %dma_wait3A_252] : memref<10x1x1000xf32, #tpu.memory_space<hbm>> -> memref<1x1x1000xf32, #tpu.memory_space<hbm>>
      %dma_wait3A_254 = tpu.memref_squeeze %dma_wait3A_253 : memref<1x1x1000xf32, #tpu.memory_space<hbm>> -> memref<1000xf32, #tpu.memory_space<hbm>>
      %dma_wait3A_255 = arith.constant 6000 : i32
      %dma_wait3A_256 = tpu.memref_slice %arg8[%dma_wait3A_255] : memref<10000xf32, #tpu.memory_space<vmem>> -> memref<1000xf32, #tpu.memory_space<vmem>>
      %dma_wait3A_257 = arith.constant 0 : i32
      %dma_wait3A_258 = tpu.memref_slice %arg5[%run_scoped3A_48, %run_scoped3A_49, %dma_wait3A_257] : memref<10x1x1000xf32, #tpu.memory_space<hbm>> -> memref<1x1x1000xf32, #tpu.memory_space<hbm>>
      %dma_wait3A_259 = tpu.memref_squeeze %dma_wait3A_258 : memref<1x1x1000xf32, #tpu.memory_space<hbm>> -> memref<1000xf32, #tpu.memory_space<hbm>>
      tpu.wait_dma2 semaphore(%run_scoped3A_241 : memref<!tpu.dma_semaphore, #tpu.memory_space<semaphore_mem>>) src(%dma_wait3A_259 : memref<1000xf32, #tpu.memory_space<hbm>>) dst(%dma_wait3A_256 : memref<1000xf32, #tpu.memory_space<vmem>>)
      tpu.yield
    }) : () -> ()
    %run_scoped3A_50 = arith.constant 6 : i32
    %run_scoped3A_51 = arith.constant 0 : i32
    "tpu.region"() ({
      %run_scoped3A_241 = tpu.sem_alloc : memref<!tpu.dma_semaphore, #tpu.memory_space<semaphore_mem>>
      %dma_start3A = arith.constant 6000 : i32
      %dma_start3A_242 = tpu.memref_slice %arg9[%dma_start3A] : memref<10000xf32, #tpu.memory_space<vmem>> -> memref<1000xf32, #tpu.memory_space<vmem>>
      %dma_start3A_243 = arith.constant 0 : i32
      %dma_start3A_244 = tpu.memref_slice %arg6[%run_scoped3A_50, %run_scoped3A_51, %dma_start3A_243] : memref<10x1x1000xf32, #tpu.memory_space<hbm>> -> memref<1x1x1000xf32, #tpu.memory_space<hbm>>
      %dma_start3A_245 = tpu.memref_squeeze %dma_start3A_244 : memref<1x1x1000xf32, #tpu.memory_space<hbm>> -> memref<1000xf32, #tpu.memory_space<hbm>>
      %dma_start3A_246 = arith.constant 6000 : i32
      %dma_start3A_247 = tpu.memref_slice %arg9[%dma_start3A_246] : memref<10000xf32, #tpu.memory_space<vmem>> -> memref<1000xf32, #tpu.memory_space<vmem>>
      %dma_start3A_248 = arith.constant 0 : i32
      %dma_start3A_249 = tpu.memref_slice %arg6[%run_scoped3A_50, %run_scoped3A_51, %dma_start3A_248] : memref<10x1x1000xf32, #tpu.memory_space<hbm>> -> memref<1x1x1000xf32, #tpu.memory_space<hbm>>
      %dma_start3A_250 = tpu.memref_squeeze %dma_start3A_249 : memref<1x1x1000xf32, #tpu.memory_space<hbm>> -> memref<1000xf32, #tpu.memory_space<hbm>>
      tpu.enqueue_dma source(%dma_start3A_250 : memref<1000xf32, #tpu.memory_space<hbm>>) target(%dma_start3A_247 : memref<1000xf32, #tpu.memory_space<vmem>>) target_semaphore(%run_scoped3A_241 : memref<!tpu.dma_semaphore, #tpu.memory_space<semaphore_mem>>)
      %dma_wait3A = arith.constant 6000 : i32
      %dma_wait3A_251 = tpu.memref_slice %arg9[%dma_wait3A] : memref<10000xf32, #tpu.memory_space<vmem>> -> memref<1000xf32, #tpu.memory_space<vmem>>
      %dma_wait3A_252 = arith.constant 0 : i32
      %dma_wait3A_253 = tpu.memref_slice %arg6[%run_scoped3A_50, %run_scoped3A_51, %dma_wait3A_252] : memref<10x1x1000xf32, #tpu.memory_space<hbm>> -> memref<1x1x1000xf32, #tpu.memory_space<hbm>>
      %dma_wait3A_254 = tpu.memref_squeeze %dma_wait3A_253 : memref<1x1x1000xf32, #tpu.memory_space<hbm>> -> memref<1000xf32, #tpu.memory_space<hbm>>
      %dma_wait3A_255 = arith.constant 6000 : i32
      %dma_wait3A_256 = tpu.memref_slice %arg9[%dma_wait3A_255] : memref<10000xf32, #tpu.memory_space<vmem>> -> memref<1000xf32, #tpu.memory_space<vmem>>
      %dma_wait3A_257 = arith.constant 0 : i32
      %dma_wait3A_258 = tpu.memref_slice %arg6[%run_scoped3A_50, %run_scoped3A_51, %dma_wait3A_257] : memref<10x1x1000xf32, #tpu.memory_space<hbm>> -> memref<1x1x1000xf32, #tpu.memory_space<hbm>>
      %dma_wait3A_259 = tpu.memref_squeeze %dma_wait3A_258 : memref<1x1x1000xf32, #tpu.memory_space<hbm>> -> memref<1000xf32, #tpu.memory_space<hbm>>
      tpu.wait_dma2 semaphore(%run_scoped3A_241 : memref<!tpu.dma_semaphore, #tpu.memory_space<semaphore_mem>>) src(%dma_wait3A_259 : memref<1000xf32, #tpu.memory_space<hbm>>) dst(%dma_wait3A_256 : memref<1000xf32, #tpu.memory_space<vmem>>)
      tpu.yield
    }) : () -> ()
    %run_scoped3A_52 = arith.constant 7 : i32
    %run_scoped3A_53 = arith.constant 0 : i32
    "tpu.region"() ({
      %run_scoped3A_241 = tpu.sem_alloc : memref<!tpu.dma_semaphore, #tpu.memory_space<semaphore_mem>>
      %dma_start3A = arith.constant 7000 : i32
      %dma_start3A_242 = tpu.memref_slice %arg8[%dma_start3A] : memref<10000xf32, #tpu.memory_space<vmem>> -> memref<1000xf32, #tpu.memory_space<vmem>>
      %dma_start3A_243 = arith.constant 0 : i32
      %dma_start3A_244 = tpu.memref_slice %arg5[%run_scoped3A_52, %run_scoped3A_53, %dma_start3A_243] : memref<10x1x1000xf32, #tpu.memory_space<hbm>> -> memref<1x1x1000xf32, #tpu.memory_space<hbm>>
      %dma_start3A_245 = tpu.memref_squeeze %dma_start3A_244 : memref<1x1x1000xf32, #tpu.memory_space<hbm>> -> memref<1000xf32, #tpu.memory_space<hbm>>
      %dma_start3A_246 = arith.constant 7000 : i32
      %dma_start3A_247 = tpu.memref_slice %arg8[%dma_start3A_246] : memref<10000xf32, #tpu.memory_space<vmem>> -> memref<1000xf32, #tpu.memory_space<vmem>>
      %dma_start3A_248 = arith.constant 0 : i32
      %dma_start3A_249 = tpu.memref_slice %arg5[%run_scoped3A_52, %run_scoped3A_53, %dma_start3A_248] : memref<10x1x1000xf32, #tpu.memory_space<hbm>> -> memref<1x1x1000xf32, #tpu.memory_space<hbm>>
      %dma_start3A_250 = tpu.memref_squeeze %dma_start3A_249 : memref<1x1x1000xf32, #tpu.memory_space<hbm>> -> memref<1000xf32, #tpu.memory_space<hbm>>
      tpu.enqueue_dma source(%dma_start3A_250 : memref<1000xf32, #tpu.memory_space<hbm>>) target(%dma_start3A_247 : memref<1000xf32, #tpu.memory_space<vmem>>) target_semaphore(%run_scoped3A_241 : memref<!tpu.dma_semaphore, #tpu.memory_space<semaphore_mem>>)
      %dma_wait3A = arith.constant 7000 : i32
      %dma_wait3A_251 = tpu.memref_slice %arg8[%dma_wait3A] : memref<10000xf32, #tpu.memory_space<vmem>> -> memref<1000xf32, #tpu.memory_space<vmem>>
      %dma_wait3A_252 = arith.constant 0 : i32
      %dma_wait3A_253 = tpu.memref_slice %arg5[%run_scoped3A_52, %run_scoped3A_53, %dma_wait3A_252] : memref<10x1x1000xf32, #tpu.memory_space<hbm>> -> memref<1x1x1000xf32, #tpu.memory_space<hbm>>
      %dma_wait3A_254 = tpu.memref_squeeze %dma_wait3A_253 : memref<1x1x1000xf32, #tpu.memory_space<hbm>> -> memref<1000xf32, #tpu.memory_space<hbm>>
      %dma_wait3A_255 = arith.constant 7000 : i32
      %dma_wait3A_256 = tpu.memref_slice %arg8[%dma_wait3A_255] : memref<10000xf32, #tpu.memory_space<vmem>> -> memref<1000xf32, #tpu.memory_space<vmem>>
      %dma_wait3A_257 = arith.constant 0 : i32
      %dma_wait3A_258 = tpu.memref_slice %arg5[%run_scoped3A_52, %run_scoped3A_53, %dma_wait3A_257] : memref<10x1x1000xf32, #tpu.memory_space<hbm>> -> memref<1x1x1000xf32, #tpu.memory_space<hbm>>
      %dma_wait3A_259 = tpu.memref_squeeze %dma_wait3A_258 : memref<1x1x1000xf32, #tpu.memory_space<hbm>> -> memref<1000xf32, #tpu.memory_space<hbm>>
      tpu.wait_dma2 semaphore(%run_scoped3A_241 : memref<!tpu.dma_semaphore, #tpu.memory_space<semaphore_mem>>) src(%dma_wait3A_259 : memref<1000xf32, #tpu.memory_space<hbm>>) dst(%dma_wait3A_256 : memref<1000xf32, #tpu.memory_space<vmem>>)
      tpu.yield
    }) : () -> ()
    %run_scoped3A_54 = arith.constant 7 : i32
    %run_scoped3A_55 = arith.constant 0 : i32
    "tpu.region"() ({
      %run_scoped3A_241 = tpu.sem_alloc : memref<!tpu.dma_semaphore, #tpu.memory_space<semaphore_mem>>
      %dma_start3A = arith.constant 7000 : i32
      %dma_start3A_242 = tpu.memref_slice %arg9[%dma_start3A] : memref<10000xf32, #tpu.memory_space<vmem>> -> memref<1000xf32, #tpu.memory_space<vmem>>
      %dma_start3A_243 = arith.constant 0 : i32
      %dma_start3A_244 = tpu.memref_slice %arg6[%run_scoped3A_54, %run_scoped3A_55, %dma_start3A_243] : memref<10x1x1000xf32, #tpu.memory_space<hbm>> -> memref<1x1x1000xf32, #tpu.memory_space<hbm>>
      %dma_start3A_245 = tpu.memref_squeeze %dma_start3A_244 : memref<1x1x1000xf32, #tpu.memory_space<hbm>> -> memref<1000xf32, #tpu.memory_space<hbm>>
      %dma_start3A_246 = arith.constant 7000 : i32
      %dma_start3A_247 = tpu.memref_slice %arg9[%dma_start3A_246] : memref<10000xf32, #tpu.memory_space<vmem>> -> memref<1000xf32, #tpu.memory_space<vmem>>
      %dma_start3A_248 = arith.constant 0 : i32
      %dma_start3A_249 = tpu.memref_slice %arg6[%run_scoped3A_54, %run_scoped3A_55, %dma_start3A_248] : memref<10x1x1000xf32, #tpu.memory_space<hbm>> -> memref<1x1x1000xf32, #tpu.memory_space<hbm>>
      %dma_start3A_250 = tpu.memref_squeeze %dma_start3A_249 : memref<1x1x1000xf32, #tpu.memory_space<hbm>> -> memref<1000xf32, #tpu.memory_space<hbm>>
      tpu.enqueue_dma source(%dma_start3A_250 : memref<1000xf32, #tpu.memory_space<hbm>>) target(%dma_start3A_247 : memref<1000xf32, #tpu.memory_space<vmem>>) target_semaphore(%run_scoped3A_241 : memref<!tpu.dma_semaphore, #tpu.memory_space<semaphore_mem>>)
      %dma_wait3A = arith.constant 7000 : i32
      %dma_wait3A_251 = tpu.memref_slice %arg9[%dma_wait3A] : memref<10000xf32, #tpu.memory_space<vmem>> -> memref<1000xf32, #tpu.memory_space<vmem>>
      %dma_wait3A_252 = arith.constant 0 : i32
      %dma_wait3A_253 = tpu.memref_slice %arg6[%run_scoped3A_54, %run_scoped3A_55, %dma_wait3A_252] : memref<10x1x1000xf32, #tpu.memory_space<hbm>> -> memref<1x1x1000xf32, #tpu.memory_space<hbm>>
      %dma_wait3A_254 = tpu.memref_squeeze %dma_wait3A_253 : memref<1x1x1000xf32, #tpu.memory_space<hbm>> -> memref<1000xf32, #tpu.memory_space<hbm>>
      %dma_wait3A_255 = arith.constant 7000 : i32
      %dma_wait3A_256 = tpu.memref_slice %arg9[%dma_wait3A_255] : memref<10000xf32, #tpu.memory_space<vmem>> -> memref<1000xf32, #tpu.memory_space<vmem>>
      %dma_wait3A_257 = arith.constant 0 : i32
      %dma_wait3A_258 = tpu.memref_slice %arg6[%run_scoped3A_54, %run_scoped3A_55, %dma_wait3A_257] : memref<10x1x1000xf32, #tpu.memory_space<hbm>> -> memref<1x1x1000xf32, #tpu.memory_space<hbm>>
      %dma_wait3A_259 = tpu.memref_squeeze %dma_wait3A_258 : memref<1x1x1000xf32, #tpu.memory_space<hbm>> -> memref<1000xf32, #tpu.memory_space<hbm>>
      tpu.wait_dma2 semaphore(%run_scoped3A_241 : memref<!tpu.dma_semaphore, #tpu.memory_space<semaphore_mem>>) src(%dma_wait3A_259 : memref<1000xf32, #tpu.memory_space<hbm>>) dst(%dma_wait3A_256 : memref<1000xf32, #tpu.memory_space<vmem>>)
      tpu.yield
    }) : () -> ()
    %run_scoped3A_56 = arith.constant 8 : i32
    %run_scoped3A_57 = arith.constant 0 : i32
    "tpu.region"() ({
      %run_scoped3A_241 = tpu.sem_alloc : memref<!tpu.dma_semaphore, #tpu.memory_space<semaphore_mem>>
      %dma_start3A = arith.constant 8000 : i32
      %dma_start3A_242 = tpu.memref_slice %arg8[%dma_start3A] : memref<10000xf32, #tpu.memory_space<vmem>> -> memref<1000xf32, #tpu.memory_space<vmem>>
      %dma_start3A_243 = arith.constant 0 : i32
      %dma_start3A_244 = tpu.memref_slice %arg5[%run_scoped3A_56, %run_scoped3A_57, %dma_start3A_243] : memref<10x1x1000xf32, #tpu.memory_space<hbm>> -> memref<1x1x1000xf32, #tpu.memory_space<hbm>>
      %dma_start3A_245 = tpu.memref_squeeze %dma_start3A_244 : memref<1x1x1000xf32, #tpu.memory_space<hbm>> -> memref<1000xf32, #tpu.memory_space<hbm>>
      %dma_start3A_246 = arith.constant 8000 : i32
      %dma_start3A_247 = tpu.memref_slice %arg8[%dma_start3A_246] : memref<10000xf32, #tpu.memory_space<vmem>> -> memref<1000xf32, #tpu.memory_space<vmem>>
      %dma_start3A_248 = arith.constant 0 : i32
      %dma_start3A_249 = tpu.memref_slice %arg5[%run_scoped3A_56, %run_scoped3A_57, %dma_start3A_248] : memref<10x1x1000xf32, #tpu.memory_space<hbm>> -> memref<1x1x1000xf32, #tpu.memory_space<hbm>>
      %dma_start3A_250 = tpu.memref_squeeze %dma_start3A_249 : memref<1x1x1000xf32, #tpu.memory_space<hbm>> -> memref<1000xf32, #tpu.memory_space<hbm>>
      tpu.enqueue_dma source(%dma_start3A_250 : memref<1000xf32, #tpu.memory_space<hbm>>) target(%dma_start3A_247 : memref<1000xf32, #tpu.memory_space<vmem>>) target_semaphore(%run_scoped3A_241 : memref<!tpu.dma_semaphore, #tpu.memory_space<semaphore_mem>>)
      %dma_wait3A = arith.constant 8000 : i32
      %dma_wait3A_251 = tpu.memref_slice %arg8[%dma_wait3A] : memref<10000xf32, #tpu.memory_space<vmem>> -> memref<1000xf32, #tpu.memory_space<vmem>>
      %dma_wait3A_252 = arith.constant 0 : i32
      %dma_wait3A_253 = tpu.memref_slice %arg5[%run_scoped3A_56, %run_scoped3A_57, %dma_wait3A_252] : memref<10x1x1000xf32, #tpu.memory_space<hbm>> -> memref<1x1x1000xf32, #tpu.memory_space<hbm>>
      %dma_wait3A_254 = tpu.memref_squeeze %dma_wait3A_253 : memref<1x1x1000xf32, #tpu.memory_space<hbm>> -> memref<1000xf32, #tpu.memory_space<hbm>>
      %dma_wait3A_255 = arith.constant 8000 : i32
      %dma_wait3A_256 = tpu.memref_slice %arg8[%dma_wait3A_255] : memref<10000xf32, #tpu.memory_space<vmem>> -> memref<1000xf32, #tpu.memory_space<vmem>>
      %dma_wait3A_257 = arith.constant 0 : i32
      %dma_wait3A_258 = tpu.memref_slice %arg5[%run_scoped3A_56, %run_scoped3A_57, %dma_wait3A_257] : memref<10x1x1000xf32, #tpu.memory_space<hbm>> -> memref<1x1x1000xf32, #tpu.memory_space<hbm>>
      %dma_wait3A_259 = tpu.memref_squeeze %dma_wait3A_258 : memref<1x1x1000xf32, #tpu.memory_space<hbm>> -> memref<1000xf32, #tpu.memory_space<hbm>>
      tpu.wait_dma2 semaphore(%run_scoped3A_241 : memref<!tpu.dma_semaphore, #tpu.memory_space<semaphore_mem>>) src(%dma_wait3A_259 : memref<1000xf32, #tpu.memory_space<hbm>>) dst(%dma_wait3A_256 : memref<1000xf32, #tpu.memory_space<vmem>>)
      tpu.yield
    }) : () -> ()
    %run_scoped3A_58 = arith.constant 8 : i32
    %run_scoped3A_59 = arith.constant 0 : i32
    "tpu.region"() ({
      %run_scoped3A_241 = tpu.sem_alloc : memref<!tpu.dma_semaphore, #tpu.memory_space<semaphore_mem>>
      %dma_start3A = arith.constant 8000 : i32
      %dma_start3A_242 = tpu.memref_slice %arg9[%dma_start3A] : memref<10000xf32, #tpu.memory_space<vmem>> -> memref<1000xf32, #tpu.memory_space<vmem>>
      %dma_start3A_243 = arith.constant 0 : i32
      %dma_start3A_244 = tpu.memref_slice %arg6[%run_scoped3A_58, %run_scoped3A_59, %dma_start3A_243] : memref<10x1x1000xf32, #tpu.memory_space<hbm>> -> memref<1x1x1000xf32, #tpu.memory_space<hbm>>
      %dma_start3A_245 = tpu.memref_squeeze %dma_start3A_244 : memref<1x1x1000xf32, #tpu.memory_space<hbm>> -> memref<1000xf32, #tpu.memory_space<hbm>>
      %dma_start3A_246 = arith.constant 8000 : i32
      %dma_start3A_247 = tpu.memref_slice %arg9[%dma_start3A_246] : memref<10000xf32, #tpu.memory_space<vmem>> -> memref<1000xf32, #tpu.memory_space<vmem>>
      %dma_start3A_248 = arith.constant 0 : i32
      %dma_start3A_249 = tpu.memref_slice %arg6[%run_scoped3A_58, %run_scoped3A_59, %dma_start3A_248] : memref<10x1x1000xf32, #tpu.memory_space<hbm>> -> memref<1x1x1000xf32, #tpu.memory_space<hbm>>
      %dma_start3A_250 = tpu.memref_squeeze %dma_start3A_249 : memref<1x1x1000xf32, #tpu.memory_space<hbm>> -> memref<1000xf32, #tpu.memory_space<hbm>>
      tpu.enqueue_dma source(%dma_start3A_250 : memref<1000xf32, #tpu.memory_space<hbm>>) target(%dma_start3A_247 : memref<1000xf32, #tpu.memory_space<vmem>>) target_semaphore(%run_scoped3A_241 : memref<!tpu.dma_semaphore, #tpu.memory_space<semaphore_mem>>)
      %dma_wait3A = arith.constant 8000 : i32
      %dma_wait3A_251 = tpu.memref_slice %arg9[%dma_wait3A] : memref<10000xf32, #tpu.memory_space<vmem>> -> memref<1000xf32, #tpu.memory_space<vmem>>
      %dma_wait3A_252 = arith.constant 0 : i32
      %dma_wait3A_253 = tpu.memref_slice %arg6[%run_scoped3A_58, %run_scoped3A_59, %dma_wait3A_252] : memref<10x1x1000xf32, #tpu.memory_space<hbm>> -> memref<1x1x1000xf32, #tpu.memory_space<hbm>>
      %dma_wait3A_254 = tpu.memref_squeeze %dma_wait3A_253 : memref<1x1x1000xf32, #tpu.memory_space<hbm>> -> memref<1000xf32, #tpu.memory_space<hbm>>
      %dma_wait3A_255 = arith.constant 8000 : i32
      %dma_wait3A_256 = tpu.memref_slice %arg9[%dma_wait3A_255] : memref<10000xf32, #tpu.memory_space<vmem>> -> memref<1000xf32, #tpu.memory_space<vmem>>
      %dma_wait3A_257 = arith.constant 0 : i32
      %dma_wait3A_258 = tpu.memref_slice %arg6[%run_scoped3A_58, %run_scoped3A_59, %dma_wait3A_257] : memref<10x1x1000xf32, #tpu.memory_space<hbm>> -> memref<1x1x1000xf32, #tpu.memory_space<hbm>>
      %dma_wait3A_259 = tpu.memref_squeeze %dma_wait3A_258 : memref<1x1x1000xf32, #tpu.memory_space<hbm>> -> memref<1000xf32, #tpu.memory_space<hbm>>
      tpu.wait_dma2 semaphore(%run_scoped3A_241 : memref<!tpu.dma_semaphore, #tpu.memory_space<semaphore_mem>>) src(%dma_wait3A_259 : memref<1000xf32, #tpu.memory_space<hbm>>) dst(%dma_wait3A_256 : memref<1000xf32, #tpu.memory_space<vmem>>)
      tpu.yield
    }) : () -> ()
    %run_scoped3A_60 = arith.constant 9 : i32
    %run_scoped3A_61 = arith.constant 0 : i32
    "tpu.region"() ({
      %run_scoped3A_241 = tpu.sem_alloc : memref<!tpu.dma_semaphore, #tpu.memory_space<semaphore_mem>>
      %dma_start3A = arith.constant 9000 : i32
      %dma_start3A_242 = tpu.memref_slice %arg8[%dma_start3A] : memref<10000xf32, #tpu.memory_space<vmem>> -> memref<1000xf32, #tpu.memory_space<vmem>>
      %dma_start3A_243 = arith.constant 0 : i32
      %dma_start3A_244 = tpu.memref_slice %arg5[%run_scoped3A_60, %run_scoped3A_61, %dma_start3A_243] : memref<10x1x1000xf32, #tpu.memory_space<hbm>> -> memref<1x1x1000xf32, #tpu.memory_space<hbm>>
      %dma_start3A_245 = tpu.memref_squeeze %dma_start3A_244 : memref<1x1x1000xf32, #tpu.memory_space<hbm>> -> memref<1000xf32, #tpu.memory_space<hbm>>
      %dma_start3A_246 = arith.constant 9000 : i32
      %dma_start3A_247 = tpu.memref_slice %arg8[%dma_start3A_246] : memref<10000xf32, #tpu.memory_space<vmem>> -> memref<1000xf32, #tpu.memory_space<vmem>>
      %dma_start3A_248 = arith.constant 0 : i32
      %dma_start3A_249 = tpu.memref_slice %arg5[%run_scoped3A_60, %run_scoped3A_61, %dma_start3A_248] : memref<10x1x1000xf32, #tpu.memory_space<hbm>> -> memref<1x1x1000xf32, #tpu.memory_space<hbm>>
      %dma_start3A_250 = tpu.memref_squeeze %dma_start3A_249 : memref<1x1x1000xf32, #tpu.memory_space<hbm>> -> memref<1000xf32, #tpu.memory_space<hbm>>
      tpu.enqueue_dma source(%dma_start3A_250 : memref<1000xf32, #tpu.memory_space<hbm>>) target(%dma_start3A_247 : memref<1000xf32, #tpu.memory_space<vmem>>) target_semaphore(%run_scoped3A_241 : memref<!tpu.dma_semaphore, #tpu.memory_space<semaphore_mem>>)
      %dma_wait3A = arith.constant 9000 : i32
      %dma_wait3A_251 = tpu.memref_slice %arg8[%dma_wait3A] : memref<10000xf32, #tpu.memory_space<vmem>> -> memref<1000xf32, #tpu.memory_space<vmem>>
      %dma_wait3A_252 = arith.constant 0 : i32
      %dma_wait3A_253 = tpu.memref_slice %arg5[%run_scoped3A_60, %run_scoped3A_61, %dma_wait3A_252] : memref<10x1x1000xf32, #tpu.memory_space<hbm>> -> memref<1x1x1000xf32, #tpu.memory_space<hbm>>
      %dma_wait3A_254 = tpu.memref_squeeze %dma_wait3A_253 : memref<1x1x1000xf32, #tpu.memory_space<hbm>> -> memref<1000xf32, #tpu.memory_space<hbm>>
      %dma_wait3A_255 = arith.constant 9000 : i32
      %dma_wait3A_256 = tpu.memref_slice %arg8[%dma_wait3A_255] : memref<10000xf32, #tpu.memory_space<vmem>> -> memref<1000xf32, #tpu.memory_space<vmem>>
      %dma_wait3A_257 = arith.constant 0 : i32
      %dma_wait3A_258 = tpu.memref_slice %arg5[%run_scoped3A_60, %run_scoped3A_61, %dma_wait3A_257] : memref<10x1x1000xf32, #tpu.memory_space<hbm>> -> memref<1x1x1000xf32, #tpu.memory_space<hbm>>
      %dma_wait3A_259 = tpu.memref_squeeze %dma_wait3A_258 : memref<1x1x1000xf32, #tpu.memory_space<hbm>> -> memref<1000xf32, #tpu.memory_space<hbm>>
      tpu.wait_dma2 semaphore(%run_scoped3A_241 : memref<!tpu.dma_semaphore, #tpu.memory_space<semaphore_mem>>) src(%dma_wait3A_259 : memref<1000xf32, #tpu.memory_space<hbm>>) dst(%dma_wait3A_256 : memref<1000xf32, #tpu.memory_space<vmem>>)
      tpu.yield
    }) : () -> ()
    %run_scoped3A_62 = arith.constant 9 : i32
    %run_scoped3A_63 = arith.constant 0 : i32
    "tpu.region"() ({
      %run_scoped3A_241 = tpu.sem_alloc : memref<!tpu.dma_semaphore, #tpu.memory_space<semaphore_mem>>
      %dma_start3A = arith.constant 9000 : i32
      %dma_start3A_242 = tpu.memref_slice %arg9[%dma_start3A] : memref<10000xf32, #tpu.memory_space<vmem>> -> memref<1000xf32, #tpu.memory_space<vmem>>
      %dma_start3A_243 = arith.constant 0 : i32
      %dma_start3A_244 = tpu.memref_slice %arg6[%run_scoped3A_62, %run_scoped3A_63, %dma_start3A_243] : memref<10x1x1000xf32, #tpu.memory_space<hbm>> -> memref<1x1x1000xf32, #tpu.memory_space<hbm>>
      %dma_start3A_245 = tpu.memref_squeeze %dma_start3A_244 : memref<1x1x1000xf32, #tpu.memory_space<hbm>> -> memref<1000xf32, #tpu.memory_space<hbm>>
      %dma_start3A_246 = arith.constant 9000 : i32
      %dma_start3A_247 = tpu.memref_slice %arg9[%dma_start3A_246] : memref<10000xf32, #tpu.memory_space<vmem>> -> memref<1000xf32, #tpu.memory_space<vmem>>
      %dma_start3A_248 = arith.constant 0 : i32
      %dma_start3A_249 = tpu.memref_slice %arg6[%run_scoped3A_62, %run_scoped3A_63, %dma_start3A_248] : memref<10x1x1000xf32, #tpu.memory_space<hbm>> -> memref<1x1x1000xf32, #tpu.memory_space<hbm>>
      %dma_start3A_250 = tpu.memref_squeeze %dma_start3A_249 : memref<1x1x1000xf32, #tpu.memory_space<hbm>> -> memref<1000xf32, #tpu.memory_space<hbm>>
      tpu.enqueue_dma source(%dma_start3A_250 : memref<1000xf32, #tpu.memory_space<hbm>>) target(%dma_start3A_247 : memref<1000xf32, #tpu.memory_space<vmem>>) target_semaphore(%run_scoped3A_241 : memref<!tpu.dma_semaphore, #tpu.memory_space<semaphore_mem>>)
      %dma_wait3A = arith.constant 9000 : i32
      %dma_wait3A_251 = tpu.memref_slice %arg9[%dma_wait3A] : memref<10000xf32, #tpu.memory_space<vmem>> -> memref<1000xf32, #tpu.memory_space<vmem>>
      %dma_wait3A_252 = arith.constant 0 : i32
      %dma_wait3A_253 = tpu.memref_slice %arg6[%run_scoped3A_62, %run_scoped3A_63, %dma_wait3A_252] : memref<10x1x1000xf32, #tpu.memory_space<hbm>> -> memref<1x1x1000xf32, #tpu.memory_space<hbm>>
      %dma_wait3A_254 = tpu.memref_squeeze %dma_wait3A_253 : memref<1x1x1000xf32, #tpu.memory_space<hbm>> -> memref<1000xf32, #tpu.memory_space<hbm>>
      %dma_wait3A_255 = arith.constant 9000 : i32
      %dma_wait3A_256 = tpu.memref_slice %arg9[%dma_wait3A_255] : memref<10000xf32, #tpu.memory_space<vmem>> -> memref<1000xf32, #tpu.memory_space<vmem>>
      %dma_wait3A_257 = arith.constant 0 : i32
      %dma_wait3A_258 = tpu.memref_slice %arg6[%run_scoped3A_62, %run_scoped3A_63, %dma_wait3A_257] : memref<10x1x1000xf32, #tpu.memory_space<hbm>> -> memref<1x1x1000xf32, #tpu.memory_space<hbm>>
      %dma_wait3A_259 = tpu.memref_squeeze %dma_wait3A_258 : memref<1x1x1000xf32, #tpu.memory_space<hbm>> -> memref<1000xf32, #tpu.memory_space<hbm>>
      tpu.wait_dma2 semaphore(%run_scoped3A_241 : memref<!tpu.dma_semaphore, #tpu.memory_space<semaphore_mem>>) src(%dma_wait3A_259 : memref<1000xf32, #tpu.memory_space<hbm>>) dst(%dma_wait3A_256 : memref<1000xf32, #tpu.memory_space<vmem>>)
      tpu.yield
    }) : () -> ()
    %broadcast_in_dim3A_64 = arith.constant 0xFF800000 : f32
    %broadcast_in_dim3A_65 = vector.broadcast %broadcast_in_dim3A_64 : f32 to vector<16xf32>
    %scan3A_66 = arith.constant 0 : i32
    %scan3A_67 = arith.constant 625 : i32
    %scan3A_68 = arith.addi %scan3A_66, %scan3A_67 : i32
    %scan3A_69 = arith.constant 1 : i32
    %scan3A_70:2 = scf.for %scan3A_241 = %scan3A_66 to %scan3A_68 step %scan3A_69 iter_args(%scan3A_242 = %broadcast_in_dim3A_65, %scan3A_243 = %broadcast_in_dim3A_65) -> (vector<16xf32>, vector<16xf32>)  : i32 {
      %mul3A_244 = arith.constant 16 : i32
      %mul3A_245 = arith.muli %scan3A_241, %mul3A_244 : i32
      %get3A = arith.index_cast %mul3A_245 : i32 to index
      %get3A_246 = tpu.vector_load %arg8[%get3A] {strides = array<i32>} : memref<10000xf32, #tpu.memory_space<vmem>>, vector<16xf32>,
      %max3A_247 = arith.maximumf %scan3A_242, %get3A_246 : vector<16xf32>
      %mul3A_248 = arith.constant 16 : i32
      %mul3A_249 = arith.muli %scan3A_241, %mul3A_248 : i32
      %get3A_250 = arith.index_cast %mul3A_249 : i32 to index
      %get3A_251 = tpu.vector_load %arg9[%get3A_250] {strides = array<i32>} : memref<10000xf32, #tpu.memory_space<vmem>>, vector<16xf32>,
      %max3A_252 = arith.maximumf %scan3A_243, %get3A_251 : vector<16xf32>
      scf.yield %max3A_247, %max3A_252 : vector<16xf32>, vector<16xf32>
    }
    %scan3A_71 = arith.constant 625 : i32
    %swap3A = arith.constant 0 : index
    %swap3A_72 = tpu.vector_load %arg13[%swap3A] {strides = array<i32>} : memref<128xf32, #tpu.memory_space<vmem>>, vector<16xf32>,
    tpu.vector_store %arg13[%swap3A], %scan3A_70#0 {strides = array<i32>} : memref<128xf32, #tpu.memory_space<vmem>>, vector<16xf32>,
    %swap3A_73 = arith.constant 16 : index
    %swap3A_74 = tpu.vector_load %arg13[%swap3A_73] {strides = array<i32>} : memref<128xf32, #tpu.memory_space<vmem>>, vector<16xf32>,
    tpu.vector_store %arg13[%swap3A_73], %scan3A_70#1 {strides = array<i32>} : memref<128xf32, #tpu.memory_space<vmem>>, vector<16xf32>,
    %broadcast_in_dim3A_75 = arith.constant 0 : i32
    %broadcast_in_dim3A_76 = vector.broadcast %broadcast_in_dim3A_75 : i32 to vector<16xi32>
    %gather3A = tpu.vector_load_idx %arg13[%broadcast_in_dim3A_76] : memref<128xf32, #tpu.memory_space<vmem>>[vector<16xi32>], vector<16xf32>,
    %max3A = arith.maximumf %broadcast_in_dim3A_65, %gather3A : vector<16xf32>
    %add3A_77 = arith.constant 16 : i32
    %add3A_78 = vector.broadcast %add3A_77 : i32 to vector<16xi32>
    %add3A_79 = arith.addi %broadcast_in_dim3A_76, %add3A_78 : vector<16xi32>
    %gather3A_80 = tpu.vector_load_idx %arg13[%add3A_79] : memref<128xf32, #tpu.memory_space<vmem>>[vector<16xi32>], vector<16xf32>,
    %max3A_81 = arith.maximumf %broadcast_in_dim3A_65, %gather3A_80 : vector<16xf32>
    %broadcast_in_dim3A_82 = arith.constant 1 : i32
    %broadcast_in_dim3A_83 = vector.broadcast %broadcast_in_dim3A_82 : i32 to vector<16xi32>
    %gather3A_84 = tpu.vector_load_idx %arg13[%broadcast_in_dim3A_83] : memref<128xf32, #tpu.memory_space<vmem>>[vector<16xi32>], vector<16xf32>,
    %max3A_85 = arith.maximumf %max3A, %gather3A_84 : vector<16xf32>
    %add3A_86 = arith.constant 16 : i32
    %add3A_87 = vector.broadcast %add3A_86 : i32 to vector<16xi32>
    %add3A_88 = arith.addi %broadcast_in_dim3A_83, %add3A_87 : vector<16xi32>
    %gather3A_89 = tpu.vector_load_idx %arg13[%add3A_88] : memref<128xf32, #tpu.memory_space<vmem>>[vector<16xi32>], vector<16xf32>,
    %max3A_90 = arith.maximumf %max3A_81, %gather3A_89 : vector<16xf32>
    %broadcast_in_dim3A_91 = arith.constant 2 : i32
    %broadcast_in_dim3A_92 = vector.broadcast %broadcast_in_dim3A_91 : i32 to vector<16xi32>
    %gather3A_93 = tpu.vector_load_idx %arg13[%broadcast_in_dim3A_92] : memref<128xf32, #tpu.memory_space<vmem>>[vector<16xi32>], vector<16xf32>,
    %max3A_94 = arith.maximumf %max3A_85, %gather3A_93 : vector<16xf32>
    %add3A_95 = arith.constant 16 : i32
    %add3A_96 = vector.broadcast %add3A_95 : i32 to vector<16xi32>
    %add3A_97 = arith.addi %broadcast_in_dim3A_92, %add3A_96 : vector<16xi32>
    %gather3A_98 = tpu.vector_load_idx %arg13[%add3A_97] : memref<128xf32, #tpu.memory_space<vmem>>[vector<16xi32>], vector<16xf32>,
    %max3A_99 = arith.maximumf %max3A_90, %gather3A_98 : vector<16xf32>
    %broadcast_in_dim3A_100 = arith.constant 3 : i32
    %broadcast_in_dim3A_101 = vector.broadcast %broadcast_in_dim3A_100 : i32 to vector<16xi32>
    %gather3A_102 = tpu.vector_load_idx %arg13[%broadcast_in_dim3A_101] : memref<128xf32, #tpu.memory_space<vmem>>[vector<16xi32>], vector<16xf32>,
    %max3A_103 = arith.maximumf %max3A_94, %gather3A_102 : vector<16xf32>
    %add3A_104 = arith.constant 16 : i32
    %add3A_105 = vector.broadcast %add3A_104 : i32 to vector<16xi32>
    %add3A_106 = arith.addi %broadcast_in_dim3A_101, %add3A_105 : vector<16xi32>
    %gather3A_107 = tpu.vector_load_idx %arg13[%add3A_106] : memref<128xf32, #tpu.memory_space<vmem>>[vector<16xi32>], vector<16xf32>,
    %max3A_108 = arith.maximumf %max3A_99, %gather3A_107 : vector<16xf32>
    %broadcast_in_dim3A_109 = arith.constant 4 : i32
    %broadcast_in_dim3A_110 = vector.broadcast %broadcast_in_dim3A_109 : i32 to vector<16xi32>
    %gather3A_111 = tpu.vector_load_idx %arg13[%broadcast_in_dim3A_110] : memref<128xf32, #tpu.memory_space<vmem>>[vector<16xi32>], vector<16xf32>,
    %max3A_112 = arith.maximumf %max3A_103, %gather3A_111 : vector<16xf32>
    %add3A_113 = arith.constant 16 : i32
    %add3A_114 = vector.broadcast %add3A_113 : i32 to vector<16xi32>
    %add3A_115 = arith.addi %broadcast_in_dim3A_110, %add3A_114 : vector<16xi32>
    %gather3A_116 = tpu.vector_load_idx %arg13[%add3A_115] : memref<128xf32, #tpu.memory_space<vmem>>[vector<16xi32>], vector<16xf32>,
    %max3A_117 = arith.maximumf %max3A_108, %gather3A_116 : vector<16xf32>
    %broadcast_in_dim3A_118 = arith.constant 5 : i32
    %broadcast_in_dim3A_119 = vector.broadcast %broadcast_in_dim3A_118 : i32 to vector<16xi32>
    %gather3A_120 = tpu.vector_load_idx %arg13[%broadcast_in_dim3A_119] : memref<128xf32, #tpu.memory_space<vmem>>[vector<16xi32>], vector<16xf32>,
    %max3A_121 = arith.maximumf %max3A_112, %gather3A_120 : vector<16xf32>
    %add3A_122 = arith.constant 16 : i32
    %add3A_123 = vector.broadcast %add3A_122 : i32 to vector<16xi32>
    %add3A_124 = arith.addi %broadcast_in_dim3A_119, %add3A_123 : vector<16xi32>
    %gather3A_125 = tpu.vector_load_idx %arg13[%add3A_124] : memref<128xf32, #tpu.memory_space<vmem>>[vector<16xi32>], vector<16xf32>,
    %max3A_126 = arith.maximumf %max3A_117, %gather3A_125 : vector<16xf32>
    %broadcast_in_dim3A_127 = arith.constant 6 : i32
    %broadcast_in_dim3A_128 = vector.broadcast %broadcast_in_dim3A_127 : i32 to vector<16xi32>
    %gather3A_129 = tpu.vector_load_idx %arg13[%broadcast_in_dim3A_128] : memref<128xf32, #tpu.memory_space<vmem>>[vector<16xi32>], vector<16xf32>,
    %max3A_130 = arith.maximumf %max3A_121, %gather3A_129 : vector<16xf32>
    %add3A_131 = arith.constant 16 : i32
    %add3A_132 = vector.broadcast %add3A_131 : i32 to vector<16xi32>
    %add3A_133 = arith.addi %broadcast_in_dim3A_128, %add3A_132 : vector<16xi32>
    %gather3A_134 = tpu.vector_load_idx %arg13[%add3A_133] : memref<128xf32, #tpu.memory_space<vmem>>[vector<16xi32>], vector<16xf32>,
    %max3A_135 = arith.maximumf %max3A_126, %gather3A_134 : vector<16xf32>
    %broadcast_in_dim3A_136 = arith.constant 7 : i32
    %broadcast_in_dim3A_137 = vector.broadcast %broadcast_in_dim3A_136 : i32 to vector<16xi32>
    %gather3A_138 = tpu.vector_load_idx %arg13[%broadcast_in_dim3A_137] : memref<128xf32, #tpu.memory_space<vmem>>[vector<16xi32>], vector<16xf32>,
    %max3A_139 = arith.maximumf %max3A_130, %gather3A_138 : vector<16xf32>
    %add3A_140 = arith.constant 16 : i32
    %add3A_141 = vector.broadcast %add3A_140 : i32 to vector<16xi32>
    %add3A_142 = arith.addi %broadcast_in_dim3A_137, %add3A_141 : vector<16xi32>
    %gather3A_143 = tpu.vector_load_idx %arg13[%add3A_142] : memref<128xf32, #tpu.memory_space<vmem>>[vector<16xi32>], vector<16xf32>,
    %max3A_144 = arith.maximumf %max3A_135, %gather3A_143 : vector<16xf32>
    %broadcast_in_dim3A_145 = arith.constant 8 : i32
    %broadcast_in_dim3A_146 = vector.broadcast %broadcast_in_dim3A_145 : i32 to vector<16xi32>
    %gather3A_147 = tpu.vector_load_idx %arg13[%broadcast_in_dim3A_146] : memref<128xf32, #tpu.memory_space<vmem>>[vector<16xi32>], vector<16xf32>,
    %max3A_148 = arith.maximumf %max3A_139, %gather3A_147 : vector<16xf32>
    %add3A_149 = arith.constant 16 : i32
    %add3A_150 = vector.broadcast %add3A_149 : i32 to vector<16xi32>
    %add3A_151 = arith.addi %broadcast_in_dim3A_146, %add3A_150 : vector<16xi32>
    %gather3A_152 = tpu.vector_load_idx %arg13[%add3A_151] : memref<128xf32, #tpu.memory_space<vmem>>[vector<16xi32>], vector<16xf32>,
    %max3A_153 = arith.maximumf %max3A_144, %gather3A_152 : vector<16xf32>
    %broadcast_in_dim3A_154 = arith.constant 9 : i32
    %broadcast_in_dim3A_155 = vector.broadcast %broadcast_in_dim3A_154 : i32 to vector<16xi32>
    %gather3A_156 = tpu.vector_load_idx %arg13[%broadcast_in_dim3A_155] : memref<128xf32, #tpu.memory_space<vmem>>[vector<16xi32>], vector<16xf32>,
    %max3A_157 = arith.maximumf %max3A_148, %gather3A_156 : vector<16xf32>
    %add3A_158 = arith.constant 16 : i32
    %add3A_159 = vector.broadcast %add3A_158 : i32 to vector<16xi32>
    %add3A_160 = arith.addi %broadcast_in_dim3A_155, %add3A_159 : vector<16xi32>
    %gather3A_161 = tpu.vector_load_idx %arg13[%add3A_160] : memref<128xf32, #tpu.memory_space<vmem>>[vector<16xi32>], vector<16xf32>,
    %max3A_162 = arith.maximumf %max3A_153, %gather3A_161 : vector<16xf32>
    %broadcast_in_dim3A_163 = arith.constant 10 : i32
    %broadcast_in_dim3A_164 = vector.broadcast %broadcast_in_dim3A_163 : i32 to vector<16xi32>
    %gather3A_165 = tpu.vector_load_idx %arg13[%broadcast_in_dim3A_164] : memref<128xf32, #tpu.memory_space<vmem>>[vector<16xi32>], vector<16xf32>,
    %max3A_166 = arith.maximumf %max3A_157, %gather3A_165 : vector<16xf32>
    %add3A_167 = arith.constant 16 : i32
    %add3A_168 = vector.broadcast %add3A_167 : i32 to vector<16xi32>
    %add3A_169 = arith.addi %broadcast_in_dim3A_164, %add3A_168 : vector<16xi32>
    %gather3A_170 = tpu.vector_load_idx %arg13[%add3A_169] : memref<128xf32, #tpu.memory_space<vmem>>[vector<16xi32>], vector<16xf32>,
    %max3A_171 = arith.maximumf %max3A_162, %gather3A_170 : vector<16xf32>
    %broadcast_in_dim3A_172 = arith.constant 11 : i32
    %broadcast_in_dim3A_173 = vector.broadcast %broadcast_in_dim3A_172 : i32 to vector<16xi32>
    %gather3A_174 = tpu.vector_load_idx %arg13[%broadcast_in_dim3A_173] : memref<128xf32, #tpu.memory_space<vmem>>[vector<16xi32>], vector<16xf32>,
    %max3A_175 = arith.maximumf %max3A_166, %gather3A_174 : vector<16xf32>
    %add3A_176 = arith.constant 16 : i32
    %add3A_177 = vector.broadcast %add3A_176 : i32 to vector<16xi32>
    %add3A_178 = arith.addi %broadcast_in_dim3A_173, %add3A_177 : vector<16xi32>
    %gather3A_179 = tpu.vector_load_idx %arg13[%add3A_178] : memref<128xf32, #tpu.memory_space<vmem>>[vector<16xi32>], vector<16xf32>,
    %max3A_180 = arith.maximumf %max3A_171, %gather3A_179 : vector<16xf32>
    %broadcast_in_dim3A_181 = arith.constant 12 : i32
    %broadcast_in_dim3A_182 = vector.broadcast %broadcast_in_dim3A_181 : i32 to vector<16xi32>
    %gather3A_183 = tpu.vector_load_idx %arg13[%broadcast_in_dim3A_182] : memref<128xf32, #tpu.memory_space<vmem>>[vector<16xi32>], vector<16xf32>,
    %max3A_184 = arith.maximumf %max3A_175, %gather3A_183 : vector<16xf32>
    %add3A_185 = arith.constant 16 : i32
    %add3A_186 = vector.broadcast %add3A_185 : i32 to vector<16xi32>
    %add3A_187 = arith.addi %broadcast_in_dim3A_182, %add3A_186 : vector<16xi32>
    %gather3A_188 = tpu.vector_load_idx %arg13[%add3A_187] : memref<128xf32, #tpu.memory_space<vmem>>[vector<16xi32>], vector<16xf32>,
    %max3A_189 = arith.maximumf %max3A_180, %gather3A_188 : vector<16xf32>
    %broadcast_in_dim3A_190 = arith.constant 13 : i32
    %broadcast_in_dim3A_191 = vector.broadcast %broadcast_in_dim3A_190 : i32 to vector<16xi32>
    %gather3A_192 = tpu.vector_load_idx %arg13[%broadcast_in_dim3A_191] : memref<128xf32, #tpu.memory_space<vmem>>[vector<16xi32>], vector<16xf32>,
    %max3A_193 = arith.maximumf %max3A_184, %gather3A_192 : vector<16xf32>
    %add3A_194 = arith.constant 16 : i32
    %add3A_195 = vector.broadcast %add3A_194 : i32 to vector<16xi32>
    %add3A_196 = arith.addi %broadcast_in_dim3A_191, %add3A_195 : vector<16xi32>
    %gather3A_197 = tpu.vector_load_idx %arg13[%add3A_196] : memref<128xf32, #tpu.memory_space<vmem>>[vector<16xi32>], vector<16xf32>,
    %max3A_198 = arith.maximumf %max3A_189, %gather3A_197 : vector<16xf32>
    %broadcast_in_dim3A_199 = arith.constant 14 : i32
    %broadcast_in_dim3A_200 = vector.broadcast %broadcast_in_dim3A_199 : i32 to vector<16xi32>
    %gather3A_201 = tpu.vector_load_idx %arg13[%broadcast_in_dim3A_200] : memref<128xf32, #tpu.memory_space<vmem>>[vector<16xi32>], vector<16xf32>,
    %max3A_202 = arith.maximumf %max3A_193, %gather3A_201 : vector<16xf32>
    %add3A_203 = arith.constant 16 : i32
    %add3A_204 = vector.broadcast %add3A_203 : i32 to vector<16xi32>
    %add3A_205 = arith.addi %broadcast_in_dim3A_200, %add3A_204 : vector<16xi32>
    %gather3A_206 = tpu.vector_load_idx %arg13[%add3A_205] : memref<128xf32, #tpu.memory_space<vmem>>[vector<16xi32>], vector<16xf32>,
    %max3A_207 = arith.maximumf %max3A_198, %gather3A_206 : vector<16xf32>
    %broadcast_in_dim3A_208 = arith.constant 15 : i32
    %broadcast_in_dim3A_209 = vector.broadcast %broadcast_in_dim3A_208 : i32 to vector<16xi32>
    %gather3A_210 = tpu.vector_load_idx %arg13[%broadcast_in_dim3A_209] : memref<128xf32, #tpu.memory_space<vmem>>[vector<16xi32>], vector<16xf32>,
    %max3A_211 = arith.maximumf %max3A_202, %gather3A_210 : vector<16xf32>
    %add3A_212 = arith.constant 16 : i32
    %add3A_213 = vector.broadcast %add3A_212 : i32 to vector<16xi32>
    %add3A_214 = arith.addi %broadcast_in_dim3A_209, %add3A_213 : vector<16xi32>
    %gather3A_215 = tpu.vector_load_idx %arg13[%add3A_214] : memref<128xf32, #tpu.memory_space<vmem>>[vector<16xi32>], vector<16xf32>,
    %max3A_216 = arith.maximumf %max3A_207, %gather3A_215 : vector<16xf32>
    %add3A_217 = arith.addf %max3A_211, %max3A_216 : vector<16xf32>
    %ge3A = arith.constant 0.000000e+00 : f32
    %ge3A_218 = vector.broadcast %ge3A : f32 to vector<16xf32>
    %ge3A_219 = arith.cmpf oge, %add3A_217, %ge3A_218 : vector<16xf32>
    %mul3A_220 = arith.constant 2.000000e-01 : f32
    %mul3A_221 = vector.broadcast %mul3A_220 : f32 to vector<16xf32>
    %mul3A_222 = arith.mulf %mul3A_221, %add3A_217 : vector<16xf32>
    %select_n3A = arith.select %ge3A_219, %add3A_217, %mul3A_222 : vector<16xi1>, vector<16xf32>
    %barrier3A = arith.constant 0 : index
    tpu.barrier barrier_id(%barrier3A)
    %iota3A = tpu.iota {dimensions = array<i32: 0>} : vector<16xi32>
    %scan3A_223 = arith.constant 0 : i32
    %scan3A_224 = arith.constant 0 : i32
    %scan3A_225 = arith.constant 81 : i32
    %scan3A_226 = arith.addi %scan3A_224, %scan3A_225 : i32
    %scan3A_227 = arith.constant 1 : i32
    %scan3A_228 = scf.for %scan3A_241 = %scan3A_224 to %scan3A_226 step %scan3A_227 iter_args(%scan3A_242 = %scan3A_223) -> (i32)  : i32 {
      %mul3A_243 = arith.constant 81 : i32
      %mul3A_244 = arith.muli %add3A, %mul3A_243 : i32
      %add3A_245 = arith.addi %mul3A_244, %scan3A_241 : i32
      "tpu.region"() ({
        %run_scoped3A_567 = tpu.sem_alloc : memref<!tpu.dma_semaphore, #tpu.memory_space<semaphore_mem>>
        %dma_start3A_568 = arith.constant 0 : i32
        %dma_start3A_569 = arith.constant 0 : i32
        %dma_start3A_570 = tpu.memref_slice %arg3[%add3A_245, %dma_start3A_568, %dma_start3A_569] : memref<2592x1x128xi32, #tpu.memory_space<hbm>> -> memref<1x1x128xi32, #tpu.memory_space<hbm>>
        %dma_start3A_571 = tpu.memref_squeeze %dma_start3A_570 : memref<1x1x128xi32, #tpu.memory_space<hbm>> -> memref<1x128xi32, #tpu.memory_space<hbm>>
        %dma_start3A_572 = arith.constant 0 : i32
        %dma_start3A_573 = arith.constant 0 : i32
        %dma_start3A_574 = tpu.memref_slice %arg3[%add3A_245, %dma_start3A_572, %dma_start3A_573] : memref<2592x1x128xi32, #tpu.memory_space<hbm>> -> memref<1x1x128xi32, #tpu.memory_space<hbm>>
        %dma_start3A_575 = tpu.memref_squeeze %dma_start3A_574 : memref<1x1x128xi32, #tpu.memory_space<hbm>> -> memref<1x128xi32, #tpu.memory_space<hbm>>
        tpu.enqueue_dma source(%dma_start3A_575 : memref<1x128xi32, #tpu.memory_space<hbm>>) target(%arg10 : memref<1x128xi32, #tpu.memory_space<vmem>>) target_semaphore(%run_scoped3A_567 : memref<!tpu.dma_semaphore, #tpu.memory_space<semaphore_mem>>)
        %dma_wait3A_576 = arith.constant 0 : i32
        %dma_wait3A_577 = arith.constant 0 : i32
        %dma_wait3A_578 = tpu.memref_slice %arg3[%add3A_245, %dma_wait3A_576, %dma_wait3A_577] : memref<2592x1x128xi32, #tpu.memory_space<hbm>> -> memref<1x1x128xi32, #tpu.memory_space<hbm>>
        %dma_wait3A_579 = tpu.memref_squeeze %dma_wait3A_578 : memref<1x1x128xi32, #tpu.memory_space<hbm>> -> memref<1x128xi32, #tpu.memory_space<hbm>>
        %dma_wait3A_580 = arith.constant 0 : i32
        %dma_wait3A_581 = arith.constant 0 : i32
        %dma_wait3A_582 = tpu.memref_slice %arg3[%add3A_245, %dma_wait3A_580, %dma_wait3A_581] : memref<2592x1x128xi32, #tpu.memory_space<hbm>> -> memref<1x1x128xi32, #tpu.memory_space<hbm>>
        %dma_wait3A_583 = tpu.memref_squeeze %dma_wait3A_582 : memref<1x1x128xi32, #tpu.memory_space<hbm>> -> memref<1x128xi32, #tpu.memory_space<hbm>>
        tpu.wait_dma2 semaphore(%run_scoped3A_567 : memref<!tpu.dma_semaphore, #tpu.memory_space<semaphore_mem>>) src(%dma_wait3A_583 : memref<1x128xi32, #tpu.memory_space<hbm>>) dst(%arg10 : memref<1x128xi32, #tpu.memory_space<vmem>>)
        tpu.yield
      }) : () -> ()
      "tpu.region"() ({
        %run_scoped3A_567 = tpu.sem_alloc : memref<!tpu.dma_semaphore, #tpu.memory_space<semaphore_mem>>
        %dma_start3A_568 = arith.constant 0 : i32
        %dma_start3A_569 = arith.constant 0 : i32
        %dma_start3A_570 = tpu.memref_slice %arg4[%add3A_245, %dma_start3A_568, %dma_start3A_569] : memref<2592x1x128xi32, #tpu.memory_space<hbm>> -> memref<1x1x128xi32, #tpu.memory_space<hbm>>
        %dma_start3A_571 = tpu.memref_squeeze %dma_start3A_570 : memref<1x1x128xi32, #tpu.memory_space<hbm>> -> memref<1x128xi32, #tpu.memory_space<hbm>>
        %dma_start3A_572 = arith.constant 0 : i32
        %dma_start3A_573 = arith.constant 0 : i32
        %dma_start3A_574 = tpu.memref_slice %arg4[%add3A_245, %dma_start3A_572, %dma_start3A_573] : memref<2592x1x128xi32, #tpu.memory_space<hbm>> -> memref<1x1x128xi32, #tpu.memory_space<hbm>>
        %dma_start3A_575 = tpu.memref_squeeze %dma_start3A_574 : memref<1x1x128xi32, #tpu.memory_space<hbm>> -> memref<1x128xi32, #tpu.memory_space<hbm>>
        tpu.enqueue_dma source(%dma_start3A_575 : memref<1x128xi32, #tpu.memory_space<hbm>>) target(%arg11 : memref<1x128xi32, #tpu.memory_space<vmem>>) target_semaphore(%run_scoped3A_567 : memref<!tpu.dma_semaphore, #tpu.memory_space<semaphore_mem>>)
        %dma_wait3A_576 = arith.constant 0 : i32
        %dma_wait3A_577 = arith.constant 0 : i32
        %dma_wait3A_578 = tpu.memref_slice %arg4[%add3A_245, %dma_wait3A_576, %dma_wait3A_577] : memref<2592x1x128xi32, #tpu.memory_space<hbm>> -> memref<1x1x128xi32, #tpu.memory_space<hbm>>
        %dma_wait3A_579 = tpu.memref_squeeze %dma_wait3A_578 : memref<1x1x128xi32, #tpu.memory_space<hbm>> -> memref<1x128xi32, #tpu.memory_space<hbm>>
        %dma_wait3A_580 = arith.constant 0 : i32
        %dma_wait3A_581 = arith.constant 0 : i32
        %dma_wait3A_582 = tpu.memref_slice %arg4[%add3A_245, %dma_wait3A_580, %dma_wait3A_581] : memref<2592x1x128xi32, #tpu.memory_space<hbm>> -> memref<1x1x128xi32, #tpu.memory_space<hbm>>
        %dma_wait3A_583 = tpu.memref_squeeze %dma_wait3A_582 : memref<1x1x128xi32, #tpu.memory_space<hbm>> -> memref<1x128xi32, #tpu.memory_space<hbm>>
        tpu.wait_dma2 semaphore(%run_scoped3A_567 : memref<!tpu.dma_semaphore, #tpu.memory_space<semaphore_mem>>) src(%dma_wait3A_583 : memref<1x128xi32, #tpu.memory_space<hbm>>) dst(%arg11 : memref<1x128xi32, #tpu.memory_space<vmem>>)
        tpu.yield
      }) : () -> ()
      %dma_start3A = arith.constant 0 : i32
      %dma_start3A_246 = arith.constant 0 : i32
      %dma_start3A_247 = arith.constant 0 : i32
      %dma_start3A_248 = arith.constant 0 : i32
      %dma_start3A_249 = tpu.memref_slice %arg12[%dma_start3A_246, %dma_start3A_247, %dma_start3A_248] : memref<1x128x128xf32, #tpu.memory_space<vmem>> -> memref<1x128x128xf32, #tpu.memory_space<vmem>>
      %dma_start3A_250 = tpu.memref_squeeze %dma_start3A_249 : memref<1x128x128xf32, #tpu.memory_space<vmem>> -> memref<128x128xf32, #tpu.memory_space<vmem>>
      %dma_start3A_251 = arith.constant 0 : i32
      %dma_start3A_252 = tpu.memref_slice %arg10[%dma_start3A, %dma_start3A_251] : memref<1x128xi32, #tpu.memory_space<vmem>> -> memref<1x128xi32, #tpu.memory_space<vmem>>
      %dma_start3A_253 = tpu.memref_squeeze %dma_start3A_252 : memref<1x128xi32, #tpu.memory_space<vmem>> -> memref<128xi32, #tpu.memory_space<vmem>>
      %dma_start3A_254 = arith.constant 0 : i32
      %dma_start3A_255 = arith.constant 0 : i32
      %dma_start3A_256 = tpu.memref_slice %arg2[%dma_start3A_254, %dma_start3A_255] : memref<10000x128xf32, #tpu.memory_space<hbm>> -> memref<10000x128xf32, #tpu.memory_space<hbm>>
      tpu.enqueue_indirect_dma source(%dma_start3A_256 : memref<10000x128xf32, #tpu.memory_space<hbm>>) target(%dma_start3A_250 : memref<128x128xf32, #tpu.memory_space<vmem>>) offsets(%dma_start3A_253 : memref<128xi32, #tpu.memory_space<vmem>>) semaphore(%arg15 : memref<!tpu.dma_semaphore, #tpu.memory_space<semaphore_mem>>)
      %dma_wait3A = arith.constant 0 : i32
      %dma_wait3A_257 = arith.constant 0 : i32
      %dma_wait3A_258 = arith.constant 0 : i32
      %dma_wait3A_259 = arith.constant 0 : i32
      %dma_wait3A_260 = tpu.memref_slice %arg12[%dma_wait3A_257, %dma_wait3A_258, %dma_wait3A_259] : memref<1x128x128xf32, #tpu.memory_space<vmem>> -> memref<1x128x128xf32, #tpu.memory_space<vmem>>
      %dma_wait3A_261 = tpu.memref_squeeze %dma_wait3A_260 : memref<1x128x128xf32, #tpu.memory_space<vmem>> -> memref<128x128xf32, #tpu.memory_space<vmem>>
      %dma_wait3A_262 = arith.constant 0 : i32
      %dma_wait3A_263 = tpu.memref_slice %arg10[%dma_wait3A, %dma_wait3A_262] : memref<1x128xi32, #tpu.memory_space<vmem>> -> memref<1x128xi32, #tpu.memory_space<vmem>>
      %dma_wait3A_264 = tpu.memref_squeeze %dma_wait3A_263 : memref<1x128xi32, #tpu.memory_space<vmem>> -> memref<128xi32, #tpu.memory_space<vmem>>
      %dma_wait3A_265 = arith.constant 0 : i32
      %dma_wait3A_266 = arith.constant 0 : i32
      %dma_wait3A_267 = tpu.memref_slice %arg2[%dma_wait3A_265, %dma_wait3A_266] : memref<10000x128xf32, #tpu.memory_space<hbm>> -> memref<10000x128xf32, #tpu.memory_space<hbm>>
      tpu.wait_indirect_dma semaphore(%arg15 : memref<!tpu.dma_semaphore, #tpu.memory_space<semaphore_mem>>) src(%dma_wait3A_267 : memref<10000x128xf32, #tpu.memory_space<hbm>>) dst(%dma_wait3A_261 : memref<128x128xf32, #tpu.memory_space<vmem>>)
      %get3A = arith.constant 0 : i32
      %get3A_268 = arith.index_cast %get3A : i32 to index
      %get3A_269 = arith.constant 0 : index
      %get3A_270 = tpu.vector_load %arg10[%get3A_268, %get3A_269] {strides = array<i32>} : memref<1x128xi32, #tpu.memory_space<vmem>>, vector<16xi32>,
      %get3A_271 = arith.constant 0 : i32
      %get3A_272 = arith.index_cast %get3A_271 : i32 to index
      %get3A_273 = arith.constant 0 : index
      %get3A_274 = tpu.vector_load %arg11[%get3A_272, %get3A_273] {strides = array<i32>} : memref<1x128xi32, #tpu.memory_space<vmem>>, vector<16xi32>,
      %gather3A_275 = tpu.vector_load_idx %arg8[%get3A_270] : memref<10000xf32, #tpu.memory_space<vmem>>[vector<16xi32>], vector<16xf32>,
      %gather3A_276 = tpu.vector_load_idx %arg9[%get3A_274] : memref<10000xf32, #tpu.memory_space<vmem>>[vector<16xi32>], vector<16xf32>,
      %add3A_277 = arith.addf %gather3A_275, %gather3A_276 : vector<16xf32>
      %ge3A_278 = arith.constant 0.000000e+00 : f32
      %ge3A_279 = vector.broadcast %ge3A_278 : f32 to vector<16xf32>
      %ge3A_280 = arith.cmpf oge, %add3A_277, %ge3A_279 : vector<16xf32>
      %mul3A_281 = arith.constant 2.000000e-01 : f32
      %mul3A_282 = vector.broadcast %mul3A_281 : f32 to vector<16xf32>
      %mul3A_283 = arith.mulf %mul3A_282, %add3A_277 : vector<16xf32>
      %select_n3A_284 = arith.select %ge3A_280, %add3A_277, %mul3A_283 : vector<16xi1>, vector<16xf32>
      %sub3A = arith.subf %select_n3A_284, %select_n3A : vector<16xf32>
      %exp3A = math.exp %sub3A : vector<16xf32>
      %mul3A_285 = arith.constant 128 : i32
      %mul3A_286 = arith.muli %add3A_245, %mul3A_285 : i32
      %add3A_287 = arith.constant 0 : i32
      %add3A_288 = arith.addi %mul3A_286, %add3A_287 : i32
      %broadcast_in_dim3A_289 = vector.broadcast %add3A_288 : i32 to vector<16xi32>
      %add3A_290 = arith.addi %broadcast_in_dim3A_289, %iota3A : vector<16xi32>
      %lt3A = arith.constant 330000 : i32
      %lt3A_291 = vector.broadcast %lt3A : i32 to vector<16xi32>
      %lt3A_292 = arith.cmpi slt, %add3A_290, %lt3A_291 : vector<16xi32>
      %jit3A = arith.constant 0.000000e+00 : f32
      %broadcast_in_dim3A_293 = vector.broadcast %jit3A : f32 to vector<16xf32>
      %select_n3A_294 = arith.select %lt3A_292, %exp3A, %broadcast_in_dim3A_293 : vector<16xi1>, vector<16xf32>
      %swap3A_295 = arith.constant 0 : index
      %swap3A_296 = tpu.vector_load %arg13[%swap3A_295] {strides = array<i32>} : memref<128xf32, #tpu.memory_space<vmem>>, vector<16xf32>,
      tpu.vector_store %arg13[%swap3A_295], %select_n3A_294 {strides = array<i32>} : memref<128xf32, #tpu.memory_space<vmem>>, vector<16xf32>,
      %get3A_297 = arith.constant 0 : i32
      %get3A_298 = arith.index_cast %get3A_297 : i32 to index
      %get3A_299 = arith.constant 16 : index
      %get3A_300 = tpu.vector_load %arg10[%get3A_298, %get3A_299] {strides = array<i32>} : memref<1x128xi32, #tpu.memory_space<vmem>>, vector<16xi32>,
      %get3A_301 = arith.constant 0 : i32
      %get3A_302 = arith.index_cast %get3A_301 : i32 to index
      %get3A_303 = arith.constant 16 : index
      %get3A_304 = tpu.vector_load %arg11[%get3A_302, %get3A_303] {strides = array<i32>} : memref<1x128xi32, #tpu.memory_space<vmem>>, vector<16xi32>,
      %gather3A_305 = tpu.vector_load_idx %arg8[%get3A_300] : memref<10000xf32, #tpu.memory_space<vmem>>[vector<16xi32>], vector<16xf32>,
      %gather3A_306 = tpu.vector_load_idx %arg9[%get3A_304] : memref<10000xf32, #tpu.memory_space<vmem>>[vector<16xi32>], vector<16xf32>,
      %add3A_307 = arith.addf %gather3A_305, %gather3A_306 : vector<16xf32>
      %ge3A_308 = arith.constant 0.000000e+00 : f32
      %ge3A_309 = vector.broadcast %ge3A_308 : f32 to vector<16xf32>
      %ge3A_310 = arith.cmpf oge, %add3A_307, %ge3A_309 : vector<16xf32>
      %mul3A_311 = arith.constant 2.000000e-01 : f32
      %mul3A_312 = vector.broadcast %mul3A_311 : f32 to vector<16xf32>
      %mul3A_313 = arith.mulf %mul3A_312, %add3A_307 : vector<16xf32>
      %select_n3A_314 = arith.select %ge3A_310, %add3A_307, %mul3A_313 : vector<16xi1>, vector<16xf32>
      %sub3A_315 = arith.subf %select_n3A_314, %select_n3A : vector<16xf32>
      %exp3A_316 = math.exp %sub3A_315 : vector<16xf32>
      %mul3A_317 = arith.constant 128 : i32
      %mul3A_318 = arith.muli %add3A_245, %mul3A_317 : i32
      %add3A_319 = arith.constant 16 : i32
      %add3A_320 = arith.addi %mul3A_318, %add3A_319 : i32
      %broadcast_in_dim3A_321 = vector.broadcast %add3A_320 : i32 to vector<16xi32>
      %add3A_322 = arith.addi %broadcast_in_dim3A_321, %iota3A : vector<16xi32>
      %lt3A_323 = arith.constant 330000 : i32
      %lt3A_324 = vector.broadcast %lt3A_323 : i32 to vector<16xi32>
      %lt3A_325 = arith.cmpi slt, %add3A_322, %lt3A_324 : vector<16xi32>
      %jit3A_326 = arith.constant 0.000000e+00 : f32
      %broadcast_in_dim3A_327 = vector.broadcast %jit3A_326 : f32 to vector<16xf32>
      %select_n3A_328 = arith.select %lt3A_325, %exp3A_316, %broadcast_in_dim3A_327 : vector<16xi1>, vector<16xf32>
      %swap3A_329 = arith.constant 16 : index
      %swap3A_330 = tpu.vector_load %arg13[%swap3A_329] {strides = array<i32>} : memref<128xf32, #tpu.memory_space<vmem>>, vector<16xf32>,
      tpu.vector_store %arg13[%swap3A_329], %select_n3A_328 {strides = array<i32>} : memref<128xf32, #tpu.memory_space<vmem>>, vector<16xf32>,
      %get3A_331 = arith.constant 0 : i32
      %get3A_332 = arith.index_cast %get3A_331 : i32 to index
      %get3A_333 = arith.constant 32 : index
      %get3A_334 = tpu.vector_load %arg10[%get3A_332, %get3A_333] {strides = array<i32>} : memref<1x128xi32, #tpu.memory_space<vmem>>, vector<16xi32>,
      %get3A_335 = arith.constant 0 : i32
      %get3A_336 = arith.index_cast %get3A_335 : i32 to index
      %get3A_337 = arith.constant 32 : index
      %get3A_338 = tpu.vector_load %arg11[%get3A_336, %get3A_337] {strides = array<i32>} : memref<1x128xi32, #tpu.memory_space<vmem>>, vector<16xi32>,
      %gather3A_339 = tpu.vector_load_idx %arg8[%get3A_334] : memref<10000xf32, #tpu.memory_space<vmem>>[vector<16xi32>], vector<16xf32>,
      %gather3A_340 = tpu.vector_load_idx %arg9[%get3A_338] : memref<10000xf32, #tpu.memory_space<vmem>>[vector<16xi32>], vector<16xf32>,
      %add3A_341 = arith.addf %gather3A_339, %gather3A_340 : vector<16xf32>
      %ge3A_342 = arith.constant 0.000000e+00 : f32
      %ge3A_343 = vector.broadcast %ge3A_342 : f32 to vector<16xf32>
      %ge3A_344 = arith.cmpf oge, %add3A_341, %ge3A_343 : vector<16xf32>
      %mul3A_345 = arith.constant 2.000000e-01 : f32
      %mul3A_346 = vector.broadcast %mul3A_345 : f32 to vector<16xf32>
      %mul3A_347 = arith.mulf %mul3A_346, %add3A_341 : vector<16xf32>
      %select_n3A_348 = arith.select %ge3A_344, %add3A_341, %mul3A_347 : vector<16xi1>, vector<16xf32>
      %sub3A_349 = arith.subf %select_n3A_348, %select_n3A : vector<16xf32>
      %exp3A_350 = math.exp %sub3A_349 : vector<16xf32>
      %mul3A_351 = arith.constant 128 : i32
      %mul3A_352 = arith.muli %add3A_245, %mul3A_351 : i32
      %add3A_353 = arith.constant 32 : i32
      %add3A_354 = arith.addi %mul3A_352, %add3A_353 : i32
      %broadcast_in_dim3A_355 = vector.broadcast %add3A_354 : i32 to vector<16xi32>
      %add3A_356 = arith.addi %broadcast_in_dim3A_355, %iota3A : vector<16xi32>
      %lt3A_357 = arith.constant 330000 : i32
      %lt3A_358 = vector.broadcast %lt3A_357 : i32 to vector<16xi32>
      %lt3A_359 = arith.cmpi slt, %add3A_356, %lt3A_358 : vector<16xi32>
      %jit3A_360 = arith.constant 0.000000e+00 : f32
      %broadcast_in_dim3A_361 = vector.broadcast %jit3A_360 : f32 to vector<16xf32>
      %select_n3A_362 = arith.select %lt3A_359, %exp3A_350, %broadcast_in_dim3A_361 : vector<16xi1>, vector<16xf32>
      %swap3A_363 = arith.constant 32 : index
      %swap3A_364 = tpu.vector_load %arg13[%swap3A_363] {strides = array<i32>} : memref<128xf32, #tpu.memory_space<vmem>>, vector<16xf32>,
      tpu.vector_store %arg13[%swap3A_363], %select_n3A_362 {strides = array<i32>} : memref<128xf32, #tpu.memory_space<vmem>>, vector<16xf32>,
      %get3A_365 = arith.constant 0 : i32
      %get3A_366 = arith.index_cast %get3A_365 : i32 to index
      %get3A_367 = arith.constant 48 : index
      %get3A_368 = tpu.vector_load %arg10[%get3A_366, %get3A_367] {strides = array<i32>} : memref<1x128xi32, #tpu.memory_space<vmem>>, vector<16xi32>,
      %get3A_369 = arith.constant 0 : i32
      %get3A_370 = arith.index_cast %get3A_369 : i32 to index
      %get3A_371 = arith.constant 48 : index
      %get3A_372 = tpu.vector_load %arg11[%get3A_370, %get3A_371] {strides = array<i32>} : memref<1x128xi32, #tpu.memory_space<vmem>>, vector<16xi32>,
      %gather3A_373 = tpu.vector_load_idx %arg8[%get3A_368] : memref<10000xf32, #tpu.memory_space<vmem>>[vector<16xi32>], vector<16xf32>,
      %gather3A_374 = tpu.vector_load_idx %arg9[%get3A_372] : memref<10000xf32, #tpu.memory_space<vmem>>[vector<16xi32>], vector<16xf32>,
      %add3A_375 = arith.addf %gather3A_373, %gather3A_374 : vector<16xf32>
      %ge3A_376 = arith.constant 0.000000e+00 : f32
      %ge3A_377 = vector.broadcast %ge3A_376 : f32 to vector<16xf32>
      %ge3A_378 = arith.cmpf oge, %add3A_375, %ge3A_377 : vector<16xf32>
      %mul3A_379 = arith.constant 2.000000e-01 : f32
      %mul3A_380 = vector.broadcast %mul3A_379 : f32 to vector<16xf32>
      %mul3A_381 = arith.mulf %mul3A_380, %add3A_375 : vector<16xf32>
      %select_n3A_382 = arith.select %ge3A_378, %add3A_375, %mul3A_381 : vector<16xi1>, vector<16xf32>
      %sub3A_383 = arith.subf %select_n3A_382, %select_n3A : vector<16xf32>
      %exp3A_384 = math.exp %sub3A_383 : vector<16xf32>
      %mul3A_385 = arith.constant 128 : i32
      %mul3A_386 = arith.muli %add3A_245, %mul3A_385 : i32
      %add3A_387 = arith.constant 48 : i32
      %add3A_388 = arith.addi %mul3A_386, %add3A_387 : i32
      %broadcast_in_dim3A_389 = vector.broadcast %add3A_388 : i32 to vector<16xi32>
      %add3A_390 = arith.addi %broadcast_in_dim3A_389, %iota3A : vector<16xi32>
      %lt3A_391 = arith.constant 330000 : i32
      %lt3A_392 = vector.broadcast %lt3A_391 : i32 to vector<16xi32>
      %lt3A_393 = arith.cmpi slt, %add3A_390, %lt3A_392 : vector<16xi32>
      %jit3A_394 = arith.constant 0.000000e+00 : f32
      %broadcast_in_dim3A_395 = vector.broadcast %jit3A_394 : f32 to vector<16xf32>
      %select_n3A_396 = arith.select %lt3A_393, %exp3A_384, %broadcast_in_dim3A_395 : vector<16xi1>, vector<16xf32>
      %swap3A_397 = arith.constant 48 : index
      %swap3A_398 = tpu.vector_load %arg13[%swap3A_397] {strides = array<i32>} : memref<128xf32, #tpu.memory_space<vmem>>, vector<16xf32>,
      tpu.vector_store %arg13[%swap3A_397], %select_n3A_396 {strides = array<i32>} : memref<128xf32, #tpu.memory_space<vmem>>, vector<16xf32>,
      %get3A_399 = arith.constant 0 : i32
      %get3A_400 = arith.index_cast %get3A_399 : i32 to index
      %get3A_401 = arith.constant 64 : index
      %get3A_402 = tpu.vector_load %arg10[%get3A_400, %get3A_401] {strides = array<i32>} : memref<1x128xi32, #tpu.memory_space<vmem>>, vector<16xi32>,
      %get3A_403 = arith.constant 0 : i32
      %get3A_404 = arith.index_cast %get3A_403 : i32 to index
      %get3A_405 = arith.constant 64 : index
      %get3A_406 = tpu.vector_load %arg11[%get3A_404, %get3A_405] {strides = array<i32>} : memref<1x128xi32, #tpu.memory_space<vmem>>, vector<16xi32>,
      %gather3A_407 = tpu.vector_load_idx %arg8[%get3A_402] : memref<10000xf32, #tpu.memory_space<vmem>>[vector<16xi32>], vector<16xf32>,
      %gather3A_408 = tpu.vector_load_idx %arg9[%get3A_406] : memref<10000xf32, #tpu.memory_space<vmem>>[vector<16xi32>], vector<16xf32>,
      %add3A_409 = arith.addf %gather3A_407, %gather3A_408 : vector<16xf32>
      %ge3A_410 = arith.constant 0.000000e+00 : f32
      %ge3A_411 = vector.broadcast %ge3A_410 : f32 to vector<16xf32>
      %ge3A_412 = arith.cmpf oge, %add3A_409, %ge3A_411 : vector<16xf32>
      %mul3A_413 = arith.constant 2.000000e-01 : f32
      %mul3A_414 = vector.broadcast %mul3A_413 : f32 to vector<16xf32>
      %mul3A_415 = arith.mulf %mul3A_414, %add3A_409 : vector<16xf32>
      %select_n3A_416 = arith.select %ge3A_412, %add3A_409, %mul3A_415 : vector<16xi1>, vector<16xf32>
      %sub3A_417 = arith.subf %select_n3A_416, %select_n3A : vector<16xf32>
      %exp3A_418 = math.exp %sub3A_417 : vector<16xf32>
      %mul3A_419 = arith.constant 128 : i32
      %mul3A_420 = arith.muli %add3A_245, %mul3A_419 : i32
      %add3A_421 = arith.constant 64 : i32
      %add3A_422 = arith.addi %mul3A_420, %add3A_421 : i32
      %broadcast_in_dim3A_423 = vector.broadcast %add3A_422 : i32 to vector<16xi32>
      %add3A_424 = arith.addi %broadcast_in_dim3A_423, %iota3A : vector<16xi32>
      %lt3A_425 = arith.constant 330000 : i32
      %lt3A_426 = vector.broadcast %lt3A_425 : i32 to vector<16xi32>
      %lt3A_427 = arith.cmpi slt, %add3A_424, %lt3A_426 : vector<16xi32>
      %jit3A_428 = arith.constant 0.000000e+00 : f32
      %broadcast_in_dim3A_429 = vector.broadcast %jit3A_428 : f32 to vector<16xf32>
      %select_n3A_430 = arith.select %lt3A_427, %exp3A_418, %broadcast_in_dim3A_429 : vector<16xi1>, vector<16xf32>
      %swap3A_431 = arith.constant 64 : index
      %swap3A_432 = tpu.vector_load %arg13[%swap3A_431] {strides = array<i32>} : memref<128xf32, #tpu.memory_space<vmem>>, vector<16xf32>,
      tpu.vector_store %arg13[%swap3A_431], %select_n3A_430 {strides = array<i32>} : memref<128xf32, #tpu.memory_space<vmem>>, vector<16xf32>,
      %get3A_433 = arith.constant 0 : i32
      %get3A_434 = arith.index_cast %get3A_433 : i32 to index
      %get3A_435 = arith.constant 80 : index
      %get3A_436 = tpu.vector_load %arg10[%get3A_434, %get3A_435] {strides = array<i32>} : memref<1x128xi32, #tpu.memory_space<vmem>>, vector<16xi32>,
      %get3A_437 = arith.constant 0 : i32
      %get3A_438 = arith.index_cast %get3A_437 : i32 to index
      %get3A_439 = arith.constant 80 : index
      %get3A_440 = tpu.vector_load %arg11[%get3A_438, %get3A_439] {strides = array<i32>} : memref<1x128xi32, #tpu.memory_space<vmem>>, vector<16xi32>,
      %gather3A_441 = tpu.vector_load_idx %arg8[%get3A_436] : memref<10000xf32, #tpu.memory_space<vmem>>[vector<16xi32>], vector<16xf32>,
      %gather3A_442 = tpu.vector_load_idx %arg9[%get3A_440] : memref<10000xf32, #tpu.memory_space<vmem>>[vector<16xi32>], vector<16xf32>,
      %add3A_443 = arith.addf %gather3A_441, %gather3A_442 : vector<16xf32>
      %ge3A_444 = arith.constant 0.000000e+00 : f32
      %ge3A_445 = vector.broadcast %ge3A_444 : f32 to vector<16xf32>
      %ge3A_446 = arith.cmpf oge, %add3A_443, %ge3A_445 : vector<16xf32>
      %mul3A_447 = arith.constant 2.000000e-01 : f32
      %mul3A_448 = vector.broadcast %mul3A_447 : f32 to vector<16xf32>
      %mul3A_449 = arith.mulf %mul3A_448, %add3A_443 : vector<16xf32>
      %select_n3A_450 = arith.select %ge3A_446, %add3A_443, %mul3A_449 : vector<16xi1>, vector<16xf32>
      %sub3A_451 = arith.subf %select_n3A_450, %select_n3A : vector<16xf32>
      %exp3A_452 = math.exp %sub3A_451 : vector<16xf32>
      %mul3A_453 = arith.constant 128 : i32
      %mul3A_454 = arith.muli %add3A_245, %mul3A_453 : i32
      %add3A_455 = arith.constant 80 : i32
      %add3A_456 = arith.addi %mul3A_454, %add3A_455 : i32
      %broadcast_in_dim3A_457 = vector.broadcast %add3A_456 : i32 to vector<16xi32>
      %add3A_458 = arith.addi %broadcast_in_dim3A_457, %iota3A : vector<16xi32>
      %lt3A_459 = arith.constant 330000 : i32
      %lt3A_460 = vector.broadcast %lt3A_459 : i32 to vector<16xi32>
      %lt3A_461 = arith.cmpi slt, %add3A_458, %lt3A_460 : vector<16xi32>
      %jit3A_462 = arith.constant 0.000000e+00 : f32
      %broadcast_in_dim3A_463 = vector.broadcast %jit3A_462 : f32 to vector<16xf32>
      %select_n3A_464 = arith.select %lt3A_461, %exp3A_452, %broadcast_in_dim3A_463 : vector<16xi1>, vector<16xf32>
      %swap3A_465 = arith.constant 80 : index
      %swap3A_466 = tpu.vector_load %arg13[%swap3A_465] {strides = array<i32>} : memref<128xf32, #tpu.memory_space<vmem>>, vector<16xf32>,
      tpu.vector_store %arg13[%swap3A_465], %select_n3A_464 {strides = array<i32>} : memref<128xf32, #tpu.memory_space<vmem>>, vector<16xf32>,
      %get3A_467 = arith.constant 0 : i32
      %get3A_468 = arith.index_cast %get3A_467 : i32 to index
      %get3A_469 = arith.constant 96 : index
      %get3A_470 = tpu.vector_load %arg10[%get3A_468, %get3A_469] {strides = array<i32>} : memref<1x128xi32, #tpu.memory_space<vmem>>, vector<16xi32>,
      %get3A_471 = arith.constant 0 : i32
      %get3A_472 = arith.index_cast %get3A_471 : i32 to index
      %get3A_473 = arith.constant 96 : index
      %get3A_474 = tpu.vector_load %arg11[%get3A_472, %get3A_473] {strides = array<i32>} : memref<1x128xi32, #tpu.memory_space<vmem>>, vector<16xi32>,
      %gather3A_475 = tpu.vector_load_idx %arg8[%get3A_470] : memref<10000xf32, #tpu.memory_space<vmem>>[vector<16xi32>], vector<16xf32>,
      %gather3A_476 = tpu.vector_load_idx %arg9[%get3A_474] : memref<10000xf32, #tpu.memory_space<vmem>>[vector<16xi32>], vector<16xf32>,
      %add3A_477 = arith.addf %gather3A_475, %gather3A_476 : vector<16xf32>
      %ge3A_478 = arith.constant 0.000000e+00 : f32
      %ge3A_479 = vector.broadcast %ge3A_478 : f32 to vector<16xf32>
      %ge3A_480 = arith.cmpf oge, %add3A_477, %ge3A_479 : vector<16xf32>
      %mul3A_481 = arith.constant 2.000000e-01 : f32
      %mul3A_482 = vector.broadcast %mul3A_481 : f32 to vector<16xf32>
      %mul3A_483 = arith.mulf %mul3A_482, %add3A_477 : vector<16xf32>
      %select_n3A_484 = arith.select %ge3A_480, %add3A_477, %mul3A_483 : vector<16xi1>, vector<16xf32>
      %sub3A_485 = arith.subf %select_n3A_484, %select_n3A : vector<16xf32>
      %exp3A_486 = math.exp %sub3A_485 : vector<16xf32>
      %mul3A_487 = arith.constant 128 : i32
      %mul3A_488 = arith.muli %add3A_245, %mul3A_487 : i32
      %add3A_489 = arith.constant 96 : i32
      %add3A_490 = arith.addi %mul3A_488, %add3A_489 : i32
      %broadcast_in_dim3A_491 = vector.broadcast %add3A_490 : i32 to vector<16xi32>
      %add3A_492 = arith.addi %broadcast_in_dim3A_491, %iota3A : vector<16xi32>
      %lt3A_493 = arith.constant 330000 : i32
      %lt3A_494 = vector.broadcast %lt3A_493 : i32 to vector<16xi32>
      %lt3A_495 = arith.cmpi slt, %add3A_492, %lt3A_494 : vector<16xi32>
      %jit3A_496 = arith.constant 0.000000e+00 : f32
      %broadcast_in_dim3A_497 = vector.broadcast %jit3A_496 : f32 to vector<16xf32>
      %select_n3A_498 = arith.select %lt3A_495, %exp3A_486, %broadcast_in_dim3A_497 : vector<16xi1>, vector<16xf32>
      %swap3A_499 = arith.constant 96 : index
      %swap3A_500 = tpu.vector_load %arg13[%swap3A_499] {strides = array<i32>} : memref<128xf32, #tpu.memory_space<vmem>>, vector<16xf32>,
      tpu.vector_store %arg13[%swap3A_499], %select_n3A_498 {strides = array<i32>} : memref<128xf32, #tpu.memory_space<vmem>>, vector<16xf32>,
      %get3A_501 = arith.constant 0 : i32
      %get3A_502 = arith.index_cast %get3A_501 : i32 to index
      %get3A_503 = arith.constant 112 : index
      %get3A_504 = tpu.vector_load %arg10[%get3A_502, %get3A_503] {strides = array<i32>} : memref<1x128xi32, #tpu.memory_space<vmem>>, vector<16xi32>,
      %get3A_505 = arith.constant 0 : i32
      %get3A_506 = arith.index_cast %get3A_505 : i32 to index
      %get3A_507 = arith.constant 112 : index
      %get3A_508 = tpu.vector_load %arg11[%get3A_506, %get3A_507] {strides = array<i32>} : memref<1x128xi32, #tpu.memory_space<vmem>>, vector<16xi32>,
      %gather3A_509 = tpu.vector_load_idx %arg8[%get3A_504] : memref<10000xf32, #tpu.memory_space<vmem>>[vector<16xi32>], vector<16xf32>,
      %gather3A_510 = tpu.vector_load_idx %arg9[%get3A_508] : memref<10000xf32, #tpu.memory_space<vmem>>[vector<16xi32>], vector<16xf32>,
      %add3A_511 = arith.addf %gather3A_509, %gather3A_510 : vector<16xf32>
      %ge3A_512 = arith.constant 0.000000e+00 : f32
      %ge3A_513 = vector.broadcast %ge3A_512 : f32 to vector<16xf32>
      %ge3A_514 = arith.cmpf oge, %add3A_511, %ge3A_513 : vector<16xf32>
      %mul3A_515 = arith.constant 2.000000e-01 : f32
      %mul3A_516 = vector.broadcast %mul3A_515 : f32 to vector<16xf32>
      %mul3A_517 = arith.mulf %mul3A_516, %add3A_511 : vector<16xf32>
      %select_n3A_518 = arith.select %ge3A_514, %add3A_511, %mul3A_517 : vector<16xi1>, vector<16xf32>
      %sub3A_519 = arith.subf %select_n3A_518, %select_n3A : vector<16xf32>
      %exp3A_520 = math.exp %sub3A_519 : vector<16xf32>
      %mul3A_521 = arith.constant 128 : i32
      %mul3A_522 = arith.muli %add3A_245, %mul3A_521 : i32
      %add3A_523 = arith.constant 112 : i32
      %add3A_524 = arith.addi %mul3A_522, %add3A_523 : i32
      %broadcast_in_dim3A_525 = vector.broadcast %add3A_524 : i32 to vector<16xi32>
      %add3A_526 = arith.addi %broadcast_in_dim3A_525, %iota3A : vector<16xi32>
      %lt3A_527 = arith.constant 330000 : i32
      %lt3A_528 = vector.broadcast %lt3A_527 : i32 to vector<16xi32>
      %lt3A_529 = arith.cmpi slt, %add3A_526, %lt3A_528 : vector<16xi32>
      %jit3A_530 = arith.constant 0.000000e+00 : f32
      %broadcast_in_dim3A_531 = vector.broadcast %jit3A_530 : f32 to vector<16xf32>
      %select_n3A_532 = arith.select %lt3A_529, %exp3A_520, %broadcast_in_dim3A_531 : vector<16xi1>, vector<16xf32>
      %swap3A_533 = arith.constant 112 : index
      %swap3A_534 = tpu.vector_load %arg13[%swap3A_533] {strides = array<i32>} : memref<128xf32, #tpu.memory_space<vmem>>, vector<16xf32>,
      tpu.vector_store %arg13[%swap3A_533], %select_n3A_532 {strides = array<i32>} : memref<128xf32, #tpu.memory_space<vmem>>, vector<16xf32>,
      %scan3A_535 = arith.constant 0 : i32
      %scan3A_536 = arith.constant 0 : i32
      %scan3A_537 = arith.constant 128 : i32
      %scan3A_538 = arith.addi %scan3A_536, %scan3A_537 : i32
      %scan3A_539 = arith.constant 1 : i32
      %scan3A_540 = scf.for %scan3A_567 = %scan3A_536 to %scan3A_538 step %scan3A_539 iter_args(%scan3A_568 = %scan3A_535) -> (i32)  : i32 {
        %broadcast_in_dim3A_569 = vector.broadcast %scan3A_567 : i32 to vector<16xi32>
        %gather3A_570 = tpu.vector_load_idx %arg13[%broadcast_in_dim3A_569] : memref<128xf32, #tpu.memory_space<vmem>>[vector<16xi32>], vector<16xf32>,
        %get3A_571 = arith.constant 0 : i32
        %get3A_572 = arith.index_cast %get3A_571 : i32 to index
        %get3A_573 = arith.index_cast %scan3A_567 : i32 to index
        %get3A_574 = arith.constant 0 : index
        %get3A_575 = tpu.vector_load %arg12[%get3A_572, %get3A_573, %get3A_574] {strides = array<i32>} : memref<1x128x128xf32, #tpu.memory_space<vmem>>, vector<16xf32>,
        %mul3A_576 = arith.mulf %get3A_575, %gather3A_570 : vector<16xf32>
        %swap3A_577 = arith.constant 0 : i32
        %swap3A_578 = arith.index_cast %swap3A_577 : i32 to index
        %swap3A_579 = arith.index_cast %scan3A_567 : i32 to index
        %swap3A_580 = arith.constant 0 : index
        %swap3A_581 = tpu.vector_load %arg12[%swap3A_578, %swap3A_579, %swap3A_580] {strides = array<i32>} : memref<1x128x128xf32, #tpu.memory_space<vmem>>, vector<16xf32>,
        tpu.vector_store %arg12[%swap3A_578, %swap3A_579, %swap3A_580], %mul3A_576 {strides = array<i32>} : memref<1x128x128xf32, #tpu.memory_space<vmem>>, vector<16xf32>,
        %get3A_582 = arith.constant 0 : i32
        %get3A_583 = arith.index_cast %get3A_582 : i32 to index
        %get3A_584 = arith.index_cast %scan3A_567 : i32 to index
        %get3A_585 = arith.constant 16 : index
        %get3A_586 = tpu.vector_load %arg12[%get3A_583, %get3A_584, %get3A_585] {strides = array<i32>} : memref<1x128x128xf32, #tpu.memory_space<vmem>>, vector<16xf32>,
        %mul3A_587 = arith.mulf %get3A_586, %gather3A_570 : vector<16xf32>
        %swap3A_588 = arith.constant 0 : i32
        %swap3A_589 = arith.index_cast %swap3A_588 : i32 to index
        %swap3A_590 = arith.index_cast %scan3A_567 : i32 to index
        %swap3A_591 = arith.constant 16 : index
        %swap3A_592 = tpu.vector_load %arg12[%swap3A_589, %swap3A_590, %swap3A_591] {strides = array<i32>} : memref<1x128x128xf32, #tpu.memory_space<vmem>>, vector<16xf32>,
        tpu.vector_store %arg12[%swap3A_589, %swap3A_590, %swap3A_591], %mul3A_587 {strides = array<i32>} : memref<1x128x128xf32, #tpu.memory_space<vmem>>, vector<16xf32>,
        %get3A_593 = arith.constant 0 : i32
        %get3A_594 = arith.index_cast %get3A_593 : i32 to index
        %get3A_595 = arith.index_cast %scan3A_567 : i32 to index
        %get3A_596 = arith.constant 32 : index
        %get3A_597 = tpu.vector_load %arg12[%get3A_594, %get3A_595, %get3A_596] {strides = array<i32>} : memref<1x128x128xf32, #tpu.memory_space<vmem>>, vector<16xf32>,
        %mul3A_598 = arith.mulf %get3A_597, %gather3A_570 : vector<16xf32>
        %swap3A_599 = arith.constant 0 : i32
        %swap3A_600 = arith.index_cast %swap3A_599 : i32 to index
        %swap3A_601 = arith.index_cast %scan3A_567 : i32 to index
        %swap3A_602 = arith.constant 32 : index
        %swap3A_603 = tpu.vector_load %arg12[%swap3A_600, %swap3A_601, %swap3A_602] {strides = array<i32>} : memref<1x128x128xf32, #tpu.memory_space<vmem>>, vector<16xf32>,
        tpu.vector_store %arg12[%swap3A_600, %swap3A_601, %swap3A_602], %mul3A_598 {strides = array<i32>} : memref<1x128x128xf32, #tpu.memory_space<vmem>>, vector<16xf32>,
        %get3A_604 = arith.constant 0 : i32
        %get3A_605 = arith.index_cast %get3A_604 : i32 to index
        %get3A_606 = arith.index_cast %scan3A_567 : i32 to index
        %get3A_607 = arith.constant 48 : index
        %get3A_608 = tpu.vector_load %arg12[%get3A_605, %get3A_606, %get3A_607] {strides = array<i32>} : memref<1x128x128xf32, #tpu.memory_space<vmem>>, vector<16xf32>,
        %mul3A_609 = arith.mulf %get3A_608, %gather3A_570 : vector<16xf32>
        %swap3A_610 = arith.constant 0 : i32
        %swap3A_611 = arith.index_cast %swap3A_610 : i32 to index
        %swap3A_612 = arith.index_cast %scan3A_567 : i32 to index
        %swap3A_613 = arith.constant 48 : index
        %swap3A_614 = tpu.vector_load %arg12[%swap3A_611, %swap3A_612, %swap3A_613] {strides = array<i32>} : memref<1x128x128xf32, #tpu.memory_space<vmem>>, vector<16xf32>,
        tpu.vector_store %arg12[%swap3A_611, %swap3A_612, %swap3A_613], %mul3A_609 {strides = array<i32>} : memref<1x128x128xf32, #tpu.memory_space<vmem>>, vector<16xf32>,
        %get3A_615 = arith.constant 0 : i32
        %get3A_616 = arith.index_cast %get3A_615 : i32 to index
        %get3A_617 = arith.index_cast %scan3A_567 : i32 to index
        %get3A_618 = arith.constant 64 : index
        %get3A_619 = tpu.vector_load %arg12[%get3A_616, %get3A_617, %get3A_618] {strides = array<i32>} : memref<1x128x128xf32, #tpu.memory_space<vmem>>, vector<16xf32>,
        %mul3A_620 = arith.mulf %get3A_619, %gather3A_570 : vector<16xf32>
        %swap3A_621 = arith.constant 0 : i32
        %swap3A_622 = arith.index_cast %swap3A_621 : i32 to index
        %swap3A_623 = arith.index_cast %scan3A_567 : i32 to index
        %swap3A_624 = arith.constant 64 : index
        %swap3A_625 = tpu.vector_load %arg12[%swap3A_622, %swap3A_623, %swap3A_624] {strides = array<i32>} : memref<1x128x128xf32, #tpu.memory_space<vmem>>, vector<16xf32>,
        tpu.vector_store %arg12[%swap3A_622, %swap3A_623, %swap3A_624], %mul3A_620 {strides = array<i32>} : memref<1x128x128xf32, #tpu.memory_space<vmem>>, vector<16xf32>,
        %scan3A_626 = arith.constant 0 : i32
        scf.yield %scan3A_626 : i32
      }
      %scan3A_541 = arith.constant 128 : i32
      %dma_start3A_542 = arith.constant 0 : i32
      %dma_start3A_543 = arith.constant 0 : i32
      %dma_start3A_544 = arith.constant 0 : i32
      %dma_start3A_545 = arith.constant 0 : i32
      %dma_start3A_546 = tpu.memref_slice %arg12[%dma_start3A_542, %dma_start3A_544, %dma_start3A_545] : memref<1x128x128xf32, #tpu.memory_space<vmem>> -> memref<1x128x128xf32, #tpu.memory_space<vmem>>
      %dma_start3A_547 = tpu.memref_squeeze %dma_start3A_546 : memref<1x128x128xf32, #tpu.memory_space<vmem>> -> memref<128x128xf32, #tpu.memory_space<vmem>>
      %dma_start3A_548 = arith.constant 0 : i32
      %dma_start3A_549 = tpu.memref_slice %arg11[%dma_start3A_543, %dma_start3A_548] : memref<1x128xi32, #tpu.memory_space<vmem>> -> memref<1x128xi32, #tpu.memory_space<vmem>>
      %dma_start3A_550 = tpu.memref_squeeze %dma_start3A_549 : memref<1x128xi32, #tpu.memory_space<vmem>> -> memref<128xi32, #tpu.memory_space<vmem>>
      %dma_start3A_551 = arith.constant 0 : i32
      %dma_start3A_552 = arith.constant 0 : i32
      %dma_start3A_553 = tpu.memref_slice %arg14[%dma_start3A_551, %dma_start3A_552] : memref<10240x128xf32, #tpu.memory_space<vmem_shared>> -> memref<10240x128xf32, #tpu.memory_space<vmem_shared>>
      tpu.enqueue_indirect_dma source(%dma_start3A_547 : memref<128x128xf32, #tpu.memory_space<vmem>>) target(%dma_start3A_553 : memref<10240x128xf32, #tpu.memory_space<vmem_shared>>) offsets(%dma_start3A_550 : memref<128xi32, #tpu.memory_space<vmem>>) semaphore(%arg16 : memref<!tpu.dma_semaphore, #tpu.memory_space<semaphore_mem>>) {add = true}
      %dma_wait3A_554 = arith.constant 0 : i32
      %dma_wait3A_555 = arith.constant 0 : i32
      %dma_wait3A_556 = arith.constant 0 : i32
      %dma_wait3A_557 = arith.constant 0 : i32
      %dma_wait3A_558 = tpu.memref_slice %arg12[%dma_wait3A_554, %dma_wait3A_556, %dma_wait3A_557] : memref<1x128x128xf32, #tpu.memory_space<vmem>> -> memref<1x128x128xf32, #tpu.memory_space<vmem>>
      %dma_wait3A_559 = tpu.memref_squeeze %dma_wait3A_558 : memref<1x128x128xf32, #tpu.memory_space<vmem>> -> memref<128x128xf32, #tpu.memory_space<vmem>>
      %dma_wait3A_560 = arith.constant 0 : i32
      %dma_wait3A_561 = tpu.memref_slice %arg11[%dma_wait3A_555, %dma_wait3A_560] : memref<1x128xi32, #tpu.memory_space<vmem>> -> memref<1x128xi32, #tpu.memory_space<vmem>>
      %dma_wait3A_562 = tpu.memref_squeeze %dma_wait3A_561 : memref<1x128xi32, #tpu.memory_space<vmem>> -> memref<128xi32, #tpu.memory_space<vmem>>
      %dma_wait3A_563 = arith.constant 0 : i32
      %dma_wait3A_564 = arith.constant 0 : i32
      %dma_wait3A_565 = tpu.memref_slice %arg14[%dma_wait3A_563, %dma_wait3A_564] : memref<10240x128xf32, #tpu.memory_space<vmem_shared>> -> memref<10240x128xf32, #tpu.memory_space<vmem_shared>>
      tpu.wait_indirect_dma semaphore(%arg16 : memref<!tpu.dma_semaphore, #tpu.memory_space<semaphore_mem>>) src(%dma_wait3A_559 : memref<128x128xf32, #tpu.memory_space<vmem>>) dst(%dma_wait3A_565 : memref<10240x128xf32, #tpu.memory_space<vmem_shared>>)
      %scan3A_566 = arith.constant 0 : i32
      scf.yield %scan3A_566 : i32
    }
    %scan3A_229 = arith.constant 81 : i32
    %barrier3A_230 = arith.constant 0 : index
    tpu.barrier barrier_id(%barrier3A_230)
    %add3A_231 = arith.constant 0 : i32
    %add3A_232 = arith.addi %mul3A_9, %add3A_231 : i32
    "tpu.region"() ({
      %run_scoped3A_241 = tpu.sem_alloc : memref<!tpu.dma_semaphore, #tpu.memory_space<semaphore_mem>>
      %dma_start3A = arith.constant 0 : i32
      %dma_start3A_242 = tpu.memref_slice %arg7[%arg0, %add3A_232, %dma_start3A] : memref<2x10240x128xf32, #tpu.memory_space<hbm>> -> memref<1x128x128xf32, #tpu.memory_space<hbm>>
      %dma_start3A_243 = tpu.memref_squeeze %dma_start3A_242 : memref<1x128x128xf32, #tpu.memory_space<hbm>> -> memref<128x128xf32, #tpu.memory_space<hbm>>
      %dma_start3A_244 = arith.constant 0 : i32
      %dma_start3A_245 = tpu.memref_slice %arg14[%add3A_232, %dma_start3A_244] : memref<10240x128xf32, #tpu.memory_space<vmem_shared>> -> memref<128x128xf32, #tpu.memory_space<vmem_shared>>
      tpu.enqueue_dma source(%dma_start3A_245 : memref<128x128xf32, #tpu.memory_space<vmem_shared>>) target(%dma_start3A_243 : memref<128x128xf32, #tpu.memory_space<hbm>>) target_semaphore(%run_scoped3A_241 : memref<!tpu.dma_semaphore, #tpu.memory_space<semaphore_mem>>)
      %dma_wait3A = arith.constant 0 : i32
      %dma_wait3A_246 = tpu.memref_slice %arg7[%arg0, %add3A_232, %dma_wait3A] : memref<2x10240x128xf32, #tpu.memory_space<hbm>> -> memref<1x128x128xf32, #tpu.memory_space<hbm>>
      %dma_wait3A_247 = tpu.memref_squeeze %dma_wait3A_246 : memref<1x128x128xf32, #tpu.memory_space<hbm>> -> memref<128x128xf32, #tpu.memory_space<hbm>>
      %dma_wait3A_248 = arith.constant 0 : i32
      %dma_wait3A_249 = tpu.memref_slice %arg14[%add3A_232, %dma_wait3A_248] : memref<10240x128xf32, #tpu.memory_space<vmem_shared>> -> memref<128x128xf32, #tpu.memory_space<vmem_shared>>
      tpu.wait_dma2 semaphore(%run_scoped3A_241 : memref<!tpu.dma_semaphore, #tpu.memory_space<semaphore_mem>>) src(%dma_wait3A_249 : memref<128x128xf32, #tpu.memory_space<vmem_shared>>) dst(%dma_wait3A_247 : memref<128x128xf32, #tpu.memory_space<hbm>>)
      tpu.yield
    }) : () -> ()
    %add3A_233 = arith.constant 128 : i32
    %add3A_234 = arith.addi %mul3A_9, %add3A_233 : i32
    "tpu.region"() ({
      %run_scoped3A_241 = tpu.sem_alloc : memref<!tpu.dma_semaphore, #tpu.memory_space<semaphore_mem>>
      %dma_start3A = arith.constant 0 : i32
      %dma_start3A_242 = tpu.memref_slice %arg7[%arg0, %add3A_234, %dma_start3A] : memref<2x10240x128xf32, #tpu.memory_space<hbm>> -> memref<1x128x128xf32, #tpu.memory_space<hbm>>
      %dma_start3A_243 = tpu.memref_squeeze %dma_start3A_242 : memref<1x128x128xf32, #tpu.memory_space<hbm>> -> memref<128x128xf32, #tpu.memory_space<hbm>>
      %dma_start3A_244 = arith.constant 0 : i32
      %dma_start3A_245 = tpu.memref_slice %arg14[%add3A_234, %dma_start3A_244] : memref<10240x128xf32, #tpu.memory_space<vmem_shared>> -> memref<128x128xf32, #tpu.memory_space<vmem_shared>>
      tpu.enqueue_dma source(%dma_start3A_245 : memref<128x128xf32, #tpu.memory_space<vmem_shared>>) target(%dma_start3A_243 : memref<128x128xf32, #tpu.memory_space<hbm>>) target_semaphore(%run_scoped3A_241 : memref<!tpu.dma_semaphore, #tpu.memory_space<semaphore_mem>>)
      %dma_wait3A = arith.constant 0 : i32
      %dma_wait3A_246 = tpu.memref_slice %arg7[%arg0, %add3A_234, %dma_wait3A] : memref<2x10240x128xf32, #tpu.memory_space<hbm>> -> memref<1x128x128xf32, #tpu.memory_space<hbm>>
      %dma_wait3A_247 = tpu.memref_squeeze %dma_wait3A_246 : memref<1x128x128xf32, #tpu.memory_space<hbm>> -> memref<128x128xf32, #tpu.memory_space<hbm>>
      %dma_wait3A_248 = arith.constant 0 : i32
      %dma_wait3A_249 = tpu.memref_slice %arg14[%add3A_234, %dma_wait3A_248] : memref<10240x128xf32, #tpu.memory_space<vmem_shared>> -> memref<128x128xf32, #tpu.memory_space<vmem_shared>>
      tpu.wait_dma2 semaphore(%run_scoped3A_241 : memref<!tpu.dma_semaphore, #tpu.memory_space<semaphore_mem>>) src(%dma_wait3A_249 : memref<128x128xf32, #tpu.memory_space<vmem_shared>>) dst(%dma_wait3A_247 : memref<128x128xf32, #tpu.memory_space<hbm>>)
      tpu.yield
    }) : () -> ()
    %add3A_235 = arith.constant 256 : i32
    %add3A_236 = arith.addi %mul3A_9, %add3A_235 : i32
    "tpu.region"() ({
      %run_scoped3A_241 = tpu.sem_alloc : memref<!tpu.dma_semaphore, #tpu.memory_space<semaphore_mem>>
      %dma_start3A = arith.constant 0 : i32
      %dma_start3A_242 = tpu.memref_slice %arg7[%arg0, %add3A_236, %dma_start3A] : memref<2x10240x128xf32, #tpu.memory_space<hbm>> -> memref<1x128x128xf32, #tpu.memory_space<hbm>>
      %dma_start3A_243 = tpu.memref_squeeze %dma_start3A_242 : memref<1x128x128xf32, #tpu.memory_space<hbm>> -> memref<128x128xf32, #tpu.memory_space<hbm>>
      %dma_start3A_244 = arith.constant 0 : i32
      %dma_start3A_245 = tpu.memref_slice %arg14[%add3A_236, %dma_start3A_244] : memref<10240x128xf32, #tpu.memory_space<vmem_shared>> -> memref<128x128xf32, #tpu.memory_space<vmem_shared>>
      tpu.enqueue_dma source(%dma_start3A_245 : memref<128x128xf32, #tpu.memory_space<vmem_shared>>) target(%dma_start3A_243 : memref<128x128xf32, #tpu.memory_space<hbm>>) target_semaphore(%run_scoped3A_241 : memref<!tpu.dma_semaphore, #tpu.memory_space<semaphore_mem>>)
      %dma_wait3A = arith.constant 0 : i32
      %dma_wait3A_246 = tpu.memref_slice %arg7[%arg0, %add3A_236, %dma_wait3A] : memref<2x10240x128xf32, #tpu.memory_space<hbm>> -> memref<1x128x128xf32, #tpu.memory_space<hbm>>
      %dma_wait3A_247 = tpu.memref_squeeze %dma_wait3A_246 : memref<1x128x128xf32, #tpu.memory_space<hbm>> -> memref<128x128xf32, #tpu.memory_space<hbm>>
      %dma_wait3A_248 = arith.constant 0 : i32
      %dma_wait3A_249 = tpu.memref_slice %arg14[%add3A_236, %dma_wait3A_248] : memref<10240x128xf32, #tpu.memory_space<vmem_shared>> -> memref<128x128xf32, #tpu.memory_space<vmem_shared>>
      tpu.wait_dma2 semaphore(%run_scoped3A_241 : memref<!tpu.dma_semaphore, #tpu.memory_space<semaphore_mem>>) src(%dma_wait3A_249 : memref<128x128xf32, #tpu.memory_space<vmem_shared>>) dst(%dma_wait3A_247 : memref<128x128xf32, #tpu.memory_space<hbm>>)
      tpu.yield
    }) : () -> ()
    %add3A_237 = arith.constant 384 : i32
    %add3A_238 = arith.addi %mul3A_9, %add3A_237 : i32
    "tpu.region"() ({
      %run_scoped3A_241 = tpu.sem_alloc : memref<!tpu.dma_semaphore, #tpu.memory_space<semaphore_mem>>
      %dma_start3A = arith.constant 0 : i32
      %dma_start3A_242 = tpu.memref_slice %arg7[%arg0, %add3A_238, %dma_start3A] : memref<2x10240x128xf32, #tpu.memory_space<hbm>> -> memref<1x128x128xf32, #tpu.memory_space<hbm>>
      %dma_start3A_243 = tpu.memref_squeeze %dma_start3A_242 : memref<1x128x128xf32, #tpu.memory_space<hbm>> -> memref<128x128xf32, #tpu.memory_space<hbm>>
      %dma_start3A_244 = arith.constant 0 : i32
      %dma_start3A_245 = tpu.memref_slice %arg14[%add3A_238, %dma_start3A_244] : memref<10240x128xf32, #tpu.memory_space<vmem_shared>> -> memref<128x128xf32, #tpu.memory_space<vmem_shared>>
      tpu.enqueue_dma source(%dma_start3A_245 : memref<128x128xf32, #tpu.memory_space<vmem_shared>>) target(%dma_start3A_243 : memref<128x128xf32, #tpu.memory_space<hbm>>) target_semaphore(%run_scoped3A_241 : memref<!tpu.dma_semaphore, #tpu.memory_space<semaphore_mem>>)
      %dma_wait3A = arith.constant 0 : i32
      %dma_wait3A_246 = tpu.memref_slice %arg7[%arg0, %add3A_238, %dma_wait3A] : memref<2x10240x128xf32, #tpu.memory_space<hbm>> -> memref<1x128x128xf32, #tpu.memory_space<hbm>>
      %dma_wait3A_247 = tpu.memref_squeeze %dma_wait3A_246 : memref<1x128x128xf32, #tpu.memory_space<hbm>> -> memref<128x128xf32, #tpu.memory_space<hbm>>
      %dma_wait3A_248 = arith.constant 0 : i32
      %dma_wait3A_249 = tpu.memref_slice %arg14[%add3A_238, %dma_wait3A_248] : memref<10240x128xf32, #tpu.memory_space<vmem_shared>> -> memref<128x128xf32, #tpu.memory_space<vmem_shared>>
      tpu.wait_dma2 semaphore(%run_scoped3A_241 : memref<!tpu.dma_semaphore, #tpu.memory_space<semaphore_mem>>) src(%dma_wait3A_249 : memref<128x128xf32, #tpu.memory_space<vmem_shared>>) dst(%dma_wait3A_247 : memref<128x128xf32, #tpu.memory_space<hbm>>)
      tpu.yield
    }) : () -> ()
    %add3A_239 = arith.constant 512 : i32
    %add3A_240 = arith.addi %mul3A_9, %add3A_239 : i32
    "tpu.region"() ({
      %run_scoped3A_241 = tpu.sem_alloc : memref<!tpu.dma_semaphore, #tpu.memory_space<semaphore_mem>>
      %dma_start3A = arith.constant 0 : i32
      %dma_start3A_242 = tpu.memref_slice %arg7[%arg0, %add3A_240, %dma_start3A] : memref<2x10240x128xf32, #tpu.memory_space<hbm>> -> memref<1x128x128xf32, #tpu.memory_space<hbm>>
      %dma_start3A_243 = tpu.memref_squeeze %dma_start3A_242 : memref<1x128x128xf32, #tpu.memory_space<hbm>> -> memref<128x128xf32, #tpu.memory_space<hbm>>
      %dma_start3A_244 = arith.constant 0 : i32
      %dma_start3A_245 = tpu.memref_slice %arg14[%add3A_240, %dma_start3A_244] : memref<10240x128xf32, #tpu.memory_space<vmem_shared>> -> memref<128x128xf32, #tpu.memory_space<vmem_shared>>
      tpu.enqueue_dma source(%dma_start3A_245 : memref<128x128xf32, #tpu.memory_space<vmem_shared>>) target(%dma_start3A_243 : memref<128x128xf32, #tpu.memory_space<hbm>>) target_semaphore(%run_scoped3A_241 : memref<!tpu.dma_semaphore, #tpu.memory_space<semaphore_mem>>)
      %dma_wait3A = arith.constant 0 : i32
      %dma_wait3A_246 = tpu.memref_slice %arg7[%arg0, %add3A_240, %dma_wait3A] : memref<2x10240x128xf32, #tpu.memory_space<hbm>> -> memref<1x128x128xf32, #tpu.memory_space<hbm>>
      %dma_wait3A_247 = tpu.memref_squeeze %dma_wait3A_246 : memref<1x128x128xf32, #tpu.memory_space<hbm>> -> memref<128x128xf32, #tpu.memory_space<hbm>>
      %dma_wait3A_248 = arith.constant 0 : i32
      %dma_wait3A_249 = tpu.memref_slice %arg14[%add3A_240, %dma_wait3A_248] : memref<10240x128xf32, #tpu.memory_space<vmem_shared>> -> memref<128x128xf32, #tpu.memory_space<vmem_shared>>
      tpu.wait_dma2 semaphore(%run_scoped3A_241 : memref<!tpu.dma_semaphore, #tpu.memory_space<semaphore_mem>>) src(%dma_wait3A_249 : memref<128x128xf32, #tpu.memory_space<vmem_shared>>) dst(%dma_wait3A_247 : memref<128x128xf32, #tpu.memory_space<hbm>>)
      tpu.yield
    }) : () -> ()
    return
  }
}

module attributes {stable_mosaic.version = 14 : i64} {
  func.func @_prep0_body(%arg0: i32, %arg1: memref<1000x128xf32, #tpu.memory_space<vmem>>, %arg2: memref<128x64xf32, #tpu.memory_space<vmem>>, %arg3: memref<64xf32, #tpu.memory_space<vmem>>, %arg4: memref<64x64xf32, #tpu.memory_space<vmem>>, %arg5: memref<64xf32, #tpu.memory_space<vmem>>, %arg6: memref<64xf32, #tpu.memory_space<vmem>>, %arg7: memref<1000x128xf32, #tpu.memory_space<vmem>>, %arg8: memref<1x1x1000xf32, #tpu.memory_space<vmem>>, %arg9: memref<1x1x1000xf32, #tpu.memory_space<vmem>>) attributes {dimension_semantics = [#tpu.dimension_semantics<arbitrary>], iteration_bounds = array<i64: 10>, scalar_prefetch = 0 : i64, scratch_operands = 0 : i64, tpu.core_type = #tpu.core_type<tc>, window_params = [{transform_indices = @transform_0, window_bounds = array<i64: 1000, 128>}, {pipeline_mode = #tpu.pipeline_mode<synchronous>, transform_indices = @transform_1, window_bounds = array<i64: 128, 64>}, {pipeline_mode = #tpu.pipeline_mode<synchronous>, transform_indices = @transform_2, window_bounds = array<i64: 64>}, {pipeline_mode = #tpu.pipeline_mode<synchronous>, transform_indices = @transform_3, window_bounds = array<i64: 64, 64>}, {pipeline_mode = #tpu.pipeline_mode<synchronous>, transform_indices = @transform_4, window_bounds = array<i64: 64>}, {pipeline_mode = #tpu.pipeline_mode<synchronous>, transform_indices = @transform_5, window_bounds = array<i64: 64>}, {transform_indices = @transform_6, window_bounds = array<i64: 1000, 128>}, {transform_indices = @transform_7, window_bounds = array<i64: 1, 1, 1000>}, {transform_indices = @transform_8, window_bounds = array<i64: 1, 1, 1000>}]} {
    %get3A = arith.constant 0 : index
    %get3A_0 = arith.constant 0 : index
    %get3A_1 = vector.load %arg1[%get3A, %get3A_0] : memref<1000x128xf32, #tpu.memory_space<vmem>>, vector<1000x128xf32>
    %get3A_2 = arith.constant 0 : index
    %get3A_3 = arith.constant 0 : index
    %get3A_4 = vector.load %arg2[%get3A_2, %get3A_3] : memref<128x64xf32, #tpu.memory_space<vmem>>, vector<128x64xf32>
    %dot_general3A = arith.constant dense<0.000000e+00> : vector<1000x64xf32>
    %dot_general3A_5 = tpu.matmul %get3A_1, %get3A_4, %dot_general3A {dimension_numbers = #tpu.dot_dimension_numbers<[1], [0], [0], [1], [0, 0, 1, 1], [], []>, transpose_lhs_hint = false} : vector<1000x128xf32>, vector<128x64xf32>, vector<1000x64xf32> -> vector<1000x64xf32>
    %get3A_6 = arith.constant 0 : index
    %get3A_7 = vector.load %arg3[%get3A_6] : memref<64xf32, #tpu.memory_space<vmem>>, vector<64xf32>
    %broadcast_in_dim3A = vector.shape_cast %get3A_7 : vector<64xf32> to vector<1x64xf32>
    %add3A = vector.broadcast %broadcast_in_dim3A : vector<1x64xf32> to vector<1000x64xf32>
    %add3A_8 = arith.addf %dot_general3A_5, %add3A : vector<1000x64xf32>
    %get3A_9 = arith.constant 0 : index
    %get3A_10 = arith.constant 0 : index
    %get3A_11 = vector.load %arg4[%get3A_9, %get3A_10] : memref<64x64xf32, #tpu.memory_space<vmem>>, vector<64x64xf32>
    %dot_general3A_12 = arith.constant dense<0.000000e+00> : vector<1000x64xf32>
    %dot_general3A_13 = tpu.matmul %add3A_8, %get3A_11, %dot_general3A_12 {dimension_numbers = #tpu.dot_dimension_numbers<[1], [0], [0], [1], [0, 0, 1, 1], [], []>, transpose_lhs_hint = false} : vector<1000x64xf32>, vector<64x64xf32>, vector<1000x64xf32> -> vector<1000x64xf32>
    %broadcast_in_dim3A_14 = arith.constant 1.000000e+00 : f32
    %broadcast_in_dim3A_15 = vector.broadcast %broadcast_in_dim3A_14 : f32 to vector<1000x1xf32>
    %broadcast_in_dim3A_16 = arith.constant 0.000000e+00 : f32
    %broadcast_in_dim3A_17 = vector.broadcast %broadcast_in_dim3A_16 : f32 to vector<1000x63xf32>
    %concatenate3A = tpu.concatenate %dot_general3A_13, %broadcast_in_dim3A_15, %broadcast_in_dim3A_17 in 1 : vector<1000x64xf32>, vector<1000x1xf32>, vector<1000x63xf32> -> vector<1000x128xf32>
    %swap3A = arith.constant 0 : index
    %swap3A_18 = arith.constant 0 : index
    %swap3A_19 = vector.load %arg7[%swap3A, %swap3A_18] : memref<1000x128xf32, #tpu.memory_space<vmem>>, vector<1000x128xf32>
    tpu.vector_store %arg7[%swap3A, %swap3A_18], %concatenate3A {strides = array<i32>} : memref<1000x128xf32, #tpu.memory_space<vmem>>, vector<1000x128xf32>,
    %get3A_20 = arith.constant 0 : index
    %get3A_21 = vector.load %arg5[%get3A_20] : memref<64xf32, #tpu.memory_space<vmem>>, vector<64xf32>
    %broadcast_in_dim3A_22 = vector.shape_cast %get3A_21 : vector<64xf32> to vector<1x64xf32>
    %mul3A = vector.broadcast %broadcast_in_dim3A_22 : vector<1x64xf32> to vector<1000x64xf32>
    %mul3A_23 = arith.mulf %dot_general3A_13, %mul3A : vector<1000x64xf32>
    %reduce_sum3A = arith.constant dense<0.000000e+00> : vector<1000xf32>
    %reduce_sum3A_24 = vector.multi_reduction <add>, %mul3A_23, %reduce_sum3A [1] : vector<1000x64xf32> to vector<1000xf32>
    %reshape3A = vector.shape_cast %reduce_sum3A_24 : vector<1000xf32> to vector<1x1x1000xf32>
    %swap3A_25 = arith.constant 0 : index
    %swap3A_26 = arith.constant 0 : index
    %swap3A_27 = arith.constant 0 : index
    %swap3A_28 = vector.load %arg8[%swap3A_25, %swap3A_26, %swap3A_27] : memref<1x1x1000xf32, #tpu.memory_space<vmem>>, vector<1x1x1000xf32>
    tpu.vector_store %arg8[%swap3A_25, %swap3A_26, %swap3A_27], %reshape3A {strides = array<i32>} : memref<1x1x1000xf32, #tpu.memory_space<vmem>>, vector<1x1x1000xf32>,
    %get3A_29 = arith.constant 0 : index
    %get3A_30 = vector.load %arg6[%get3A_29] : memref<64xf32, #tpu.memory_space<vmem>>, vector<64xf32>
    %broadcast_in_dim3A_31 = vector.shape_cast %get3A_30 : vector<64xf32> to vector<1x64xf32>
    %mul3A_32 = vector.broadcast %broadcast_in_dim3A_31 : vector<1x64xf32> to vector<1000x64xf32>
    %mul3A_33 = arith.mulf %dot_general3A_13, %mul3A_32 : vector<1000x64xf32>
    %reduce_sum3A_34 = arith.constant dense<0.000000e+00> : vector<1000xf32>
    %reduce_sum3A_35 = vector.multi_reduction <add>, %mul3A_33, %reduce_sum3A_34 [1] : vector<1000x64xf32> to vector<1000xf32>
    %reshape3A_36 = vector.shape_cast %reduce_sum3A_35 : vector<1000xf32> to vector<1x1x1000xf32>
    %swap3A_37 = arith.constant 0 : index
    %swap3A_38 = arith.constant 0 : index
    %swap3A_39 = arith.constant 0 : index
    %swap3A_40 = vector.load %arg9[%swap3A_37, %swap3A_38, %swap3A_39] : memref<1x1x1000xf32, #tpu.memory_space<vmem>>, vector<1x1x1000xf32>
    tpu.vector_store %arg9[%swap3A_37, %swap3A_38, %swap3A_39], %reshape3A_36 {strides = array<i32>} : memref<1x1x1000xf32, #tpu.memory_space<vmem>>, vector<1x1x1000xf32>,
    return
  }
  func.func @transform_0(%arg0: i32) -> (i32, i32) {
    %c0_i32 = arith.constant 0 : i32
    %c0_i32_0 = arith.constant 0 : i32
    return %arg0, %c0_i32 : i32, i32
  }
  func.func @transform_1(%arg0: i32) -> (i32, i32) {
    %c0_i32 = arith.constant 0 : i32
    %c0_i32_0 = arith.constant 0 : i32
    %c0_i32_1 = arith.constant 0 : i32
    return %c0_i32, %c0_i32_0 : i32, i32
  }
  func.func @transform_2(%arg0: i32) -> i32 {
    %c0_i32 = arith.constant 0 : i32
    %c0_i32_0 = arith.constant 0 : i32
    return %c0_i32 : i32
  }
  func.func @transform_3(%arg0: i32) -> (i32, i32) {
    %c0_i32 = arith.constant 0 : i32
    %c0_i32_0 = arith.constant 0 : i32
    %c0_i32_1 = arith.constant 0 : i32
    return %c0_i32, %c0_i32_0 : i32, i32
  }
  func.func @transform_4(%arg0: i32) -> i32 {
    %c0_i32 = arith.constant 0 : i32
    %c0_i32_0 = arith.constant 0 : i32
    return %c0_i32 : i32
  }
  func.func @transform_5(%arg0: i32) -> i32 {
    %c0_i32 = arith.constant 0 : i32
    %c0_i32_0 = arith.constant 0 : i32
    return %c0_i32 : i32
  }
  func.func @transform_6(%arg0: i32) -> (i32, i32) {
    %c0_i32 = arith.constant 0 : i32
    %c0_i32_0 = arith.constant 0 : i32
    return %arg0, %c0_i32 : i32, i32
  }
  func.func @transform_7(%arg0: i32) -> (i32, i32, i32) {
    %c0_i32 = arith.constant 0 : i32
    %c0_i32_0 = arith.constant 0 : i32
    %c0_i32_1 = arith.constant 0 : i32
    return %arg0, %c0_i32, %c0_i32_0 : i32, i32, i32
  }
  func.func @transform_8(%arg0: i32) -> (i32, i32, i32) {
    %c0_i32 = arith.constant 0 : i32
    %c0_i32_0 = arith.constant 0 : i32
    %c0_i32_1 = arith.constant 0 : i32
    return %arg0, %c0_i32, %c0_i32_0 : i32, i32, i32
  }
}

module attributes {stable_mosaic.version = 14 : i64} {
  func.func @_prep1_body(%arg0: i32, %arg1: memref<2x1000x128xf32, #tpu.memory_space<vmem>>, %arg2: memref<64xf32, #tpu.memory_space<vmem>>, %arg3: memref<64x64xf32, #tpu.memory_space<vmem>>, %arg4: memref<64xf32, #tpu.memory_space<vmem>>, %arg5: memref<64xf32, #tpu.memory_space<vmem>>, %arg6: memref<1000x128xf32, #tpu.memory_space<vmem>>, %arg7: memref<1x1x1000xf32, #tpu.memory_space<vmem>>, %arg8: memref<1x1x1000xf32, #tpu.memory_space<vmem>>) attributes {dimension_semantics = [#tpu.dimension_semantics<arbitrary>], iteration_bounds = array<i64: 10>, scalar_prefetch = 0 : i64, scratch_operands = 0 : i64, tpu.core_type = #tpu.core_type<tc>, window_params = [{transform_indices = @transform_0, window_bounds = array<i64: 2, 1000, 128>}, {pipeline_mode = #tpu.pipeline_mode<synchronous>, transform_indices = @transform_1, window_bounds = array<i64: 64>}, {pipeline_mode = #tpu.pipeline_mode<synchronous>, transform_indices = @transform_2, window_bounds = array<i64: 64, 64>}, {pipeline_mode = #tpu.pipeline_mode<synchronous>, transform_indices = @transform_3, window_bounds = array<i64: 64>}, {pipeline_mode = #tpu.pipeline_mode<synchronous>, transform_indices = @transform_4, window_bounds = array<i64: 64>}, {transform_indices = @transform_5, window_bounds = array<i64: 1000, 128>}, {transform_indices = @transform_6, window_bounds = array<i64: 1, 1, 1000>}, {transform_indices = @transform_7, window_bounds = array<i64: 1, 1, 1000>}]} {
    %get3A = arith.constant 0 : index
    %get3A_0 = arith.constant 0 : index
    %get3A_1 = arith.constant 0 : index
    %get3A_2 = vector.load %arg1[%get3A, %get3A_0, %get3A_1] : memref<2x1000x128xf32, #tpu.memory_space<vmem>>, vector<1x1000x128xf32>
    %get3A_3 = vector.shape_cast %get3A_2 : vector<1x1000x128xf32> to vector<1000x128xf32>
    %get3A_4 = arith.constant 1 : index
    %get3A_5 = arith.constant 0 : index
    %get3A_6 = arith.constant 0 : index
    %get3A_7 = vector.load %arg1[%get3A_4, %get3A_5, %get3A_6] : memref<2x1000x128xf32, #tpu.memory_space<vmem>>, vector<1x1000x128xf32>
    %get3A_8 = vector.shape_cast %get3A_7 : vector<1x1000x128xf32> to vector<1000x128xf32>
    %add3A = arith.addf %get3A_3, %get3A_8 : vector<1000x128xf32>
    %slice3A = vector.extract_strided_slice %add3A {offsets = [0, 64], sizes = [1000, 1], strides = [1, 1]} : vector<1000x128xf32> to vector<1000x1xf32>
    %add3A_9 = arith.constant 1.000000e-16 : f32
    %add3A_10 = vector.broadcast %add3A_9 : f32 to vector<1000x1xf32>
    %add3A_11 = arith.addf %slice3A, %add3A_10 : vector<1000x1xf32>
    %slice3A_12 = vector.extract_strided_slice %add3A {offsets = [0, 0], sizes = [1000, 64], strides = [1, 1]} : vector<1000x128xf32> to vector<1000x64xf32>
    %div3A = vector.broadcast %add3A_11 : vector<1000x1xf32> to vector<1000x64xf32>
    %div3A_13 = arith.divf %slice3A_12, %div3A : vector<1000x64xf32>
    %get3A_14 = arith.constant 0 : index
    %get3A_15 = vector.load %arg2[%get3A_14] : memref<64xf32, #tpu.memory_space<vmem>>, vector<64xf32>
    %broadcast_in_dim3A = vector.shape_cast %get3A_15 : vector<64xf32> to vector<1x64xf32>
    %add3A_16 = vector.broadcast %broadcast_in_dim3A : vector<1x64xf32> to vector<1000x64xf32>
    %add3A_17 = arith.addf %div3A_13, %add3A_16 : vector<1000x64xf32>
    %max3A = arith.constant 0.000000e+00 : f32
    %max3A_18 = vector.broadcast %max3A : f32 to vector<1000x64xf32>
    %max3A_19 = arith.maximumf %add3A_17, %max3A_18 : vector<1000x64xf32>
    %get3A_20 = arith.constant 0 : index
    %get3A_21 = arith.constant 0 : index
    %get3A_22 = vector.load %arg3[%get3A_20, %get3A_21] : memref<64x64xf32, #tpu.memory_space<vmem>>, vector<64x64xf32>
    %dot_general3A = arith.constant dense<0.000000e+00> : vector<1000x64xf32>
    %dot_general3A_23 = tpu.matmul %max3A_19, %get3A_22, %dot_general3A {dimension_numbers = #tpu.dot_dimension_numbers<[1], [0], [0], [1], [0, 0, 1, 1], [], []>, transpose_lhs_hint = false} : vector<1000x64xf32>, vector<64x64xf32>, vector<1000x64xf32> -> vector<1000x64xf32>
    %broadcast_in_dim3A_24 = arith.constant 1.000000e+00 : f32
    %broadcast_in_dim3A_25 = vector.broadcast %broadcast_in_dim3A_24 : f32 to vector<1000x1xf32>
    %broadcast_in_dim3A_26 = arith.constant 0.000000e+00 : f32
    %broadcast_in_dim3A_27 = vector.broadcast %broadcast_in_dim3A_26 : f32 to vector<1000x63xf32>
    %concatenate3A = tpu.concatenate %dot_general3A_23, %broadcast_in_dim3A_25, %broadcast_in_dim3A_27 in 1 : vector<1000x64xf32>, vector<1000x1xf32>, vector<1000x63xf32> -> vector<1000x128xf32>
    %swap3A = arith.constant 0 : index
    %swap3A_28 = arith.constant 0 : index
    %swap3A_29 = vector.load %arg6[%swap3A, %swap3A_28] : memref<1000x128xf32, #tpu.memory_space<vmem>>, vector<1000x128xf32>
    tpu.vector_store %arg6[%swap3A, %swap3A_28], %concatenate3A {strides = array<i32>} : memref<1000x128xf32, #tpu.memory_space<vmem>>, vector<1000x128xf32>,
    %get3A_30 = arith.constant 0 : index
    %get3A_31 = vector.load %arg4[%get3A_30] : memref<64xf32, #tpu.memory_space<vmem>>, vector<64xf32>
    %broadcast_in_dim3A_32 = vector.shape_cast %get3A_31 : vector<64xf32> to vector<1x64xf32>
    %mul3A = vector.broadcast %broadcast_in_dim3A_32 : vector<1x64xf32> to vector<1000x64xf32>
    %mul3A_33 = arith.mulf %dot_general3A_23, %mul3A : vector<1000x64xf32>
    %reduce_sum3A = arith.constant dense<0.000000e+00> : vector<1000xf32>
    %reduce_sum3A_34 = vector.multi_reduction <add>, %mul3A_33, %reduce_sum3A [1] : vector<1000x64xf32> to vector<1000xf32>
    %reshape3A = vector.shape_cast %reduce_sum3A_34 : vector<1000xf32> to vector<1x1x1000xf32>
    %swap3A_35 = arith.constant 0 : index
    %swap3A_36 = arith.constant 0 : index
    %swap3A_37 = arith.constant 0 : index
    %swap3A_38 = vector.load %arg7[%swap3A_35, %swap3A_36, %swap3A_37] : memref<1x1x1000xf32, #tpu.memory_space<vmem>>, vector<1x1x1000xf32>
    tpu.vector_store %arg7[%swap3A_35, %swap3A_36, %swap3A_37], %reshape3A {strides = array<i32>} : memref<1x1x1000xf32, #tpu.memory_space<vmem>>, vector<1x1x1000xf32>,
    %get3A_39 = arith.constant 0 : index
    %get3A_40 = vector.load %arg5[%get3A_39] : memref<64xf32, #tpu.memory_space<vmem>>, vector<64xf32>
    %broadcast_in_dim3A_41 = vector.shape_cast %get3A_40 : vector<64xf32> to vector<1x64xf32>
    %mul3A_42 = vector.broadcast %broadcast_in_dim3A_41 : vector<1x64xf32> to vector<1000x64xf32>
    %mul3A_43 = arith.mulf %dot_general3A_23, %mul3A_42 : vector<1000x64xf32>
    %reduce_sum3A_44 = arith.constant dense<0.000000e+00> : vector<1000xf32>
    %reduce_sum3A_45 = vector.multi_reduction <add>, %mul3A_43, %reduce_sum3A_44 [1] : vector<1000x64xf32> to vector<1000xf32>
    %reshape3A_46 = vector.shape_cast %reduce_sum3A_45 : vector<1000xf32> to vector<1x1x1000xf32>
    %swap3A_47 = arith.constant 0 : index
    %swap3A_48 = arith.constant 0 : index
    %swap3A_49 = arith.constant 0 : index
    %swap3A_50 = vector.load %arg8[%swap3A_47, %swap3A_48, %swap3A_49] : memref<1x1x1000xf32, #tpu.memory_space<vmem>>, vector<1x1x1000xf32>
    tpu.vector_store %arg8[%swap3A_47, %swap3A_48, %swap3A_49], %reshape3A_46 {strides = array<i32>} : memref<1x1x1000xf32, #tpu.memory_space<vmem>>, vector<1x1x1000xf32>,
    return
  }
  func.func @transform_0(%arg0: i32) -> (i32, i32, i32) {
    %c0_i32 = arith.constant 0 : i32
    %c0_i32_0 = arith.constant 0 : i32
    %c0_i32_1 = arith.constant 0 : i32
    return %c0_i32, %arg0, %c0_i32_0 : i32, i32, i32
  }
  func.func @transform_1(%arg0: i32) -> i32 {
    %c0_i32 = arith.constant 0 : i32
    %c0_i32_0 = arith.constant 0 : i32
    return %c0_i32 : i32
  }
  func.func @transform_2(%arg0: i32) -> (i32, i32) {
    %c0_i32 = arith.constant 0 : i32
    %c0_i32_0 = arith.constant 0 : i32
    %c0_i32_1 = arith.constant 0 : i32
    return %c0_i32, %c0_i32_0 : i32, i32
  }
  func.func @transform_3(%arg0: i32) -> i32 {
    %c0_i32 = arith.constant 0 : i32
    %c0_i32_0 = arith.constant 0 : i32
    return %c0_i32 : i32
  }
  func.func @transform_4(%arg0: i32) -> i32 {
    %c0_i32 = arith.constant 0 : i32
    %c0_i32_0 = arith.constant 0 : i32
    return %c0_i32 : i32
  }
  func.func @transform_5(%arg0: i32) -> (i32, i32) {
    %c0_i32 = arith.constant 0 : i32
    %c0_i32_0 = arith.constant 0 : i32
    return %arg0, %c0_i32 : i32, i32
  }
  func.func @transform_6(%arg0: i32) -> (i32, i32, i32) {
    %c0_i32 = arith.constant 0 : i32
    %c0_i32_0 = arith.constant 0 : i32
    %c0_i32_1 = arith.constant 0 : i32
    return %arg0, %c0_i32, %c0_i32_0 : i32, i32, i32
  }
  func.func @transform_7(%arg0: i32) -> (i32, i32, i32) {
    %c0_i32 = arith.constant 0 : i32
    %c0_i32_0 = arith.constant 0 : i32
    %c0_i32_1 = arith.constant 0 : i32
    return %arg0, %c0_i32, %c0_i32_0 : i32, i32, i32
  }
}

module attributes {stable_mosaic.version = 14 : i64} {
  func.func @_head_body(%arg0: i32, %arg1: memref<2x10240x128xf32, #tpu.memory_space<vmem>>, %arg2: memref<288xi32, #tpu.memory_space<vmem>>, %arg3: memref<64xf32, #tpu.memory_space<vmem>>, %arg4: memref<20x64xf32, #tpu.memory_space<vmem>>, %arg5: memref<64x64xf32, #tpu.memory_space<vmem>>, %arg6: memref<64xf32, #tpu.memory_space<vmem>>, %arg7: memref<256x64xf32, #tpu.memory_space<vmem>>, %arg8: memref<64xf32, #tpu.memory_space<vmem>>, %arg9: memref<64x1xf32, #tpu.memory_space<vmem>>, %arg10: memref<1xf32, #tpu.memory_space<vmem>>, %arg11: memref<256xf32, #tpu.memory_space<vmem>>) attributes {dimension_semantics = [#tpu.dimension_semantics<arbitrary>], iteration_bounds = array<i64: 1>, scalar_prefetch = 0 : i64, scratch_operands = 0 : i64, tpu.core_type = #tpu.core_type<tc>, window_params = [{pipeline_mode = #tpu.pipeline_mode<synchronous>, transform_indices = @transform_0, window_bounds = array<i64: 2, 10240, 128>}, {pipeline_mode = #tpu.pipeline_mode<synchronous>, transform_indices = @transform_1, window_bounds = array<i64: 288>}, {pipeline_mode = #tpu.pipeline_mode<synchronous>, transform_indices = @transform_2, window_bounds = array<i64: 64>}, {pipeline_mode = #tpu.pipeline_mode<synchronous>, transform_indices = @transform_3, window_bounds = array<i64: 20, 64>}, {pipeline_mode = #tpu.pipeline_mode<synchronous>, transform_indices = @transform_4, window_bounds = array<i64: 64, 64>}, {pipeline_mode = #tpu.pipeline_mode<synchronous>, transform_indices = @transform_5, window_bounds = array<i64: 64>}, {pipeline_mode = #tpu.pipeline_mode<synchronous>, transform_indices = @transform_6, window_bounds = array<i64: 256, 64>}, {pipeline_mode = #tpu.pipeline_mode<synchronous>, transform_indices = @transform_7, window_bounds = array<i64: 64>}, {pipeline_mode = #tpu.pipeline_mode<synchronous>, transform_indices = @transform_8, window_bounds = array<i64: 64, 1>}, {pipeline_mode = #tpu.pipeline_mode<synchronous>, transform_indices = @transform_9, window_bounds = array<i64: 1>}, {pipeline_mode = #tpu.pipeline_mode<synchronous>, transform_indices = @transform_10, window_bounds = array<i64: 256>}]} {
    %get3A = arith.constant 0 : index
    %get3A_0 = arith.constant 0 : index
    %get3A_1 = arith.constant 0 : index
    %get3A_2 = vector.load %arg1[%get3A, %get3A_0, %get3A_1] : memref<2x10240x128xf32, #tpu.memory_space<vmem>>, vector<1x10240x128xf32>
    %get3A_3 = vector.shape_cast %get3A_2 : vector<1x10240x128xf32> to vector<10240x128xf32>
    %get3A_4 = arith.constant 1 : index
    %get3A_5 = arith.constant 0 : index
    %get3A_6 = arith.constant 0 : index
    %get3A_7 = vector.load %arg1[%get3A_4, %get3A_5, %get3A_6] : memref<2x10240x128xf32, #tpu.memory_space<vmem>>, vector<1x10240x128xf32>
    %get3A_8 = vector.shape_cast %get3A_7 : vector<1x10240x128xf32> to vector<10240x128xf32>
    %add3A = arith.addf %get3A_3, %get3A_8 : vector<10240x128xf32>
    %get3A_9 = arith.constant 0 : index
    %get3A_10 = vector.load %arg2[%get3A_9] : memref<288xi32, #tpu.memory_space<vmem>>, vector<288xi32>
    %reshape3A = vector.shape_cast %get3A_10 : vector<288xi32> to vector<288x1xi32>
    %iota3A = tpu.iota {dimensions = array<i32: 1>} : vector<288x10240xi32>
    %eq3A = vector.broadcast %reshape3A : vector<288x1xi32> to vector<288x10240xi32>
    %eq3A_11 = arith.cmpi eq, %eq3A, %iota3A : vector<288x10240xi32>
    %convert_element_type3A = arith.extui %eq3A_11 : vector<288x10240xi1> to vector<288x10240xi32>
    %convert_element_type3A_12 = arith.sitofp %convert_element_type3A : vector<288x10240xi32> to vector<288x10240xf32>
    %dot_general3A = arith.constant dense<0.000000e+00> : vector<288x128xf32>
    %dot_general3A_13 = tpu.matmul %convert_element_type3A_12, %add3A, %dot_general3A {dimension_numbers = #tpu.dot_dimension_numbers<[1], [0], [0], [1], [0, 0, 1, 1], [], []>, transpose_lhs_hint = false} : vector<288x10240xf32>, vector<10240x128xf32>, vector<288x128xf32> -> vector<288x128xf32>
    %slice3A = vector.extract_strided_slice %dot_general3A_13 {offsets = [0, 64], sizes = [288, 1], strides = [1, 1]} : vector<288x128xf32> to vector<288x1xf32>
    %add3A_14 = arith.constant 1.000000e-16 : f32
    %add3A_15 = vector.broadcast %add3A_14 : f32 to vector<288x1xf32>
    %add3A_16 = arith.addf %slice3A, %add3A_15 : vector<288x1xf32>
    %slice3A_17 = vector.extract_strided_slice %dot_general3A_13 {offsets = [0, 0], sizes = [288, 64], strides = [1, 1]} : vector<288x128xf32> to vector<288x64xf32>
    %div3A = vector.broadcast %add3A_16 : vector<288x1xf32> to vector<288x64xf32>
    %div3A_18 = arith.divf %slice3A_17, %div3A : vector<288x64xf32>
    %get3A_19 = arith.constant 0 : index
    %get3A_20 = vector.load %arg3[%get3A_19] : memref<64xf32, #tpu.memory_space<vmem>>, vector<64xf32>
    %broadcast_in_dim3A = vector.shape_cast %get3A_20 : vector<64xf32> to vector<1x64xf32>
    %add3A_21 = vector.broadcast %broadcast_in_dim3A : vector<1x64xf32> to vector<288x64xf32>
    %add3A_22 = arith.addf %div3A_18, %add3A_21 : vector<288x64xf32>
    %max3A = arith.constant 0.000000e+00 : f32
    %max3A_23 = vector.broadcast %max3A : f32 to vector<288x64xf32>
    %max3A_24 = arith.maximumf %add3A_22, %max3A_23 : vector<288x64xf32>
    %slice3A_25 = vector.extract_strided_slice %max3A_24 {offsets = [256, 0], sizes = [20, 64], strides = [1, 1]} : vector<288x64xf32> to vector<20x64xf32>
    %iota3A_26 = tpu.iota {dimensions = array<i32: 0>} : vector<20x1xi32>
    %convert_element_type3A_27 = arith.sitofp %iota3A_26 : vector<20x1xi32> to vector<20x1xf32>
    %mul3A = arith.constant 0.0263157897 : f32
    %mul3A_28 = vector.broadcast %mul3A : f32 to vector<20x1xf32>
    %mul3A_29 = arith.mulf %convert_element_type3A_27, %mul3A_28 : vector<20x1xf32>
    %add3A_30 = arith.constant 5.000000e-01 : f32
    %add3A_31 = vector.broadcast %add3A_30 : f32 to vector<20x1xf32>
    %add3A_32 = arith.addf %add3A_31, %mul3A_29 : vector<20x1xf32>
    %get3A_33 = arith.constant 0 : index
    %get3A_34 = arith.constant 0 : index
    %get3A_35 = vector.load %arg4[%get3A_33, %get3A_34] : memref<20x64xf32, #tpu.memory_space<vmem>>, vector<20x64xf32>
    %add3A_36 = arith.addf %slice3A_25, %get3A_35 : vector<20x64xf32>
    %mul3A_37 = vector.broadcast %add3A_32 : vector<20x1xf32> to vector<20x64xf32>
    %mul3A_38 = arith.mulf %mul3A_37, %add3A_36 : vector<20x64xf32>
    %reduce_sum3A = arith.constant dense<0.000000e+00> : vector<64xf32>
    %reduce_sum3A_39 = vector.multi_reduction <add>, %mul3A_38, %reduce_sum3A [0] : vector<20x64xf32> to vector<64xf32>
    %broadcast_in_dim3A_40 = vector.shape_cast %reduce_sum3A_39 : vector<64xf32> to vector<1x64xf32>
    %div3A_41 = arith.constant 1.500000e+01 : f32
    %div3A_42 = vector.broadcast %div3A_41 : f32 to vector<1x64xf32>
    %div3A_43 = arith.divf %broadcast_in_dim3A_40, %div3A_42 : vector<1x64xf32>
    %get3A_44 = arith.constant 0 : index
    %get3A_45 = arith.constant 0 : index
    %get3A_46 = vector.load %arg5[%get3A_44, %get3A_45] : memref<64x64xf32, #tpu.memory_space<vmem>>, vector<64x64xf32>
    %dot_general3A_47 = arith.constant dense<0.000000e+00> : vector<1x64xf32>
    %dot_general3A_48 = tpu.matmul %div3A_43, %get3A_46, %dot_general3A_47 {dimension_numbers = #tpu.dot_dimension_numbers<[1], [0], [0], [1], [0, 0, 1, 1], [], []>, transpose_lhs_hint = false} : vector<1x64xf32>, vector<64x64xf32>, vector<1x64xf32> -> vector<1x64xf32>
    %get3A_49 = arith.constant 0 : index
    %get3A_50 = vector.load %arg6[%get3A_49] : memref<64xf32, #tpu.memory_space<vmem>>, vector<64xf32>
    %broadcast_in_dim3A_51 = vector.shape_cast %get3A_50 : vector<64xf32> to vector<1x64xf32>
    %add3A_52 = arith.addf %dot_general3A_48, %broadcast_in_dim3A_51 : vector<1x64xf32>
    %slice3A_53 = vector.extract_strided_slice %max3A_24 {offsets = [276, 0], sizes = [1, 64], strides = [1, 1]} : vector<288x64xf32> to vector<1x64xf32>
    %get3A_54 = arith.constant 0 : index
    %get3A_55 = arith.constant 0 : index
    %get3A_56 = vector.load %arg7[%get3A_54, %get3A_55] : memref<256x64xf32, #tpu.memory_space<vmem>>, vector<64x64xf32>
    %dot_general3A_57 = arith.constant dense<0.000000e+00> : vector<1x64xf32>
    %dot_general3A_58 = tpu.matmul %slice3A_53, %get3A_56, %dot_general3A_57 {dimension_numbers = #tpu.dot_dimension_numbers<[1], [0], [0], [1], [0, 0, 1, 1], [], []>, transpose_lhs_hint = false} : vector<1x64xf32>, vector<64x64xf32>, vector<1x64xf32> -> vector<1x64xf32>
    %get3A_59 = arith.constant 128 : index
    %get3A_60 = arith.constant 0 : index
    %get3A_61 = vector.load %arg7[%get3A_59, %get3A_60] : memref<256x64xf32, #tpu.memory_space<vmem>>, vector<64x64xf32>
    %dot_general3A_62 = arith.constant dense<0.000000e+00> : vector<1x64xf32>
    %dot_general3A_63 = tpu.matmul %add3A_52, %get3A_61, %dot_general3A_62 {dimension_numbers = #tpu.dot_dimension_numbers<[1], [0], [0], [1], [0, 0, 1, 1], [], []>, transpose_lhs_hint = false} : vector<1x64xf32>, vector<64x64xf32>, vector<1x64xf32> -> vector<1x64xf32>
    %add3A_64 = arith.addf %dot_general3A_58, %dot_general3A_63 : vector<1x64xf32>
    %get3A_65 = arith.constant 0 : index
    %get3A_66 = vector.load %arg8[%get3A_65] : memref<64xf32, #tpu.memory_space<vmem>>, vector<64xf32>
    %broadcast_in_dim3A_67 = vector.shape_cast %get3A_66 : vector<64xf32> to vector<1x64xf32>
    %add3A_68 = arith.addf %add3A_64, %broadcast_in_dim3A_67 : vector<1x64xf32>
    %slice3A_69 = vector.extract_strided_slice %max3A_24 {offsets = [0, 0], sizes = [256, 64], strides = [1, 1]} : vector<288x64xf32> to vector<256x64xf32>
    %get3A_70 = arith.constant 64 : index
    %get3A_71 = arith.constant 0 : index
    %get3A_72 = vector.load %arg7[%get3A_70, %get3A_71] : memref<256x64xf32, #tpu.memory_space<vmem>>, vector<64x64xf32>
    %dot_general3A_73 = arith.constant dense<0.000000e+00> : vector<256x64xf32>
    %dot_general3A_74 = tpu.matmul %slice3A_69, %get3A_72, %dot_general3A_73 {dimension_numbers = #tpu.dot_dimension_numbers<[1], [0], [0], [1], [0, 0, 1, 1], [], []>, transpose_lhs_hint = false} : vector<256x64xf32>, vector<64x64xf32>, vector<256x64xf32> -> vector<256x64xf32>
    %add3A_75 = vector.broadcast %add3A_68 : vector<1x64xf32> to vector<256x64xf32>
    %add3A_76 = arith.addf %dot_general3A_74, %add3A_75 : vector<256x64xf32>
    %max3A_77 = arith.constant 0.000000e+00 : f32
    %max3A_78 = vector.broadcast %max3A_77 : f32 to vector<256x64xf32>
    %max3A_79 = arith.maximumf %add3A_76, %max3A_78 : vector<256x64xf32>
    %get3A_80 = arith.constant 0 : index
    %get3A_81 = arith.constant 0 : index
    %get3A_82 = vector.load %arg9[%get3A_80, %get3A_81] : memref<64x1xf32, #tpu.memory_space<vmem>>, vector<64x1xf32>
    %dot_general3A_83 = arith.constant dense<0.000000e+00> : vector<256x1xf32>
    %dot_general3A_84 = tpu.matmul %max3A_79, %get3A_82, %dot_general3A_83 {dimension_numbers = #tpu.dot_dimension_numbers<[1], [0], [0], [1], [0, 0, 1, 1], [], []>, transpose_lhs_hint = false} : vector<256x64xf32>, vector<64x1xf32>, vector<256x1xf32> -> vector<256x1xf32>
    %get3A_85 = arith.constant 0 : index
    %get3A_86 = vector.load %arg10[%get3A_85] : memref<1xf32, #tpu.memory_space<vmem>>, vector<1xf32>
    %broadcast_in_dim3A_87 = vector.shape_cast %get3A_86 : vector<1xf32> to vector<1x1xf32>
    %add3A_88 = vector.broadcast %broadcast_in_dim3A_87 : vector<1x1xf32> to vector<256x1xf32>
    %add3A_89 = arith.addf %dot_general3A_84, %add3A_88 : vector<256x1xf32>
    %reshape3A_90 = vector.shape_cast %add3A_89 : vector<256x1xf32> to vector<1x256xf32>
    %reduce_max3A = vector.shape_cast %reshape3A_90 : vector<1x256xf32> to vector<1x1x256xf32>
    %reduce_max3A_91 = arith.constant dense<0xFF800000> : vector<1xf32>
    %reduce_max3A_92 = vector.multi_reduction <maximumf>, %reduce_max3A, %reduce_max3A_91 [1, 2] : vector<1x1x256xf32> to vector<1xf32>
    %reduce_max3A_93 = vector.shape_cast %reduce_max3A_92 : vector<1xf32> to vector<1x1x1xf32>
    %reduce_max3A_94 = vector.extract %reduce_max3A_93[0, 0, 0] : f32 from vector<1x1x1xf32>
    %sub3A = vector.broadcast %reduce_max3A_94 : f32 to vector<1x256xf32>
    %sub3A_95 = arith.subf %reshape3A_90, %sub3A : vector<1x256xf32>
    %exp3A = math.exp %sub3A_95 : vector<1x256xf32>
    %reduce_sum3A_96 = vector.shape_cast %exp3A : vector<1x256xf32> to vector<1x1x256xf32>
    %reduce_sum3A_97 = arith.constant dense<0.000000e+00> : vector<1xf32>
    %reduce_sum3A_98 = vector.multi_reduction <add>, %reduce_sum3A_96, %reduce_sum3A_97 [1, 2] : vector<1x1x256xf32> to vector<1xf32>
    %reduce_sum3A_99 = vector.shape_cast %reduce_sum3A_98 : vector<1xf32> to vector<1x1x1xf32>
    %reduce_sum3A_100 = vector.extract %reduce_sum3A_99[0, 0, 0] : f32 from vector<1x1x1xf32>
    %div3A_101 = vector.broadcast %reduce_sum3A_100 : f32 to vector<1x256xf32>
    %div3A_102 = arith.divf %exp3A, %div3A_101 : vector<1x256xf32>
    %reshape3A_103 = vector.shape_cast %div3A_102 : vector<1x256xf32> to vector<256xf32>
    %swap3A = arith.constant 0 : index
    %swap3A_104 = vector.load %arg11[%swap3A] : memref<256xf32, #tpu.memory_space<vmem>>, vector<256xf32>
    tpu.vector_store %arg11[%swap3A], %reshape3A_103 {strides = array<i32>} : memref<256xf32, #tpu.memory_space<vmem>>, vector<256xf32>,
    return
  }
  func.func @transform_0(%arg0: i32) -> (i32, i32, i32) {
    %c0_i32 = arith.constant 0 : i32
    %c0_i32_0 = arith.constant 0 : i32
    %c0_i32_1 = arith.constant 0 : i32
    %c0_i32_2 = arith.constant 0 : i32
    return %c0_i32, %c0_i32_0, %c0_i32_1 : i32, i32, i32
  }
  func.func @transform_1(%arg0: i32) -> i32 {
    %c0_i32 = arith.constant 0 : i32
    %c0_i32_0 = arith.constant 0 : i32
    return %c0_i32 : i32
  }
  func.func @transform_2(%arg0: i32) -> i32 {
    %c0_i32 = arith.constant 0 : i32
    %c0_i32_0 = arith.constant 0 : i32
    return %c0_i32 : i32
  }
  func.func @transform_3(%arg0: i32) -> (i32, i32) {
    %c0_i32 = arith.constant 0 : i32
    %c0_i32_0 = arith.constant 0 : i32
    %c0_i32_1 = arith.constant 0 : i32
    return %c0_i32, %c0_i32_0 : i32, i32
  }
  func.func @transform_4(%arg0: i32) -> (i32, i32) {
    %c0_i32 = arith.constant 0 : i32
    %c0_i32_0 = arith.constant 0 : i32
    %c0_i32_1 = arith.constant 0 : i32
    return %c0_i32, %c0_i32_0 : i32, i32
  }
  func.func @transform_5(%arg0: i32) -> i32 {
    %c0_i32 = arith.constant 0 : i32
    %c0_i32_0 = arith.constant 0 : i32
    return %c0_i32 : i32
  }
  func.func @transform_6(%arg0: i32) -> (i32, i32) {
    %c0_i32 = arith.constant 0 : i32
    %c0_i32_0 = arith.constant 0 : i32
    %c0_i32_1 = arith.constant 0 : i32
    return %c0_i32, %c0_i32_0 : i32, i32
  }
  func.func @transform_7(%arg0: i32) -> i32 {
    %c0_i32 = arith.constant 0 : i32
    %c0_i32_0 = arith.constant 0 : i32
    return %c0_i32 : i32
  }
  func.func @transform_8(%arg0: i32) -> (i32, i32) {
    %c0_i32 = arith.constant 0 : i32
    %c0_i32_0 = arith.constant 0 : i32
    %c0_i32_1 = arith.constant 0 : i32
    return %c0_i32, %c0_i32_0 : i32, i32
  }
  func.func @transform_9(%arg0: i32) -> i32 {
    %c0_i32 = arith.constant 0 : i32
    %c0_i32_0 = arith.constant 0 : i32
    return %c0_i32 : i32
  }
  func.func @transform_10(%arg0: i32) -> i32 {
    %c0_i32 = arith.constant 0 : i32
    %c0_i32_0 = arith.constant 0 : i32
    return %c0_i32 : i32
  }
}

</mosaic_0001>

<sc_bundles>
// kernel: kernel.10.cloned.1.call-start
scs
__scs_entry_jumppad:
0x0: {  	(pc) =	sbr.rel $0x88, $3  }
0x1: {  	(tag) =	ssettag $0x0;
	lr =	simm.s32 $0x1  }
0x2: {  	[smem:$0x3F8B] =	sst lr;
	_ =	strace $0xD0000000  }
0x3: {  	_ = 	snop  }
0x4: {  	_ = 	snop  }
0x5: {  	_ = 	snop  }
0x6: {  	_ = 	snop  }
0x7: {  	_ = 	snop  }
__scs_overlays_trampoline_lowered:
0x8: {  	[smem:$0x3F9A] =	sst s0  }
0x9: {  	[smem:$0x3F9B] =	sst s1  }
0xa: {  	[smem:$0x3F9C] =	sst s2  }
0xb: {  	[smem:$0x3F9D] =	sst s3  }
0xc: {  	[smem:$0x3F9E] =	sst s4  }
0xd: {  	[smem:$0x3F9F] =	sst s5  }
0xe: {  	[smem:$0x3FA0] =	sst s6  }
0xf: {  	[smem:$0x3FA1] =	sst s7  }
0x10: {  	[smem:$0x3FA2] =	sst s8  }
0x11: {  	[smem:$0x3FA3] =	sst s9;
	s0 =	simm.s32 @!p0 $0x0  }
0x12: {  	s1 =	sld [smem:$0x3F89];
	s0 =	simm.s32 @p0 $0x1  }
0x13: {  	[smem:$0x3FA4] =	sst s0;
	s0 =	simm.s32 @!p1 $0x0  }
0x14: {  	s2 =	sld [smem:$0x3F88];
	s0 =	simm.s32 @p1 $0x1  }
0x15: {  	[smem:$0x3FA5] =	sst s0;
	s0 =	simm.s32 @!p2 $0x0  }
0x16: {  	s3 =	sld [smem:$0x3FDB];
	s0 =	simm.s32 @p2 $0x1  }
0x17: {  	s4 =	simm.s32 $0x1BF5;
	[smem:$0x3FA7] =	sst s0  }
0x18: {  	s0 =	sld [smem:$0x3F8A];
	_ =	swait.ge [sflag:s4], $0x0  }
0x19: {  	s7 =	sld [smem:$0x3F8B]  }
0x1a: {  	s8 =	sadd.s32 $0xFFFFE003, lr  }
0x1b: {  	s9 =	sadd.s32 $0xFFFFFEF7, lr;
	s5 =	simm.s32 $0xFFFFFFFF;
	p2 =	slt.u32 s8, $0xFFFFF086  }
0x1c: {  	p1 =	slt.u32 s9, $0xF7A;
	s5 =	simm.s32 @!p2 $0x0  }
0x1d: {  	s5 =	simm.s32 @p1 $0x1;
	p0 =	seq.s32 s7, s2  }
0x1e: {  	s7 =	smul.u32 @!p0 $0xF7A, s2;
	p2 =	seq.s32 @!p0 s5, $0x0  }
0x1f: {  	s9 =	smul.u32 $0xF7A, s1;
	s8 =	simm.s32 @!p0 $0x1BF5;
	p2 =	por !p2, p0  }
0x20: {  	[sflag:s8] =	ssyncset.s32 @!p0 $0xFFFFF086;
	s6 =	sadd.s32 @!p0 s3, s7;
	s7 =	simm.s32 @!p0 $0x108  }
0x21: {  	s3 =	sadd.s32 s3, s9;
	s6 =	sadd.s32 @!p0 $0x88, s6;
	s7 =	simm.s32 @p2 $0x1082  }
0x22: {  	[simem:s7], [sflag:s8] =	dma.local @!p0 [hbm:s6], $0xF7A  }
0x23: {  	s9 =	sor.u32 $0xD0000000, s2;
	s6 =	simm.s32 $0x108;
	_ =	swait.ge @!p0 [sflag:s8], $0x0  }
0x24: {  	s3 =	sadd.s32 $0x88, s3;
	s6 =	simm.s32 @!p1 $0x1082;
	[sflag:s4] =	ssyncset.s32 $0xFFFFF086  }
0x25: {  	[simem:s6], [sflag:s4] =	dma.local [hbm:s3], $0xF7A  }
0x26: {  	[smem:$0x3F8B] =	sst s1;
	(tag) =	ssettag s2;
	_ =	strace s9  }
0x27: {  	s1 =	sld [smem:$0x3F9B]  }
0x28: {  	s2 =	sld [smem:$0x3F9C]  }
0x29: {  	s4 =	sld [smem:$0x3F9E]  }
0x2a: {  	p0 =	seq.s32 s5, $0x0;
	s5 =	sld [smem:$0x3F9F]  }
0x2b: {  	s6 =	sld [smem:$0x3FA0]  }
0x2c: {  	s7 =	sld [smem:$0x3FA1]  }
0x2d: {  	s3 =	simm.s32 $0x108;
	s8 =	sld [smem:$0x3FA2]  }
0x2e: {  	s3 =	simm.s32 @!p0 $0x1082;
	s9 =	sld [smem:$0x3FA3]  }
0x2f: {  	lr =	sadd.s32 s0, s3;
	s0 =	sld [smem:$0x3F9A]  }
0x30: {  	s3 =	sld [smem:$0x3F9D]  }
0x31: {  	[smem:$0x3FA6] =	sst s10  }
0x32: {  	s10 =	sld [smem:$0x3FA4];
	_ =	sdelay $0x3  }
0x33: {  	p0 =	seq.s32 s10, $0x1;
	s10 =	sld [smem:$0x3FA6];
	_ =	sdelay $0x3  }
0x34: {  	[smem:$0x3FA6] =	sst s10  }
0x35: {  	s10 =	sld [smem:$0x3FA5];
	_ =	sdelay $0x3  }
0x36: {  	p1 =	seq.s32 s10, $0x1;
	s10 =	sld [smem:$0x3FA6];
	_ =	sdelay $0x3  }
0x37: {  	[smem:$0x3FA6] =	sst s10  }
0x38: {  	s10 =	sld [smem:$0x3FA7]  }
0x39: {  	_ = 	snop;
	(pc) =	sbr.ind lr, $3  }
0x3a: {  	_ = 	snop  }
0x3b: {  	_ = 	snop  }
0x3c: {  	p2 =	seq.s32 s10, $0x1;
	s10 =	sld [smem:$0x3FA6]  }
0x3d: {  	_ =	shalt  }
0x3e: {  	_ =	shalt  }
0x3f: {  	_ =	shalt  }
0x40: {  	_ =	shalt  }
0x41: {  	_ =	shalt  }
0x42: {  	_ =	shalt  }
0x43: {  	_ =	shalt  }
0x44: {  	_ =	shalt  }
0x45: {  	_ =	shalt  }
0x46: {  	_ =	shalt  }
0x47: {  	_ =	shalt  }
0x48: {  	_ =	shalt  }
0x49: {  	_ =	shalt  }
0x4a: {  	_ =	shalt  }
0x4b: {  	_ =	shalt  }
0x4c: {  	_ =	shalt  }
0x4d: {  	_ =	shalt  }
0x4e: {  	_ =	shalt  }
0x4f: {  	_ =	shalt  }
0x50: {  	_ =	shalt  }
0x51: {  	_ =	shalt  }
0x52: {  	_ =	shalt  }
0x53: {  	_ =	shalt  }
0x54: {  	_ =	shalt  }
0x55: {  	_ =	shalt  }
0x56: {  	_ =	shalt  }
0x57: {  	_ =	shalt  }
0x58: {  	_ =	shalt  }
0x59: {  	_ =	shalt  }
0x5a: {  	_ =	shalt  }
0x5b: {  	_ =	shalt  }
0x5c: {  	_ =	shalt  }
0x5d: {  	_ =	shalt  }
0x5e: {  	_ =	shalt  }
0x5f: {  	_ =	shalt  }
0x60: {  	_ =	shalt  }
0x61: {  	_ =	shalt  }
0x62: {  	_ =	shalt  }
0x63: {  	_ =	shalt  }
0x64: {  	_ =	shalt  }
0x65: {  	_ =	shalt  }
0x66: {  	_ =	shalt  }
0x67: {  	_ =	shalt  }
0x68: {  	_ =	shalt  }
0x69: {  	_ =	shalt  }
0x6a: {  	_ =	shalt  }
0x6b: {  	_ =	shalt  }
0x6c: {  	_ =	shalt  }
0x6d: {  	_ =	shalt  }
0x6e: {  	_ =	shalt  }
0x6f: {  	_ =	shalt  }
0x70: {  	_ =	shalt  }
0x71: {  	_ =	shalt  }
0x72: {  	_ =	shalt  }
0x73: {  	_ =	shalt  }
0x74: {  	_ =	shalt  }
0x75: {  	_ =	shalt  }
0x76: {  	_ =	shalt  }
0x77: {  	_ =	shalt  }
0x78: {  	_ =	shalt  }
0x79: {  	_ =	shalt  }
0x7a: {  	_ =	shalt  }
0x7b: {  	_ =	shalt  }
0x7c: {  	_ =	shalt  }
0x7d: {  	_ =	shalt  }
0x7e: {  	_ =	shalt  }
0x7f: {  	_ =	shalt  }
0x80: {  	_ =	shalt  }
0x81: {  	_ =	shalt  }
0x82: {  	_ =	shalt  }
0x83: {  	_ =	shalt  }
0x84: {  	_ =	shalt  }
0x85: {  	_ =	shalt  }
0x86: {  	_ =	shalt  }
0x87: {  	_ =	shalt  }
.Lfunc_end0:
.L_simem_size_0:
called_computation.1_lowered:
.L_overlay_start_0:
0x88: {  	s2 =	sld [smem:$0x3FD9]  }
0x89: {  	s3 =	sld [smem:$0x3FFE];
	_ =	sdelay $0x1  }
0x8a: {  	s1 =	srdreg.scid  }
0x8b: {  	s0 =	sand.u32 $0x1, s1  }
0x8c: {  	s16 =	sshll.u32 s0, $0xA;
	s2 =	sadd.s32 s3, s2  }
0x8d: {  	s2 =	sadd.s32 s2, s16  }
0x8e: {  	[smem:$0x3FB2] =	sst s2  }
0x8f: {  	_ = 	snop  }
0x90: {  	(tm) =	ssettm $0x1  }
0x91: {  	s17 =	sld [smem:$0x3FFB];
	_ =	sdelay $0x3  }
0x92: {  	_ =	strace s17  }
0x93: {  	s2 =	sld [smem:$0x3FFC];
	_ =	sdelay $0x3  }
0x94: {  	_ =	strace s2  }
0x95: {  	s2 =	sld [smem:$0x3FFD];
	_ =	sdelay $0x3  }
0x96: {  	_ =	strace s2  }
0x97: {  	_ =	strace $0x8FFFFFFF  }
0x98: {  	s18 =	sld [smem:$0x3FDB];
	_ =	sdelay $0x1  }
0x99: {  	s19 =	simm.s32 $_scs_section_size  }
0x9a: {  	s4 =	simm.s32 $_size__tile_overlayer_lowered;
	s5 =	simm.s32 $_tile_overlayer_lowered  }
0x9b: {  	s22 =	simm.s32 $0x1BFF;
	s21 =	sshll.u32 s5, $0x1;
	s2 =	sadd.s32 s19, s18  }
0x9c: {  	s6 =	simm.s32 $0x0;
	s20 =	sshll.u32 s4, $0x1;
	s4 =	sadd.s32 s21, s2  }
0x9d: {  	[timem:s6], [sflag:s22] =	dma.local [hbm:s4], s20  }
0x9e: {  	_ =	swait.ge [sflag:s22], s20  }
0x9f: {  	s3 =	ssub.s32 $0x0, s20;
	[sflag:s22] =	ssyncset.done $0x0  }
0xa0: {  	[sflag:s22] =	ssyncadd.s32 s3;
	_ =	sdelay $0x1  }
0xa1: {  	s23 =	simm.s32 $0x1B8B  }
0xa2: {  	_ =	swait.ge [sflag:s23], $0x1  }
0xa3: {  	[sflag:s23] =	ssyncset.done $0x0  }
0xa4: {  	s25 =	simm.s32 $0x1B8E;
	s24 =	sld [smem:$0x3FFE];
	[sflag:s23] =	ssyncadd.s32 $0xFFFFFFFF  }
0xa5: {  	s26 =	simm.s32 $execute0_lowered;
	[smem:$0x3FD2] =	sst s25  }
0xa6: {  	s4 =	sshll.u32 s26, $0x1;
	_ =	strace $0x80000049;
	[dreg:$0x1] =	wrdreg $0xFFFFFFFF  }
0xa7: {  	s28 =	simm.s32 $_size_execute0_lowered;
	s2 =	sadd.s32 s2, s4;
	[dreg:$0x0] =	wrdreg $0x0  }
0xa8: {  	s4 =	sshll.u32 s28, $0x1;
	[dreg:$0x2] =	wrdreg s2  }
0xa9: {  	[dreg:$0x3] =	wrdreg s4  }
0xaa: {  	[dreg:$0x4] =	wrdreg $0xC0  }
0xab: {  	_ =	task [dreg:s6], $0x5FFFF  }
0xac: {  	[dreg:$0x1] =	wrdreg $0xFFFFFFFF  }
0xad: {  	[dreg:$0x0] =	wrdreg $0x60  }
0xae: {  	[dreg:$0x2] =	wrdreg s24  }
0xaf: {  	[dreg:$0x3] =	wrdreg $0x90800  }
0xb0: {  	[dreg:$0x4] =	wrdreg $0x9  }
0xb1: {  	_ =	task.clear_ibuf [dreg:s6], $0x5FFFF;
	_ =	strace $0x90000049  }
0xb2: {  	s29 =	simm.s32 $0x9;
	_ =	strace $0x8000004B  }
0xb3: {  	_ =	swait.ge [sflag:s29], $0x1  }
0xb4: {  	[sflag:s29] =	ssyncadd.s32 $0xFFFFFFFF  }
0xb5: {  	_ =	strace $0x9000004B  }
0xb6: {  	_ =	sfence  }
0xb7: {  	s30 =	sld [smem:$0x0];
	_ =	sdelay $0x2  }
0xb8: {  	s31 =	sshll.u32 s1, $0xD;
	s1 =	sshrl.u32 s1, $0x2  }
0xb9: {  	s3 =	sand.u32 $0x4000, s31;
	s1 =	sadd.s32 s1, s30  }
0xba: {  	s0 =	sor.u32 s3, s0;
	s1 =	sshll.u32 s1, $0x11  }
0xbb: {  	s0 =	sor.u32 s1, s0  }
0xbc: {  	s0 =	sadd.s32 $0x8F2B, s0  }
0xbd: {  	[sflag:s0] =	ssyncadd.remote.s32 $0x1  }
0xbe: {  	_ =	sfence.sel $0xFFFF  }
0xbf: {  	[dreg:$0x0] =	wrdreg $0xFFFFFFFF;
	(pc) =	sbr.abs _section_cstart, $3  }
0xc0: {  	[dreg:$0x1] =	wrdreg $0xFFFFFFFF  }
0xc1: {  	_ =	task.clear_ibuf [dreg:s6], $0x2FFFF;
	_ =	strace $0x9FFFFFFF  }
0xc2: {  	(tm) =	ssettm $0x7FFFFFFF  }
0xc3: {  	_ =	shalt  }
tec
execute0_lowered:
.L_overlay_start_1:
0x0: {  	(tag) =	ssettag $0x1  }
0x1: {  	s15 =	rddreg [dreg:$0x0]  }
0x2: {  	s1 =	rddreg [dreg:$0x1];
	s2 =	simm.s32 $0x0;
	s0 =	srdreg.scid  }
0x3: {  	s9 =	stileid.u32;
	[smem:$0x7FF] =	sst s2  }
0x4: {  	s4 =	sadd.s32 $0x18600, s15;
	s5 =	sadd.s32 $0x4200, s15;
	s8 =	sadd.s32 $0x3F800, s15  }
0x5: {  	s10 =	sadd.s32 $0x3FE00, s15;
	_ =	strace $0x8000004A;
	[dreg:$0x3] =	wrdreg s8  }
0x6: {  	s0 =	sand.u32 $0x1, s0;
	s20 =	sadd.s32 $0x3F880, s15;
	[dreg:$0x4] =	wrdreg s10  }
0x7: {  	s6 =	sadd.s32 $0xE400, s15;
	s30 =	sadd.s32 $0x3FE80, s15;
	[dreg:$0x5] =	wrdreg s20  }
0x8: {  	s7 =	smul.u32 $0x50000, s9;
	s31 =	sadd.s32 $0x3F900, s15;
	[dreg:$0x6] =	wrdreg s30  }
0x9: {  	s14 =	smul.u32 $0x14000, s9;
	s21 =	sadd.s32 $0x3FF00, s15;
	[dreg:$0x7] =	wrdreg s31  }
0xa: {  	s16 =	sadd.s32 $0x40400, s15;
	s22 =	sadd.s32 $0x3F980, s15;
	[dreg:$0xd] =	wrdreg s21  }
0xb: {  	s23 =	sadd.s32 $0x3FF80, s15;
	s3 =	ssub.s32 $0x2, s0;
	[dreg:$0xe] =	wrdreg s22  }
0xc: {  	s25 =	sshll.u32 s0, $0x4;
	s0 =	smul.u32 $0x140000, s0;
	[dreg:$0xf] =	wrdreg s23  }
0xd: {  	s30 =	sadd.s32 $0x40100, s15;
	s31 =	sadd.s32 $0x3FB80, s15;
	s21 =	simm.s32 $0x9000  }
0xe: {  	s22 =	simm.s32 $0x4F00;
	s23 =	simm.s32 $0x4F80;
	s24 =	sshrl.u32 s3, $0x1  }
0xf: {  	s7 =	sshrl.u32 s7, $0x2;
	s26 =	sadd.s32 $0x4000, s14;
	s18 =	sor.u32 s9, s25  }
0x10: {  	s28 =	sadd.s32 $0x8000, s14;
	s29 =	sadd.s32 $0xC000, s14;
	[dreg:$0x15] =	wrdreg s30  }
0x11: {  	s19 =	sadd.s32 $0x10000, s14;
	s25 =	sadd.s32 $0x40000, s15;
	[dreg:$0x16] =	wrdreg s31  }
0x12: {  	s17 =	ssub.s32 s3, s24;
	s9 =	sadd.s32 s7, s1;
	s10 =	sadd.s32 s26, s1  }
0x13: {  	s11 =	sadd.s32 s28, s1;
	s12 =	sadd.s32 s29, s1;
	s13 =	sadd.s32 s19, s1  }
0x14: {  	s14 =	sadd.s32 s14, s0;
	s8 =	sadd.s32 s0, s26;
	s3 =	sadd.s32 s0, s28  }
0x15: {  	s7 =	sadd.s32 s0, s29;
	s0 =	sadd.s32 s0, s19;
	s24 =	sadd.s32 $0x3FA00, s15  }
0x16: {  	[dreg:$0x11] =	wrdreg s25;
	s26 =	sadd.s32 $0x3FA80, s15;
	s28 =	sadd.s32 $0x40080, s15  }
0x17: {  	v0 =	vimm.f32 $0.0e+00;
	v1 =	vimm.s32 $0x10;
	s29 =	sadd.s32 $0x3FB00, s15;
	s19 =	simm.s32 $0x3;
	[dreg:$0x10] =	wrdreg s24  }
0x18: {  	v2 =	vimm.s32 $0x1;
	v3 =	vimm.s32 $0x11;
	v4 =	vimm.s32 $0x2;
	s25 =	simm.s32 $0x1;
	s14 =	sshrl.u32 s14, $0x3;
	[dreg:$0x12] =	wrdreg s26  }
0x19: {  	v5 =	vimm.s32 $0x12;
	v6 =	vimm.s32 $0x3;
	v7 =	vimm.s32 $0x13;
	s8 =	sshrl.u32 s8, $0x3;
	s3 =	sshrl.u32 s3, $0x3;
	[dreg:$0x13] =	wrdreg s28  }
0x1a: {  	v8 =	vimm.s32 $0x4;
	v9 =	vimm.s32 $0x14;
	v10 =	vimm.s32 $0x5;
	s7 =	sshrl.u32 s7, $0x3;
	s0 =	sshrl.u32 s0, $0x3;
	[dreg:$0x14] =	wrdreg s29  }
0x1b: {  	v11 =	vimm.s32 $0x15;
	v12 =	vimm.s32 $0x6;
	v13 =	vimm.s32 $0x16;
	s17 =	smax.u32 s17, $0x1;
	s24 =	simm.s32 $0x80;
	s14 =	sadd.s32 s16, s14  }
0x1c: {  	v14 =	vimm.s32 $0x7;
	v15 =	vimm.s32 $0x17;
	v16 =	vimm.s32 $0x8;
	s26 =	simm.s32 $0x2;
	s8 =	sadd.s32 s16, s8;
	[dreg:$0x8] =	wrdreg s14  }
0x1d: {  	v17 =	vimm.s32 $0x18;
	v18 =	vimm.s32 $0x9;
	v19 =	vimm.s32 $0x19;
	s3 =	sadd.s32 s16, s3;
	s20 =	sadd.s32 s16, s7;
	[dreg:$0x9] =	wrdreg s8  }
0x1e: {  	v20 =	vimm.s32 $0xA;
	v21 =	vimm.s32 $0x1A;
	v22 =	vimm.s32 $0xB;
	s0 =	sadd.s32 s16, s0;
	s7 =	sadd.s32 $0x3FC00, s15;
	[dreg:$0xa] =	wrdreg s3  }
0x1f: {  	v23 =	vimm.s32 $0x1B;
	v24 =	vimm.s32 $0xC;
	v25 =	vimm.s32 $0x1C;
	s16 =	smul.u32 $0x51, s18;
	s18 =	simm.s32 $0x5000;
	[dreg:$0xb] =	wrdreg s20  }
0x20: {  	v26 =	vimm.s32 $0xD;
	v27 =	vimm.s32 $0x1D;
	v28 =	vimm.s32 $0xE;
	[dreg:$0xc] =	wrdreg s0;
	s3 =	sadd.s32 $0x40180, s15;
	s8 =	sadd.s32 $0x40200, s15  }
0x21: {  	v29 =	vimm.s32 $0x1E;
	v30 =	vimm.s32 $0xF;
	v31 =	vimm.s32 $0x1F;
	s14 =	sadd.s32 $0x3FC80, s15;
	s15 =	sadd.s32 $0x40280, s15;
	s20 =	simm.s32 $0x2780  }
.LBB2_1:
0x22: {  	s0 =	simm.s32 $0x0;
	s28 =	simm.s32 $0x200  }
.LBB2_2:
0x23: {  	p0 =	sne.s32 s28, $0xFE00;
	[tilespmem:s0+$0x5070] =	vst v0  }
0x24: {  	[tilespmem:s0+$0x5000] =	vst v0  }
0x25: {  	[tilespmem:s0+$0x5010] =	vst v0  }
.Ltmp0:
0x26: {  	[tilespmem:s0+$0x5020] =	vst v0;
	(pc) =	sbr.rel @p0 .LBB2_2-.Ltmp0, $4  }
0x27: {  	[tilespmem:s0+$0x5030] =	vst v0  }
0x28: {  	[tilespmem:s0+$0x5040] =	vst v0  }
0x29: {  	[tilespmem:s0+$0x5050] =	vst v0  }
0x2a: {  	[tilespmem:s0+$0x5060] =	vst v0;
	s0 =	sshra.s32 s28, $0x2;
	s28 =	sadd.s32 $0x200, s28  }
0x2b: {  	[tilespmem:s0+$0x5070] =	vst v0  }
0x2c: {  	[tilespmem:s0+$0x5000] =	vst v0  }
0x2d: {  	[tilespmem:s0+$0x5010] =	vst v0  }
0x2e: {  	[tilespmem:s0+$0x5020] =	vst v0  }
0x2f: {  	[tilespmem:s0+$0x5030] =	vst v0  }
0x30: {  	[tilespmem:s0+$0x5040] =	vst v0  }
0x31: {  	[tilespmem:s0+$0x5050] =	vst v0  }
0x32: {  	[tilespmem:s0+$0x5060] =	vst v0  }
0x33: {  	[spmem:s9] =	stream.linear.scatter [tilespmem:s18], [sflag:$0x3], $0x4000, $0x38;
	[tilespmem:$0x1D080] =	vst v63  }
0x34: {  	_ =	swait.ge [sflag:s19], $0x4000  }
0x35: {  	[sflag:s19] =	ssyncset.done $0x0  }
0x36: {  	[sflag:s19] =	ssyncadd.s32 $0xFFFFC000  }
0x37: {  	[spmem:s10] =	stream.linear.scatter [tilespmem:s18], [sflag:$0x3], $0x4000, $0x38;
	[tilespmem:$0x1D080] =	vst v63  }
0x38: {  	_ =	swait.ge [sflag:s19], $0x4000  }
0x39: {  	[sflag:s19] =	ssyncset.done $0x0  }
0x3a: {  	[sflag:s19] =	ssyncadd.s32 $0xFFFFC000  }
0x3b: {  	[spmem:s11] =	stream.linear.scatter [tilespmem:s18], [sflag:$0x3], $0x4000, $0x38;
	[tilespmem:$0x1D080] =	vst v63  }
0x3c: {  	_ =	swait.ge [sflag:s19], $0x4000  }
0x3d: {  	[sflag:s19] =	ssyncset.done $0x0  }
0x3e: {  	[sflag:s19] =	ssyncadd.s32 $0xFFFFC000  }
0x3f: {  	[spmem:s12] =	stream.linear.scatter [tilespmem:s18], [sflag:$0x3], $0x4000, $0x38;
	[tilespmem:$0x1D080] =	vst v63  }
0x40: {  	_ =	swait.ge [sflag:s19], $0x4000  }
0x41: {  	[sflag:s19] =	ssyncset.done $0x0  }
0x42: {  	[sflag:s19] =	ssyncadd.s32 $0xFFFFC000  }
0x43: {  	[spmem:s13] =	stream.linear.scatter [tilespmem:s18], [sflag:$0x3], $0x4000, $0x38;
	[tilespmem:$0x1D080] =	vst v63  }
0x44: {  	_ =	swait.ge [sflag:s19], $0x4000  }
0x45: {  	[sflag:s19] =	ssyncset.done $0x0  }
0x46: {  	s28 =	simm.s32 $0x0;
	s29 =	rddreg [dreg:$0x3];
	[sflag:s19] =	ssyncadd.s32 $0xFFFFC000  }
0x47: {  	[tilespmem:s28], [sflag:$0x3] =	stream.linear.gather [hbm4b:s29+s28], $0x3E8, $0x38;
	[tilespmem:$0x1D080] =	vst v63  }
0x48: {  	_ =	swait.ge [sflag:s19], $0x3E8  }
0x49: {  	[sflag:s19] =	ssyncset.done $0x0  }
0x4a: {  	s30 =	rddreg [dreg:$0x4];
	[sflag:s19] =	ssyncadd.s32 $0xFFFFFC18  }
0x4b: {  	[tilespmem:s20], [sflag:$0x3] =	stream.linear.gather [hbm4b:s30+s28], $0x3E8, $0x38;
	[tilespmem:$0x1D080] =	vst v63  }
0x4c: {  	_ =	swait.ge [sflag:s19], $0x3E8  }
0x4d: {  	[sflag:s19] =	ssyncset.done $0x0  }
0x4e: {  	s29 =	simm.s32 $0x3E8;
	s31 =	rddreg [dreg:$0x5];
	[sflag:s19] =	ssyncadd.s32 $0xFFFFFC18  }
0x4f: {  	[tilespmem:s29], [sflag:$0x3] =	stream.linear.gather [hbm4b:s31+s28], $0x3E8, $0x38;
	[tilespmem:$0x1D080] =	vst v63  }
0x50: {  	_ =	swait.ge [sflag:s19], $0x3E8  }
0x51: {  	[sflag:s19] =	ssyncset.done $0x0  }
0x52: {  	s31 =	simm.s32 $0x2B68;
	s30 =	rddreg [dreg:$0x6];
	[sflag:s19] =	ssyncadd.s32 $0xFFFFFC18  }
0x53: {  	[tilespmem:s31], [sflag:$0x3] =	stream.linear.gather [hbm4b:s30+s28], $0x3E8, $0x38;
	[tilespmem:$0x1D080] =	vst v63  }
0x54: {  	_ =	swait.ge [sflag:s19], $0x3E8  }
0x55: {  	[sflag:s19] =	ssyncset.done $0x0  }
0x56: {  	s31 =	simm.s32 $0x7D0;
	s30 =	rddreg [dreg:$0x7];
	[sflag:s19] =	ssyncadd.s32 $0xFFFFFC18  }
0x57: {  	[tilespmem:s31], [sflag:$0x3] =	stream.linear.gather [hbm4b:s30+s28], $0x3E8, $0x38;
	[tilespmem:$0x1D080] =	vst v63  }
0x58: {  	_ =	swait.ge [sflag:s19], $0x3E8  }
0x59: {  	[sflag:s19] =	ssyncset.done $0x0  }
0x5a: {  	s31 =	simm.s32 $0x2F50;
	s30 =	rddreg [dreg:$0xd];
	[sflag:s19] =	ssyncadd.s32 $0xFFFFFC18  }
0x5b: {  	[tilespmem:s31], [sflag:$0x3] =	stream.linear.gather [hbm4b:s30+s28], $0x3E8, $0x38;
	[tilespmem:$0x1D080] =	vst v63  }
0x5c: {  	_ =	swait.ge [sflag:s19], $0x3E8  }
0x5d: {  	[sflag:s19] =	ssyncset.done $0x0  }
0x5e: {  	s31 =	simm.s32 $0xBB8;
	s30 =	rddreg [dreg:$0xe];
	[sflag:s19] =	ssyncadd.s32 $0xFFFFFC18  }
0x5f: {  	[tilespmem:s31], [sflag:$0x3] =	stream.linear.gather [hbm4b:s30+s28], $0x3E8, $0x38;
	[tilespmem:$0x1D080] =	vst v63  }
0x60: {  	_ =	swait.ge [sflag:s19], $0x3E8  }
0x61: {  	[sflag:s19] =	ssyncset.done $0x0  }
0x62: {  	s31 =	simm.s32 $0x3338;
	s30 =	rddreg [dreg:$0xf];
	[sflag:s19] =	ssyncadd.s32 $0xFFFFFC18  }
0x63: {  	[tilespmem:s31], [sflag:$0x3] =	stream.linear.gather [hbm4b:s30+s28], $0x3E8, $0x38;
	[tilespmem:$0x1D080] =	vst v63  }
0x64: {  	_ =	swait.ge [sflag:s19], $0x3E8  }
0x65: {  	[sflag:s19] =	ssyncset.done $0x0  }
0x66: {  	s31 =	simm.s32 $0xFA0;
	s30 =	rddreg [dreg:$0x10];
	[sflag:s19] =	ssyncadd.s32 $0xFFFFFC18  }
0x67: {  	[tilespmem:s31], [sflag:$0x3] =	stream.linear.gather [hbm4b:s30+s28], $0x3E8, $0x38;
	[tilespmem:$0x1D080] =	vst v63  }
0x68: {  	_ =	swait.ge [sflag:s19], $0x3E8  }
0x69: {  	[sflag:s19] =	ssyncset.done $0x0  }
0x6a: {  	s31 =	simm.s32 $0x3720;
	s30 =	rddreg [dreg:$0x11];
	[sflag:s19] =	ssyncadd.s32 $0xFFFFFC18  }
0x6b: {  	[tilespmem:s31], [sflag:$0x3] =	stream.linear.gather [hbm4b:s30+s28], $0x3E8, $0x38;
	[tilespmem:$0x1D080] =	vst v63  }
0x6c: {  	_ =	swait.ge [sflag:s19], $0x3E8  }
0x6d: {  	[sflag:s19] =	ssyncset.done $0x0  }
0x6e: {  	s31 =	simm.s32 $0x1388;
	s30 =	rddreg [dreg:$0x12];
	[sflag:s19] =	ssyncadd.s32 $0xFFFFFC18  }
0x6f: {  	[tilespmem:s31], [sflag:$0x3] =	stream.linear.gather [hbm4b:s30+s28], $0x3E8, $0x38;
	[tilespmem:$0x1D080] =	vst v63  }
0x70: {  	_ =	swait.ge [sflag:s19], $0x3E8  }
0x71: {  	[sflag:s19] =	ssyncset.done $0x0  }
0x72: {  	s31 =	simm.s32 $0x3B08;
	s30 =	rddreg [dreg:$0x13];
	[sflag:s19] =	ssyncadd.s32 $0xFFFFFC18  }
0x73: {  	[tilespmem:s31], [sflag:$0x3] =	stream.linear.gather [hbm4b:s30+s28], $0x3E8, $0x38;
	[tilespmem:$0x1D080] =	vst v63  }
0x74: {  	_ =	swait.ge [sflag:s19], $0x3E8  }
0x75: {  	[sflag:s19] =	ssyncset.done $0x0  }
0x76: {  	s31 =	simm.s32 $0x1770;
	s30 =	rddreg [dreg:$0x14];
	[sflag:s19] =	ssyncadd.s32 $0xFFFFFC18  }
0x77: {  	[tilespmem:s31], [sflag:$0x3] =	stream.linear.gather [hbm4b:s30+s28], $0x3E8, $0x38;
	[tilespmem:$0x1D080] =	vst v63  }
0x78: {  	_ =	swait.ge [sflag:s19], $0x3E8  }
0x79: {  	[sflag:s19] =	ssyncset.done $0x0  }
0x7a: {  	s31 =	simm.s32 $0x3EF0;
	s30 =	rddreg [dreg:$0x15];
	[sflag:s19] =	ssyncadd.s32 $0xFFFFFC18  }
0x7b: {  	[tilespmem:s31], [sflag:$0x3] =	stream.linear.gather [hbm4b:s30+s28], $0x3E8, $0x38;
	[tilespmem:$0x1D080] =	vst v63  }
0x7c: {  	_ =	swait.ge [sflag:s19], $0x3E8  }
0x7d: {  	[sflag:s19] =	ssyncset.done $0x0  }
0x7e: {  	s31 =	simm.s32 $0x1B58;
	s30 =	rddreg [dreg:$0x16];
	[sflag:s19] =	ssyncadd.s32 $0xFFFFFC18  }
0x7f: {  	[tilespmem:s31], [sflag:$0x3] =	stream.linear.gather [hbm4b:s30+s28], $0x3E8, $0x38;
	[tilespmem:$0x1D080] =	vst v63  }
0x80: {  	_ =	swait.ge [sflag:s19], $0x3E8  }
0x81: {  	[sflag:s19] =	ssyncset.done $0x0  }
0x82: {  	s29 =	simm.s32 $0x42D8;
	[sflag:s19] =	ssyncadd.s32 $0xFFFFFC18  }
0x83: {  	[tilespmem:s29], [sflag:$0x3] =	stream.linear.gather [hbm4b:s3+s28], $0x3E8, $0x38;
	[tilespmem:$0x1D080] =	vst v63  }
0x84: {  	_ =	swait.ge [sflag:s19], $0x3E8  }
0x85: {  	[sflag:s19] =	ssyncset.done $0x0  }
0x86: {  	s30 =	simm.s32 $0x1F40;
	[sflag:s19] =	ssyncadd.s32 $0xFFFFFC18  }
0x87: {  	[tilespmem:s30], [sflag:$0x3] =	stream.linear.gather [hbm4b:s7+s28], $0x3E8, $0x38;
	[tilespmem:$0x1D080] =	vst v63  }
0x88: {  	_ =	swait.ge [sflag:s19], $0x3E8  }
0x89: {  	[sflag:s19] =	ssyncset.done $0x0  }
0x8a: {  	s31 =	simm.s32 $0x46C0;
	[sflag:s19] =	ssyncadd.s32 $0xFFFFFC18  }
0x8b: {  	[tilespmem:s31], [sflag:$0x3] =	stream.linear.gather [hbm4b:s8+s28], $0x3E8, $0x38;
	[tilespmem:$0x1D080] =	vst v63  }
0x8c: {  	_ =	swait.ge [sflag:s19], $0x3E8  }
0x8d: {  	[sflag:s19] =	ssyncset.done $0x0  }
0x8e: {  	s29 =	simm.s32 $0x2328;
	[sflag:s19] =	ssyncadd.s32 $0xFFFFFC18  }
0x8f: {  	[tilespmem:s29], [sflag:$0x3] =	stream.linear.gather [hbm4b:s14+s28], $0x3E8, $0x38;
	[tilespmem:$0x1D080] =	vst v63  }
0x90: {  	_ =	swait.ge [sflag:s19], $0x3E8  }
0x91: {  	[sflag:s19] =	ssyncset.done $0x0  }
0x92: {  	s30 =	simm.s32 $0x4AA8;
	[sflag:s19] =	ssyncadd.s32 $0xFFFFFC18  }
0x93: {  	[tilespmem:s30], [sflag:$0x3] =	stream.linear.gather [hbm4b:s15+s28], $0x3E8, $0x38;
	[tilespmem:$0x1D080] =	vst v63  }
0x94: {  	_ =	swait.ge [sflag:s19], $0x3E8  }
0x95: {  	[sflag:s19] =	ssyncset.done $0x0  }
0x96: {  	s31 =	simm.s32 $0x0;
	[sflag:s19] =	ssyncadd.s32 $0xFFFFFC18  }
0x97: {  	v33 =	vld [tilespmem:s31+$0x2780]  }
0x98: {  	v32 =	vimm.f32 $-Inf;
	s0 =	simm.s32 $0x40;
	v34 =	vimm.f32 $-Inf;
	v35 =	vld [tilespmem:s31+$0x0]  }
.LBB2_4:
0x99: {  	p0 =	sne.s32 s0, $0x9C00  }
.Ltmp1:
0x9a: {  	_ = 	snop;
	(pc) =	sbr.rel @p0 .LBB2_4-.Ltmp1, $4  }
0x9b: {  	_ = 	snop  }
0x9c: {  	s28 =	sshra.s32 s0, $0x2;
	s0 =	sadd.s32 $0x40, s0;
	v32 =	vmax.f32 v32, v33  }
0x9d: {  	v33 =	vld [tilespmem:s28+$0x2780];
	v34 =	vmax.f32 v34, v35  }
0x9e: {  	v35 =	vld [tilespmem:s28+$0x0]  }
0x9f: {  	_ =	sdelay $0x2  }
0xa0: {  	v32 =	vmax.f32 v32, v33  }
0xa1: {  	v34 =	vmax.f32 v34, v35;
	[tilespmem:$0x9010] =	vst v32  }
0xa2: {  	[tilespmem:$0x9000] =	vst v34  }
0xa3: {  	v32 =	vld.msk [tilespmem:s21+$0x0], $0xffff  }
0xa4: {  	v62 =	vld.idx.msk [tilespmem:v1+s21+$0x0], $0xffff  }
0xa5: {  	v34 =	vld.idx.msk [tilespmem:v2+s21+$0x0], $0xffff  }
0xa6: {  	v63 =	vld.idx.msk [tilespmem:v3+s21+$0x0], $0xffff  }
0xa7: {  	v36 =	vld.idx.msk [tilespmem:v4+s21+$0x0], $0xffff  }
0xa8: {  	v37 =	vld.idx.msk [tilespmem:v5+s21+$0x0], $0xffff  }
0xa9: {  	v38 =	vld.idx.msk [tilespmem:v6+s21+$0x0], $0xffff  }
0xaa: {  	v39 =	vld.idx.msk [tilespmem:v7+s21+$0x0], $0xffff  }
0xab: {  	v40 =	vld.idx.msk [tilespmem:v8+s21+$0x0], $0xffff  }
0xac: {  	v41 =	vld.idx.msk [tilespmem:v9+s21+$0x0], $0xffff  }
0xad: {  	v42 =	vld.idx.msk [tilespmem:v10+s21+$0x0], $0xffff  }
0xae: {  	v43 =	vld.idx.msk [tilespmem:v11+s21+$0x0], $0xffff  }
0xaf: {  	v44 =	vld.idx.msk [tilespmem:v12+s21+$0x0], $0xffff  }
0xb0: {  	v45 =	vld.idx.msk [tilespmem:v13+s21+$0x0], $0xffff  }
0xb1: {  	v46 =	vld.idx.msk [tilespmem:v14+s21+$0x0], $0xffff  }
0xb2: {  	v47 =	vld.idx.msk [tilespmem:v15+s21+$0x0], $0xffff  }
0xb3: {  	v48 =	vld.idx.msk [tilespmem:v16+s21+$0x0], $0xffff  }
0xb4: {  	v49 =	vld.idx.msk [tilespmem:v17+s21+$0x0], $0xffff  }
0xb5: {  	v50 =	vld.idx.msk [tilespmem:v18+s21+$0x0], $0xffff  }
0xb6: {  	v51 =	vld.idx.msk [tilespmem:v19+s21+$0x0], $0xffff  }
0xb7: {  	v52 =	vld.idx.msk [tilespmem:v20+s21+$0x0], $0xffff  }
0xb8: {  	v53 =	vld.idx.msk [tilespmem:v21+s21+$0x0], $0xffff  }
0xb9: {  	v54 =	vld.idx.msk [tilespmem:v22+s21+$0x0], $0xffff;
	v32 =	vmax.f32 v32, v34;
	v33 =	vmax.f32 v62, v63  }
0xba: {  	v55 =	vld.idx.msk [tilespmem:v23+s21+$0x0], $0xffff;
	v32 =	vmax.f32 v32, v36;
	v33 =	vmax.f32 v33, v37  }
0xbb: {  	v56 =	vld.idx.msk [tilespmem:v24+s21+$0x0], $0xffff;
	v32 =	vmax.f32 v32, v38;
	v33 =	vmax.f32 v33, v39  }
0xbc: {  	v57 =	vld.idx.msk [tilespmem:v25+s21+$0x0], $0xffff;
	v32 =	vmax.f32 v32, v40;
	v33 =	vmax.f32 v33, v41  }
0xbd: {  	v58 =	vld.idx.msk [tilespmem:v26+s21+$0x0], $0xffff;
	v32 =	vmax.f32 v32, v42;
	v33 =	vmax.f32 v33, v43  }
0xbe: {  	v59 =	vld.idx.msk [tilespmem:v27+s21+$0x0], $0xffff;
	v32 =	vmax.f32 v32, v44;
	v33 =	vmax.f32 v33, v45  }
0xbf: {  	v60 =	vld.idx.msk [tilespmem:v28+s21+$0x0], $0xffff;
	v32 =	vmax.f32 v32, v46;
	v33 =	vmax.f32 v33, v47  }
0xc0: {  	v61 =	vld.idx.msk [tilespmem:v29+s21+$0x0], $0xffff;
	v32 =	vmax.f32 v32, v48;
	v33 =	vmax.f32 v33, v49  }
0xc1: {  	v62 =	vld.idx.msk [tilespmem:v30+s21+$0x0], $0xffff;
	v32 =	vmax.f32 v32, v50;
	v33 =	vmax.f32 v33, v51  }
0xc2: {  	v63 =	vld.idx.msk [tilespmem:v31+s21+$0x0], $0xffff;
	v32 =	vmax.f32 v32, v52;
	v33 =	vmax.f32 v33, v53  }
0xc3: {  	v32 =	vmax.f32 v32, v54;
	v33 =	vmax.f32 v33, v55  }
0xc4: {  	v32 =	vmax.f32 v32, v56;
	v33 =	vmax.f32 v33, v57  }
0xc5: {  	v32 =	vmax.f32 v32, v58;
	v33 =	vmax.f32 v33, v59  }
0xc6: {  	v32 =	vmax.f32 v32, v60;
	v33 =	vmax.f32 v33, v61  }
0xc7: {  	v32 =	vmax.f32 v32, v62;
	v33 =	vmax.f32 v33, v63  }
0xc8: {  	v32 =	vadd.f32 v33, v32;
	_ =	sdelay $0x1  }
0xc9: {  	v33 =	vmul.f32 $2.000000030e-01, v32  }
0xca: {  	vm0 =	vge.f32 v32, $0.0e+00  }
0xcb: {  	s28 =	simm.s32 $0x0;
	s29 =	simm.s32 $0x0;
	[bflag:$0x0] =	sbarrier.arrive $0xFFFF;
	v32 =	vsel vm0, v32, v33  }
.LBB2_6:
0xcc: {  	s0 =	sadd.s32 s16, s29  }
0xcd: {  	s30 =	sshll.u32 s0, $0x4  }
0xce: {  	s31 =	sadd.s32 s5, s30  }
0xcf: {  	[tilespmem:s22], [sflag:$0x3] =	stream.linear.gather [hbm4b:s31+s28], $0x80, $0x38;
	[tilespmem:$0x1D080] =	vst v63  }
0xd0: {  	_ =	swait.ge [sflag:s19], $0x80  }
0xd1: {  	[sflag:s19] =	ssyncset.done $0x0  }
0xd2: {  	s30 =	sadd.s32 s6, s30;
	[sflag:s19] =	ssyncadd.s32 $0xFFFFFF80  }
0xd3: {  	[tilespmem:s23], [sflag:$0x3] =	stream.linear.gather [hbm4b:s30+s28], $0x80, $0x38;
	[tilespmem:$0x1D080] =	vst v63  }
0xd4: {  	_ =	swait.ge [sflag:s19], $0x80  }
0xd5: {  	[sflag:s19] =	ssyncset.done $0x0  }
0xd6: {  	[sflag:s19] =	ssyncadd.s32 $0xFFFFFF80  }
0xd7: {  	[tilespmem:s18], [sflag:$0x1] =	stream.indirect.gather [hbm4b:s4+s24], $0x80, s22, s24, $0xb8;
	[tilespmem:$0x1D080] =	vst v63  }
0xd8: {  	_ =	swait.ge [sflag:s25], $0x4000  }
0xd9: {  	[sflag:s25] =	ssyncset.done $0x0  }
0xda: {  	[sflag:s25] =	ssyncadd.s32 $0xFFFFC000  }
0xdb: {  	v33 =	vld [tilespmem:$0x4F00]  }
0xdc: {  	v34 =	vld [tilespmem:$0x4F80];
	_ =	sdelay $0x6  }
0xdd: {  	v33 =	vld.idx.msk [tilespmem:v33+s28+$0x0], $0xffff  }
0xde: {  	v34 =	vld.idx.msk [tilespmem:v34+s20+$0x0], $0xffff;
	_ =	sdelay $0x4  }
0xdf: {  	v33 =	vadd.f32 v34, v33;
	_ =	sdelay $0x1  }
0xe0: {  	v34 =	vmul.f32 $2.000000030e-01, v33  }
0xe1: {  	vm0 =	vge.f32 v33, $0.0e+00  }
0xe2: {  	v33 =	vsel vm0, v33, v34  }
0xe3: {  	v33 =	vsub.f32 v33, v32;
	_ =	sdelay $0x1  }
0xe4: {  	v33 =	vmul.f32 $1.442695020e+00, v33;
	_ =	sdelay $0x1  }
0xe5: {  	(erf) = vpow2.f32 v33;
	_ =	sdelay $0x3  }
0xe6: {  	v42 =	vld [tilespmem:$0x4F10]  }
0xe7: {  	v43 =	vld [tilespmem:$0x4F90];
	_ =	sdelay $0x2  }
0xe8: {  	s30 =	sshll.u32 s0, $0x7  }
0xe9: {  	p0 =	slt.u32 s30, $0x50910;
	v35 =	vpop (erf)  }
0xea: {  	v35 =	vpsel !p0, $0x0, v35  }
0xeb: {  	[tilespmem:$0x9000] =	vst v35  }
0xec: {  	v33 =	vld.idx.msk [tilespmem:v42+s28+$0x0], $0xffff  }
0xed: {  	v34 =	vld.idx.msk [tilespmem:v43+s20+$0x0], $0xffff;
	_ =	sdelay $0x4  }
0xee: {  	v33 =	vadd.f32 v34, v33;
	_ =	sdelay $0x1  }
0xef: {  	v34 =	vmul.f32 $2.000000030e-01, v33  }
0xf0: {  	vm9 =	vge.f32 v33, $0.0e+00  }
0xf1: {  	v33 =	vsel vm9, v33, v34  }
0xf2: {  	v33 =	vsub.f32 v33, v32;
	_ =	sdelay $0x1  }
0xf3: {  	v33 =	vmul.f32 $1.442695020e+00, v33;
	_ =	sdelay $0x1  }
0xf4: {  	(erf) = vpow2.f32 v33;
	_ =	sdelay $0x3  }
0xf5: {  	v44 =	vld [tilespmem:$0x4F20]  }
0xf6: {  	v45 =	vld [tilespmem:$0x4FA0];
	_ =	sdelay $0x2  }
0xf7: {  	s0 =	sor.u32 $0x10, s30  }
0xf8: {  	p6 =	slt.u32 s0, $0x50910;
	v46 =	vpop (erf)  }
0xf9: {  	v35 =	vpsel !p6, $0x0, v46  }
0xfa: {  	[tilespmem:$0x9010] =	vst v35  }
0xfb: {  	v33 =	vld.idx.msk [tilespmem:v44+s28+$0x0], $0xffff  }
0xfc: {  	v34 =	vld.idx.msk [tilespmem:v45+s20+$0x0], $0xffff;
	_ =	sdelay $0x4  }
0xfd: {  	v33 =	vadd.f32 v34, v33;
	_ =	sdelay $0x1  }
0xfe: {  	v34 =	vmul.f32 $2.000000030e-01, v33  }
0xff: {  	vm10 =	vge.f32 v33, $0.0e+00  }
0x100: {  	v33 =	vsel vm10, v33, v34  }
0x101: {  	v33 =	vsub.f32 v33, v32;
	_ =	sdelay $0x1  }
0x102: {  	v33 =	vmul.f32 $1.442695020e+00, v33;
	_ =	sdelay $0x1  }
0x103: {  	(erf) = vpow2.f32 v33;
	_ =	sdelay $0x3  }
0x104: {  	v47 =	vld [tilespmem:$0x4F30]  }
0x105: {  	v48 =	vld [tilespmem:$0x4FB0];
	_ =	sdelay $0x2  }
0x106: {  	s0 =	sor.u32 $0x20, s30  }
0x107: {  	p1 =	slt.u32 s0, $0x50910;
	v49 =	vpop (erf)  }
0x108: {  	v35 =	vpsel !p1, $0x0, v49  }
0x109: {  	[tilespmem:$0x9020] =	vst v35  }
0x10a: {  	v33 =	vld.idx.msk [tilespmem:v47+s28+$0x0], $0xffff  }
0x10b: {  	v34 =	vld.idx.msk [tilespmem:v48+s20+$0x0], $0xffff;
	_ =	sdelay $0x4  }
0x10c: {  	v33 =	vadd.f32 v34, v33;
	_ =	sdelay $0x1  }
0x10d: {  	v34 =	vmul.f32 $2.000000030e-01, v33  }
0x10e: {  	vm11 =	vge.f32 v33, $0.0e+00  }
0x10f: {  	v33 =	vsel vm11, v33, v34  }
0x110: {  	v33 =	vsub.f32 v33, v32;
	_ =	sdelay $0x1  }
0x111: {  	v33 =	vmul.f32 $1.442695020e+00, v33;
	_ =	sdelay $0x1  }
0x112: {  	(erf) = vpow2.f32 v33;
	_ =	sdelay $0x3  }
0x113: {  	v50 =	vld [tilespmem:$0x4F40]  }
0x114: {  	v51 =	vld [tilespmem:$0x4FC0];
	_ =	sdelay $0x2  }
0x115: {  	s0 =	sor.u32 $0x30, s30  }
0x116: {  	p2 =	slt.u32 s0, $0x50910;
	v52 =	vpop (erf)  }
0x117: {  	v35 =	vpsel !p2, $0x0, v52  }
0x118: {  	[tilespmem:$0x9030] =	vst v35  }
0x119: {  	v33 =	vld.idx.msk [tilespmem:v50+s28+$0x0], $0xffff  }
0x11a: {  	v34 =	vld.idx.msk [tilespmem:v51+s20+$0x0], $0xffff;
	_ =	sdelay $0x4  }
0x11b: {  	v33 =	vadd.f32 v34, v33;
	_ =	sdelay $0x1  }
0x11c: {  	v34 =	vmul.f32 $2.000000030e-01, v33  }
0x11d: {  	vm12 =	vge.f32 v33, $0.0e+00  }
0x11e: {  	v33 =	vsel vm12, v33, v34  }
0x11f: {  	v33 =	vsub.f32 v33, v32;
	_ =	sdelay $0x1  }
0x120: {  	v33 =	vmul.f32 $1.442695020e+00, v33;
	_ =	sdelay $0x1  }
0x121: {  	(erf) = vpow2.f32 v33;
	_ =	sdelay $0x3  }
0x122: {  	v53 =	vld [tilespmem:$0x4F50]  }
0x123: {  	v54 =	vld [tilespmem:$0x4FD0];
	_ =	sdelay $0x2  }
0x124: {  	s0 =	sor.u32 $0x40, s30  }
0x125: {  	p3 =	slt.u32 s0, $0x50910;
	v55 =	vpop (erf)  }
0x126: {  	v35 =	vpsel !p3, $0x0, v55  }
0x127: {  	[tilespmem:$0x9040] =	vst v35  }
0x128: {  	v33 =	vld.idx.msk [tilespmem:v53+s28+$0x0], $0xffff  }
0x129: {  	v34 =	vld.idx.msk [tilespmem:v54+s20+$0x0], $0xffff;
	_ =	sdelay $0x4  }
0x12a: {  	v33 =	vadd.f32 v34, v33;
	_ =	sdelay $0x1  }
0x12b: {  	v34 =	vmul.f32 $2.000000030e-01, v33  }
0x12c: {  	vm13 =	vge.f32 v33, $0.0e+00  }
0x12d: {  	v33 =	vsel vm13, v33, v34  }
0x12e: {  	v33 =	vsub.f32 v33, v32;
	_ =	sdelay $0x1  }
0x12f: {  	v33 =	vmul.f32 $1.442695020e+00, v33;
	_ =	sdelay $0x1  }
0x130: {  	(erf) = vpow2.f32 v33;
	_ =	sdelay $0x3  }
0x131: {  	v56 =	vld [tilespmem:$0x4F60]  }
0x132: {  	v57 =	vld [tilespmem:$0x4FE0];
	_ =	sdelay $0x2  }
0x133: {  	s0 =	sor.u32 $0x50, s30  }
0x134: {  	p4 =	slt.u32 s0, $0x50910;
	v58 =	vpop (erf)  }
0x135: {  	v35 =	vpsel !p4, $0x0, v58  }
0x136: {  	[tilespmem:$0x9050] =	vst v35  }
0x137: {  	v33 =	vld.idx.msk [tilespmem:v56+s28+$0x0], $0xffff  }
0x138: {  	v34 =	vld.idx.msk [tilespmem:v57+s20+$0x0], $0xffff;
	_ =	sdelay $0x4  }
0x139: {  	v33 =	vadd.f32 v34, v33;
	_ =	sdelay $0x1  }
0x13a: {  	v34 =	vmul.f32 $2.000000030e-01, v33  }
0x13b: {  	vm14 =	vge.f32 v33, $0.0e+00  }
0x13c: {  	v33 =	vsel vm14, v33, v34  }
0x13d: {  	v33 =	vsub.f32 v33, v32;
	_ =	sdelay $0x1  }
0x13e: {  	v33 =	vmul.f32 $1.442695020e+00, v33;
	_ =	sdelay $0x1  }
0x13f: {  	(erf) = vpow2.f32 v33;
	_ =	sdelay $0x3  }
0x140: {  	v59 =	vld [tilespmem:$0x4F70]  }
0x141: {  	v60 =	vld [tilespmem:$0x4FF0];
	_ =	sdelay $0x2  }
0x142: {  	s0 =	sor.u32 $0x60, s30  }
0x143: {  	p5 =	slt.u32 s0, $0x50910;
	v61 =	vpop (erf)  }
0x144: {  	v35 =	vpsel !p5, $0x0, v61  }
0x145: {  	[tilespmem:$0x9060] =	vst v35  }
0x146: {  	v33 =	vld.idx.msk [tilespmem:v59+s28+$0x0], $0xffff  }
0x147: {  	v34 =	vld.idx.msk [tilespmem:v60+s20+$0x0], $0xffff;
	_ =	sdelay $0x4  }
0x148: {  	v33 =	vadd.f32 v34, v33;
	_ =	sdelay $0x1  }
0x149: {  	v34 =	vmul.f32 $2.000000030e-01, v33  }
0x14a: {  	vm15 =	vge.f32 v33, $0.0e+00  }
0x14b: {  	v33 =	vsel vm15, v33, v34  }
0x14c: {  	v33 =	vsub.f32 v33, v32;
	_ =	sdelay $0x1  }
0x14d: {  	v33 =	vmul.f32 $1.442695020e+00, v33;
	_ =	sdelay $0x1  }
0x14e: {  	(erf) = vpow2.f32 v33;
	_ =	sdelay $0x7  }
0x14f: {  	s0 =	sor.u32 $0x70, s30  }
0x150: {  	v62 =	vmov s28;
	p6 =	slt.u32 s0, $0x50910;
	v33 =	vpop (erf)  }
0x151: {  	v33 =	vpsel !p6, $0x0, v33  }
0x152: {  	s30 =	simm.s32 $0x5020;
	[tilespmem:$0x9070] =	vst v33  }
0x153: {  	v33 =	vld [tilespmem:s30+$0xFFFFFFF0]  }
0x154: {  	v35 =	vld [tilespmem:s30+$0x10]  }
0x155: {  	v38 =	vld.idx.msk [tilespmem:v62+s21+$0x0], $0xffff  }
0x156: {  	v63 =	vld [tilespmem:s30+$0xFFFFFFE0]  }
0x157: {  	v37 =	vld [tilespmem:s30+$0x0]  }
0x158: {  	v39 =	vld [tilespmem:s30+$0x20];
	_ =	sdelay $0x2  }
0x159: {  	v40 =	vmul.f32 v63, v38  }
0x15a: {  	s0 =	simm.s32 $0x1;
	v36 =	vmul.f32 v33, v38;
	v37 =	vmul.f32 v37, v38  }
0x15b: {  	s31 =	simm.s32 $0x5020;
	v34 =	vmul.f32 v35, v38;
	v33 =	vmov s0;
	s0 =	simm.s32 $0x2;
	v35 =	vmul.f32 v39, v38;
	[tilespmem:s30+$0xFFFFFFE0] =	vst v40  }
.LBB2_7:
0x15c: {  	p0 =	sne.s32 s0, $0x7F;
	[tilespmem:s30+$0xFFFFFFF0] =	vst v36  }
0x15d: {  	s30 =	sadd.s32 $0x80, s30;
	[tilespmem:s31+$0x0] =	vst v37  }
0x15e: {  	v36 =	vld [tilespmem:s30+$0xFFFFFFF0];
	[tilespmem:s31+$0x10] =	vst v34  }
0x15f: {  	v34 =	vld [tilespmem:s30+$0x10];
	[tilespmem:s31+$0x20] =	vst v35;
	s31 =	smov.u32 s30  }
0x160: {  	v35 =	vld.idx.msk [tilespmem:v33+s21+$0x0], $0xffff  }
0x161: {  	v33 =	vld [tilespmem:s30+$0xFFFFFFE0]  }
0x162: {  	v37 =	vld [tilespmem:s30+$0x0]  }
0x163: {  	v38 =	vld [tilespmem:s30+$0x20]  }
.Ltmp2:
0x164: {  	(pc) =	sbr.rel @p0 .LBB2_7-.Ltmp2, $4  }
0x165: {  	_ = 	snop  }
0x166: {  	v36 =	vmul.f32 v36, v35;
	v39 =	vmul.f32 v33, v35  }
0x167: {  	v34 =	vmul.f32 v34, v35;
	v37 =	vmul.f32 v37, v35  }
0x168: {  	v33 =	vmov s0;
	s0 =	sadd.s32 $0x1, s0;
	[tilespmem:s30+$0xFFFFFFE0] =	vst v39;
	v35 =	vmul.f32 v38, v35  }
0x169: {  	[tilespmem:s30+$0xFFFFFFF0] =	vst v36  }
0x16a: {  	s0 =	sadd.s32 $0x80, s30;
	[tilespmem:s31+$0x0] =	vst v37  }
0x16b: {  	v36 =	vld [tilespmem:s0+$0xFFFFFFF0];
	[tilespmem:s31+$0x10] =	vst v34  }
0x16c: {  	v34 =	vld [tilespmem:s0+$0x10]  }
0x16d: {  	[tilespmem:s31+$0x20] =	vst v35;
	v63 =	vld [tilespmem:s0+$0xFFFFFFE0]  }
0x16e: {  	v33 =	vld.idx.msk [tilespmem:v33+s21+$0x0], $0xffff;
	_ =	sdelay $0x1  }
0x16f: {  	v37 =	vld [tilespmem:s0+$0x0];
	_ =	sdelay $0x1  }
0x170: {  	v38 =	vld [tilespmem:s0+$0x20]  }
0x171: {  	v35 =	vmul.f32 v63, v33  }
0x172: {  	v36 =	vmul.f32 v36, v33  }
0x173: {  	v37 =	vmul.f32 v37, v33;
	[tilespmem:s0+$0xFFFFFFE0] =	vst v35  }
0x174: {  	v34 =	vmul.f32 v34, v33;
	[tilespmem:s0+$0xFFFFFFF0] =	vst v36  }
0x175: {  	s29 =	sadd.s32 $0x1, s29;
	v33 =	vmul.f32 v38, v33;
	[tilespmem:s0+$0x0] =	vst v37  }
0x176: {  	p0 =	sne.s32 s29, $0x51;
	[tilespmem:s0+$0x10] =	vst v34  }
.Ltmp3:
0x177: {  	[tilespmem:s0+$0x20] =	vst v33;
	(pc) =	sbr.rel @p0 .LBB2_6-.Ltmp3, $4  }
0x178: {  	[spmem:s1] =	stream.indirect.scatter.add.f32 [tilespmem:s18], [sflag:$0x2], $0x80, s23, s24, $0xb8;
	[tilespmem:$0x1D080] =	vst v63  }
0x179: {  	_ =	swait.ge [sflag:s26], $0x4000  }
0x17a: {  	[sflag:s26] =	ssyncset.done $0x0  }
0x17b: {  	[sflag:s26] =	ssyncadd.s32 $0xFFFFC000  }
0x17c: {  	s0 =	stileid.u32  }
0x17d: {  	[bflag:$0x0] =	sbarrier.arrive $0xFFFF;
	s0 =	sshll.u32 s0, $0x6  }
0x17e: {  	s28 =	sshrl.u32 s9, $0x3;
	s29 =	rddreg [dreg:$0x8];
	s0 =	sor.u32 $0x1C03, s0  }
0x17f: {  	[hbm:s29], [sflag:s0] =	dma.local [spmem:s28], $0x800  }
0x180: {  	_ =	swait.ge [sflag:s19], $0x800  }
0x181: {  	[sflag:s19] =	ssyncset.done $0x0  }
0x182: {  	s30 =	sshrl.u32 s10, $0x3;
	s31 =	rddreg [dreg:$0x9];
	[sflag:s19] =	ssyncadd.s32 $0xFFFFF800  }
0x183: {  	[hbm:s31], [sflag:s0] =	dma.local [spmem:s30], $0x800  }
0x184: {  	_ =	swait.ge [sflag:s19], $0x800  }
0x185: {  	[sflag:s19] =	ssyncset.done $0x0  }
0x186: {  	s30 =	sshrl.u32 s11, $0x3;
	s31 =	rddreg [dreg:$0xa];
	[sflag:s19] =	ssyncadd.s32 $0xFFFFF800  }
0x187: {  	[hbm:s31], [sflag:s0] =	dma.local [spmem:s30], $0x800  }
0x188: {  	_ =	swait.ge [sflag:s19], $0x800  }
0x189: {  	[sflag:s19] =	ssyncset.done $0x0  }
0x18a: {  	s30 =	sshrl.u32 s12, $0x3;
	s31 =	rddreg [dreg:$0xb];
	[sflag:s19] =	ssyncadd.s32 $0xFFFFF800  }
0x18b: {  	[hbm:s31], [sflag:s0] =	dma.local [spmem:s30], $0x800  }
0x18c: {  	s2 =	sadd.s32 $0x1, s2;
	_ =	swait.ge [sflag:s19], $0x800  }
0x18d: {  	p0 =	sne.s32 s2, s17;
	s30 =	sshrl.u32 s13, $0x3;
	[sflag:s19] =	ssyncset.done $0x0  }
.Ltmp4:
0x18e: {  	s31 =	rddreg [dreg:$0xc];
	[sflag:s19] =	ssyncadd.s32 $0xFFFFF800;
	(pc) =	sbr.rel @p0 .LBB2_1-.Ltmp4, $4  }
0x18f: {  	[hbm:s31], [sflag:s0] =	dma.local [spmem:s30], $0x800  }
0x190: {  	_ =	swait.ge [sflag:s19], $0x800  }
0x191: {  	[sflag:s19] =	ssyncset.done $0x0  }
0x192: {  	[sflag:s19] =	ssyncadd.s32 $0xFFFFF800  }
0x193: {  	_ =	sfence.sel $0x180000  }
0x194: {  	[bflag:$0x0] =	sbarrier.arrive $0xFFFF  }
0x195: {  	_ =	strace $0x9000004A  }
0x196: {  	s0 =	stileid.u32;
	[bflag:$0x2] =	sbarrier.arrive $0xFFFF  }
0x197: {  	p0 =	sne.s32 s0, $0x0;
	s0 =	rddreg [dreg:$0x2]  }
0x198: {  	s0 =	sadd.s32 @!p0 $0x100000, s0  }
0x199: {  	[sflag:s0] =	ssyncadd.tile.s32 @!p0 $0x1;
	_ =	shalt  }
.Lfunc_end2:
_tile_overlayer_lowered:
.L_overlay_start_2:
0x19a: {  	(tag) =	ssettag $0x2  }
0x19b: {  	s0 =	rddreg [dreg:$0x0];
	s2 =	stileid.u32  }
0x19c: {  	s1 =	rddreg [dreg:$0x1];
	p0 =	sne.s32 s2, $0x0  }
0x19d: {  	s3 =	rddreg [dreg:$0x2];
	[bflag:$0x3] =	sbarrier.arrive $0xFFFF;
	s2 =	simm.s32 @!p0 $0x1C03  }
0x19e: {  	[timem:s3], [sflag:s2] =	dma.local @!p0 [hbm:s0], s1  }
0x19f: {  	s0 =	simm.s32 @!p0 $0x3  }
0x1a0: {  	_ =	swait.ge @!p0 [sflag:s0], s1  }
0x1a1: {  	s1 =	ssub.s32 @!p0 $0x0, s1;
	[sflag:s0] =	ssyncset.done @!p0 $0x0  }
0x1a2: {  	[sflag:s0] =	ssyncadd.s32 @!p0 s1  }
0x1a3: {  	[bflag:$0x3] =	sbarrier.arrive $0xFFFF  }
0x1a4: {  	_ =	shalt  }

// kernel: kernel.7.cloned.1.call-start
scs
__scs_entry_jumppad:
0x0: {  	(pc) =	sbr.rel $0x88, $3  }
0x1: {  	(tag) =	ssettag $0x0;
	lr =	simm.s32 $0x1  }
0x2: {  	[smem:$0x3F8B] =	sst lr;
	_ =	strace $0xD0000000  }
0x3: {  	_ = 	snop  }
0x4: {  	_ = 	snop  }
0x5: {  	_ = 	snop  }
0x6: {  	_ = 	snop  }
0x7: {  	_ = 	snop  }
__scs_overlays_trampoline_lowered:
0x8: {  	[smem:$0x3F9A] =	sst s0  }
0x9: {  	[smem:$0x3F9B] =	sst s1  }
0xa: {  	[smem:$0x3F9C] =	sst s2  }
0xb: {  	[smem:$0x3F9D] =	sst s3  }
0xc: {  	[smem:$0x3F9E] =	sst s4  }
0xd: {  	[smem:$0x3F9F] =	sst s5  }
0xe: {  	[smem:$0x3FA0] =	sst s6  }
0xf: {  	[smem:$0x3FA1] =	sst s7  }
0x10: {  	[smem:$0x3FA2] =	sst s8  }
0x11: {  	[smem:$0x3FA3] =	sst s9;
	s0 =	simm.s32 @!p0 $0x0  }
0x12: {  	s1 =	sld [smem:$0x3F89];
	s0 =	simm.s32 @p0 $0x1  }
0x13: {  	[smem:$0x3FA4] =	sst s0;
	s0 =	simm.s32 @!p1 $0x0  }
0x14: {  	s2 =	sld [smem:$0x3F88];
	s0 =	simm.s32 @p1 $0x1  }
0x15: {  	[smem:$0x3FA5] =	sst s0;
	s0 =	simm.s32 @!p2 $0x0  }
0x16: {  	s3 =	sld [smem:$0x3FDB];
	s0 =	simm.s32 @p2 $0x1  }
0x17: {  	s4 =	simm.s32 $0x1BF5;
	[smem:$0x3FA7] =	sst s0  }
0x18: {  	s0 =	sld [smem:$0x3F8A];
	_ =	swait.ge [sflag:s4], $0x0  }
0x19: {  	s7 =	sld [smem:$0x3F8B]  }
0x1a: {  	s8 =	sadd.s32 $0xFFFFE003, lr  }
0x1b: {  	s9 =	sadd.s32 $0xFFFFFEF7, lr;
	s5 =	simm.s32 $0xFFFFFFFF;
	p2 =	slt.u32 s8, $0xFFFFF086  }
0x1c: {  	p1 =	slt.u32 s9, $0xF7A;
	s5 =	simm.s32 @!p2 $0x0  }
0x1d: {  	s5 =	simm.s32 @p1 $0x1;
	p0 =	seq.s32 s7, s2  }
0x1e: {  	s7 =	smul.u32 @!p0 $0xF7A, s2;
	p2 =	seq.s32 @!p0 s5, $0x0  }
0x1f: {  	s9 =	smul.u32 $0xF7A, s1;
	s8 =	simm.s32 @!p0 $0x1BF5;
	p2 =	por !p2, p0  }
0x20: {  	[sflag:s8] =	ssyncset.s32 @!p0 $0xFFFFF086;
	s6 =	sadd.s32 @!p0 s3, s7;
	s7 =	simm.s32 @!p0 $0x108  }
0x21: {  	s3 =	sadd.s32 s3, s9;
	s6 =	sadd.s32 @!p0 $0x88, s6;
	s7 =	simm.s32 @p2 $0x1082  }
0x22: {  	[simem:s7], [sflag:s8] =	dma.local @!p0 [hbm:s6], $0xF7A  }
0x23: {  	s9 =	sor.u32 $0xD0000000, s2;
	s6 =	simm.s32 $0x108;
	_ =	swait.ge @!p0 [sflag:s8], $0x0  }
0x24: {  	s3 =	sadd.s32 $0x88, s3;
	s6 =	simm.s32 @!p1 $0x1082;
	[sflag:s4] =	ssyncset.s32 $0xFFFFF086  }
0x25: {  	[simem:s6], [sflag:s4] =	dma.local [hbm:s3], $0xF7A  }
0x26: {  	[smem:$0x3F8B] =	sst s1;
	(tag) =	ssettag s2;
	_ =	strace s9  }
0x27: {  	s1 =	sld [smem:$0x3F9B]  }
0x28: {  	s2 =	sld [smem:$0x3F9C]  }
0x29: {  	s4 =	sld [smem:$0x3F9E]  }
0x2a: {  	p0 =	seq.s32 s5, $0x0;
	s5 =	sld [smem:$0x3F9F]  }
0x2b: {  	s6 =	sld [smem:$0x3FA0]  }
0x2c: {  	s7 =	sld [smem:$0x3FA1]  }
0x2d: {  	s3 =	simm.s32 $0x108;
	s8 =	sld [smem:$0x3FA2]  }
0x2e: {  	s3 =	simm.s32 @!p0 $0x1082;
	s9 =	sld [smem:$0x3FA3]  }
0x2f: {  	lr =	sadd.s32 s0, s3;
	s0 =	sld [smem:$0x3F9A]  }
0x30: {  	s3 =	sld [smem:$0x3F9D]  }
0x31: {  	[smem:$0x3FA6] =	sst s10  }
0x32: {  	s10 =	sld [smem:$0x3FA4];
	_ =	sdelay $0x3  }
0x33: {  	p0 =	seq.s32 s10, $0x1;
	s10 =	sld [smem:$0x3FA6];
	_ =	sdelay $0x3  }
0x34: {  	[smem:$0x3FA6] =	sst s10  }
0x35: {  	s10 =	sld [smem:$0x3FA5];
	_ =	sdelay $0x3  }
0x36: {  	p1 =	seq.s32 s10, $0x1;
	s10 =	sld [smem:$0x3FA6];
	_ =	sdelay $0x3  }
0x37: {  	[smem:$0x3FA6] =	sst s10  }
0x38: {  	s10 =	sld [smem:$0x3FA7]  }
0x39: {  	_ = 	snop;
	(pc) =	sbr.ind lr, $3  }
0x3a: {  	_ = 	snop  }
0x3b: {  	_ = 	snop  }
0x3c: {  	p2 =	seq.s32 s10, $0x1;
	s10 =	sld [smem:$0x3FA6]  }
0x3d: {  	_ =	shalt  }
0x3e: {  	_ =	shalt  }
0x3f: {  	_ =	shalt  }
0x40: {  	_ =	shalt  }
0x41: {  	_ =	shalt  }
0x42: {  	_ =	shalt  }
0x43: {  	_ =	shalt  }
0x44: {  	_ =	shalt  }
0x45: {  	_ =	shalt  }
0x46: {  	_ =	shalt  }
0x47: {  	_ =	shalt  }
0x48: {  	_ =	shalt  }
0x49: {  	_ =	shalt  }
0x4a: {  	_ =	shalt  }
0x4b: {  	_ =	shalt  }
0x4c: {  	_ =	shalt  }
0x4d: {  	_ =	shalt  }
0x4e: {  	_ =	shalt  }
0x4f: {  	_ =	shalt  }
0x50: {  	_ =	shalt  }
0x51: {  	_ =	shalt  }
0x52: {  	_ =	shalt  }
0x53: {  	_ =	shalt  }
0x54: {  	_ =	shalt  }
0x55: {  	_ =	shalt  }
0x56: {  	_ =	shalt  }
0x57: {  	_ =	shalt  }
0x58: {  	_ =	shalt  }
0x59: {  	_ =	shalt  }
0x5a: {  	_ =	shalt  }
0x5b: {  	_ =	shalt  }
0x5c: {  	_ =	shalt  }
0x5d: {  	_ =	shalt  }
0x5e: {  	_ =	shalt  }
0x5f: {  	_ =	shalt  }
0x60: {  	_ =	shalt  }
0x61: {  	_ =	shalt  }
0x62: {  	_ =	shalt  }
0x63: {  	_ =	shalt  }
0x64: {  	_ =	shalt  }
0x65: {  	_ =	shalt  }
0x66: {  	_ =	shalt  }
0x67: {  	_ =	shalt  }
0x68: {  	_ =	shalt  }
0x69: {  	_ =	shalt  }
0x6a: {  	_ =	shalt  }
0x6b: {  	_ =	shalt  }
0x6c: {  	_ =	shalt  }
0x6d: {  	_ =	shalt  }
0x6e: {  	_ =	shalt  }
0x6f: {  	_ =	shalt  }
0x70: {  	_ =	shalt  }
0x71: {  	_ =	shalt  }
0x72: {  	_ =	shalt  }
0x73: {  	_ =	shalt  }
0x74: {  	_ =	shalt  }
0x75: {  	_ =	shalt  }
0x76: {  	_ =	shalt  }
0x77: {  	_ =	shalt  }
0x78: {  	_ =	shalt  }
0x79: {  	_ =	shalt  }
0x7a: {  	_ =	shalt  }
0x7b: {  	_ =	shalt  }
0x7c: {  	_ =	shalt  }
0x7d: {  	_ =	shalt  }
0x7e: {  	_ =	shalt  }
0x7f: {  	_ =	shalt  }
0x80: {  	_ =	shalt  }
0x81: {  	_ =	shalt  }
0x82: {  	_ =	shalt  }
0x83: {  	_ =	shalt  }
0x84: {  	_ =	shalt  }
0x85: {  	_ =	shalt  }
0x86: {  	_ =	shalt  }
0x87: {  	_ =	shalt  }
.Lfunc_end0:
.L_simem_size_0:
called_computation_lowered:
.L_overlay_start_0:
0x88: {  	s2 =	sld [smem:$0x3FD9]  }
0x89: {  	s3 =	sld [smem:$0x3FFE];
	_ =	sdelay $0x1  }
0x8a: {  	s1 =	srdreg.scid  }
0x8b: {  	s0 =	sand.u32 $0x1, s1  }
0x8c: {  	s16 =	sshll.u32 s0, $0xA;
	s2 =	sadd.s32 s3, s2  }
0x8d: {  	s2 =	sadd.s32 s2, s16  }
0x8e: {  	[smem:$0x3FB2] =	sst s2  }
0x8f: {  	_ = 	snop  }
0x90: {  	(tm) =	ssettm $0x1  }
0x91: {  	s17 =	sld [smem:$0x3FFB];
	_ =	sdelay $0x3  }
0x92: {  	_ =	strace s17  }
0x93: {  	s2 =	sld [smem:$0x3FFC];
	_ =	sdelay $0x3  }
0x94: {  	_ =	strace s2  }
0x95: {  	s2 =	sld [smem:$0x3FFD];
	_ =	sdelay $0x3  }
0x96: {  	_ =	strace s2  }
0x97: {  	_ =	strace $0x8FFFFFFF  }
0x98: {  	s18 =	sld [smem:$0x3FDB];
	_ =	sdelay $0x1  }
0x99: {  	s19 =	simm.s32 $_scs_section_size  }
0x9a: {  	s4 =	simm.s32 $_size__tile_overlayer_lowered;
	s5 =	simm.s32 $_tile_overlayer_lowered  }
0x9b: {  	s22 =	simm.s32 $0x1BFF;
	s21 =	sshll.u32 s5, $0x1;
	s2 =	sadd.s32 s19, s18  }
0x9c: {  	s6 =	simm.s32 $0x0;
	s20 =	sshll.u32 s4, $0x1;
	s4 =	sadd.s32 s21, s2  }
0x9d: {  	[timem:s6], [sflag:s22] =	dma.local [hbm:s4], s20  }
0x9e: {  	_ =	swait.ge [sflag:s22], s20  }
0x9f: {  	s3 =	ssub.s32 $0x0, s20;
	[sflag:s22] =	ssyncset.done $0x0  }
0xa0: {  	[sflag:s22] =	ssyncadd.s32 s3;
	_ =	sdelay $0x1  }
0xa1: {  	s23 =	simm.s32 $0x1B8B  }
0xa2: {  	_ =	swait.ge [sflag:s23], $0x1  }
0xa3: {  	[sflag:s23] =	ssyncset.done $0x0  }
0xa4: {  	s25 =	simm.s32 $0x1B8E;
	s24 =	sld [smem:$0x3FFE];
	[sflag:s23] =	ssyncadd.s32 $0xFFFFFFFF  }
0xa5: {  	s26 =	simm.s32 $execute0_lowered;
	[smem:$0x3FD2] =	sst s25  }
0xa6: {  	s4 =	sshll.u32 s26, $0x1;
	_ =	strace $0x80000046;
	[dreg:$0x1] =	wrdreg $0xFFFFFFFF  }
0xa7: {  	s28 =	simm.s32 $_size_execute0_lowered;
	s2 =	sadd.s32 s2, s4;
	[dreg:$0x0] =	wrdreg $0x0  }
0xa8: {  	s4 =	sshll.u32 s28, $0x1;
	[dreg:$0x2] =	wrdreg s2  }
0xa9: {  	[dreg:$0x3] =	wrdreg s4  }
0xaa: {  	[dreg:$0x4] =	wrdreg $0xC0  }
0xab: {  	_ =	task [dreg:s6], $0x5FFFF  }
0xac: {  	[dreg:$0x1] =	wrdreg $0xFFFFFFFF  }
0xad: {  	[dreg:$0x0] =	wrdreg $0x60  }
0xae: {  	[dreg:$0x2] =	wrdreg s24  }
0xaf: {  	[dreg:$0x3] =	wrdreg $0x90800  }
0xb0: {  	[dreg:$0x4] =	wrdreg $0x9  }
0xb1: {  	_ =	task.clear_ibuf [dreg:s6], $0x5FFFF;
	_ =	strace $0x90000046  }
0xb2: {  	s29 =	simm.s32 $0x9;
	_ =	strace $0x80000048  }
0xb3: {  	_ =	swait.ge [sflag:s29], $0x1  }
0xb4: {  	[sflag:s29] =	ssyncadd.s32 $0xFFFFFFFF  }
0xb5: {  	_ =	strace $0x90000048  }
0xb6: {  	_ =	sfence  }
0xb7: {  	s30 =	sld [smem:$0x0];
	_ =	sdelay $0x2  }
0xb8: {  	s31 =	sshll.u32 s1, $0xD;
	s1 =	sshrl.u32 s1, $0x2  }
0xb9: {  	s3 =	sand.u32 $0x4000, s31;
	s1 =	sadd.s32 s1, s30  }
0xba: {  	s0 =	sor.u32 s3, s0;
	s1 =	sshll.u32 s1, $0x11  }
0xbb: {  	s0 =	sor.u32 s1, s0  }
0xbc: {  	s0 =	sadd.s32 $0x8F2B, s0  }
0xbd: {  	[sflag:s0] =	ssyncadd.remote.s32 $0x1  }
0xbe: {  	_ =	sfence.sel $0xFFFF  }
0xbf: {  	[dreg:$0x0] =	wrdreg $0xFFFFFFFF;
	(pc) =	sbr.abs _section_cstart, $3  }
0xc0: {  	[dreg:$0x1] =	wrdreg $0xFFFFFFFF  }
0xc1: {  	_ =	task.clear_ibuf [dreg:s6], $0x2FFFF;
	_ =	strace $0x9FFFFFFF  }
0xc2: {  	(tm) =	ssettm $0x7FFFFFFF  }
0xc3: {  	_ =	shalt  }
tec
execute0_lowered:
.L_overlay_start_1:
0x0: {  	(tag) =	ssettag $0x1  }
0x1: {  	s15 =	rddreg [dreg:$0x0]  }
0x2: {  	s1 =	rddreg [dreg:$0x1];
	s2 =	simm.s32 $0x0;
	s0 =	srdreg.scid  }
0x3: {  	s9 =	stileid.u32;
	[smem:$0x7FF] =	sst s2  }
0x4: {  	s4 =	sadd.s32 $0x18600, s15;
	s5 =	sadd.s32 $0x4200, s15;
	s8 =	sadd.s32 $0x3F800, s15  }
0x5: {  	s10 =	sadd.s32 $0x3FE00, s15;
	_ =	strace $0x80000047;
	[dreg:$0x3] =	wrdreg s8  }
0x6: {  	s0 =	sand.u32 $0x1, s0;
	s20 =	sadd.s32 $0x3F880, s15;
	[dreg:$0x4] =	wrdreg s10  }
0x7: {  	s6 =	sadd.s32 $0xE400, s15;
	s30 =	sadd.s32 $0x3FE80, s15;
	[dreg:$0x5] =	wrdreg s20  }
0x8: {  	s7 =	smul.u32 $0x50000, s9;
	s31 =	sadd.s32 $0x3F900, s15;
	[dreg:$0x6] =	wrdreg s30  }
0x9: {  	s14 =	smul.u32 $0x14000, s9;
	s21 =	sadd.s32 $0x3FF00, s15;
	[dreg:$0x7] =	wrdreg s31  }
0xa: {  	s16 =	sadd.s32 $0x40400, s15;
	s22 =	sadd.s32 $0x3F980, s15;
	[dreg:$0xd] =	wrdreg s21  }
0xb: {  	s23 =	sadd.s32 $0x3FF80, s15;
	s3 =	ssub.s32 $0x2, s0;
	[dreg:$0xe] =	wrdreg s22  }
0xc: {  	s25 =	sshll.u32 s0, $0x4;
	s0 =	smul.u32 $0x140000, s0;
	[dreg:$0xf] =	wrdreg s23  }
0xd: {  	s30 =	sadd.s32 $0x40100, s15;
	s31 =	sadd.s32 $0x3FB80, s15;
	s21 =	simm.s32 $0x9000  }
0xe: {  	s22 =	simm.s32 $0x4F00;
	s23 =	simm.s32 $0x4F80;
	s24 =	sshrl.u32 s3, $0x1  }
0xf: {  	s7 =	sshrl.u32 s7, $0x2;
	s26 =	sadd.s32 $0x4000, s14;
	s18 =	sor.u32 s9, s25  }
0x10: {  	s28 =	sadd.s32 $0x8000, s14;
	s29 =	sadd.s32 $0xC000, s14;
	[dreg:$0x15] =	wrdreg s30  }
0x11: {  	s19 =	sadd.s32 $0x10000, s14;
	s25 =	sadd.s32 $0x40000, s15;
	[dreg:$0x16] =	wrdreg s31  }
0x12: {  	s17 =	ssub.s32 s3, s24;
	s9 =	sadd.s32 s7, s1;
	s10 =	sadd.s32 s26, s1  }
0x13: {  	s11 =	sadd.s32 s28, s1;
	s12 =	sadd.s32 s29, s1;
	s13 =	sadd.s32 s19, s1  }
0x14: {  	s14 =	sadd.s32 s14, s0;
	s8 =	sadd.s32 s0, s26;
	s3 =	sadd.s32 s0, s28  }
0x15: {  	s7 =	sadd.s32 s0, s29;
	s0 =	sadd.s32 s0, s19;
	s24 =	sadd.s32 $0x3FA00, s15  }
0x16: {  	[dreg:$0x11] =	wrdreg s25;
	s26 =	sadd.s32 $0x3FA80, s15;
	s28 =	sadd.s32 $0x40080, s15  }
0x17: {  	v0 =	vimm.f32 $0.0e+00;
	v1 =	vimm.s32 $0x10;
	s29 =	sadd.s32 $0x3FB00, s15;
	s19 =	simm.s32 $0x3;
	[dreg:$0x10] =	wrdreg s24  }
0x18: {  	v2 =	vimm.s32 $0x1;
	v3 =	vimm.s32 $0x11;
	v4 =	vimm.s32 $0x2;
	s25 =	simm.s32 $0x1;
	s14 =	sshrl.u32 s14, $0x3;
	[dreg:$0x12] =	wrdreg s26  }
0x19: {  	v5 =	vimm.s32 $0x12;
	v6 =	vimm.s32 $0x3;
	v7 =	vimm.s32 $0x13;
	s8 =	sshrl.u32 s8, $0x3;
	s3 =	sshrl.u32 s3, $0x3;
	[dreg:$0x13] =	wrdreg s28  }
0x1a: {  	v8 =	vimm.s32 $0x4;
	v9 =	vimm.s32 $0x14;
	v10 =	vimm.s32 $0x5;
	s7 =	sshrl.u32 s7, $0x3;
	s0 =	sshrl.u32 s0, $0x3;
	[dreg:$0x14] =	wrdreg s29  }
0x1b: {  	v11 =	vimm.s32 $0x15;
	v12 =	vimm.s32 $0x6;
	v13 =	vimm.s32 $0x16;
	s17 =	smax.u32 s17, $0x1;
	s24 =	simm.s32 $0x80;
	s14 =	sadd.s32 s16, s14  }
0x1c: {  	v14 =	vimm.s32 $0x7;
	v15 =	vimm.s32 $0x17;
	v16 =	vimm.s32 $0x8;
	s26 =	simm.s32 $0x2;
	s8 =	sadd.s32 s16, s8;
	[dreg:$0x8] =	wrdreg s14  }
0x1d: {  	v17 =	vimm.s32 $0x18;
	v18 =	vimm.s32 $0x9;
	v19 =	vimm.s32 $0x19;
	s3 =	sadd.s32 s16, s3;
	s20 =	sadd.s32 s16, s7;
	[dreg:$0x9] =	wrdreg s8  }
0x1e: {  	v20 =	vimm.s32 $0xA;
	v21 =	vimm.s32 $0x1A;
	v22 =	vimm.s32 $0xB;
	s0 =	sadd.s32 s16, s0;
	s7 =	sadd.s32 $0x3FC00, s15;
	[dreg:$0xa] =	wrdreg s3  }
0x1f: {  	v23 =	vimm.s32 $0x1B;
	v24 =	vimm.s32 $0xC;
	v25 =	vimm.s32 $0x1C;
	s16 =	smul.u32 $0x51, s18;
	s18 =	simm.s32 $0x5000;
	[dreg:$0xb] =	wrdreg s20  }
0x20: {  	v26 =	vimm.s32 $0xD;
	v27 =	vimm.s32 $0x1D;
	v28 =	vimm.s32 $0xE;
	[dreg:$0xc] =	wrdreg s0;
	s3 =	sadd.s32 $0x40180, s15;
	s8 =	sadd.s32 $0x40200, s15  }
0x21: {  	v29 =	vimm.s32 $0x1E;
	v30 =	vimm.s32 $0xF;
	v31 =	vimm.s32 $0x1F;
	s14 =	sadd.s32 $0x3FC80, s15;
	s15 =	sadd.s32 $0x40280, s15;
	s20 =	simm.s32 $0x2780  }
.LBB2_1:
0x22: {  	s0 =	simm.s32 $0x0;
	s28 =	simm.s32 $0x200  }
.LBB2_2:
0x23: {  	p0 =	sne.s32 s28, $0xFE00;
	[tilespmem:s0+$0x5070] =	vst v0  }
0x24: {  	[tilespmem:s0+$0x5000] =	vst v0  }
0x25: {  	[tilespmem:s0+$0x5010] =	vst v0  }
.Ltmp0:
0x26: {  	[tilespmem:s0+$0x5020] =	vst v0;
	(pc) =	sbr.rel @p0 .LBB2_2-.Ltmp0, $4  }
0x27: {  	[tilespmem:s0+$0x5030] =	vst v0  }
0x28: {  	[tilespmem:s0+$0x5040] =	vst v0  }
0x29: {  	[tilespmem:s0+$0x5050] =	vst v0  }
0x2a: {  	[tilespmem:s0+$0x5060] =	vst v0;
	s0 =	sshra.s32 s28, $0x2;
	s28 =	sadd.s32 $0x200, s28  }
0x2b: {  	[tilespmem:s0+$0x5070] =	vst v0  }
0x2c: {  	[tilespmem:s0+$0x5000] =	vst v0  }
0x2d: {  	[tilespmem:s0+$0x5010] =	vst v0  }
0x2e: {  	[tilespmem:s0+$0x5020] =	vst v0  }
0x2f: {  	[tilespmem:s0+$0x5030] =	vst v0  }
0x30: {  	[tilespmem:s0+$0x5040] =	vst v0  }
0x31: {  	[tilespmem:s0+$0x5050] =	vst v0  }
0x32: {  	[tilespmem:s0+$0x5060] =	vst v0  }
0x33: {  	[spmem:s9] =	stream.linear.scatter [tilespmem:s18], [sflag:$0x3], $0x4000, $0x38;
	[tilespmem:$0x1D080] =	vst v63  }
0x34: {  	_ =	swait.ge [sflag:s19], $0x4000  }
0x35: {  	[sflag:s19] =	ssyncset.done $0x0  }
0x36: {  	[sflag:s19] =	ssyncadd.s32 $0xFFFFC000  }
0x37: {  	[spmem:s10] =	stream.linear.scatter [tilespmem:s18], [sflag:$0x3], $0x4000, $0x38;
	[tilespmem:$0x1D080] =	vst v63  }
0x38: {  	_ =	swait.ge [sflag:s19], $0x4000  }
0x39: {  	[sflag:s19] =	ssyncset.done $0x0  }
0x3a: {  	[sflag:s19] =	ssyncadd.s32 $0xFFFFC000  }
0x3b: {  	[spmem:s11] =	stream.linear.scatter [tilespmem:s18], [sflag:$0x3], $0x4000, $0x38;
	[tilespmem:$0x1D080] =	vst v63  }
0x3c: {  	_ =	swait.ge [sflag:s19], $0x4000  }
0x3d: {  	[sflag:s19] =	ssyncset.done $0x0  }
0x3e: {  	[sflag:s19] =	ssyncadd.s32 $0xFFFFC000  }
0x3f: {  	[spmem:s12] =	stream.linear.scatter [tilespmem:s18], [sflag:$0x3], $0x4000, $0x38;
	[tilespmem:$0x1D080] =	vst v63  }
0x40: {  	_ =	swait.ge [sflag:s19], $0x4000  }
0x41: {  	[sflag:s19] =	ssyncset.done $0x0  }
0x42: {  	[sflag:s19] =	ssyncadd.s32 $0xFFFFC000  }
0x43: {  	[spmem:s13] =	stream.linear.scatter [tilespmem:s18], [sflag:$0x3], $0x4000, $0x38;
	[tilespmem:$0x1D080] =	vst v63  }
0x44: {  	_ =	swait.ge [sflag:s19], $0x4000  }
0x45: {  	[sflag:s19] =	ssyncset.done $0x0  }
0x46: {  	s28 =	simm.s32 $0x0;
	s29 =	rddreg [dreg:$0x3];
	[sflag:s19] =	ssyncadd.s32 $0xFFFFC000  }
0x47: {  	[tilespmem:s28], [sflag:$0x3] =	stream.linear.gather [hbm4b:s29+s28], $0x3E8, $0x38;
	[tilespmem:$0x1D080] =	vst v63  }
0x48: {  	_ =	swait.ge [sflag:s19], $0x3E8  }
0x49: {  	[sflag:s19] =	ssyncset.done $0x0  }
0x4a: {  	s30 =	rddreg [dreg:$0x4];
	[sflag:s19] =	ssyncadd.s32 $0xFFFFFC18  }
0x4b: {  	[tilespmem:s20], [sflag:$0x3] =	stream.linear.gather [hbm4b:s30+s28], $0x3E8, $0x38;
	[tilespmem:$0x1D080] =	vst v63  }
0x4c: {  	_ =	swait.ge [sflag:s19], $0x3E8  }
0x4d: {  	[sflag:s19] =	ssyncset.done $0x0  }
0x4e: {  	s29 =	simm.s32 $0x3E8;
	s31 =	rddreg [dreg:$0x5];
	[sflag:s19] =	ssyncadd.s32 $0xFFFFFC18  }
0x4f: {  	[tilespmem:s29], [sflag:$0x3] =	stream.linear.gather [hbm4b:s31+s28], $0x3E8, $0x38;
	[tilespmem:$0x1D080] =	vst v63  }
0x50: {  	_ =	swait.ge [sflag:s19], $0x3E8  }
0x51: {  	[sflag:s19] =	ssyncset.done $0x0  }
0x52: {  	s31 =	simm.s32 $0x2B68;
	s30 =	rddreg [dreg:$0x6];
	[sflag:s19] =	ssyncadd.s32 $0xFFFFFC18  }
0x53: {  	[tilespmem:s31], [sflag:$0x3] =	stream.linear.gather [hbm4b:s30+s28], $0x3E8, $0x38;
	[tilespmem:$0x1D080] =	vst v63  }
0x54: {  	_ =	swait.ge [sflag:s19], $0x3E8  }
0x55: {  	[sflag:s19] =	ssyncset.done $0x0  }
0x56: {  	s31 =	simm.s32 $0x7D0;
	s30 =	rddreg [dreg:$0x7];
	[sflag:s19] =	ssyncadd.s32 $0xFFFFFC18  }
0x57: {  	[tilespmem:s31], [sflag:$0x3] =	stream.linear.gather [hbm4b:s30+s28], $0x3E8, $0x38;
	[tilespmem:$0x1D080] =	vst v63  }
0x58: {  	_ =	swait.ge [sflag:s19], $0x3E8  }
0x59: {  	[sflag:s19] =	ssyncset.done $0x0  }
0x5a: {  	s31 =	simm.s32 $0x2F50;
	s30 =	rddreg [dreg:$0xd];
	[sflag:s19] =	ssyncadd.s32 $0xFFFFFC18  }
0x5b: {  	[tilespmem:s31], [sflag:$0x3] =	stream.linear.gather [hbm4b:s30+s28], $0x3E8, $0x38;
	[tilespmem:$0x1D080] =	vst v63  }
0x5c: {  	_ =	swait.ge [sflag:s19], $0x3E8  }
0x5d: {  	[sflag:s19] =	ssyncset.done $0x0  }
0x5e: {  	s31 =	simm.s32 $0xBB8;
	s30 =	rddreg [dreg:$0xe];
	[sflag:s19] =	ssyncadd.s32 $0xFFFFFC18  }
0x5f: {  	[tilespmem:s31], [sflag:$0x3] =	stream.linear.gather [hbm4b:s30+s28], $0x3E8, $0x38;
	[tilespmem:$0x1D080] =	vst v63  }
0x60: {  	_ =	swait.ge [sflag:s19], $0x3E8  }
0x61: {  	[sflag:s19] =	ssyncset.done $0x0  }
0x62: {  	s31 =	simm.s32 $0x3338;
	s30 =	rddreg [dreg:$0xf];
	[sflag:s19] =	ssyncadd.s32 $0xFFFFFC18  }
0x63: {  	[tilespmem:s31], [sflag:$0x3] =	stream.linear.gather [hbm4b:s30+s28], $0x3E8, $0x38;
	[tilespmem:$0x1D080] =	vst v63  }
0x64: {  	_ =	swait.ge [sflag:s19], $0x3E8  }
0x65: {  	[sflag:s19] =	ssyncset.done $0x0  }
0x66: {  	s31 =	simm.s32 $0xFA0;
	s30 =	rddreg [dreg:$0x10];
	[sflag:s19] =	ssyncadd.s32 $0xFFFFFC18  }
0x67: {  	[tilespmem:s31], [sflag:$0x3] =	stream.linear.gather [hbm4b:s30+s28], $0x3E8, $0x38;
	[tilespmem:$0x1D080] =	vst v63  }
0x68: {  	_ =	swait.ge [sflag:s19], $0x3E8  }
0x69: {  	[sflag:s19] =	ssyncset.done $0x0  }
0x6a: {  	s31 =	simm.s32 $0x3720;
	s30 =	rddreg [dreg:$0x11];
	[sflag:s19] =	ssyncadd.s32 $0xFFFFFC18  }
0x6b: {  	[tilespmem:s31], [sflag:$0x3] =	stream.linear.gather [hbm4b:s30+s28], $0x3E8, $0x38;
	[tilespmem:$0x1D080] =	vst v63  }
0x6c: {  	_ =	swait.ge [sflag:s19], $0x3E8  }
0x6d: {  	[sflag:s19] =	ssyncset.done $0x0  }
0x6e: {  	s31 =	simm.s32 $0x1388;
	s30 =	rddreg [dreg:$0x12];
	[sflag:s19] =	ssyncadd.s32 $0xFFFFFC18  }
0x6f: {  	[tilespmem:s31], [sflag:$0x3] =	stream.linear.gather [hbm4b:s30+s28], $0x3E8, $0x38;
	[tilespmem:$0x1D080] =	vst v63  }
0x70: {  	_ =	swait.ge [sflag:s19], $0x3E8  }
0x71: {  	[sflag:s19] =	ssyncset.done $0x0  }
0x72: {  	s31 =	simm.s32 $0x3B08;
	s30 =	rddreg [dreg:$0x13];
	[sflag:s19] =	ssyncadd.s32 $0xFFFFFC18  }
0x73: {  	[tilespmem:s31], [sflag:$0x3] =	stream.linear.gather [hbm4b:s30+s28], $0x3E8, $0x38;
	[tilespmem:$0x1D080] =	vst v63  }
0x74: {  	_ =	swait.ge [sflag:s19], $0x3E8  }
0x75: {  	[sflag:s19] =	ssyncset.done $0x0  }
0x76: {  	s31 =	simm.s32 $0x1770;
	s30 =	rddreg [dreg:$0x14];
	[sflag:s19] =	ssyncadd.s32 $0xFFFFFC18  }
0x77: {  	[tilespmem:s31], [sflag:$0x3] =	stream.linear.gather [hbm4b:s30+s28], $0x3E8, $0x38;
	[tilespmem:$0x1D080] =	vst v63  }
0x78: {  	_ =	swait.ge [sflag:s19], $0x3E8  }
0x79: {  	[sflag:s19] =	ssyncset.done $0x0  }
0x7a: {  	s31 =	simm.s32 $0x3EF0;
	s30 =	rddreg [dreg:$0x15];
	[sflag:s19] =	ssyncadd.s32 $0xFFFFFC18  }
0x7b: {  	[tilespmem:s31], [sflag:$0x3] =	stream.linear.gather [hbm4b:s30+s28], $0x3E8, $0x38;
	[tilespmem:$0x1D080] =	vst v63  }
0x7c: {  	_ =	swait.ge [sflag:s19], $0x3E8  }
0x7d: {  	[sflag:s19] =	ssyncset.done $0x0  }
0x7e: {  	s31 =	simm.s32 $0x1B58;
	s30 =	rddreg [dreg:$0x16];
	[sflag:s19] =	ssyncadd.s32 $0xFFFFFC18  }
0x7f: {  	[tilespmem:s31], [sflag:$0x3] =	stream.linear.gather [hbm4b:s30+s28], $0x3E8, $0x38;
	[tilespmem:$0x1D080] =	vst v63  }
0x80: {  	_ =	swait.ge [sflag:s19], $0x3E8  }
0x81: {  	[sflag:s19] =	ssyncset.done $0x0  }
0x82: {  	s29 =	simm.s32 $0x42D8;
	[sflag:s19] =	ssyncadd.s32 $0xFFFFFC18  }
0x83: {  	[tilespmem:s29], [sflag:$0x3] =	stream.linear.gather [hbm4b:s3+s28], $0x3E8, $0x38;
	[tilespmem:$0x1D080] =	vst v63  }
0x84: {  	_ =	swait.ge [sflag:s19], $0x3E8  }
0x85: {  	[sflag:s19] =	ssyncset.done $0x0  }
0x86: {  	s30 =	simm.s32 $0x1F40;
	[sflag:s19] =	ssyncadd.s32 $0xFFFFFC18  }
0x87: {  	[tilespmem:s30], [sflag:$0x3] =	stream.linear.gather [hbm4b:s7+s28], $0x3E8, $0x38;
	[tilespmem:$0x1D080] =	vst v63  }
0x88: {  	_ =	swait.ge [sflag:s19], $0x3E8  }
0x89: {  	[sflag:s19] =	ssyncset.done $0x0  }
0x8a: {  	s31 =	simm.s32 $0x46C0;
	[sflag:s19] =	ssyncadd.s32 $0xFFFFFC18  }
0x8b: {  	[tilespmem:s31], [sflag:$0x3] =	stream.linear.gather [hbm4b:s8+s28], $0x3E8, $0x38;
	[tilespmem:$0x1D080] =	vst v63  }
0x8c: {  	_ =	swait.ge [sflag:s19], $0x3E8  }
0x8d: {  	[sflag:s19] =	ssyncset.done $0x0  }
0x8e: {  	s29 =	simm.s32 $0x2328;
	[sflag:s19] =	ssyncadd.s32 $0xFFFFFC18  }
0x8f: {  	[tilespmem:s29], [sflag:$0x3] =	stream.linear.gather [hbm4b:s14+s28], $0x3E8, $0x38;
	[tilespmem:$0x1D080] =	vst v63  }
0x90: {  	_ =	swait.ge [sflag:s19], $0x3E8  }
0x91: {  	[sflag:s19] =	ssyncset.done $0x0  }
0x92: {  	s30 =	simm.s32 $0x4AA8;
	[sflag:s19] =	ssyncadd.s32 $0xFFFFFC18  }
0x93: {  	[tilespmem:s30], [sflag:$0x3] =	stream.linear.gather [hbm4b:s15+s28], $0x3E8, $0x38;
	[tilespmem:$0x1D080] =	vst v63  }
0x94: {  	_ =	swait.ge [sflag:s19], $0x3E8  }
0x95: {  	[sflag:s19] =	ssyncset.done $0x0  }
0x96: {  	s31 =	simm.s32 $0x0;
	[sflag:s19] =	ssyncadd.s32 $0xFFFFFC18  }
0x97: {  	v33 =	vld [tilespmem:s31+$0x2780]  }
0x98: {  	v32 =	vimm.f32 $-Inf;
	s0 =	simm.s32 $0x40;
	v34 =	vimm.f32 $-Inf;
	v35 =	vld [tilespmem:s31+$0x0]  }
.LBB2_4:
0x99: {  	p0 =	sne.s32 s0, $0x9C00  }
.Ltmp1:
0x9a: {  	_ = 	snop;
	(pc) =	sbr.rel @p0 .LBB2_4-.Ltmp1, $4  }
0x9b: {  	_ = 	snop  }
0x9c: {  	s28 =	sshra.s32 s0, $0x2;
	s0 =	sadd.s32 $0x40, s0;
	v32 =	vmax.f32 v32, v33  }
0x9d: {  	v33 =	vld [tilespmem:s28+$0x2780];
	v34 =	vmax.f32 v34, v35  }
0x9e: {  	v35 =	vld [tilespmem:s28+$0x0]  }
0x9f: {  	_ =	sdelay $0x2  }
0xa0: {  	v32 =	vmax.f32 v32, v33  }
0xa1: {  	v34 =	vmax.f32 v34, v35;
	[tilespmem:$0x9010] =	vst v32  }
0xa2: {  	[tilespmem:$0x9000] =	vst v34  }
0xa3: {  	v32 =	vld.msk [tilespmem:s21+$0x0], $0xffff  }
0xa4: {  	v62 =	vld.idx.msk [tilespmem:v1+s21+$0x0], $0xffff  }
0xa5: {  	v34 =	vld.idx.msk [tilespmem:v2+s21+$0x0], $0xffff  }
0xa6: {  	v63 =	vld.idx.msk [tilespmem:v3+s21+$0x0], $0xffff  }
0xa7: {  	v36 =	vld.idx.msk [tilespmem:v4+s21+$0x0], $0xffff  }
0xa8: {  	v37 =	vld.idx.msk [tilespmem:v5+s21+$0x0], $0xffff  }
0xa9: {  	v38 =	vld.idx.msk [tilespmem:v6+s21+$0x0], $0xffff  }
0xaa: {  	v39 =	vld.idx.msk [tilespmem:v7+s21+$0x0], $0xffff  }
0xab: {  	v40 =	vld.idx.msk [tilespmem:v8+s21+$0x0], $0xffff  }
0xac: {  	v41 =	vld.idx.msk [tilespmem:v9+s21+$0x0], $0xffff  }
0xad: {  	v42 =	vld.idx.msk [tilespmem:v10+s21+$0x0], $0xffff  }
0xae: {  	v43 =	vld.idx.msk [tilespmem:v11+s21+$0x0], $0xffff  }
0xaf: {  	v44 =	vld.idx.msk [tilespmem:v12+s21+$0x0], $0xffff  }
0xb0: {  	v45 =	vld.idx.msk [tilespmem:v13+s21+$0x0], $0xffff  }
0xb1: {  	v46 =	vld.idx.msk [tilespmem:v14+s21+$0x0], $0xffff  }
0xb2: {  	v47 =	vld.idx.msk [tilespmem:v15+s21+$0x0], $0xffff  }
0xb3: {  	v48 =	vld.idx.msk [tilespmem:v16+s21+$0x0], $0xffff  }
0xb4: {  	v49 =	vld.idx.msk [tilespmem:v17+s21+$0x0], $0xffff  }
0xb5: {  	v50 =	vld.idx.msk [tilespmem:v18+s21+$0x0], $0xffff  }
0xb6: {  	v51 =	vld.idx.msk [tilespmem:v19+s21+$0x0], $0xffff  }
0xb7: {  	v52 =	vld.idx.msk [tilespmem:v20+s21+$0x0], $0xffff  }
0xb8: {  	v53 =	vld.idx.msk [tilespmem:v21+s21+$0x0], $0xffff  }
0xb9: {  	v54 =	vld.idx.msk [tilespmem:v22+s21+$0x0], $0xffff;
	v32 =	vmax.f32 v32, v34;
	v33 =	vmax.f32 v62, v63  }
0xba: {  	v55 =	vld.idx.msk [tilespmem:v23+s21+$0x0], $0xffff;
	v32 =	vmax.f32 v32, v36;
	v33 =	vmax.f32 v33, v37  }
0xbb: {  	v56 =	vld.idx.msk [tilespmem:v24+s21+$0x0], $0xffff;
	v32 =	vmax.f32 v32, v38;
	v33 =	vmax.f32 v33, v39  }
0xbc: {  	v57 =	vld.idx.msk [tilespmem:v25+s21+$0x0], $0xffff;
	v32 =	vmax.f32 v32, v40;
	v33 =	vmax.f32 v33, v41  }
0xbd: {  	v58 =	vld.idx.msk [tilespmem:v26+s21+$0x0], $0xffff;
	v32 =	vmax.f32 v32, v42;
	v33 =	vmax.f32 v33, v43  }
0xbe: {  	v59 =	vld.idx.msk [tilespmem:v27+s21+$0x0], $0xffff;
	v32 =	vmax.f32 v32, v44;
	v33 =	vmax.f32 v33, v45  }
0xbf: {  	v60 =	vld.idx.msk [tilespmem:v28+s21+$0x0], $0xffff;
	v32 =	vmax.f32 v32, v46;
	v33 =	vmax.f32 v33, v47  }
0xc0: {  	v61 =	vld.idx.msk [tilespmem:v29+s21+$0x0], $0xffff;
	v32 =	vmax.f32 v32, v48;
	v33 =	vmax.f32 v33, v49  }
0xc1: {  	v62 =	vld.idx.msk [tilespmem:v30+s21+$0x0], $0xffff;
	v32 =	vmax.f32 v32, v50;
	v33 =	vmax.f32 v33, v51  }
0xc2: {  	v63 =	vld.idx.msk [tilespmem:v31+s21+$0x0], $0xffff;
	v32 =	vmax.f32 v32, v52;
	v33 =	vmax.f32 v33, v53  }
0xc3: {  	v32 =	vmax.f32 v32, v54;
	v33 =	vmax.f32 v33, v55  }
0xc4: {  	v32 =	vmax.f32 v32, v56;
	v33 =	vmax.f32 v33, v57  }
0xc5: {  	v32 =	vmax.f32 v32, v58;
	v33 =	vmax.f32 v33, v59  }
0xc6: {  	v32 =	vmax.f32 v32, v60;
	v33 =	vmax.f32 v33, v61  }
0xc7: {  	v32 =	vmax.f32 v32, v62;
	v33 =	vmax.f32 v33, v63  }
0xc8: {  	v32 =	vadd.f32 v33, v32;
	_ =	sdelay $0x1  }
0xc9: {  	v33 =	vmul.f32 $2.000000030e-01, v32  }
0xca: {  	vm0 =	vge.f32 v32, $0.0e+00  }
0xcb: {  	s28 =	simm.s32 $0x0;
	s29 =	simm.s32 $0x0;
	[bflag:$0x0] =	sbarrier.arrive $0xFFFF;
	v32 =	vsel vm0, v32, v33  }
.LBB2_6:
0xcc: {  	s0 =	sadd.s32 s16, s29  }
0xcd: {  	s30 =	sshll.u32 s0, $0x4  }
0xce: {  	s31 =	sadd.s32 s5, s30  }
0xcf: {  	[tilespmem:s22], [sflag:$0x3] =	stream.linear.gather [hbm4b:s31+s28], $0x80, $0x38;
	[tilespmem:$0x1D080] =	vst v63  }
0xd0: {  	_ =	swait.ge [sflag:s19], $0x80  }
0xd1: {  	[sflag:s19] =	ssyncset.done $0x0  }
0xd2: {  	s30 =	sadd.s32 s6, s30;
	[sflag:s19] =	ssyncadd.s32 $0xFFFFFF80  }
0xd3: {  	[tilespmem:s23], [sflag:$0x3] =	stream.linear.gather [hbm4b:s30+s28], $0x80, $0x38;
	[tilespmem:$0x1D080] =	vst v63  }
0xd4: {  	_ =	swait.ge [sflag:s19], $0x80  }
0xd5: {  	[sflag:s19] =	ssyncset.done $0x0  }
0xd6: {  	[sflag:s19] =	ssyncadd.s32 $0xFFFFFF80  }
0xd7: {  	[tilespmem:s18], [sflag:$0x1] =	stream.indirect.gather [hbm4b:s4+s24], $0x80, s22, s24, $0xb8;
	[tilespmem:$0x1D080] =	vst v63  }
0xd8: {  	_ =	swait.ge [sflag:s25], $0x4000  }
0xd9: {  	[sflag:s25] =	ssyncset.done $0x0  }
0xda: {  	[sflag:s25] =	ssyncadd.s32 $0xFFFFC000  }
0xdb: {  	v33 =	vld [tilespmem:$0x4F00]  }
0xdc: {  	v34 =	vld [tilespmem:$0x4F80];
	_ =	sdelay $0x6  }
0xdd: {  	v33 =	vld.idx.msk [tilespmem:v33+s28+$0x0], $0xffff  }
0xde: {  	v34 =	vld.idx.msk [tilespmem:v34+s20+$0x0], $0xffff;
	_ =	sdelay $0x4  }
0xdf: {  	v33 =	vadd.f32 v34, v33;
	_ =	sdelay $0x1  }
0xe0: {  	v34 =	vmul.f32 $2.000000030e-01, v33  }
0xe1: {  	vm0 =	vge.f32 v33, $0.0e+00  }
0xe2: {  	v33 =	vsel vm0, v33, v34  }
0xe3: {  	v33 =	vsub.f32 v33, v32;
	_ =	sdelay $0x1  }
0xe4: {  	v33 =	vmul.f32 $1.442695020e+00, v33;
	_ =	sdelay $0x1  }
0xe5: {  	(erf) = vpow2.f32 v33;
	_ =	sdelay $0x3  }
0xe6: {  	v42 =	vld [tilespmem:$0x4F10]  }
0xe7: {  	v43 =	vld [tilespmem:$0x4F90];
	_ =	sdelay $0x2  }
0xe8: {  	s30 =	sshll.u32 s0, $0x7  }
0xe9: {  	p0 =	slt.u32 s30, $0x50910;
	v35 =	vpop (erf)  }
0xea: {  	v35 =	vpsel !p0, $0x0, v35  }
0xeb: {  	[tilespmem:$0x9000] =	vst v35  }
0xec: {  	v33 =	vld.idx.msk [tilespmem:v42+s28+$0x0], $0xffff  }
0xed: {  	v34 =	vld.idx.msk [tilespmem:v43+s20+$0x0], $0xffff;
	_ =	sdelay $0x4  }
0xee: {  	v33 =	vadd.f32 v34, v33;
	_ =	sdelay $0x1  }
0xef: {  	v34 =	vmul.f32 $2.000000030e-01, v33  }
0xf0: {  	vm9 =	vge.f32 v33, $0.0e+00  }
0xf1: {  	v33 =	vsel vm9, v33, v34  }
0xf2: {  	v33 =	vsub.f32 v33, v32;
	_ =	sdelay $0x1  }
0xf3: {  	v33 =	vmul.f32 $1.442695020e+00, v33;
	_ =	sdelay $0x1  }
0xf4: {  	(erf) = vpow2.f32 v33;
	_ =	sdelay $0x3  }
0xf5: {  	v44 =	vld [tilespmem:$0x4F20]  }
0xf6: {  	v45 =	vld [tilespmem:$0x4FA0];
	_ =	sdelay $0x2  }
0xf7: {  	s0 =	sor.u32 $0x10, s30  }
0xf8: {  	p6 =	slt.u32 s0, $0x50910;
	v46 =	vpop (erf)  }
0xf9: {  	v35 =	vpsel !p6, $0x0, v46  }
0xfa: {  	[tilespmem:$0x9010] =	vst v35  }
0xfb: {  	v33 =	vld.idx.msk [tilespmem:v44+s28+$0x0], $0xffff  }
0xfc: {  	v34 =	vld.idx.msk [tilespmem:v45+s20+$0x0], $0xffff;
	_ =	sdelay $0x4  }
0xfd: {  	v33 =	vadd.f32 v34, v33;
	_ =	sdelay $0x1  }
0xfe: {  	v34 =	vmul.f32 $2.000000030e-01, v33  }
0xff: {  	vm10 =	vge.f32 v33, $0.0e+00  }
0x100: {  	v33 =	vsel vm10, v33, v34  }
0x101: {  	v33 =	vsub.f32 v33, v32;
	_ =	sdelay $0x1  }
0x102: {  	v33 =	vmul.f32 $1.442695020e+00, v33;
	_ =	sdelay $0x1  }
0x103: {  	(erf) = vpow2.f32 v33;
	_ =	sdelay $0x3  }
0x104: {  	v47 =	vld [tilespmem:$0x4F30]  }
0x105: {  	v48 =	vld [tilespmem:$0x4FB0];
	_ =	sdelay $0x2  }
0x106: {  	s0 =	sor.u32 $0x20, s30  }
0x107: {  	p1 =	slt.u32 s0, $0x50910;
	v49 =	vpop (erf)  }
0x108: {  	v35 =	vpsel !p1, $0x0, v49  }
0x109: {  	[tilespmem:$0x9020] =	vst v35  }
0x10a: {  	v33 =	vld.idx.msk [tilespmem:v47+s28+$0x0], $0xffff  }
0x10b: {  	v34 =	vld.idx.msk [tilespmem:v48+s20+$0x0], $0xffff;
	_ =	sdelay $0x4  }
0x10c: {  	v33 =	vadd.f32 v34, v33;
	_ =	sdelay $0x1  }
0x10d: {  	v34 =	vmul.f32 $2.000000030e-01, v33  }
0x10e: {  	vm11 =	vge.f32 v33, $0.0e+00  }
0x10f: {  	v33 =	vsel vm11, v33, v34  }
0x110: {  	v33 =	vsub.f32 v33, v32;
	_ =	sdelay $0x1  }
0x111: {  	v33 =	vmul.f32 $1.442695020e+00, v33;
	_ =	sdelay $0x1  }
0x112: {  	(erf) = vpow2.f32 v33;
	_ =	sdelay $0x3  }
0x113: {  	v50 =	vld [tilespmem:$0x4F40]  }
0x114: {  	v51 =	vld [tilespmem:$0x4FC0];
	_ =	sdelay $0x2  }
0x115: {  	s0 =	sor.u32 $0x30, s30  }
0x116: {  	p2 =	slt.u32 s0, $0x50910;
	v52 =	vpop (erf)  }
0x117: {  	v35 =	vpsel !p2, $0x0, v52  }
0x118: {  	[tilespmem:$0x9030] =	vst v35  }
0x119: {  	v33 =	vld.idx.msk [tilespmem:v50+s28+$0x0], $0xffff  }
0x11a: {  	v34 =	vld.idx.msk [tilespmem:v51+s20+$0x0], $0xffff;
	_ =	sdelay $0x4  }
0x11b: {  	v33 =	vadd.f32 v34, v33;
	_ =	sdelay $0x1  }
0x11c: {  	v34 =	vmul.f32 $2.000000030e-01, v33  }
0x11d: {  	vm12 =	vge.f32 v33, $0.0e+00  }
0x11e: {  	v33 =	vsel vm12, v33, v34  }
0x11f: {  	v33 =	vsub.f32 v33, v32;
	_ =	sdelay $0x1  }
0x120: {  	v33 =	vmul.f32 $1.442695020e+00, v33;
	_ =	sdelay $0x1  }
0x121: {  	(erf) = vpow2.f32 v33;
	_ =	sdelay $0x3  }
0x122: {  	v53 =	vld [tilespmem:$0x4F50]  }
0x123: {  	v54 =	vld [tilespmem:$0x4FD0];
	_ =	sdelay $0x2  }
0x124: {  	s0 =	sor.u32 $0x40, s30  }
0x125: {  	p3 =	slt.u32 s0, $0x50910;
	v55 =	vpop (erf)  }
0x126: {  	v35 =	vpsel !p3, $0x0, v55  }
0x127: {  	[tilespmem:$0x9040] =	vst v35  }
0x128: {  	v33 =	vld.idx.msk [tilespmem:v53+s28+$0x0], $0xffff  }
0x129: {  	v34 =	vld.idx.msk [tilespmem:v54+s20+$0x0], $0xffff;
	_ =	sdelay $0x4  }
0x12a: {  	v33 =	vadd.f32 v34, v33;
	_ =	sdelay $0x1  }
0x12b: {  	v34 =	vmul.f32 $2.000000030e-01, v33  }
0x12c: {  	vm13 =	vge.f32 v33, $0.0e+00  }
0x12d: {  	v33 =	vsel vm13, v33, v34  }
0x12e: {  	v33 =	vsub.f32 v33, v32;
	_ =	sdelay $0x1  }
0x12f: {  	v33 =	vmul.f32 $1.442695020e+00, v33;
	_ =	sdelay $0x1  }
0x130: {  	(erf) = vpow2.f32 v33;
	_ =	sdelay $0x3  }
0x131: {  	v56 =	vld [tilespmem:$0x4F60]  }
0x132: {  	v57 =	vld [tilespmem:$0x4FE0];
	_ =	sdelay $0x2  }
0x133: {  	s0 =	sor.u32 $0x50, s30  }
0x134: {  	p4 =	slt.u32 s0, $0x50910;
	v58 =	vpop (erf)  }
0x135: {  	v35 =	vpsel !p4, $0x0, v58  }
0x136: {  	[tilespmem:$0x9050] =	vst v35  }
0x137: {  	v33 =	vld.idx.msk [tilespmem:v56+s28+$0x0], $0xffff  }
0x138: {  	v34 =	vld.idx.msk [tilespmem:v57+s20+$0x0], $0xffff;
	_ =	sdelay $0x4  }
0x139: {  	v33 =	vadd.f32 v34, v33;
	_ =	sdelay $0x1  }
0x13a: {  	v34 =	vmul.f32 $2.000000030e-01, v33  }
0x13b: {  	vm14 =	vge.f32 v33, $0.0e+00  }
0x13c: {  	v33 =	vsel vm14, v33, v34  }
0x13d: {  	v33 =	vsub.f32 v33, v32;
	_ =	sdelay $0x1  }
0x13e: {  	v33 =	vmul.f32 $1.442695020e+00, v33;
	_ =	sdelay $0x1  }
0x13f: {  	(erf) = vpow2.f32 v33;
	_ =	sdelay $0x3  }
0x140: {  	v59 =	vld [tilespmem:$0x4F70]  }
0x141: {  	v60 =	vld [tilespmem:$0x4FF0];
	_ =	sdelay $0x2  }
0x142: {  	s0 =	sor.u32 $0x60, s30  }
0x143: {  	p5 =	slt.u32 s0, $0x50910;
	v61 =	vpop (erf)  }
0x144: {  	v35 =	vpsel !p5, $0x0, v61  }
0x145: {  	[tilespmem:$0x9060] =	vst v35  }
0x146: {  	v33 =	vld.idx.msk [tilespmem:v59+s28+$0x0], $0xffff  }
0x147: {  	v34 =	vld.idx.msk [tilespmem:v60+s20+$0x0], $0xffff;
	_ =	sdelay $0x4  }
0x148: {  	v33 =	vadd.f32 v34, v33;
	_ =	sdelay $0x1  }
0x149: {  	v34 =	vmul.f32 $2.000000030e-01, v33  }
0x14a: {  	vm15 =	vge.f32 v33, $0.0e+00  }
0x14b: {  	v33 =	vsel vm15, v33, v34  }
0x14c: {  	v33 =	vsub.f32 v33, v32;
	_ =	sdelay $0x1  }
0x14d: {  	v33 =	vmul.f32 $1.442695020e+00, v33;
	_ =	sdelay $0x1  }
0x14e: {  	(erf) = vpow2.f32 v33;
	_ =	sdelay $0x7  }
0x14f: {  	s0 =	sor.u32 $0x70, s30  }
0x150: {  	v62 =	vmov s28;
	p6 =	slt.u32 s0, $0x50910;
	v33 =	vpop (erf)  }
0x151: {  	v33 =	vpsel !p6, $0x0, v33  }
0x152: {  	s30 =	simm.s32 $0x5020;
	[tilespmem:$0x9070] =	vst v33  }
0x153: {  	v33 =	vld [tilespmem:s30+$0xFFFFFFF0]  }
0x154: {  	v35 =	vld [tilespmem:s30+$0x10]  }
0x155: {  	v38 =	vld.idx.msk [tilespmem:v62+s21+$0x0], $0xffff  }
0x156: {  	v63 =	vld [tilespmem:s30+$0xFFFFFFE0]  }
0x157: {  	v37 =	vld [tilespmem:s30+$0x0]  }
0x158: {  	v39 =	vld [tilespmem:s30+$0x20];
	_ =	sdelay $0x2  }
0x159: {  	v40 =	vmul.f32 v63, v38  }
0x15a: {  	s0 =	simm.s32 $0x1;
	v36 =	vmul.f32 v33, v38;
	v37 =	vmul.f32 v37, v38  }
0x15b: {  	s31 =	simm.s32 $0x5020;
	v34 =	vmul.f32 v35, v38;
	v33 =	vmov s0;
	s0 =	simm.s32 $0x2;
	v35 =	vmul.f32 v39, v38;
	[tilespmem:s30+$0xFFFFFFE0] =	vst v40  }
.LBB2_7:
0x15c: {  	p0 =	sne.s32 s0, $0x7F;
	[tilespmem:s30+$0xFFFFFFF0] =	vst v36  }
0x15d: {  	s30 =	sadd.s32 $0x80, s30;
	[tilespmem:s31+$0x0] =	vst v37  }
0x15e: {  	v36 =	vld [tilespmem:s30+$0xFFFFFFF0];
	[tilespmem:s31+$0x10] =	vst v34  }
0x15f: {  	v34 =	vld [tilespmem:s30+$0x10];
	[tilespmem:s31+$0x20] =	vst v35;
	s31 =	smov.u32 s30  }
0x160: {  	v35 =	vld.idx.msk [tilespmem:v33+s21+$0x0], $0xffff  }
0x161: {  	v33 =	vld [tilespmem:s30+$0xFFFFFFE0]  }
0x162: {  	v37 =	vld [tilespmem:s30+$0x0]  }
0x163: {  	v38 =	vld [tilespmem:s30+$0x20]  }
.Ltmp2:
0x164: {  	(pc) =	sbr.rel @p0 .LBB2_7-.Ltmp2, $4  }
0x165: {  	_ = 	snop  }
0x166: {  	v36 =	vmul.f32 v36, v35;
	v39 =	vmul.f32 v33, v35  }
0x167: {  	v34 =	vmul.f32 v34, v35;
	v37 =	vmul.f32 v37, v35  }
0x168: {  	v33 =	vmov s0;
	s0 =	sadd.s32 $0x1, s0;
	[tilespmem:s30+$0xFFFFFFE0] =	vst v39;
	v35 =	vmul.f32 v38, v35  }
0x169: {  	[tilespmem:s30+$0xFFFFFFF0] =	vst v36  }
0x16a: {  	s0 =	sadd.s32 $0x80, s30;
	[tilespmem:s31+$0x0] =	vst v37  }
0x16b: {  	v36 =	vld [tilespmem:s0+$0xFFFFFFF0];
	[tilespmem:s31+$0x10] =	vst v34  }
0x16c: {  	v34 =	vld [tilespmem:s0+$0x10]  }
0x16d: {  	[tilespmem:s31+$0x20] =	vst v35;
	v63 =	vld [tilespmem:s0+$0xFFFFFFE0]  }
0x16e: {  	v33 =	vld.idx.msk [tilespmem:v33+s21+$0x0], $0xffff;
	_ =	sdelay $0x1  }
0x16f: {  	v37 =	vld [tilespmem:s0+$0x0];
	_ =	sdelay $0x1  }
0x170: {  	v38 =	vld [tilespmem:s0+$0x20]  }
0x171: {  	v35 =	vmul.f32 v63, v33  }
0x172: {  	v36 =	vmul.f32 v36, v33  }
0x173: {  	v37 =	vmul.f32 v37, v33;
	[tilespmem:s0+$0xFFFFFFE0] =	vst v35  }
0x174: {  	v34 =	vmul.f32 v34, v33;
	[tilespmem:s0+$0xFFFFFFF0] =	vst v36  }
0x175: {  	s29 =	sadd.s32 $0x1, s29;
	v33 =	vmul.f32 v38, v33;
	[tilespmem:s0+$0x0] =	vst v37  }
0x176: {  	p0 =	sne.s32 s29, $0x51;
	[tilespmem:s0+$0x10] =	vst v34  }
.Ltmp3:
0x177: {  	[tilespmem:s0+$0x20] =	vst v33;
	(pc) =	sbr.rel @p0 .LBB2_6-.Ltmp3, $4  }
0x178: {  	[spmem:s1] =	stream.indirect.scatter.add.f32 [tilespmem:s18], [sflag:$0x2], $0x80, s23, s24, $0xb8;
	[tilespmem:$0x1D080] =	vst v63  }
0x179: {  	_ =	swait.ge [sflag:s26], $0x4000  }
0x17a: {  	[sflag:s26] =	ssyncset.done $0x0  }
0x17b: {  	[sflag:s26] =	ssyncadd.s32 $0xFFFFC000  }
0x17c: {  	s0 =	stileid.u32  }
0x17d: {  	[bflag:$0x0] =	sbarrier.arrive $0xFFFF;
	s0 =	sshll.u32 s0, $0x6  }
0x17e: {  	s28 =	sshrl.u32 s9, $0x3;
	s29 =	rddreg [dreg:$0x8];
	s0 =	sor.u32 $0x1C03, s0  }
0x17f: {  	[hbm:s29], [sflag:s0] =	dma.local [spmem:s28], $0x800  }
0x180: {  	_ =	swait.ge [sflag:s19], $0x800  }
0x181: {  	[sflag:s19] =	ssyncset.done $0x0  }
0x182: {  	s30 =	sshrl.u32 s10, $0x3;
	s31 =	rddreg [dreg:$0x9];
	[sflag:s19] =	ssyncadd.s32 $0xFFFFF800  }
0x183: {  	[hbm:s31], [sflag:s0] =	dma.local [spmem:s30], $0x800  }
0x184: {  	_ =	swait.ge [sflag:s19], $0x800  }
0x185: {  	[sflag:s19] =	ssyncset.done $0x0  }
0x186: {  	s30 =	sshrl.u32 s11, $0x3;
	s31 =	rddreg [dreg:$0xa];
	[sflag:s19] =	ssyncadd.s32 $0xFFFFF800  }
0x187: {  	[hbm:s31], [sflag:s0] =	dma.local [spmem:s30], $0x800  }
0x188: {  	_ =	swait.ge [sflag:s19], $0x800  }
0x189: {  	[sflag:s19] =	ssyncset.done $0x0  }
0x18a: {  	s30 =	sshrl.u32 s12, $0x3;
	s31 =	rddreg [dreg:$0xb];
	[sflag:s19] =	ssyncadd.s32 $0xFFFFF800  }
0x18b: {  	[hbm:s31], [sflag:s0] =	dma.local [spmem:s30], $0x800  }
0x18c: {  	s2 =	sadd.s32 $0x1, s2;
	_ =	swait.ge [sflag:s19], $0x800  }
0x18d: {  	p0 =	sne.s32 s2, s17;
	s30 =	sshrl.u32 s13, $0x3;
	[sflag:s19] =	ssyncset.done $0x0  }
.Ltmp4:
0x18e: {  	s31 =	rddreg [dreg:$0xc];
	[sflag:s19] =	ssyncadd.s32 $0xFFFFF800;
	(pc) =	sbr.rel @p0 .LBB2_1-.Ltmp4, $4  }
0x18f: {  	[hbm:s31], [sflag:s0] =	dma.local [spmem:s30], $0x800  }
0x190: {  	_ =	swait.ge [sflag:s19], $0x800  }
0x191: {  	[sflag:s19] =	ssyncset.done $0x0  }
0x192: {  	[sflag:s19] =	ssyncadd.s32 $0xFFFFF800  }
0x193: {  	_ =	sfence.sel $0x180000  }
0x194: {  	[bflag:$0x0] =	sbarrier.arrive $0xFFFF  }
0x195: {  	_ =	strace $0x90000047  }
0x196: {  	s0 =	stileid.u32;
	[bflag:$0x2] =	sbarrier.arrive $0xFFFF  }
0x197: {  	p0 =	sne.s32 s0, $0x0;
	s0 =	rddreg [dreg:$0x2]  }
0x198: {  	s0 =	sadd.s32 @!p0 $0x100000, s0  }
0x199: {  	[sflag:s0] =	ssyncadd.tile.s32 @!p0 $0x1;
	_ =	shalt  }
.Lfunc_end2:
_tile_overlayer_lowered:
.L_overlay_start_2:
0x19a: {  	(tag) =	ssettag $0x2  }
0x19b: {  	s0 =	rddreg [dreg:$0x0];
	s2 =	stileid.u32  }
0x19c: {  	s1 =	rddreg [dreg:$0x1];
	p0 =	sne.s32 s2, $0x0  }
0x19d: {  	s3 =	rddreg [dreg:$0x2];
	[bflag:$0x3] =	sbarrier.arrive $0xFFFF;
	s2 =	simm.s32 @!p0 $0x1C03  }
0x19e: {  	[timem:s3], [sflag:s2] =	dma.local @!p0 [hbm:s0], s1  }
0x19f: {  	s0 =	simm.s32 @!p0 $0x3  }
0x1a0: {  	_ =	swait.ge @!p0 [sflag:s0], s1  }
0x1a1: {  	s1 =	ssub.s32 @!p0 $0x0, s1;
	[sflag:s0] =	ssyncset.done @!p0 $0x0  }
0x1a2: {  	[sflag:s0] =	ssyncadd.s32 @!p0 s1  }
0x1a3: {  	[bflag:$0x3] =	sbarrier.arrive $0xFFFF  }
0x1a4: {  	_ =	shalt  }

</sc_bundles>
